<compile_context>
chip_gen: v7x
topology: tpu7x:2x2x1
jax: 0.10.2.dev20260603
libtpu: 0.0.44.dev20260713+nightly
codegen_flags: <defaults>
</compile_context>

<pallas_src>
import functools

import jax
import jax.numpy as jnp
from jax import lax
from jax.experimental import pallas as pl
from jax.experimental.pallas import tpu as pltpu
from jax.experimental.pallas import tpu_sc as plsc

NC = 2
NS = 16
NW = NC * NS
LANES = 16
CHUNK = 125
QCH = 16
ACHUNK = 80
AQ = 25
NBUF = 4
RPT = 640
N_PAD = NS * RPT


def _sc_accumulate(h, src_r, dst_r):
  N, D = h.shape
  _, nq, _, _ = src_r.shape

  scratch = dict(
      acc_sh=pltpu.VMEM_SHARED((N_PAD, D), jnp.float32),
      sidx_v=pltpu.VMEM((AQ, ACHUNK), jnp.int32),
      didx_v=pltpu.VMEM((AQ, ACHUNK), jnp.int32),
      rows_v=[pltpu.VMEM((ACHUNK, D), jnp.float32) for _ in range(NBUF)],
      gsem=[pltpu.SemaphoreType.DMA for _ in range(NBUF)],
      ssem=[pltpu.SemaphoreType.DMA for _ in range(NBUF)],
  )

  mesh = plsc.VectorSubcoreMesh(core_axis_name="c", subcore_axis_name="s")

  def body(h_hbm, src_hbm, dst_hbm, parts_hbm, acc_sh, sidx_v, didx_v,
           rows, gsems, ssems):
    c = lax.axis_index("c")
    s = lax.axis_index("s")
    w = c * NS + s
    rows0_v = rows[0]

    zf = jnp.zeros((LANES,), jnp.float32)
    vecs_per_row = D // LANES

    def zloop(i, _):
      rows0_v[i // vecs_per_row, pl.ds((i % vecs_per_row) * LANES, LANES)] = zf
      return 0
    lax.fori_loop(0, ACHUNK * vecs_per_row, zloop, 0)

    base = s * RPT
    nfull = RPT // ACHUNK
    for t in range(nfull):
      pltpu.sync_copy(rows0_v, acc_sh.at[pl.ds(base + t * ACHUNK, ACHUNK)])
    rem = RPT - nfull * ACHUNK
    if rem:
      pltpu.sync_copy(rows0_v.at[pl.ds(0, rem)],
                      acc_sh.at[pl.ds(base + nfull * ACHUNK, rem)])
    plsc.subcore_barrier()

    def slab_body(q, _):
      pltpu.sync_copy(src_hbm.at[w, q], sidx_v)
      pltpu.sync_copy(dst_hbm.at[w, q], didx_v)
      gd = [None] * NBUF
      sd = [None] * NBUF
      for b in range(NBUF):
        gd[b] = pltpu.async_copy(h_hbm.at[sidx_v.at[b]], rows[b], gsems[b])
      for qi in range(AQ):
        p = qi % NBUF
        if qi >= 1 and qi + NBUF - 1 < AQ:
          q2 = qi + NBUF - 1
          pp = q2 % NBUF
          sd[pp].wait()
          gd[pp] = pltpu.async_copy(h_hbm.at[sidx_v.at[q2]], rows[pp],
                                    gsems[pp])
        gd[p].wait()
        sd[p] = pltpu.async_copy(rows[p], acc_sh.at[didx_v.at[qi]], ssems[p],
                                 add=True)
      for b in range(1, NBUF + 1):
        sd[(AQ - b) % NBUF].wait()
      return 0
    lax.fori_loop(0, nq, slab_body, 0)

    plsc.subcore_barrier()
    pltpu.sync_copy(acc_sh.at[pl.ds(base, RPT)], parts_hbm.at[c, s])

  kern = pl.kernel(
      body,
      out_type=jax.ShapeDtypeStruct((NC, NS, RPT, D), jnp.float32),
      mesh=mesh,
      scratch_types=list(scratch.values()),
  )
  return kern(h, src_r, dst_r)


def _sc_degrees(dst_g, N):
  _, G, _ = dst_g.shape

  scratch = dict(
      didx_v=pltpu.VMEM((G, LANES), jnp.int32),
      deg_v=pltpu.VMEM((N,), jnp.float32),
      one_v=pltpu.VMEM((LANES,), jnp.float32),
  )

  mesh = plsc.VectorSubcoreMesh(core_axis_name="c", subcore_axis_name="s")

  def body(dst_hbm, deg_hbm, didx_v, deg_v, one_v):
    c = lax.axis_index("c")
    s = lax.axis_index("s")
    w = c * NS + s

    zf = jnp.zeros((LANES,), jnp.float32)

    def zloop(i, _):
      deg_v[pl.ds(i * LANES, LANES)] = zf
      return 0
    lax.fori_loop(0, N // LANES, zloop, 0)

    pltpu.sync_copy(dst_hbm.at[w], didx_v)
    one_v[pl.ds(0, LANES)] = jnp.ones((LANES,), jnp.float32)

    def gloop(g, _):
      idx = didx_v[g, pl.ds(0, LANES)]
      plsc.addupdate_scatter(deg_v, [idx], one_v[pl.ds(0, LANES)])
      return 0
    lax.fori_loop(0, G, gloop, 0)

    pltpu.sync_copy(deg_v, deg_hbm.at[w])

  kern = pl.kernel(
      body,
      out_type=jax.ShapeDtypeStruct((NW, N), jnp.float32),
      mesh=mesh,
      scratch_types=list(scratch.values()),
      compiler_params=pltpu.CompilerParams(needs_layout_passes=False),
  )
  return kern(dst_g)


def _tc_layer_body(p0, p1, h, dp, w_ref, b_ref, out):
  dsum = jnp.sum(dp[...], axis=1, keepdims=True)
  inv = 1.0 / (dsum + 1.0)
  hn = (p0[...] + p1[...] + h[...]) * inv
  acc = jnp.dot(hn, w_ref[...], preferred_element_type=jnp.float32)
  out[...] = jnp.maximum(acc + b_ref[...], 0.0)


def _tc_layer(parts, h, deg_p, W, b):
  N, D = h.shape
  BN = 2000
  grid = (N // BN,)
  row_spec = pl.BlockSpec((BN, D), lambda i: (i, 0))
  return pl.pallas_call(
      _tc_layer_body,
      grid=grid,
      in_specs=[row_spec, row_spec, row_spec,
                pl.BlockSpec((BN, NW), lambda i: (i, 0)),
                pl.BlockSpec((D, D), lambda i: (0, 0)),
                pl.BlockSpec((1, D), lambda i: (0, 0))],
      out_specs=row_spec,
      out_shape=jax.ShapeDtypeStruct((N, D), jnp.float32),
  )(parts[0], parts[1], h, deg_p, W, b.reshape(1, D))


@jax.jit
def kernel(x, edge_index, W1, b1, W2, b2):
  N, D = x.shape
  E = edge_index.shape[1]
  nq = E // (NW * AQ * ACHUNK)
  src_r = edge_index[0].reshape(NW, nq, AQ, ACHUNK)
  dst_r = edge_index[1].reshape(NW, nq, AQ, ACHUNK)
  dst_g = edge_index[1].reshape(NW, E // (NW * LANES), LANES)

  deg_p = _sc_degrees(dst_g, N).T
  parts1 = _sc_accumulate(x, src_r, dst_r).reshape(NC, N_PAD, D)
  h1 = _tc_layer(parts1, x, deg_p, W1, b1)
  parts2 = _sc_accumulate(h1, src_r, dst_r).reshape(NC, N_PAD, D)
  h2 = _tc_layer(parts2, h1, deg_p, W2, b2)
  return h2

# --- scband reference (transcript-rebuilt; emitter-appended) ---
"""Pipeline reference for scband-graph-nn-13271448945380 (READ-ONLY COPY).

The authoritative reference and input builder live on the scoring server;
editing this copy changes nothing except your own understanding.
"""

import jax, jax.numpy as jnp
import numpy as np

N = 10000
E = 320000
D = 128

def setup_inputs(seed: int = 0):
    key = jax.random.key(seed)
    k1, k2, k3, k4 = jax.random.split(key, 4)
    x = jax.random.normal(k1, (N, D), dtype=jnp.float32)
    edge_index = jax.random.randint(k2, (2, E), 0, N, dtype=jnp.int32)
    s = 1.0 / np.sqrt(D)
    W1 = jax.random.uniform(k3, (D, D), minval=-s, maxval=s, dtype=jnp.float32)
    b1 = jnp.zeros((D,), jnp.float32)
    W2 = jax.random.uniform(k4, (D, D), minval=-s, maxval=s, dtype=jnp.float32)
    b2 = jnp.zeros((D,), jnp.float32)
    return {"x": x, "edge_index": edge_index, "W1": W1, "b1": b1, "W2": W2, "b2": b2}

def _sage_gcn(h, src, dst, W, b):
    # DGL SAGEConv with aggregator_type='gcn' (eval mode, feat_drop inactive):
    # h_neigh = (sum_{u in N(v)} h_u + h_v) / (in_deg(v) + 1); out = relu(h_neigh @ W + b)
    neigh = jax.ops.segment_sum(h[src], dst, num_segments=N)
    deg = jax.ops.segment_sum(jnp.ones((src.shape[0],), h.dtype), dst, num_segments=N)
    h_neigh = (neigh + h) / (deg[:, None] + 1.0)
    return jax.nn.relu(h_neigh @ W + b)

def reference(x, edge_index, W1, b1, W2, b2):
    src = edge_index[0]
    dst = edge_index[1]
    h = _sage_gcn(x, src, dst, W1, b1)
    h = _sage_gcn(h, src, dst, W2, b2)
    # _merge_on(graphs, 'nodes', 'h') returns the (batched) node feature matrix; identity for a single graph
    return h

if __name__ == "__main__":
    import jax
    _d = setup_inputs()
    print(jax.jit(kernel)(*tuple(_d.values())))

</pallas_src>

<mosaic_0001>
#map = affine_map<(d0, d1) -> (0, 0)>
#map1 = affine_map<(d0, d1) -> (0, 0, 0, 0)>
module attributes {stable_mosaic.version = 14 : i64} {
  func.func @body(%arg0: i32, %arg1: i32, %arg2: memref<10000x128xf32, #tpu.memory_space<hbm>>, %arg3: memref<32x5x25x80xi32, #tpu.memory_space<hbm>>, %arg4: memref<32x5x25x80xi32, #tpu.memory_space<hbm>>, %arg5: memref<2x16x640x128xf32, #tpu.memory_space<hbm>>, %arg6: memref<10240x128xf32, #tpu.memory_space<vmem_shared>>, %arg7: memref<25x80xi32, #tpu.memory_space<vmem>>, %arg8: memref<25x80xi32, #tpu.memory_space<vmem>>, %arg9: memref<80x128xf32, #tpu.memory_space<vmem>>, %arg10: memref<80x128xf32, #tpu.memory_space<vmem>>, %arg11: memref<80x128xf32, #tpu.memory_space<vmem>>, %arg12: memref<80x128xf32, #tpu.memory_space<vmem>>, %arg13: memref<!tpu.dma_semaphore, #tpu.memory_space<semaphore_mem>>, %arg14: memref<!tpu.dma_semaphore, #tpu.memory_space<semaphore_mem>>, %arg15: memref<!tpu.dma_semaphore, #tpu.memory_space<semaphore_mem>>, %arg16: memref<!tpu.dma_semaphore, #tpu.memory_space<semaphore_mem>>, %arg17: memref<!tpu.dma_semaphore, #tpu.memory_space<semaphore_mem>>, %arg18: memref<!tpu.dma_semaphore, #tpu.memory_space<semaphore_mem>>, %arg19: memref<!tpu.dma_semaphore, #tpu.memory_space<semaphore_mem>>, %arg20: memref<!tpu.dma_semaphore, #tpu.memory_space<semaphore_mem>>) attributes {dimension_semantics = [#tpu.dimension_semantics<core_parallel>, #tpu.dimension_semantics<subcore_parallel>], iteration_bounds = array<i64: 2, 16>, scalar_prefetch = 0 : i64, scratch_operands = 15 : i64, tpu.core_type = #tpu.core_type<sc_vector_subcore>, window_params = [{transform_indices = #map}, {transform_indices = #map1}, {transform_indices = #map1}, {transform_indices = #map1}]} {
    %mul3A = arith.constant 16 : i32
    %mul3A_0 = arith.muli %arg0, %mul3A : i32
    %add3A = arith.addi %mul3A_0, %arg1 : i32
    %broadcast_in_dim3A = arith.constant 0.000000e+00 : f32
    %broadcast_in_dim3A_1 = vector.broadcast %broadcast_in_dim3A : f32 to vector<16xf32>
    %scan3A = arith.constant 0 : i32
    %scan3A_2 = arith.constant 0 : i32
    %scan3A_3 = arith.constant 640 : i32
    %scan3A_4 = arith.addi %scan3A_2, %scan3A_3 : i32
    %scan3A_5 = arith.constant 1 : i32
    %scan3A_6 = scf.for %scan3A_34 = %scan3A_2 to %scan3A_4 step %scan3A_5 iter_args(%scan3A_35 = %scan3A) -> (i32)  : i32 {
      %jit3A = arith.constant 8 : i32
      %div3A = arith.divsi %scan3A_34, %jit3A : i32
      %sign3A = arith.constant 0 : i32
      %sign3A_36 = arith.cmpi sgt, %scan3A_34, %sign3A : i32
      %sign3A_37 = arith.extui %sign3A_36 : i1 to i32
      %sign3A_38 = arith.constant 0 : i32
      %sign3A_39 = arith.cmpi slt, %scan3A_34, %sign3A_38 : i32
      %sign3A_40 = arith.extui %sign3A_39 : i1 to i32
      %sign3A_41 = arith.subi %sign3A_37, %sign3A_40 : i32
      %sign3A_42 = arith.constant 0 : i32
      %sign3A_43 = arith.cmpi sgt, %jit3A, %sign3A_42 : i32
      %sign3A_44 = arith.extui %sign3A_43 : i1 to i32
      %sign3A_45 = arith.constant 0 : i32
      %sign3A_46 = arith.cmpi slt, %jit3A, %sign3A_45 : i32
      %sign3A_47 = arith.extui %sign3A_46 : i1 to i32
      %sign3A_48 = arith.subi %sign3A_44, %sign3A_47 : i32
      %ne3A = arith.cmpi ne, %sign3A_41, %sign3A_48 : i32
      %rem3A = arith.remsi %scan3A_34, %jit3A : i32
      %ne3A_49 = arith.constant 0 : i32
      %ne3A_50 = arith.cmpi ne, %rem3A, %ne3A_49 : i32
      %and3A = arith.andi %ne3A, %ne3A_50 : i1
      %sub3A = arith.constant 1 : i32
      %sub3A_51 = arith.subi %div3A, %sub3A : i32
      %select_n3A = arith.select %and3A, %sub3A_51, %div3A : i32
      %jit3A_52 = arith.constant 8 : i32
      %eq3A = arith.constant 0 : i32
      %eq3A_53 = arith.cmpi eq, %jit3A_52, %eq3A : i32
      %jit3A_54 = arith.constant 1 : i32
      %select_n3A_55 = arith.select %eq3A_53, %jit3A_54, %jit3A_52 : i32
      %rem3A_56 = arith.remsi %scan3A_34, %select_n3A_55 : i32
      %ne3A_57 = arith.constant 0 : i32
      %ne3A_58 = arith.cmpi ne, %rem3A_56, %ne3A_57 : i32
      %lt3A = arith.constant 0 : i32
      %lt3A_59 = arith.cmpi slt, %rem3A_56, %lt3A : i32
      %lt3A_60 = arith.constant 0 : i32
      %lt3A_61 = arith.cmpi slt, %select_n3A_55, %lt3A_60 : i32
      %ne3A_62 = arith.xori %lt3A_59, %lt3A_61 : i1
      %and3A_63 = arith.andi %ne3A_62, %ne3A_58 : i1
      %add3A_64 = arith.addi %rem3A_56, %select_n3A_55 : i32
      %select_n3A_65 = arith.select %and3A_63, %add3A_64, %rem3A_56 : i32
      %mul3A_66 = arith.constant 16 : i32
      %mul3A_67 = arith.muli %select_n3A_65, %mul3A_66 : i32
      %swap3A = arith.index_cast %select_n3A : i32 to index
      %swap3A_68 = arith.index_cast %mul3A_67 : i32 to index
      %swap3A_69 = tpu.vector_load %arg9[%swap3A, %swap3A_68] {strides = array<i32>} : memref<80x128xf32, #tpu.memory_space<vmem>>, vector<1x16xf32>,
      %swap3A_70 = vector.shape_cast %swap3A_69 : vector<1x16xf32> to vector<16xf32>
      %swap3A_71 = vector.shape_cast %broadcast_in_dim3A_1 : vector<16xf32> to vector<1x16xf32>
      tpu.vector_store %arg9[%swap3A, %swap3A_68], %swap3A_71 {strides = array<i32>} : memref<80x128xf32, #tpu.memory_space<vmem>>, vector<1x16xf32>,
      %scan3A_72 = arith.constant 0 : i32
      scf.yield %scan3A_72 : i32
    }
    %scan3A_7 = arith.constant 640 : i32
    %mul3A_8 = arith.constant 640 : i32
    %mul3A_9 = arith.muli %arg1, %mul3A_8 : i32
    %add3A_10 = arith.constant 0 : i32
    %add3A_11 = arith.addi %mul3A_9, %add3A_10 : i32
    "tpu.region"() ({
      %run_scoped3A = tpu.sem_alloc : memref<!tpu.dma_semaphore, #tpu.memory_space<semaphore_mem>>
      %dma_start3A = arith.constant 0 : i32
      %dma_start3A_34 = tpu.memref_slice %arg6[%add3A_11, %dma_start3A] : memref<10240x128xf32, #tpu.memory_space<vmem_shared>> -> memref<80x128xf32, #tpu.memory_space<vmem_shared>>
      %dma_start3A_35 = arith.constant 0 : i32
      %dma_start3A_36 = tpu.memref_slice %arg6[%add3A_11, %dma_start3A_35] : memref<10240x128xf32, #tpu.memory_space<vmem_shared>> -> memref<80x128xf32, #tpu.memory_space<vmem_shared>>
      tpu.enqueue_dma source(%arg9 : memref<80x128xf32, #tpu.memory_space<vmem>>) target(%dma_start3A_36 : memref<80x128xf32, #tpu.memory_space<vmem_shared>>) target_semaphore(%run_scoped3A : memref<!tpu.dma_semaphore, #tpu.memory_space<semaphore_mem>>)
      %dma_wait3A = arith.constant 0 : i32
      %dma_wait3A_37 = tpu.memref_slice %arg6[%add3A_11, %dma_wait3A] : memref<10240x128xf32, #tpu.memory_space<vmem_shared>> -> memref<80x128xf32, #tpu.memory_space<vmem_shared>>
      %dma_wait3A_38 = arith.constant 0 : i32
      %dma_wait3A_39 = tpu.memref_slice %arg6[%add3A_11, %dma_wait3A_38] : memref<10240x128xf32, #tpu.memory_space<vmem_shared>> -> memref<80x128xf32, #tpu.memory_space<vmem_shared>>
      tpu.wait_dma2 semaphore(%run_scoped3A : memref<!tpu.dma_semaphore, #tpu.memory_space<semaphore_mem>>) src(%arg9 : memref<80x128xf32, #tpu.memory_space<vmem>>) dst(%dma_wait3A_39 : memref<80x128xf32, #tpu.memory_space<vmem_shared>>)
      tpu.yield
    }) : () -> ()
    %add3A_12 = arith.constant 80 : i32
    %add3A_13 = arith.addi %mul3A_9, %add3A_12 : i32
    "tpu.region"() ({
      %run_scoped3A = tpu.sem_alloc : memref<!tpu.dma_semaphore, #tpu.memory_space<semaphore_mem>>
      %dma_start3A = arith.constant 0 : i32
      %dma_start3A_34 = tpu.memref_slice %arg6[%add3A_13, %dma_start3A] : memref<10240x128xf32, #tpu.memory_space<vmem_shared>> -> memref<80x128xf32, #tpu.memory_space<vmem_shared>>
      %dma_start3A_35 = arith.constant 0 : i32
      %dma_start3A_36 = tpu.memref_slice %arg6[%add3A_13, %dma_start3A_35] : memref<10240x128xf32, #tpu.memory_space<vmem_shared>> -> memref<80x128xf32, #tpu.memory_space<vmem_shared>>
      tpu.enqueue_dma source(%arg9 : memref<80x128xf32, #tpu.memory_space<vmem>>) target(%dma_start3A_36 : memref<80x128xf32, #tpu.memory_space<vmem_shared>>) target_semaphore(%run_scoped3A : memref<!tpu.dma_semaphore, #tpu.memory_space<semaphore_mem>>)
      %dma_wait3A = arith.constant 0 : i32
      %dma_wait3A_37 = tpu.memref_slice %arg6[%add3A_13, %dma_wait3A] : memref<10240x128xf32, #tpu.memory_space<vmem_shared>> -> memref<80x128xf32, #tpu.memory_space<vmem_shared>>
      %dma_wait3A_38 = arith.constant 0 : i32
      %dma_wait3A_39 = tpu.memref_slice %arg6[%add3A_13, %dma_wait3A_38] : memref<10240x128xf32, #tpu.memory_space<vmem_shared>> -> memref<80x128xf32, #tpu.memory_space<vmem_shared>>
      tpu.wait_dma2 semaphore(%run_scoped3A : memref<!tpu.dma_semaphore, #tpu.memory_space<semaphore_mem>>) src(%arg9 : memref<80x128xf32, #tpu.memory_space<vmem>>) dst(%dma_wait3A_39 : memref<80x128xf32, #tpu.memory_space<vmem_shared>>)
      tpu.yield
    }) : () -> ()
    %add3A_14 = arith.constant 160 : i32
    %add3A_15 = arith.addi %mul3A_9, %add3A_14 : i32
    "tpu.region"() ({
      %run_scoped3A = tpu.sem_alloc : memref<!tpu.dma_semaphore, #tpu.memory_space<semaphore_mem>>
      %dma_start3A = arith.constant 0 : i32
      %dma_start3A_34 = tpu.memref_slice %arg6[%add3A_15, %dma_start3A] : memref<10240x128xf32, #tpu.memory_space<vmem_shared>> -> memref<80x128xf32, #tpu.memory_space<vmem_shared>>
      %dma_start3A_35 = arith.constant 0 : i32
      %dma_start3A_36 = tpu.memref_slice %arg6[%add3A_15, %dma_start3A_35] : memref<10240x128xf32, #tpu.memory_space<vmem_shared>> -> memref<80x128xf32, #tpu.memory_space<vmem_shared>>
      tpu.enqueue_dma source(%arg9 : memref<80x128xf32, #tpu.memory_space<vmem>>) target(%dma_start3A_36 : memref<80x128xf32, #tpu.memory_space<vmem_shared>>) target_semaphore(%run_scoped3A : memref<!tpu.dma_semaphore, #tpu.memory_space<semaphore_mem>>)
      %dma_wait3A = arith.constant 0 : i32
      %dma_wait3A_37 = tpu.memref_slice %arg6[%add3A_15, %dma_wait3A] : memref<10240x128xf32, #tpu.memory_space<vmem_shared>> -> memref<80x128xf32, #tpu.memory_space<vmem_shared>>
      %dma_wait3A_38 = arith.constant 0 : i32
      %dma_wait3A_39 = tpu.memref_slice %arg6[%add3A_15, %dma_wait3A_38] : memref<10240x128xf32, #tpu.memory_space<vmem_shared>> -> memref<80x128xf32, #tpu.memory_space<vmem_shared>>
      tpu.wait_dma2 semaphore(%run_scoped3A : memref<!tpu.dma_semaphore, #tpu.memory_space<semaphore_mem>>) src(%arg9 : memref<80x128xf32, #tpu.memory_space<vmem>>) dst(%dma_wait3A_39 : memref<80x128xf32, #tpu.memory_space<vmem_shared>>)
      tpu.yield
    }) : () -> ()
    %add3A_16 = arith.constant 240 : i32
    %add3A_17 = arith.addi %mul3A_9, %add3A_16 : i32
    "tpu.region"() ({
      %run_scoped3A = tpu.sem_alloc : memref<!tpu.dma_semaphore, #tpu.memory_space<semaphore_mem>>
      %dma_start3A = arith.constant 0 : i32
      %dma_start3A_34 = tpu.memref_slice %arg6[%add3A_17, %dma_start3A] : memref<10240x128xf32, #tpu.memory_space<vmem_shared>> -> memref<80x128xf32, #tpu.memory_space<vmem_shared>>
      %dma_start3A_35 = arith.constant 0 : i32
      %dma_start3A_36 = tpu.memref_slice %arg6[%add3A_17, %dma_start3A_35] : memref<10240x128xf32, #tpu.memory_space<vmem_shared>> -> memref<80x128xf32, #tpu.memory_space<vmem_shared>>
      tpu.enqueue_dma source(%arg9 : memref<80x128xf32, #tpu.memory_space<vmem>>) target(%dma_start3A_36 : memref<80x128xf32, #tpu.memory_space<vmem_shared>>) target_semaphore(%run_scoped3A : memref<!tpu.dma_semaphore, #tpu.memory_space<semaphore_mem>>)
      %dma_wait3A = arith.constant 0 : i32
      %dma_wait3A_37 = tpu.memref_slice %arg6[%add3A_17, %dma_wait3A] : memref<10240x128xf32, #tpu.memory_space<vmem_shared>> -> memref<80x128xf32, #tpu.memory_space<vmem_shared>>
      %dma_wait3A_38 = arith.constant 0 : i32
      %dma_wait3A_39 = tpu.memref_slice %arg6[%add3A_17, %dma_wait3A_38] : memref<10240x128xf32, #tpu.memory_space<vmem_shared>> -> memref<80x128xf32, #tpu.memory_space<vmem_shared>>
      tpu.wait_dma2 semaphore(%run_scoped3A : memref<!tpu.dma_semaphore, #tpu.memory_space<semaphore_mem>>) src(%arg9 : memref<80x128xf32, #tpu.memory_space<vmem>>) dst(%dma_wait3A_39 : memref<80x128xf32, #tpu.memory_space<vmem_shared>>)
      tpu.yield
    }) : () -> ()
    %add3A_18 = arith.constant 320 : i32
    %add3A_19 = arith.addi %mul3A_9, %add3A_18 : i32
    "tpu.region"() ({
      %run_scoped3A = tpu.sem_alloc : memref<!tpu.dma_semaphore, #tpu.memory_space<semaphore_mem>>
      %dma_start3A = arith.constant 0 : i32
      %dma_start3A_34 = tpu.memref_slice %arg6[%add3A_19, %dma_start3A] : memref<10240x128xf32, #tpu.memory_space<vmem_shared>> -> memref<80x128xf32, #tpu.memory_space<vmem_shared>>
      %dma_start3A_35 = arith.constant 0 : i32
      %dma_start3A_36 = tpu.memref_slice %arg6[%add3A_19, %dma_start3A_35] : memref<10240x128xf32, #tpu.memory_space<vmem_shared>> -> memref<80x128xf32, #tpu.memory_space<vmem_shared>>
      tpu.enqueue_dma source(%arg9 : memref<80x128xf32, #tpu.memory_space<vmem>>) target(%dma_start3A_36 : memref<80x128xf32, #tpu.memory_space<vmem_shared>>) target_semaphore(%run_scoped3A : memref<!tpu.dma_semaphore, #tpu.memory_space<semaphore_mem>>)
      %dma_wait3A = arith.constant 0 : i32
      %dma_wait3A_37 = tpu.memref_slice %arg6[%add3A_19, %dma_wait3A] : memref<10240x128xf32, #tpu.memory_space<vmem_shared>> -> memref<80x128xf32, #tpu.memory_space<vmem_shared>>
      %dma_wait3A_38 = arith.constant 0 : i32
      %dma_wait3A_39 = tpu.memref_slice %arg6[%add3A_19, %dma_wait3A_38] : memref<10240x128xf32, #tpu.memory_space<vmem_shared>> -> memref<80x128xf32, #tpu.memory_space<vmem_shared>>
      tpu.wait_dma2 semaphore(%run_scoped3A : memref<!tpu.dma_semaphore, #tpu.memory_space<semaphore_mem>>) src(%arg9 : memref<80x128xf32, #tpu.memory_space<vmem>>) dst(%dma_wait3A_39 : memref<80x128xf32, #tpu.memory_space<vmem_shared>>)
      tpu.yield
    }) : () -> ()
    %add3A_20 = arith.constant 400 : i32
    %add3A_21 = arith.addi %mul3A_9, %add3A_20 : i32
    "tpu.region"() ({
      %run_scoped3A = tpu.sem_alloc : memref<!tpu.dma_semaphore, #tpu.memory_space<semaphore_mem>>
      %dma_start3A = arith.constant 0 : i32
      %dma_start3A_34 = tpu.memref_slice %arg6[%add3A_21, %dma_start3A] : memref<10240x128xf32, #tpu.memory_space<vmem_shared>> -> memref<80x128xf32, #tpu.memory_space<vmem_shared>>
      %dma_start3A_35 = arith.constant 0 : i32
      %dma_start3A_36 = tpu.memref_slice %arg6[%add3A_21, %dma_start3A_35] : memref<10240x128xf32, #tpu.memory_space<vmem_shared>> -> memref<80x128xf32, #tpu.memory_space<vmem_shared>>
      tpu.enqueue_dma source(%arg9 : memref<80x128xf32, #tpu.memory_space<vmem>>) target(%dma_start3A_36 : memref<80x128xf32, #tpu.memory_space<vmem_shared>>) target_semaphore(%run_scoped3A : memref<!tpu.dma_semaphore, #tpu.memory_space<semaphore_mem>>)
      %dma_wait3A = arith.constant 0 : i32
      %dma_wait3A_37 = tpu.memref_slice %arg6[%add3A_21, %dma_wait3A] : memref<10240x128xf32, #tpu.memory_space<vmem_shared>> -> memref<80x128xf32, #tpu.memory_space<vmem_shared>>
      %dma_wait3A_38 = arith.constant 0 : i32
      %dma_wait3A_39 = tpu.memref_slice %arg6[%add3A_21, %dma_wait3A_38] : memref<10240x128xf32, #tpu.memory_space<vmem_shared>> -> memref<80x128xf32, #tpu.memory_space<vmem_shared>>
      tpu.wait_dma2 semaphore(%run_scoped3A : memref<!tpu.dma_semaphore, #tpu.memory_space<semaphore_mem>>) src(%arg9 : memref<80x128xf32, #tpu.memory_space<vmem>>) dst(%dma_wait3A_39 : memref<80x128xf32, #tpu.memory_space<vmem_shared>>)
      tpu.yield
    }) : () -> ()
    %add3A_22 = arith.constant 480 : i32
    %add3A_23 = arith.addi %mul3A_9, %add3A_22 : i32
    "tpu.region"() ({
      %run_scoped3A = tpu.sem_alloc : memref<!tpu.dma_semaphore, #tpu.memory_space<semaphore_mem>>
      %dma_start3A = arith.constant 0 : i32
      %dma_start3A_34 = tpu.memref_slice %arg6[%add3A_23, %dma_start3A] : memref<10240x128xf32, #tpu.memory_space<vmem_shared>> -> memref<80x128xf32, #tpu.memory_space<vmem_shared>>
      %dma_start3A_35 = arith.constant 0 : i32
      %dma_start3A_36 = tpu.memref_slice %arg6[%add3A_23, %dma_start3A_35] : memref<10240x128xf32, #tpu.memory_space<vmem_shared>> -> memref<80x128xf32, #tpu.memory_space<vmem_shared>>
      tpu.enqueue_dma source(%arg9 : memref<80x128xf32, #tpu.memory_space<vmem>>) target(%dma_start3A_36 : memref<80x128xf32, #tpu.memory_space<vmem_shared>>) target_semaphore(%run_scoped3A : memref<!tpu.dma_semaphore, #tpu.memory_space<semaphore_mem>>)
      %dma_wait3A = arith.constant 0 : i32
      %dma_wait3A_37 = tpu.memref_slice %arg6[%add3A_23, %dma_wait3A] : memref<10240x128xf32, #tpu.memory_space<vmem_shared>> -> memref<80x128xf32, #tpu.memory_space<vmem_shared>>
      %dma_wait3A_38 = arith.constant 0 : i32
      %dma_wait3A_39 = tpu.memref_slice %arg6[%add3A_23, %dma_wait3A_38] : memref<10240x128xf32, #tpu.memory_space<vmem_shared>> -> memref<80x128xf32, #tpu.memory_space<vmem_shared>>
      tpu.wait_dma2 semaphore(%run_scoped3A : memref<!tpu.dma_semaphore, #tpu.memory_space<semaphore_mem>>) src(%arg9 : memref<80x128xf32, #tpu.memory_space<vmem>>) dst(%dma_wait3A_39 : memref<80x128xf32, #tpu.memory_space<vmem_shared>>)
      tpu.yield
    }) : () -> ()
    %add3A_24 = arith.constant 560 : i32
    %add3A_25 = arith.addi %mul3A_9, %add3A_24 : i32
    "tpu.region"() ({
      %run_scoped3A = tpu.sem_alloc : memref<!tpu.dma_semaphore, #tpu.memory_space<semaphore_mem>>
      %dma_start3A = arith.constant 0 : i32
      %dma_start3A_34 = tpu.memref_slice %arg6[%add3A_25, %dma_start3A] : memref<10240x128xf32, #tpu.memory_space<vmem_shared>> -> memref<80x128xf32, #tpu.memory_space<vmem_shared>>
      %dma_start3A_35 = arith.constant 0 : i32
      %dma_start3A_36 = tpu.memref_slice %arg6[%add3A_25, %dma_start3A_35] : memref<10240x128xf32, #tpu.memory_space<vmem_shared>> -> memref<80x128xf32, #tpu.memory_space<vmem_shared>>
      tpu.enqueue_dma source(%arg9 : memref<80x128xf32, #tpu.memory_space<vmem>>) target(%dma_start3A_36 : memref<80x128xf32, #tpu.memory_space<vmem_shared>>) target_semaphore(%run_scoped3A : memref<!tpu.dma_semaphore, #tpu.memory_space<semaphore_mem>>)
      %dma_wait3A = arith.constant 0 : i32
      %dma_wait3A_37 = tpu.memref_slice %arg6[%add3A_25, %dma_wait3A] : memref<10240x128xf32, #tpu.memory_space<vmem_shared>> -> memref<80x128xf32, #tpu.memory_space<vmem_shared>>
      %dma_wait3A_38 = arith.constant 0 : i32
      %dma_wait3A_39 = tpu.memref_slice %arg6[%add3A_25, %dma_wait3A_38] : memref<10240x128xf32, #tpu.memory_space<vmem_shared>> -> memref<80x128xf32, #tpu.memory_space<vmem_shared>>
      tpu.wait_dma2 semaphore(%run_scoped3A : memref<!tpu.dma_semaphore, #tpu.memory_space<semaphore_mem>>) src(%arg9 : memref<80x128xf32, #tpu.memory_space<vmem>>) dst(%dma_wait3A_39 : memref<80x128xf32, #tpu.memory_space<vmem_shared>>)
      tpu.yield
    }) : () -> ()
    %barrier3A = arith.constant 0 : index
    tpu.barrier barrier_id(%barrier3A)
    %scan3A_26 = arith.constant 0 : i32
    %scan3A_27 = arith.constant 0 : i32
    %scan3A_28 = arith.constant 5 : i32
    %scan3A_29 = arith.addi %scan3A_27, %scan3A_28 : i32
    %scan3A_30 = arith.constant 1 : i32
    %scan3A_31 = scf.for %scan3A_34 = %scan3A_27 to %scan3A_29 step %scan3A_30 iter_args(%scan3A_35 = %scan3A_26) -> (i32)  : i32 {
      "tpu.region"() ({
        %run_scoped3A = tpu.sem_alloc : memref<!tpu.dma_semaphore, #tpu.memory_space<semaphore_mem>>
        %dma_start3A_735 = arith.constant 0 : i32
        %dma_start3A_736 = arith.constant 0 : i32
        %dma_start3A_737 = tpu.memref_slice %arg3[%add3A, %scan3A_34, %dma_start3A_735, %dma_start3A_736] : memref<32x5x25x80xi32, #tpu.memory_space<hbm>> -> memref<1x1x25x80xi32, #tpu.memory_space<hbm>>
        %dma_start3A_738 = tpu.memref_squeeze %dma_start3A_737 : memref<1x1x25x80xi32, #tpu.memory_space<hbm>> -> memref<25x80xi32, #tpu.memory_space<hbm>>
        %dma_start3A_739 = arith.constant 0 : i32
        %dma_start3A_740 = arith.constant 0 : i32
        %dma_start3A_741 = tpu.memref_slice %arg3[%add3A, %scan3A_34, %dma_start3A_739, %dma_start3A_740] : memref<32x5x25x80xi32, #tpu.memory_space<hbm>> -> memref<1x1x25x80xi32, #tpu.memory_space<hbm>>
        %dma_start3A_742 = tpu.memref_squeeze %dma_start3A_741 : memref<1x1x25x80xi32, #tpu.memory_space<hbm>> -> memref<25x80xi32, #tpu.memory_space<hbm>>
        tpu.enqueue_dma source(%dma_start3A_742 : memref<25x80xi32, #tpu.memory_space<hbm>>) target(%arg7 : memref<25x80xi32, #tpu.memory_space<vmem>>) target_semaphore(%run_scoped3A : memref<!tpu.dma_semaphore, #tpu.memory_space<semaphore_mem>>)
        %dma_wait3A_743 = arith.constant 0 : i32
        %dma_wait3A_744 = arith.constant 0 : i32
        %dma_wait3A_745 = tpu.memref_slice %arg3[%add3A, %scan3A_34, %dma_wait3A_743, %dma_wait3A_744] : memref<32x5x25x80xi32, #tpu.memory_space<hbm>> -> memref<1x1x25x80xi32, #tpu.memory_space<hbm>>
        %dma_wait3A_746 = tpu.memref_squeeze %dma_wait3A_745 : memref<1x1x25x80xi32, #tpu.memory_space<hbm>> -> memref<25x80xi32, #tpu.memory_space<hbm>>
        %dma_wait3A_747 = arith.constant 0 : i32
        %dma_wait3A_748 = arith.constant 0 : i32
        %dma_wait3A_749 = tpu.memref_slice %arg3[%add3A, %scan3A_34, %dma_wait3A_747, %dma_wait3A_748] : memref<32x5x25x80xi32, #tpu.memory_space<hbm>> -> memref<1x1x25x80xi32, #tpu.memory_space<hbm>>
        %dma_wait3A_750 = tpu.memref_squeeze %dma_wait3A_749 : memref<1x1x25x80xi32, #tpu.memory_space<hbm>> -> memref<25x80xi32, #tpu.memory_space<hbm>>
        tpu.wait_dma2 semaphore(%run_scoped3A : memref<!tpu.dma_semaphore, #tpu.memory_space<semaphore_mem>>) src(%dma_wait3A_750 : memref<25x80xi32, #tpu.memory_space<hbm>>) dst(%arg7 : memref<25x80xi32, #tpu.memory_space<vmem>>)
        tpu.yield
      }) : () -> ()
      "tpu.region"() ({
        %run_scoped3A = tpu.sem_alloc : memref<!tpu.dma_semaphore, #tpu.memory_space<semaphore_mem>>
        %dma_start3A_735 = arith.constant 0 : i32
        %dma_start3A_736 = arith.constant 0 : i32
        %dma_start3A_737 = tpu.memref_slice %arg4[%add3A, %scan3A_34, %dma_start3A_735, %dma_start3A_736] : memref<32x5x25x80xi32, #tpu.memory_space<hbm>> -> memref<1x1x25x80xi32, #tpu.memory_space<hbm>>
        %dma_start3A_738 = tpu.memref_squeeze %dma_start3A_737 : memref<1x1x25x80xi32, #tpu.memory_space<hbm>> -> memref<25x80xi32, #tpu.memory_space<hbm>>
        %dma_start3A_739 = arith.constant 0 : i32
        %dma_start3A_740 = arith.constant 0 : i32
        %dma_start3A_741 = tpu.memref_slice %arg4[%add3A, %scan3A_34, %dma_start3A_739, %dma_start3A_740] : memref<32x5x25x80xi32, #tpu.memory_space<hbm>> -> memref<1x1x25x80xi32, #tpu.memory_space<hbm>>
        %dma_start3A_742 = tpu.memref_squeeze %dma_start3A_741 : memref<1x1x25x80xi32, #tpu.memory_space<hbm>> -> memref<25x80xi32, #tpu.memory_space<hbm>>
        tpu.enqueue_dma source(%dma_start3A_742 : memref<25x80xi32, #tpu.memory_space<hbm>>) target(%arg8 : memref<25x80xi32, #tpu.memory_space<vmem>>) target_semaphore(%run_scoped3A : memref<!tpu.dma_semaphore, #tpu.memory_space<semaphore_mem>>)
        %dma_wait3A_743 = arith.constant 0 : i32
        %dma_wait3A_744 = arith.constant 0 : i32
        %dma_wait3A_745 = tpu.memref_slice %arg4[%add3A, %scan3A_34, %dma_wait3A_743, %dma_wait3A_744] : memref<32x5x25x80xi32, #tpu.memory_space<hbm>> -> memref<1x1x25x80xi32, #tpu.memory_space<hbm>>
        %dma_wait3A_746 = tpu.memref_squeeze %dma_wait3A_745 : memref<1x1x25x80xi32, #tpu.memory_space<hbm>> -> memref<25x80xi32, #tpu.memory_space<hbm>>
        %dma_wait3A_747 = arith.constant 0 : i32
        %dma_wait3A_748 = arith.constant 0 : i32
        %dma_wait3A_749 = tpu.memref_slice %arg4[%add3A, %scan3A_34, %dma_wait3A_747, %dma_wait3A_748] : memref<32x5x25x80xi32, #tpu.memory_space<hbm>> -> memref<1x1x25x80xi32, #tpu.memory_space<hbm>>
        %dma_wait3A_750 = tpu.memref_squeeze %dma_wait3A_749 : memref<1x1x25x80xi32, #tpu.memory_space<hbm>> -> memref<25x80xi32, #tpu.memory_space<hbm>>
        tpu.wait_dma2 semaphore(%run_scoped3A : memref<!tpu.dma_semaphore, #tpu.memory_space<semaphore_mem>>) src(%dma_wait3A_750 : memref<25x80xi32, #tpu.memory_space<hbm>>) dst(%arg8 : memref<25x80xi32, #tpu.memory_space<vmem>>)
        tpu.yield
      }) : () -> ()
      %dma_start3A = arith.constant 0 : i32
      %dma_start3A_36 = arith.constant 0 : i32
      %dma_start3A_37 = tpu.memref_slice %arg7[%dma_start3A, %dma_start3A_36] : memref<25x80xi32, #tpu.memory_space<vmem>> -> memref<1x80xi32, #tpu.memory_space<vmem>>
      %dma_start3A_38 = tpu.memref_squeeze %dma_start3A_37 : memref<1x80xi32, #tpu.memory_space<vmem>> -> memref<80xi32, #tpu.memory_space<vmem>>
      %dma_start3A_39 = arith.constant 0 : i32
      %dma_start3A_40 = arith.constant 0 : i32
      %dma_start3A_41 = tpu.memref_slice %arg2[%dma_start3A_39, %dma_start3A_40] : memref<10000x128xf32, #tpu.memory_space<hbm>> -> memref<10000x128xf32, #tpu.memory_space<hbm>>
      tpu.enqueue_indirect_dma source(%dma_start3A_41 : memref<10000x128xf32, #tpu.memory_space<hbm>>) target(%arg9 : memref<80x128xf32, #tpu.memory_space<vmem>>) offsets(%dma_start3A_38 : memref<80xi32, #tpu.memory_space<vmem>>) semaphore(%arg13 : memref<!tpu.dma_semaphore, #tpu.memory_space<semaphore_mem>>)
      %dma_start3A_42 = arith.constant 1 : i32
      %dma_start3A_43 = arith.constant 0 : i32
      %dma_start3A_44 = tpu.memref_slice %arg7[%dma_start3A_42, %dma_start3A_43] : memref<25x80xi32, #tpu.memory_space<vmem>> -> memref<1x80xi32, #tpu.memory_space<vmem>>
      %dma_start3A_45 = tpu.memref_squeeze %dma_start3A_44 : memref<1x80xi32, #tpu.memory_space<vmem>> -> memref<80xi32, #tpu.memory_space<vmem>>
      %dma_start3A_46 = arith.constant 0 : i32
      %dma_start3A_47 = arith.constant 0 : i32
      %dma_start3A_48 = tpu.memref_slice %arg2[%dma_start3A_46, %dma_start3A_47] : memref<10000x128xf32, #tpu.memory_space<hbm>> -> memref<10000x128xf32, #tpu.memory_space<hbm>>
      tpu.enqueue_indirect_dma source(%dma_start3A_48 : memref<10000x128xf32, #tpu.memory_space<hbm>>) target(%arg10 : memref<80x128xf32, #tpu.memory_space<vmem>>) offsets(%dma_start3A_45 : memref<80xi32, #tpu.memory_space<vmem>>) semaphore(%arg14 : memref<!tpu.dma_semaphore, #tpu.memory_space<semaphore_mem>>)
      %dma_start3A_49 = arith.constant 2 : i32
      %dma_start3A_50 = arith.constant 0 : i32
      %dma_start3A_51 = tpu.memref_slice %arg7[%dma_start3A_49, %dma_start3A_50] : memref<25x80xi32, #tpu.memory_space<vmem>> -> memref<1x80xi32, #tpu.memory_space<vmem>>
      %dma_start3A_52 = tpu.memref_squeeze %dma_start3A_51 : memref<1x80xi32, #tpu.memory_space<vmem>> -> memref<80xi32, #tpu.memory_space<vmem>>
      %dma_start3A_53 = arith.constant 0 : i32
      %dma_start3A_54 = arith.constant 0 : i32
      %dma_start3A_55 = tpu.memref_slice %arg2[%dma_start3A_53, %dma_start3A_54] : memref<10000x128xf32, #tpu.memory_space<hbm>> -> memref<10000x128xf32, #tpu.memory_space<hbm>>
      tpu.enqueue_indirect_dma source(%dma_start3A_55 : memref<10000x128xf32, #tpu.memory_space<hbm>>) target(%arg11 : memref<80x128xf32, #tpu.memory_space<vmem>>) offsets(%dma_start3A_52 : memref<80xi32, #tpu.memory_space<vmem>>) semaphore(%arg15 : memref<!tpu.dma_semaphore, #tpu.memory_space<semaphore_mem>>)
      %dma_start3A_56 = arith.constant 3 : i32
      %dma_start3A_57 = arith.constant 0 : i32
      %dma_start3A_58 = tpu.memref_slice %arg7[%dma_start3A_56, %dma_start3A_57] : memref<25x80xi32, #tpu.memory_space<vmem>> -> memref<1x80xi32, #tpu.memory_space<vmem>>
      %dma_start3A_59 = tpu.memref_squeeze %dma_start3A_58 : memref<1x80xi32, #tpu.memory_space<vmem>> -> memref<80xi32, #tpu.memory_space<vmem>>
      %dma_start3A_60 = arith.constant 0 : i32
      %dma_start3A_61 = arith.constant 0 : i32
      %dma_start3A_62 = tpu.memref_slice %arg2[%dma_start3A_60, %dma_start3A_61] : memref<10000x128xf32, #tpu.memory_space<hbm>> -> memref<10000x128xf32, #tpu.memory_space<hbm>>
      tpu.enqueue_indirect_dma source(%dma_start3A_62 : memref<10000x128xf32, #tpu.memory_space<hbm>>) target(%arg12 : memref<80x128xf32, #tpu.memory_space<vmem>>) offsets(%dma_start3A_59 : memref<80xi32, #tpu.memory_space<vmem>>) semaphore(%arg16 : memref<!tpu.dma_semaphore, #tpu.memory_space<semaphore_mem>>)
      %dma_wait3A = arith.constant 0 : i32
      %dma_wait3A_63 = arith.constant 0 : i32
      %dma_wait3A_64 = tpu.memref_slice %arg7[%dma_wait3A, %dma_wait3A_63] : memref<25x80xi32, #tpu.memory_space<vmem>> -> memref<1x80xi32, #tpu.memory_space<vmem>>
      %dma_wait3A_65 = tpu.memref_squeeze %dma_wait3A_64 : memref<1x80xi32, #tpu.memory_space<vmem>> -> memref<80xi32, #tpu.memory_space<vmem>>
      %dma_wait3A_66 = arith.constant 0 : i32
      %dma_wait3A_67 = arith.constant 0 : i32
      %dma_wait3A_68 = tpu.memref_slice %arg2[%dma_wait3A_66, %dma_wait3A_67] : memref<10000x128xf32, #tpu.memory_space<hbm>> -> memref<10000x128xf32, #tpu.memory_space<hbm>>
      tpu.wait_indirect_dma semaphore(%arg13 : memref<!tpu.dma_semaphore, #tpu.memory_space<semaphore_mem>>) src(%dma_wait3A_68 : memref<10000x128xf32, #tpu.memory_space<hbm>>) dst(%arg9 : memref<80x128xf32, #tpu.memory_space<vmem>>)
      %dma_start3A_69 = arith.constant 0 : i32
      %dma_start3A_70 = arith.constant 0 : i32
      %dma_start3A_71 = tpu.memref_slice %arg8[%dma_start3A_69, %dma_start3A_70] : memref<25x80xi32, #tpu.memory_space<vmem>> -> memref<1x80xi32, #tpu.memory_space<vmem>>
      %dma_start3A_72 = tpu.memref_squeeze %dma_start3A_71 : memref<1x80xi32, #tpu.memory_space<vmem>> -> memref<80xi32, #tpu.memory_space<vmem>>
      %dma_start3A_73 = arith.constant 0 : i32
      %dma_start3A_74 = arith.constant 0 : i32
      %dma_start3A_75 = tpu.memref_slice %arg6[%dma_start3A_73, %dma_start3A_74] : memref<10240x128xf32, #tpu.memory_space<vmem_shared>> -> memref<10240x128xf32, #tpu.memory_space<vmem_shared>>
      tpu.enqueue_indirect_dma source(%arg9 : memref<80x128xf32, #tpu.memory_space<vmem>>) target(%dma_start3A_75 : memref<10240x128xf32, #tpu.memory_space<vmem_shared>>) offsets(%dma_start3A_72 : memref<80xi32, #tpu.memory_space<vmem>>) semaphore(%arg17 : memref<!tpu.dma_semaphore, #tpu.memory_space<semaphore_mem>>) {add = true}
      %dma_wait3A_76 = arith.constant 0 : i32
      %dma_wait3A_77 = arith.constant 0 : i32
      %dma_wait3A_78 = tpu.memref_slice %arg8[%dma_wait3A_76, %dma_wait3A_77] : memref<25x80xi32, #tpu.memory_space<vmem>> -> memref<1x80xi32, #tpu.memory_space<vmem>>
      %dma_wait3A_79 = tpu.memref_squeeze %dma_wait3A_78 : memref<1x80xi32, #tpu.memory_space<vmem>> -> memref<80xi32, #tpu.memory_space<vmem>>
      %dma_wait3A_80 = arith.constant 0 : i32
      %dma_wait3A_81 = arith.constant 0 : i32
      %dma_wait3A_82 = tpu.memref_slice %arg6[%dma_wait3A_80, %dma_wait3A_81] : memref<10240x128xf32, #tpu.memory_space<vmem_shared>> -> memref<10240x128xf32, #tpu.memory_space<vmem_shared>>
      tpu.wait_indirect_dma semaphore(%arg17 : memref<!tpu.dma_semaphore, #tpu.memory_space<semaphore_mem>>) src(%arg9 : memref<80x128xf32, #tpu.memory_space<vmem>>) dst(%dma_wait3A_82 : memref<10240x128xf32, #tpu.memory_space<vmem_shared>>)
      %dma_start3A_83 = arith.constant 4 : i32
      %dma_start3A_84 = arith.constant 0 : i32
      %dma_start3A_85 = tpu.memref_slice %arg7[%dma_start3A_83, %dma_start3A_84] : memref<25x80xi32, #tpu.memory_space<vmem>> -> memref<1x80xi32, #tpu.memory_space<vmem>>
      %dma_start3A_86 = tpu.memref_squeeze %dma_start3A_85 : memref<1x80xi32, #tpu.memory_space<vmem>> -> memref<80xi32, #tpu.memory_space<vmem>>
      %dma_start3A_87 = arith.constant 0 : i32
      %dma_start3A_88 = arith.constant 0 : i32
      %dma_start3A_89 = tpu.memref_slice %arg2[%dma_start3A_87, %dma_start3A_88] : memref<10000x128xf32, #tpu.memory_space<hbm>> -> memref<10000x128xf32, #tpu.memory_space<hbm>>
      tpu.enqueue_indirect_dma source(%dma_start3A_89 : memref<10000x128xf32, #tpu.memory_space<hbm>>) target(%arg9 : memref<80x128xf32, #tpu.memory_space<vmem>>) offsets(%dma_start3A_86 : memref<80xi32, #tpu.memory_space<vmem>>) semaphore(%arg13 : memref<!tpu.dma_semaphore, #tpu.memory_space<semaphore_mem>>)
      %dma_wait3A_90 = arith.constant 1 : i32
      %dma_wait3A_91 = arith.constant 0 : i32
      %dma_wait3A_92 = tpu.memref_slice %arg7[%dma_wait3A_90, %dma_wait3A_91] : memref<25x80xi32, #tpu.memory_space<vmem>> -> memref<1x80xi32, #tpu.memory_space<vmem>>
      %dma_wait3A_93 = tpu.memref_squeeze %dma_wait3A_92 : memref<1x80xi32, #tpu.memory_space<vmem>> -> memref<80xi32, #tpu.memory_space<vmem>>
      %dma_wait3A_94 = arith.constant 0 : i32
      %dma_wait3A_95 = arith.constant 0 : i32
      %dma_wait3A_96 = tpu.memref_slice %arg2[%dma_wait3A_94, %dma_wait3A_95] : memref<10000x128xf32, #tpu.memory_space<hbm>> -> memref<10000x128xf32, #tpu.memory_space<hbm>>
      tpu.wait_indirect_dma semaphore(%arg14 : memref<!tpu.dma_semaphore, #tpu.memory_space<semaphore_mem>>) src(%dma_wait3A_96 : memref<10000x128xf32, #tpu.memory_space<hbm>>) dst(%arg10 : memref<80x128xf32, #tpu.memory_space<vmem>>)
      %dma_start3A_97 = arith.constant 1 : i32
      %dma_start3A_98 = arith.constant 0 : i32
      %dma_start3A_99 = tpu.memref_slice %arg8[%dma_start3A_97, %dma_start3A_98] : memref<25x80xi32, #tpu.memory_space<vmem>> -> memref<1x80xi32, #tpu.memory_space<vmem>>
      %dma_start3A_100 = tpu.memref_squeeze %dma_start3A_99 : memref<1x80xi32, #tpu.memory_space<vmem>> -> memref<80xi32, #tpu.memory_space<vmem>>
      %dma_start3A_101 = arith.constant 0 : i32
      %dma_start3A_102 = arith.constant 0 : i32
      %dma_start3A_103 = tpu.memref_slice %arg6[%dma_start3A_101, %dma_start3A_102] : memref<10240x128xf32, #tpu.memory_space<vmem_shared>> -> memref<10240x128xf32, #tpu.memory_space<vmem_shared>>
      tpu.enqueue_indirect_dma source(%arg10 : memref<80x128xf32, #tpu.memory_space<vmem>>) target(%dma_start3A_103 : memref<10240x128xf32, #tpu.memory_space<vmem_shared>>) offsets(%dma_start3A_100 : memref<80xi32, #tpu.memory_space<vmem>>) semaphore(%arg18 : memref<!tpu.dma_semaphore, #tpu.memory_space<semaphore_mem>>) {add = true}
      %dma_wait3A_104 = arith.constant 1 : i32
      %dma_wait3A_105 = arith.constant 0 : i32
      %dma_wait3A_106 = tpu.memref_slice %arg8[%dma_wait3A_104, %dma_wait3A_105] : memref<25x80xi32, #tpu.memory_space<vmem>> -> memref<1x80xi32, #tpu.memory_space<vmem>>
      %dma_wait3A_107 = tpu.memref_squeeze %dma_wait3A_106 : memref<1x80xi32, #tpu.memory_space<vmem>> -> memref<80xi32, #tpu.memory_space<vmem>>
      %dma_wait3A_108 = arith.constant 0 : i32
      %dma_wait3A_109 = arith.constant 0 : i32
      %dma_wait3A_110 = tpu.memref_slice %arg6[%dma_wait3A_108, %dma_wait3A_109] : memref<10240x128xf32, #tpu.memory_space<vmem_shared>> -> memref<10240x128xf32, #tpu.memory_space<vmem_shared>>
      tpu.wait_indirect_dma semaphore(%arg18 : memref<!tpu.dma_semaphore, #tpu.memory_space<semaphore_mem>>) src(%arg10 : memref<80x128xf32, #tpu.memory_space<vmem>>) dst(%dma_wait3A_110 : memref<10240x128xf32, #tpu.memory_space<vmem_shared>>)
      %dma_start3A_111 = arith.constant 5 : i32
      %dma_start3A_112 = arith.constant 0 : i32
      %dma_start3A_113 = tpu.memref_slice %arg7[%dma_start3A_111, %dma_start3A_112] : memref<25x80xi32, #tpu.memory_space<vmem>> -> memref<1x80xi32, #tpu.memory_space<vmem>>
      %dma_start3A_114 = tpu.memref_squeeze %dma_start3A_113 : memref<1x80xi32, #tpu.memory_space<vmem>> -> memref<80xi32, #tpu.memory_space<vmem>>
      %dma_start3A_115 = arith.constant 0 : i32
      %dma_start3A_116 = arith.constant 0 : i32
      %dma_start3A_117 = tpu.memref_slice %arg2[%dma_start3A_115, %dma_start3A_116] : memref<10000x128xf32, #tpu.memory_space<hbm>> -> memref<10000x128xf32, #tpu.memory_space<hbm>>
      tpu.enqueue_indirect_dma source(%dma_start3A_117 : memref<10000x128xf32, #tpu.memory_space<hbm>>) target(%arg10 : memref<80x128xf32, #tpu.memory_space<vmem>>) offsets(%dma_start3A_114 : memref<80xi32, #tpu.memory_space<vmem>>) semaphore(%arg14 : memref<!tpu.dma_semaphore, #tpu.memory_space<semaphore_mem>>)
      %dma_wait3A_118 = arith.constant 2 : i32
      %dma_wait3A_119 = arith.constant 0 : i32
      %dma_wait3A_120 = tpu.memref_slice %arg7[%dma_wait3A_118, %dma_wait3A_119] : memref<25x80xi32, #tpu.memory_space<vmem>> -> memref<1x80xi32, #tpu.memory_space<vmem>>
      %dma_wait3A_121 = tpu.memref_squeeze %dma_wait3A_120 : memref<1x80xi32, #tpu.memory_space<vmem>> -> memref<80xi32, #tpu.memory_space<vmem>>
      %dma_wait3A_122 = arith.constant 0 : i32
      %dma_wait3A_123 = arith.constant 0 : i32
      %dma_wait3A_124 = tpu.memref_slice %arg2[%dma_wait3A_122, %dma_wait3A_123] : memref<10000x128xf32, #tpu.memory_space<hbm>> -> memref<10000x128xf32, #tpu.memory_space<hbm>>
      tpu.wait_indirect_dma semaphore(%arg15 : memref<!tpu.dma_semaphore, #tpu.memory_space<semaphore_mem>>) src(%dma_wait3A_124 : memref<10000x128xf32, #tpu.memory_space<hbm>>) dst(%arg11 : memref<80x128xf32, #tpu.memory_space<vmem>>)
      %dma_start3A_125 = arith.constant 2 : i32
      %dma_start3A_126 = arith.constant 0 : i32
      %dma_start3A_127 = tpu.memref_slice %arg8[%dma_start3A_125, %dma_start3A_126] : memref<25x80xi32, #tpu.memory_space<vmem>> -> memref<1x80xi32, #tpu.memory_space<vmem>>
      %dma_start3A_128 = tpu.memref_squeeze %dma_start3A_127 : memref<1x80xi32, #tpu.memory_space<vmem>> -> memref<80xi32, #tpu.memory_space<vmem>>
      %dma_start3A_129 = arith.constant 0 : i32
      %dma_start3A_130 = arith.constant 0 : i32
      %dma_start3A_131 = tpu.memref_slice %arg6[%dma_start3A_129, %dma_start3A_130] : memref<10240x128xf32, #tpu.memory_space<vmem_shared>> -> memref<10240x128xf32, #tpu.memory_space<vmem_shared>>
      tpu.enqueue_indirect_dma source(%arg11 : memref<80x128xf32, #tpu.memory_space<vmem>>) target(%dma_start3A_131 : memref<10240x128xf32, #tpu.memory_space<vmem_shared>>) offsets(%dma_start3A_128 : memref<80xi32, #tpu.memory_space<vmem>>) semaphore(%arg19 : memref<!tpu.dma_semaphore, #tpu.memory_space<semaphore_mem>>) {add = true}
      %dma_wait3A_132 = arith.constant 2 : i32
      %dma_wait3A_133 = arith.constant 0 : i32
      %dma_wait3A_134 = tpu.memref_slice %arg8[%dma_wait3A_132, %dma_wait3A_133] : memref<25x80xi32, #tpu.memory_space<vmem>> -> memref<1x80xi32, #tpu.memory_space<vmem>>
      %dma_wait3A_135 = tpu.memref_squeeze %dma_wait3A_134 : memref<1x80xi32, #tpu.memory_space<vmem>> -> memref<80xi32, #tpu.memory_space<vmem>>
      %dma_wait3A_136 = arith.constant 0 : i32
      %dma_wait3A_137 = arith.constant 0 : i32
      %dma_wait3A_138 = tpu.memref_slice %arg6[%dma_wait3A_136, %dma_wait3A_137] : memref<10240x128xf32, #tpu.memory_space<vmem_shared>> -> memref<10240x128xf32, #tpu.memory_space<vmem_shared>>
      tpu.wait_indirect_dma semaphore(%arg19 : memref<!tpu.dma_semaphore, #tpu.memory_space<semaphore_mem>>) src(%arg11 : memref<80x128xf32, #tpu.memory_space<vmem>>) dst(%dma_wait3A_138 : memref<10240x128xf32, #tpu.memory_space<vmem_shared>>)
      %dma_start3A_139 = arith.constant 6 : i32
      %dma_start3A_140 = arith.constant 0 : i32
      %dma_start3A_141 = tpu.memref_slice %arg7[%dma_start3A_139, %dma_start3A_140] : memref<25x80xi32, #tpu.memory_space<vmem>> -> memref<1x80xi32, #tpu.memory_space<vmem>>
      %dma_start3A_142 = tpu.memref_squeeze %dma_start3A_141 : memref<1x80xi32, #tpu.memory_space<vmem>> -> memref<80xi32, #tpu.memory_space<vmem>>
      %dma_start3A_143 = arith.constant 0 : i32
      %dma_start3A_144 = arith.constant 0 : i32
      %dma_start3A_145 = tpu.memref_slice %arg2[%dma_start3A_143, %dma_start3A_144] : memref<10000x128xf32, #tpu.memory_space<hbm>> -> memref<10000x128xf32, #tpu.memory_space<hbm>>
      tpu.enqueue_indirect_dma source(%dma_start3A_145 : memref<10000x128xf32, #tpu.memory_space<hbm>>) target(%arg11 : memref<80x128xf32, #tpu.memory_space<vmem>>) offsets(%dma_start3A_142 : memref<80xi32, #tpu.memory_space<vmem>>) semaphore(%arg15 : memref<!tpu.dma_semaphore, #tpu.memory_space<semaphore_mem>>)
      %dma_wait3A_146 = arith.constant 3 : i32
      %dma_wait3A_147 = arith.constant 0 : i32
      %dma_wait3A_148 = tpu.memref_slice %arg7[%dma_wait3A_146, %dma_wait3A_147] : memref<25x80xi32, #tpu.memory_space<vmem>> -> memref<1x80xi32, #tpu.memory_space<vmem>>
      %dma_wait3A_149 = tpu.memref_squeeze %dma_wait3A_148 : memref<1x80xi32, #tpu.memory_space<vmem>> -> memref<80xi32, #tpu.memory_space<vmem>>
      %dma_wait3A_150 = arith.constant 0 : i32
      %dma_wait3A_151 = arith.constant 0 : i32
      %dma_wait3A_152 = tpu.memref_slice %arg2[%dma_wait3A_150, %dma_wait3A_151] : memref<10000x128xf32, #tpu.memory_space<hbm>> -> memref<10000x128xf32, #tpu.memory_space<hbm>>
      tpu.wait_indirect_dma semaphore(%arg16 : memref<!tpu.dma_semaphore, #tpu.memory_space<semaphore_mem>>) src(%dma_wait3A_152 : memref<10000x128xf32, #tpu.memory_space<hbm>>) dst(%arg12 : memref<80x128xf32, #tpu.memory_space<vmem>>)
      %dma_start3A_153 = arith.constant 3 : i32
      %dma_start3A_154 = arith.constant 0 : i32
      %dma_start3A_155 = tpu.memref_slice %arg8[%dma_start3A_153, %dma_start3A_154] : memref<25x80xi32, #tpu.memory_space<vmem>> -> memref<1x80xi32, #tpu.memory_space<vmem>>
      %dma_start3A_156 = tpu.memref_squeeze %dma_start3A_155 : memref<1x80xi32, #tpu.memory_space<vmem>> -> memref<80xi32, #tpu.memory_space<vmem>>
      %dma_start3A_157 = arith.constant 0 : i32
      %dma_start3A_158 = arith.constant 0 : i32
      %dma_start3A_159 = tpu.memref_slice %arg6[%dma_start3A_157, %dma_start3A_158] : memref<10240x128xf32, #tpu.memory_space<vmem_shared>> -> memref<10240x128xf32, #tpu.memory_space<vmem_shared>>
      tpu.enqueue_indirect_dma source(%arg12 : memref<80x128xf32, #tpu.memory_space<vmem>>) target(%dma_start3A_159 : memref<10240x128xf32, #tpu.memory_space<vmem_shared>>) offsets(%dma_start3A_156 : memref<80xi32, #tpu.memory_space<vmem>>) semaphore(%arg20 : memref<!tpu.dma_semaphore, #tpu.memory_space<semaphore_mem>>) {add = true}
      %dma_wait3A_160 = arith.constant 3 : i32
      %dma_wait3A_161 = arith.constant 0 : i32
      %dma_wait3A_162 = tpu.memref_slice %arg8[%dma_wait3A_160, %dma_wait3A_161] : memref<25x80xi32, #tpu.memory_space<vmem>> -> memref<1x80xi32, #tpu.memory_space<vmem>>
      %dma_wait3A_163 = tpu.memref_squeeze %dma_wait3A_162 : memref<1x80xi32, #tpu.memory_space<vmem>> -> memref<80xi32, #tpu.memory_space<vmem>>
      %dma_wait3A_164 = arith.constant 0 : i32
      %dma_wait3A_165 = arith.constant 0 : i32
      %dma_wait3A_166 = tpu.memref_slice %arg6[%dma_wait3A_164, %dma_wait3A_165] : memref<10240x128xf32, #tpu.memory_space<vmem_shared>> -> memref<10240x128xf32, #tpu.memory_space<vmem_shared>>
      tpu.wait_indirect_dma semaphore(%arg20 : memref<!tpu.dma_semaphore, #tpu.memory_space<semaphore_mem>>) src(%arg12 : memref<80x128xf32, #tpu.memory_space<vmem>>) dst(%dma_wait3A_166 : memref<10240x128xf32, #tpu.memory_space<vmem_shared>>)
      %dma_start3A_167 = arith.constant 7 : i32
      %dma_start3A_168 = arith.constant 0 : i32
      %dma_start3A_169 = tpu.memref_slice %arg7[%dma_start3A_167, %dma_start3A_168] : memref<25x80xi32, #tpu.memory_space<vmem>> -> memref<1x80xi32, #tpu.memory_space<vmem>>
      %dma_start3A_170 = tpu.memref_squeeze %dma_start3A_169 : memref<1x80xi32, #tpu.memory_space<vmem>> -> memref<80xi32, #tpu.memory_space<vmem>>
      %dma_start3A_171 = arith.constant 0 : i32
      %dma_start3A_172 = arith.constant 0 : i32
      %dma_start3A_173 = tpu.memref_slice %arg2[%dma_start3A_171, %dma_start3A_172] : memref<10000x128xf32, #tpu.memory_space<hbm>> -> memref<10000x128xf32, #tpu.memory_space<hbm>>
      tpu.enqueue_indirect_dma source(%dma_start3A_173 : memref<10000x128xf32, #tpu.memory_space<hbm>>) target(%arg12 : memref<80x128xf32, #tpu.memory_space<vmem>>) offsets(%dma_start3A_170 : memref<80xi32, #tpu.memory_space<vmem>>) semaphore(%arg16 : memref<!tpu.dma_semaphore, #tpu.memory_space<semaphore_mem>>)
      %dma_wait3A_174 = arith.constant 4 : i32
      %dma_wait3A_175 = arith.constant 0 : i32
      %dma_wait3A_176 = tpu.memref_slice %arg7[%dma_wait3A_174, %dma_wait3A_175] : memref<25x80xi32, #tpu.memory_space<vmem>> -> memref<1x80xi32, #tpu.memory_space<vmem>>
      %dma_wait3A_177 = tpu.memref_squeeze %dma_wait3A_176 : memref<1x80xi32, #tpu.memory_space<vmem>> -> memref<80xi32, #tpu.memory_space<vmem>>
      %dma_wait3A_178 = arith.constant 0 : i32
      %dma_wait3A_179 = arith.constant 0 : i32
      %dma_wait3A_180 = tpu.memref_slice %arg2[%dma_wait3A_178, %dma_wait3A_179] : memref<10000x128xf32, #tpu.memory_space<hbm>> -> memref<10000x128xf32, #tpu.memory_space<hbm>>
      tpu.wait_indirect_dma semaphore(%arg13 : memref<!tpu.dma_semaphore, #tpu.memory_space<semaphore_mem>>) src(%dma_wait3A_180 : memref<10000x128xf32, #tpu.memory_space<hbm>>) dst(%arg9 : memref<80x128xf32, #tpu.memory_space<vmem>>)
      %dma_start3A_181 = arith.constant 4 : i32
      %dma_start3A_182 = arith.constant 0 : i32
      %dma_start3A_183 = tpu.memref_slice %arg8[%dma_start3A_181, %dma_start3A_182] : memref<25x80xi32, #tpu.memory_space<vmem>> -> memref<1x80xi32, #tpu.memory_space<vmem>>
      %dma_start3A_184 = tpu.memref_squeeze %dma_start3A_183 : memref<1x80xi32, #tpu.memory_space<vmem>> -> memref<80xi32, #tpu.memory_space<vmem>>
      %dma_start3A_185 = arith.constant 0 : i32
      %dma_start3A_186 = arith.constant 0 : i32
      %dma_start3A_187 = tpu.memref_slice %arg6[%dma_start3A_185, %dma_start3A_186] : memref<10240x128xf32, #tpu.memory_space<vmem_shared>> -> memref<10240x128xf32, #tpu.memory_space<vmem_shared>>
      tpu.enqueue_indirect_dma source(%arg9 : memref<80x128xf32, #tpu.memory_space<vmem>>) target(%dma_start3A_187 : memref<10240x128xf32, #tpu.memory_space<vmem_shared>>) offsets(%dma_start3A_184 : memref<80xi32, #tpu.memory_space<vmem>>) semaphore(%arg17 : memref<!tpu.dma_semaphore, #tpu.memory_space<semaphore_mem>>) {add = true}
      %dma_wait3A_188 = arith.constant 4 : i32
      %dma_wait3A_189 = arith.constant 0 : i32
      %dma_wait3A_190 = tpu.memref_slice %arg8[%dma_wait3A_188, %dma_wait3A_189] : memref<25x80xi32, #tpu.memory_space<vmem>> -> memref<1x80xi32, #tpu.memory_space<vmem>>
      %dma_wait3A_191 = tpu.memref_squeeze %dma_wait3A_190 : memref<1x80xi32, #tpu.memory_space<vmem>> -> memref<80xi32, #tpu.memory_space<vmem>>
      %dma_wait3A_192 = arith.constant 0 : i32
      %dma_wait3A_193 = arith.constant 0 : i32
      %dma_wait3A_194 = tpu.memref_slice %arg6[%dma_wait3A_192, %dma_wait3A_193] : memref<10240x128xf32, #tpu.memory_space<vmem_shared>> -> memref<10240x128xf32, #tpu.memory_space<vmem_shared>>
      tpu.wait_indirect_dma semaphore(%arg17 : memref<!tpu.dma_semaphore, #tpu.memory_space<semaphore_mem>>) src(%arg9 : memref<80x128xf32, #tpu.memory_space<vmem>>) dst(%dma_wait3A_194 : memref<10240x128xf32, #tpu.memory_space<vmem_shared>>)
      %dma_start3A_195 = arith.constant 8 : i32
      %dma_start3A_196 = arith.constant 0 : i32
      %dma_start3A_197 = tpu.memref_slice %arg7[%dma_start3A_195, %dma_start3A_196] : memref<25x80xi32, #tpu.memory_space<vmem>> -> memref<1x80xi32, #tpu.memory_space<vmem>>
      %dma_start3A_198 = tpu.memref_squeeze %dma_start3A_197 : memref<1x80xi32, #tpu.memory_space<vmem>> -> memref<80xi32, #tpu.memory_space<vmem>>
      %dma_start3A_199 = arith.constant 0 : i32
      %dma_start3A_200 = arith.constant 0 : i32
      %dma_start3A_201 = tpu.memref_slice %arg2[%dma_start3A_199, %dma_start3A_200] : memref<10000x128xf32, #tpu.memory_space<hbm>> -> memref<10000x128xf32, #tpu.memory_space<hbm>>
      tpu.enqueue_indirect_dma source(%dma_start3A_201 : memref<10000x128xf32, #tpu.memory_space<hbm>>) target(%arg9 : memref<80x128xf32, #tpu.memory_space<vmem>>) offsets(%dma_start3A_198 : memref<80xi32, #tpu.memory_space<vmem>>) semaphore(%arg13 : memref<!tpu.dma_semaphore, #tpu.memory_space<semaphore_mem>>)
      %dma_wait3A_202 = arith.constant 5 : i32
      %dma_wait3A_203 = arith.constant 0 : i32
      %dma_wait3A_204 = tpu.memref_slice %arg7[%dma_wait3A_202, %dma_wait3A_203] : memref<25x80xi32, #tpu.memory_space<vmem>> -> memref<1x80xi32, #tpu.memory_space<vmem>>
      %dma_wait3A_205 = tpu.memref_squeeze %dma_wait3A_204 : memref<1x80xi32, #tpu.memory_space<vmem>> -> memref<80xi32, #tpu.memory_space<vmem>>
      %dma_wait3A_206 = arith.constant 0 : i32
      %dma_wait3A_207 = arith.constant 0 : i32
      %dma_wait3A_208 = tpu.memref_slice %arg2[%dma_wait3A_206, %dma_wait3A_207] : memref<10000x128xf32, #tpu.memory_space<hbm>> -> memref<10000x128xf32, #tpu.memory_space<hbm>>
      tpu.wait_indirect_dma semaphore(%arg14 : memref<!tpu.dma_semaphore, #tpu.memory_space<semaphore_mem>>) src(%dma_wait3A_208 : memref<10000x128xf32, #tpu.memory_space<hbm>>) dst(%arg10 : memref<80x128xf32, #tpu.memory_space<vmem>>)
      %dma_start3A_209 = arith.constant 5 : i32
      %dma_start3A_210 = arith.constant 0 : i32
      %dma_start3A_211 = tpu.memref_slice %arg8[%dma_start3A_209, %dma_start3A_210] : memref<25x80xi32, #tpu.memory_space<vmem>> -> memref<1x80xi32, #tpu.memory_space<vmem>>
      %dma_start3A_212 = tpu.memref_squeeze %dma_start3A_211 : memref<1x80xi32, #tpu.memory_space<vmem>> -> memref<80xi32, #tpu.memory_space<vmem>>
      %dma_start3A_213 = arith.constant 0 : i32
      %dma_start3A_214 = arith.constant 0 : i32
      %dma_start3A_215 = tpu.memref_slice %arg6[%dma_start3A_213, %dma_start3A_214] : memref<10240x128xf32, #tpu.memory_space<vmem_shared>> -> memref<10240x128xf32, #tpu.memory_space<vmem_shared>>
      tpu.enqueue_indirect_dma source(%arg10 : memref<80x128xf32, #tpu.memory_space<vmem>>) target(%dma_start3A_215 : memref<10240x128xf32, #tpu.memory_space<vmem_shared>>) offsets(%dma_start3A_212 : memref<80xi32, #tpu.memory_space<vmem>>) semaphore(%arg18 : memref<!tpu.dma_semaphore, #tpu.memory_space<semaphore_mem>>) {add = true}
      %dma_wait3A_216 = arith.constant 5 : i32
      %dma_wait3A_217 = arith.constant 0 : i32
      %dma_wait3A_218 = tpu.memref_slice %arg8[%dma_wait3A_216, %dma_wait3A_217] : memref<25x80xi32, #tpu.memory_space<vmem>> -> memref<1x80xi32, #tpu.memory_space<vmem>>
      %dma_wait3A_219 = tpu.memref_squeeze %dma_wait3A_218 : memref<1x80xi32, #tpu.memory_space<vmem>> -> memref<80xi32, #tpu.memory_space<vmem>>
      %dma_wait3A_220 = arith.constant 0 : i32
      %dma_wait3A_221 = arith.constant 0 : i32
      %dma_wait3A_222 = tpu.memref_slice %arg6[%dma_wait3A_220, %dma_wait3A_221] : memref<10240x128xf32, #tpu.memory_space<vmem_shared>> -> memref<10240x128xf32, #tpu.memory_space<vmem_shared>>
      tpu.wait_indirect_dma semaphore(%arg18 : memref<!tpu.dma_semaphore, #tpu.memory_space<semaphore_mem>>) src(%arg10 : memref<80x128xf32, #tpu.memory_space<vmem>>) dst(%dma_wait3A_222 : memref<10240x128xf32, #tpu.memory_space<vmem_shared>>)
      %dma_start3A_223 = arith.constant 9 : i32
      %dma_start3A_224 = arith.constant 0 : i32
      %dma_start3A_225 = tpu.memref_slice %arg7[%dma_start3A_223, %dma_start3A_224] : memref<25x80xi32, #tpu.memory_space<vmem>> -> memref<1x80xi32, #tpu.memory_space<vmem>>
      %dma_start3A_226 = tpu.memref_squeeze %dma_start3A_225 : memref<1x80xi32, #tpu.memory_space<vmem>> -> memref<80xi32, #tpu.memory_space<vmem>>
      %dma_start3A_227 = arith.constant 0 : i32
      %dma_start3A_228 = arith.constant 0 : i32
      %dma_start3A_229 = tpu.memref_slice %arg2[%dma_start3A_227, %dma_start3A_228] : memref<10000x128xf32, #tpu.memory_space<hbm>> -> memref<10000x128xf32, #tpu.memory_space<hbm>>
      tpu.enqueue_indirect_dma source(%dma_start3A_229 : memref<10000x128xf32, #tpu.memory_space<hbm>>) target(%arg10 : memref<80x128xf32, #tpu.memory_space<vmem>>) offsets(%dma_start3A_226 : memref<80xi32, #tpu.memory_space<vmem>>) semaphore(%arg14 : memref<!tpu.dma_semaphore, #tpu.memory_space<semaphore_mem>>)
      %dma_wait3A_230 = arith.constant 6 : i32
      %dma_wait3A_231 = arith.constant 0 : i32
      %dma_wait3A_232 = tpu.memref_slice %arg7[%dma_wait3A_230, %dma_wait3A_231] : memref<25x80xi32, #tpu.memory_space<vmem>> -> memref<1x80xi32, #tpu.memory_space<vmem>>
      %dma_wait3A_233 = tpu.memref_squeeze %dma_wait3A_232 : memref<1x80xi32, #tpu.memory_space<vmem>> -> memref<80xi32, #tpu.memory_space<vmem>>
      %dma_wait3A_234 = arith.constant 0 : i32
      %dma_wait3A_235 = arith.constant 0 : i32
      %dma_wait3A_236 = tpu.memref_slice %arg2[%dma_wait3A_234, %dma_wait3A_235] : memref<10000x128xf32, #tpu.memory_space<hbm>> -> memref<10000x128xf32, #tpu.memory_space<hbm>>
      tpu.wait_indirect_dma semaphore(%arg15 : memref<!tpu.dma_semaphore, #tpu.memory_space<semaphore_mem>>) src(%dma_wait3A_236 : memref<10000x128xf32, #tpu.memory_space<hbm>>) dst(%arg11 : memref<80x128xf32, #tpu.memory_space<vmem>>)
      %dma_start3A_237 = arith.constant 6 : i32
      %dma_start3A_238 = arith.constant 0 : i32
      %dma_start3A_239 = tpu.memref_slice %arg8[%dma_start3A_237, %dma_start3A_238] : memref<25x80xi32, #tpu.memory_space<vmem>> -> memref<1x80xi32, #tpu.memory_space<vmem>>
      %dma_start3A_240 = tpu.memref_squeeze %dma_start3A_239 : memref<1x80xi32, #tpu.memory_space<vmem>> -> memref<80xi32, #tpu.memory_space<vmem>>
      %dma_start3A_241 = arith.constant 0 : i32
      %dma_start3A_242 = arith.constant 0 : i32
      %dma_start3A_243 = tpu.memref_slice %arg6[%dma_start3A_241, %dma_start3A_242] : memref<10240x128xf32, #tpu.memory_space<vmem_shared>> -> memref<10240x128xf32, #tpu.memory_space<vmem_shared>>
      tpu.enqueue_indirect_dma source(%arg11 : memref<80x128xf32, #tpu.memory_space<vmem>>) target(%dma_start3A_243 : memref<10240x128xf32, #tpu.memory_space<vmem_shared>>) offsets(%dma_start3A_240 : memref<80xi32, #tpu.memory_space<vmem>>) semaphore(%arg19 : memref<!tpu.dma_semaphore, #tpu.memory_space<semaphore_mem>>) {add = true}
      %dma_wait3A_244 = arith.constant 6 : i32
      %dma_wait3A_245 = arith.constant 0 : i32
      %dma_wait3A_246 = tpu.memref_slice %arg8[%dma_wait3A_244, %dma_wait3A_245] : memref<25x80xi32, #tpu.memory_space<vmem>> -> memref<1x80xi32, #tpu.memory_space<vmem>>
      %dma_wait3A_247 = tpu.memref_squeeze %dma_wait3A_246 : memref<1x80xi32, #tpu.memory_space<vmem>> -> memref<80xi32, #tpu.memory_space<vmem>>
      %dma_wait3A_248 = arith.constant 0 : i32
      %dma_wait3A_249 = arith.constant 0 : i32
      %dma_wait3A_250 = tpu.memref_slice %arg6[%dma_wait3A_248, %dma_wait3A_249] : memref<10240x128xf32, #tpu.memory_space<vmem_shared>> -> memref<10240x128xf32, #tpu.memory_space<vmem_shared>>
      tpu.wait_indirect_dma semaphore(%arg19 : memref<!tpu.dma_semaphore, #tpu.memory_space<semaphore_mem>>) src(%arg11 : memref<80x128xf32, #tpu.memory_space<vmem>>) dst(%dma_wait3A_250 : memref<10240x128xf32, #tpu.memory_space<vmem_shared>>)
      %dma_start3A_251 = arith.constant 10 : i32
      %dma_start3A_252 = arith.constant 0 : i32
      %dma_start3A_253 = tpu.memref_slice %arg7[%dma_start3A_251, %dma_start3A_252] : memref<25x80xi32, #tpu.memory_space<vmem>> -> memref<1x80xi32, #tpu.memory_space<vmem>>
      %dma_start3A_254 = tpu.memref_squeeze %dma_start3A_253 : memref<1x80xi32, #tpu.memory_space<vmem>> -> memref<80xi32, #tpu.memory_space<vmem>>
      %dma_start3A_255 = arith.constant 0 : i32
      %dma_start3A_256 = arith.constant 0 : i32
      %dma_start3A_257 = tpu.memref_slice %arg2[%dma_start3A_255, %dma_start3A_256] : memref<10000x128xf32, #tpu.memory_space<hbm>> -> memref<10000x128xf32, #tpu.memory_space<hbm>>
      tpu.enqueue_indirect_dma source(%dma_start3A_257 : memref<10000x128xf32, #tpu.memory_space<hbm>>) target(%arg11 : memref<80x128xf32, #tpu.memory_space<vmem>>) offsets(%dma_start3A_254 : memref<80xi32, #tpu.memory_space<vmem>>) semaphore(%arg15 : memref<!tpu.dma_semaphore, #tpu.memory_space<semaphore_mem>>)
      %dma_wait3A_258 = arith.constant 7 : i32
      %dma_wait3A_259 = arith.constant 0 : i32
      %dma_wait3A_260 = tpu.memref_slice %arg7[%dma_wait3A_258, %dma_wait3A_259] : memref<25x80xi32, #tpu.memory_space<vmem>> -> memref<1x80xi32, #tpu.memory_space<vmem>>
      %dma_wait3A_261 = tpu.memref_squeeze %dma_wait3A_260 : memref<1x80xi32, #tpu.memory_space<vmem>> -> memref<80xi32, #tpu.memory_space<vmem>>
      %dma_wait3A_262 = arith.constant 0 : i32
      %dma_wait3A_263 = arith.constant 0 : i32
      %dma_wait3A_264 = tpu.memref_slice %arg2[%dma_wait3A_262, %dma_wait3A_263] : memref<10000x128xf32, #tpu.memory_space<hbm>> -> memref<10000x128xf32, #tpu.memory_space<hbm>>
      tpu.wait_indirect_dma semaphore(%arg16 : memref<!tpu.dma_semaphore, #tpu.memory_space<semaphore_mem>>) src(%dma_wait3A_264 : memref<10000x128xf32, #tpu.memory_space<hbm>>) dst(%arg12 : memref<80x128xf32, #tpu.memory_space<vmem>>)
      %dma_start3A_265 = arith.constant 7 : i32
      %dma_start3A_266 = arith.constant 0 : i32
      %dma_start3A_267 = tpu.memref_slice %arg8[%dma_start3A_265, %dma_start3A_266] : memref<25x80xi32, #tpu.memory_space<vmem>> -> memref<1x80xi32, #tpu.memory_space<vmem>>
      %dma_start3A_268 = tpu.memref_squeeze %dma_start3A_267 : memref<1x80xi32, #tpu.memory_space<vmem>> -> memref<80xi32, #tpu.memory_space<vmem>>
      %dma_start3A_269 = arith.constant 0 : i32
      %dma_start3A_270 = arith.constant 0 : i32
      %dma_start3A_271 = tpu.memref_slice %arg6[%dma_start3A_269, %dma_start3A_270] : memref<10240x128xf32, #tpu.memory_space<vmem_shared>> -> memref<10240x128xf32, #tpu.memory_space<vmem_shared>>
      tpu.enqueue_indirect_dma source(%arg12 : memref<80x128xf32, #tpu.memory_space<vmem>>) target(%dma_start3A_271 : memref<10240x128xf32, #tpu.memory_space<vmem_shared>>) offsets(%dma_start3A_268 : memref<80xi32, #tpu.memory_space<vmem>>) semaphore(%arg20 : memref<!tpu.dma_semaphore, #tpu.memory_space<semaphore_mem>>) {add = true}
      %dma_wait3A_272 = arith.constant 7 : i32
      %dma_wait3A_273 = arith.constant 0 : i32
      %dma_wait3A_274 = tpu.memref_slice %arg8[%dma_wait3A_272, %dma_wait3A_273] : memref<25x80xi32, #tpu.memory_space<vmem>> -> memref<1x80xi32, #tpu.memory_space<vmem>>
      %dma_wait3A_275 = tpu.memref_squeeze %dma_wait3A_274 : memref<1x80xi32, #tpu.memory_space<vmem>> -> memref<80xi32, #tpu.memory_space<vmem>>
      %dma_wait3A_276 = arith.constant 0 : i32
      %dma_wait3A_277 = arith.constant 0 : i32
      %dma_wait3A_278 = tpu.memref_slice %arg6[%dma_wait3A_276, %dma_wait3A_277] : memref<10240x128xf32, #tpu.memory_space<vmem_shared>> -> memref<10240x128xf32, #tpu.memory_space<vmem_shared>>
      tpu.wait_indirect_dma semaphore(%arg20 : memref<!tpu.dma_semaphore, #tpu.memory_space<semaphore_mem>>) src(%arg12 : memref<80x128xf32, #tpu.memory_space<vmem>>) dst(%dma_wait3A_278 : memref<10240x128xf32, #tpu.memory_space<vmem_shared>>)
      %dma_start3A_279 = arith.constant 11 : i32
      %dma_start3A_280 = arith.constant 0 : i32
      %dma_start3A_281 = tpu.memref_slice %arg7[%dma_start3A_279, %dma_start3A_280] : memref<25x80xi32, #tpu.memory_space<vmem>> -> memref<1x80xi32, #tpu.memory_space<vmem>>
      %dma_start3A_282 = tpu.memref_squeeze %dma_start3A_281 : memref<1x80xi32, #tpu.memory_space<vmem>> -> memref<80xi32, #tpu.memory_space<vmem>>
      %dma_start3A_283 = arith.constant 0 : i32
      %dma_start3A_284 = arith.constant 0 : i32
      %dma_start3A_285 = tpu.memref_slice %arg2[%dma_start3A_283, %dma_start3A_284] : memref<10000x128xf32, #tpu.memory_space<hbm>> -> memref<10000x128xf32, #tpu.memory_space<hbm>>
      tpu.enqueue_indirect_dma source(%dma_start3A_285 : memref<10000x128xf32, #tpu.memory_space<hbm>>) target(%arg12 : memref<80x128xf32, #tpu.memory_space<vmem>>) offsets(%dma_start3A_282 : memref<80xi32, #tpu.memory_space<vmem>>) semaphore(%arg16 : memref<!tpu.dma_semaphore, #tpu.memory_space<semaphore_mem>>)
      %dma_wait3A_286 = arith.constant 8 : i32
      %dma_wait3A_287 = arith.constant 0 : i32
      %dma_wait3A_288 = tpu.memref_slice %arg7[%dma_wait3A_286, %dma_wait3A_287] : memref<25x80xi32, #tpu.memory_space<vmem>> -> memref<1x80xi32, #tpu.memory_space<vmem>>
      %dma_wait3A_289 = tpu.memref_squeeze %dma_wait3A_288 : memref<1x80xi32, #tpu.memory_space<vmem>> -> memref<80xi32, #tpu.memory_space<vmem>>
      %dma_wait3A_290 = arith.constant 0 : i32
      %dma_wait3A_291 = arith.constant 0 : i32
      %dma_wait3A_292 = tpu.memref_slice %arg2[%dma_wait3A_290, %dma_wait3A_291] : memref<10000x128xf32, #tpu.memory_space<hbm>> -> memref<10000x128xf32, #tpu.memory_space<hbm>>
      tpu.wait_indirect_dma semaphore(%arg13 : memref<!tpu.dma_semaphore, #tpu.memory_space<semaphore_mem>>) src(%dma_wait3A_292 : memref<10000x128xf32, #tpu.memory_space<hbm>>) dst(%arg9 : memref<80x128xf32, #tpu.memory_space<vmem>>)
      %dma_start3A_293 = arith.constant 8 : i32
      %dma_start3A_294 = arith.constant 0 : i32
      %dma_start3A_295 = tpu.memref_slice %arg8[%dma_start3A_293, %dma_start3A_294] : memref<25x80xi32, #tpu.memory_space<vmem>> -> memref<1x80xi32, #tpu.memory_space<vmem>>
      %dma_start3A_296 = tpu.memref_squeeze %dma_start3A_295 : memref<1x80xi32, #tpu.memory_space<vmem>> -> memref<80xi32, #tpu.memory_space<vmem>>
      %dma_start3A_297 = arith.constant 0 : i32
      %dma_start3A_298 = arith.constant 0 : i32
      %dma_start3A_299 = tpu.memref_slice %arg6[%dma_start3A_297, %dma_start3A_298] : memref<10240x128xf32, #tpu.memory_space<vmem_shared>> -> memref<10240x128xf32, #tpu.memory_space<vmem_shared>>
      tpu.enqueue_indirect_dma source(%arg9 : memref<80x128xf32, #tpu.memory_space<vmem>>) target(%dma_start3A_299 : memref<10240x128xf32, #tpu.memory_space<vmem_shared>>) offsets(%dma_start3A_296 : memref<80xi32, #tpu.memory_space<vmem>>) semaphore(%arg17 : memref<!tpu.dma_semaphore, #tpu.memory_space<semaphore_mem>>) {add = true}
      %dma_wait3A_300 = arith.constant 8 : i32
      %dma_wait3A_301 = arith.constant 0 : i32
      %dma_wait3A_302 = tpu.memref_slice %arg8[%dma_wait3A_300, %dma_wait3A_301] : memref<25x80xi32, #tpu.memory_space<vmem>> -> memref<1x80xi32, #tpu.memory_space<vmem>>
      %dma_wait3A_303 = tpu.memref_squeeze %dma_wait3A_302 : memref<1x80xi32, #tpu.memory_space<vmem>> -> memref<80xi32, #tpu.memory_space<vmem>>
      %dma_wait3A_304 = arith.constant 0 : i32
      %dma_wait3A_305 = arith.constant 0 : i32
      %dma_wait3A_306 = tpu.memref_slice %arg6[%dma_wait3A_304, %dma_wait3A_305] : memref<10240x128xf32, #tpu.memory_space<vmem_shared>> -> memref<10240x128xf32, #tpu.memory_space<vmem_shared>>
      tpu.wait_indirect_dma semaphore(%arg17 : memref<!tpu.dma_semaphore, #tpu.memory_space<semaphore_mem>>) src(%arg9 : memref<80x128xf32, #tpu.memory_space<vmem>>) dst(%dma_wait3A_306 : memref<10240x128xf32, #tpu.memory_space<vmem_shared>>)
      %dma_start3A_307 = arith.constant 12 : i32
      %dma_start3A_308 = arith.constant 0 : i32
      %dma_start3A_309 = tpu.memref_slice %arg7[%dma_start3A_307, %dma_start3A_308] : memref<25x80xi32, #tpu.memory_space<vmem>> -> memref<1x80xi32, #tpu.memory_space<vmem>>
      %dma_start3A_310 = tpu.memref_squeeze %dma_start3A_309 : memref<1x80xi32, #tpu.memory_space<vmem>> -> memref<80xi32, #tpu.memory_space<vmem>>
      %dma_start3A_311 = arith.constant 0 : i32
      %dma_start3A_312 = arith.constant 0 : i32
      %dma_start3A_313 = tpu.memref_slice %arg2[%dma_start3A_311, %dma_start3A_312] : memref<10000x128xf32, #tpu.memory_space<hbm>> -> memref<10000x128xf32, #tpu.memory_space<hbm>>
      tpu.enqueue_indirect_dma source(%dma_start3A_313 : memref<10000x128xf32, #tpu.memory_space<hbm>>) target(%arg9 : memref<80x128xf32, #tpu.memory_space<vmem>>) offsets(%dma_start3A_310 : memref<80xi32, #tpu.memory_space<vmem>>) semaphore(%arg13 : memref<!tpu.dma_semaphore, #tpu.memory_space<semaphore_mem>>)
      %dma_wait3A_314 = arith.constant 9 : i32
      %dma_wait3A_315 = arith.constant 0 : i32
      %dma_wait3A_316 = tpu.memref_slice %arg7[%dma_wait3A_314, %dma_wait3A_315] : memref<25x80xi32, #tpu.memory_space<vmem>> -> memref<1x80xi32, #tpu.memory_space<vmem>>
      %dma_wait3A_317 = tpu.memref_squeeze %dma_wait3A_316 : memref<1x80xi32, #tpu.memory_space<vmem>> -> memref<80xi32, #tpu.memory_space<vmem>>
      %dma_wait3A_318 = arith.constant 0 : i32
      %dma_wait3A_319 = arith.constant 0 : i32
      %dma_wait3A_320 = tpu.memref_slice %arg2[%dma_wait3A_318, %dma_wait3A_319] : memref<10000x128xf32, #tpu.memory_space<hbm>> -> memref<10000x128xf32, #tpu.memory_space<hbm>>
      tpu.wait_indirect_dma semaphore(%arg14 : memref<!tpu.dma_semaphore, #tpu.memory_space<semaphore_mem>>) src(%dma_wait3A_320 : memref<10000x128xf32, #tpu.memory_space<hbm>>) dst(%arg10 : memref<80x128xf32, #tpu.memory_space<vmem>>)
      %dma_start3A_321 = arith.constant 9 : i32
      %dma_start3A_322 = arith.constant 0 : i32
      %dma_start3A_323 = tpu.memref_slice %arg8[%dma_start3A_321, %dma_start3A_322] : memref<25x80xi32, #tpu.memory_space<vmem>> -> memref<1x80xi32, #tpu.memory_space<vmem>>
      %dma_start3A_324 = tpu.memref_squeeze %dma_start3A_323 : memref<1x80xi32, #tpu.memory_space<vmem>> -> memref<80xi32, #tpu.memory_space<vmem>>
      %dma_start3A_325 = arith.constant 0 : i32
      %dma_start3A_326 = arith.constant 0 : i32
      %dma_start3A_327 = tpu.memref_slice %arg6[%dma_start3A_325, %dma_start3A_326] : memref<10240x128xf32, #tpu.memory_space<vmem_shared>> -> memref<10240x128xf32, #tpu.memory_space<vmem_shared>>
      tpu.enqueue_indirect_dma source(%arg10 : memref<80x128xf32, #tpu.memory_space<vmem>>) target(%dma_start3A_327 : memref<10240x128xf32, #tpu.memory_space<vmem_shared>>) offsets(%dma_start3A_324 : memref<80xi32, #tpu.memory_space<vmem>>) semaphore(%arg18 : memref<!tpu.dma_semaphore, #tpu.memory_space<semaphore_mem>>) {add = true}
      %dma_wait3A_328 = arith.constant 9 : i32
      %dma_wait3A_329 = arith.constant 0 : i32
      %dma_wait3A_330 = tpu.memref_slice %arg8[%dma_wait3A_328, %dma_wait3A_329] : memref<25x80xi32, #tpu.memory_space<vmem>> -> memref<1x80xi32, #tpu.memory_space<vmem>>
      %dma_wait3A_331 = tpu.memref_squeeze %dma_wait3A_330 : memref<1x80xi32, #tpu.memory_space<vmem>> -> memref<80xi32, #tpu.memory_space<vmem>>
      %dma_wait3A_332 = arith.constant 0 : i32
      %dma_wait3A_333 = arith.constant 0 : i32
      %dma_wait3A_334 = tpu.memref_slice %arg6[%dma_wait3A_332, %dma_wait3A_333] : memref<10240x128xf32, #tpu.memory_space<vmem_shared>> -> memref<10240x128xf32, #tpu.memory_space<vmem_shared>>
      tpu.wait_indirect_dma semaphore(%arg18 : memref<!tpu.dma_semaphore, #tpu.memory_space<semaphore_mem>>) src(%arg10 : memref<80x128xf32, #tpu.memory_space<vmem>>) dst(%dma_wait3A_334 : memref<10240x128xf32, #tpu.memory_space<vmem_shared>>)
      %dma_start3A_335 = arith.constant 13 : i32
      %dma_start3A_336 = arith.constant 0 : i32
      %dma_start3A_337 = tpu.memref_slice %arg7[%dma_start3A_335, %dma_start3A_336] : memref<25x80xi32, #tpu.memory_space<vmem>> -> memref<1x80xi32, #tpu.memory_space<vmem>>
      %dma_start3A_338 = tpu.memref_squeeze %dma_start3A_337 : memref<1x80xi32, #tpu.memory_space<vmem>> -> memref<80xi32, #tpu.memory_space<vmem>>
      %dma_start3A_339 = arith.constant 0 : i32
      %dma_start3A_340 = arith.constant 0 : i32
      %dma_start3A_341 = tpu.memref_slice %arg2[%dma_start3A_339, %dma_start3A_340] : memref<10000x128xf32, #tpu.memory_space<hbm>> -> memref<10000x128xf32, #tpu.memory_space<hbm>>
      tpu.enqueue_indirect_dma source(%dma_start3A_341 : memref<10000x128xf32, #tpu.memory_space<hbm>>) target(%arg10 : memref<80x128xf32, #tpu.memory_space<vmem>>) offsets(%dma_start3A_338 : memref<80xi32, #tpu.memory_space<vmem>>) semaphore(%arg14 : memref<!tpu.dma_semaphore, #tpu.memory_space<semaphore_mem>>)
      %dma_wait3A_342 = arith.constant 10 : i32
      %dma_wait3A_343 = arith.constant 0 : i32
      %dma_wait3A_344 = tpu.memref_slice %arg7[%dma_wait3A_342, %dma_wait3A_343] : memref<25x80xi32, #tpu.memory_space<vmem>> -> memref<1x80xi32, #tpu.memory_space<vmem>>
      %dma_wait3A_345 = tpu.memref_squeeze %dma_wait3A_344 : memref<1x80xi32, #tpu.memory_space<vmem>> -> memref<80xi32, #tpu.memory_space<vmem>>
      %dma_wait3A_346 = arith.constant 0 : i32
      %dma_wait3A_347 = arith.constant 0 : i32
      %dma_wait3A_348 = tpu.memref_slice %arg2[%dma_wait3A_346, %dma_wait3A_347] : memref<10000x128xf32, #tpu.memory_space<hbm>> -> memref<10000x128xf32, #tpu.memory_space<hbm>>
      tpu.wait_indirect_dma semaphore(%arg15 : memref<!tpu.dma_semaphore, #tpu.memory_space<semaphore_mem>>) src(%dma_wait3A_348 : memref<10000x128xf32, #tpu.memory_space<hbm>>) dst(%arg11 : memref<80x128xf32, #tpu.memory_space<vmem>>)
      %dma_start3A_349 = arith.constant 10 : i32
      %dma_start3A_350 = arith.constant 0 : i32
      %dma_start3A_351 = tpu.memref_slice %arg8[%dma_start3A_349, %dma_start3A_350] : memref<25x80xi32, #tpu.memory_space<vmem>> -> memref<1x80xi32, #tpu.memory_space<vmem>>
      %dma_start3A_352 = tpu.memref_squeeze %dma_start3A_351 : memref<1x80xi32, #tpu.memory_space<vmem>> -> memref<80xi32, #tpu.memory_space<vmem>>
      %dma_start3A_353 = arith.constant 0 : i32
      %dma_start3A_354 = arith.constant 0 : i32
      %dma_start3A_355 = tpu.memref_slice %arg6[%dma_start3A_353, %dma_start3A_354] : memref<10240x128xf32, #tpu.memory_space<vmem_shared>> -> memref<10240x128xf32, #tpu.memory_space<vmem_shared>>
      tpu.enqueue_indirect_dma source(%arg11 : memref<80x128xf32, #tpu.memory_space<vmem>>) target(%dma_start3A_355 : memref<10240x128xf32, #tpu.memory_space<vmem_shared>>) offsets(%dma_start3A_352 : memref<80xi32, #tpu.memory_space<vmem>>) semaphore(%arg19 : memref<!tpu.dma_semaphore, #tpu.memory_space<semaphore_mem>>) {add = true}
      %dma_wait3A_356 = arith.constant 10 : i32
      %dma_wait3A_357 = arith.constant 0 : i32
      %dma_wait3A_358 = tpu.memref_slice %arg8[%dma_wait3A_356, %dma_wait3A_357] : memref<25x80xi32, #tpu.memory_space<vmem>> -> memref<1x80xi32, #tpu.memory_space<vmem>>
      %dma_wait3A_359 = tpu.memref_squeeze %dma_wait3A_358 : memref<1x80xi32, #tpu.memory_space<vmem>> -> memref<80xi32, #tpu.memory_space<vmem>>
      %dma_wait3A_360 = arith.constant 0 : i32
      %dma_wait3A_361 = arith.constant 0 : i32
      %dma_wait3A_362 = tpu.memref_slice %arg6[%dma_wait3A_360, %dma_wait3A_361] : memref<10240x128xf32, #tpu.memory_space<vmem_shared>> -> memref<10240x128xf32, #tpu.memory_space<vmem_shared>>
      tpu.wait_indirect_dma semaphore(%arg19 : memref<!tpu.dma_semaphore, #tpu.memory_space<semaphore_mem>>) src(%arg11 : memref<80x128xf32, #tpu.memory_space<vmem>>) dst(%dma_wait3A_362 : memref<10240x128xf32, #tpu.memory_space<vmem_shared>>)
      %dma_start3A_363 = arith.constant 14 : i32
      %dma_start3A_364 = arith.constant 0 : i32
      %dma_start3A_365 = tpu.memref_slice %arg7[%dma_start3A_363, %dma_start3A_364] : memref<25x80xi32, #tpu.memory_space<vmem>> -> memref<1x80xi32, #tpu.memory_space<vmem>>
      %dma_start3A_366 = tpu.memref_squeeze %dma_start3A_365 : memref<1x80xi32, #tpu.memory_space<vmem>> -> memref<80xi32, #tpu.memory_space<vmem>>
      %dma_start3A_367 = arith.constant 0 : i32
      %dma_start3A_368 = arith.constant 0 : i32
      %dma_start3A_369 = tpu.memref_slice %arg2[%dma_start3A_367, %dma_start3A_368] : memref<10000x128xf32, #tpu.memory_space<hbm>> -> memref<10000x128xf32, #tpu.memory_space<hbm>>
      tpu.enqueue_indirect_dma source(%dma_start3A_369 : memref<10000x128xf32, #tpu.memory_space<hbm>>) target(%arg11 : memref<80x128xf32, #tpu.memory_space<vmem>>) offsets(%dma_start3A_366 : memref<80xi32, #tpu.memory_space<vmem>>) semaphore(%arg15 : memref<!tpu.dma_semaphore, #tpu.memory_space<semaphore_mem>>)
      %dma_wait3A_370 = arith.constant 11 : i32
      %dma_wait3A_371 = arith.constant 0 : i32
      %dma_wait3A_372 = tpu.memref_slice %arg7[%dma_wait3A_370, %dma_wait3A_371] : memref<25x80xi32, #tpu.memory_space<vmem>> -> memref<1x80xi32, #tpu.memory_space<vmem>>
      %dma_wait3A_373 = tpu.memref_squeeze %dma_wait3A_372 : memref<1x80xi32, #tpu.memory_space<vmem>> -> memref<80xi32, #tpu.memory_space<vmem>>
      %dma_wait3A_374 = arith.constant 0 : i32
      %dma_wait3A_375 = arith.constant 0 : i32
      %dma_wait3A_376 = tpu.memref_slice %arg2[%dma_wait3A_374, %dma_wait3A_375] : memref<10000x128xf32, #tpu.memory_space<hbm>> -> memref<10000x128xf32, #tpu.memory_space<hbm>>
      tpu.wait_indirect_dma semaphore(%arg16 : memref<!tpu.dma_semaphore, #tpu.memory_space<semaphore_mem>>) src(%dma_wait3A_376 : memref<10000x128xf32, #tpu.memory_space<hbm>>) dst(%arg12 : memref<80x128xf32, #tpu.memory_space<vmem>>)
      %dma_start3A_377 = arith.constant 11 : i32
      %dma_start3A_378 = arith.constant 0 : i32
      %dma_start3A_379 = tpu.memref_slice %arg8[%dma_start3A_377, %dma_start3A_378] : memref<25x80xi32, #tpu.memory_space<vmem>> -> memref<1x80xi32, #tpu.memory_space<vmem>>
      %dma_start3A_380 = tpu.memref_squeeze %dma_start3A_379 : memref<1x80xi32, #tpu.memory_space<vmem>> -> memref<80xi32, #tpu.memory_space<vmem>>
      %dma_start3A_381 = arith.constant 0 : i32
      %dma_start3A_382 = arith.constant 0 : i32
      %dma_start3A_383 = tpu.memref_slice %arg6[%dma_start3A_381, %dma_start3A_382] : memref<10240x128xf32, #tpu.memory_space<vmem_shared>> -> memref<10240x128xf32, #tpu.memory_space<vmem_shared>>
      tpu.enqueue_indirect_dma source(%arg12 : memref<80x128xf32, #tpu.memory_space<vmem>>) target(%dma_start3A_383 : memref<10240x128xf32, #tpu.memory_space<vmem_shared>>) offsets(%dma_start3A_380 : memref<80xi32, #tpu.memory_space<vmem>>) semaphore(%arg20 : memref<!tpu.dma_semaphore, #tpu.memory_space<semaphore_mem>>) {add = true}
      %dma_wait3A_384 = arith.constant 11 : i32
      %dma_wait3A_385 = arith.constant 0 : i32
      %dma_wait3A_386 = tpu.memref_slice %arg8[%dma_wait3A_384, %dma_wait3A_385] : memref<25x80xi32, #tpu.memory_space<vmem>> -> memref<1x80xi32, #tpu.memory_space<vmem>>
      %dma_wait3A_387 = tpu.memref_squeeze %dma_wait3A_386 : memref<1x80xi32, #tpu.memory_space<vmem>> -> memref<80xi32, #tpu.memory_space<vmem>>
      %dma_wait3A_388 = arith.constant 0 : i32
      %dma_wait3A_389 = arith.constant 0 : i32
      %dma_wait3A_390 = tpu.memref_slice %arg6[%dma_wait3A_388, %dma_wait3A_389] : memref<10240x128xf32, #tpu.memory_space<vmem_shared>> -> memref<10240x128xf32, #tpu.memory_space<vmem_shared>>
      tpu.wait_indirect_dma semaphore(%arg20 : memref<!tpu.dma_semaphore, #tpu.memory_space<semaphore_mem>>) src(%arg12 : memref<80x128xf32, #tpu.memory_space<vmem>>) dst(%dma_wait3A_390 : memref<10240x128xf32, #tpu.memory_space<vmem_shared>>)
      %dma_start3A_391 = arith.constant 15 : i32
      %dma_start3A_392 = arith.constant 0 : i32
      %dma_start3A_393 = tpu.memref_slice %arg7[%dma_start3A_391, %dma_start3A_392] : memref<25x80xi32, #tpu.memory_space<vmem>> -> memref<1x80xi32, #tpu.memory_space<vmem>>
      %dma_start3A_394 = tpu.memref_squeeze %dma_start3A_393 : memref<1x80xi32, #tpu.memory_space<vmem>> -> memref<80xi32, #tpu.memory_space<vmem>>
      %dma_start3A_395 = arith.constant 0 : i32
      %dma_start3A_396 = arith.constant 0 : i32
      %dma_start3A_397 = tpu.memref_slice %arg2[%dma_start3A_395, %dma_start3A_396] : memref<10000x128xf32, #tpu.memory_space<hbm>> -> memref<10000x128xf32, #tpu.memory_space<hbm>>
      tpu.enqueue_indirect_dma source(%dma_start3A_397 : memref<10000x128xf32, #tpu.memory_space<hbm>>) target(%arg12 : memref<80x128xf32, #tpu.memory_space<vmem>>) offsets(%dma_start3A_394 : memref<80xi32, #tpu.memory_space<vmem>>) semaphore(%arg16 : memref<!tpu.dma_semaphore, #tpu.memory_space<semaphore_mem>>)
      %dma_wait3A_398 = arith.constant 12 : i32
      %dma_wait3A_399 = arith.constant 0 : i32
      %dma_wait3A_400 = tpu.memref_slice %arg7[%dma_wait3A_398, %dma_wait3A_399] : memref<25x80xi32, #tpu.memory_space<vmem>> -> memref<1x80xi32, #tpu.memory_space<vmem>>
      %dma_wait3A_401 = tpu.memref_squeeze %dma_wait3A_400 : memref<1x80xi32, #tpu.memory_space<vmem>> -> memref<80xi32, #tpu.memory_space<vmem>>
      %dma_wait3A_402 = arith.constant 0 : i32
      %dma_wait3A_403 = arith.constant 0 : i32
      %dma_wait3A_404 = tpu.memref_slice %arg2[%dma_wait3A_402, %dma_wait3A_403] : memref<10000x128xf32, #tpu.memory_space<hbm>> -> memref<10000x128xf32, #tpu.memory_space<hbm>>
      tpu.wait_indirect_dma semaphore(%arg13 : memref<!tpu.dma_semaphore, #tpu.memory_space<semaphore_mem>>) src(%dma_wait3A_404 : memref<10000x128xf32, #tpu.memory_space<hbm>>) dst(%arg9 : memref<80x128xf32, #tpu.memory_space<vmem>>)
      %dma_start3A_405 = arith.constant 12 : i32
      %dma_start3A_406 = arith.constant 0 : i32
      %dma_start3A_407 = tpu.memref_slice %arg8[%dma_start3A_405, %dma_start3A_406] : memref<25x80xi32, #tpu.memory_space<vmem>> -> memref<1x80xi32, #tpu.memory_space<vmem>>
      %dma_start3A_408 = tpu.memref_squeeze %dma_start3A_407 : memref<1x80xi32, #tpu.memory_space<vmem>> -> memref<80xi32, #tpu.memory_space<vmem>>
      %dma_start3A_409 = arith.constant 0 : i32
      %dma_start3A_410 = arith.constant 0 : i32
      %dma_start3A_411 = tpu.memref_slice %arg6[%dma_start3A_409, %dma_start3A_410] : memref<10240x128xf32, #tpu.memory_space<vmem_shared>> -> memref<10240x128xf32, #tpu.memory_space<vmem_shared>>
      tpu.enqueue_indirect_dma source(%arg9 : memref<80x128xf32, #tpu.memory_space<vmem>>) target(%dma_start3A_411 : memref<10240x128xf32, #tpu.memory_space<vmem_shared>>) offsets(%dma_start3A_408 : memref<80xi32, #tpu.memory_space<vmem>>) semaphore(%arg17 : memref<!tpu.dma_semaphore, #tpu.memory_space<semaphore_mem>>) {add = true}
      %dma_wait3A_412 = arith.constant 12 : i32
      %dma_wait3A_413 = arith.constant 0 : i32
      %dma_wait3A_414 = tpu.memref_slice %arg8[%dma_wait3A_412, %dma_wait3A_413] : memref<25x80xi32, #tpu.memory_space<vmem>> -> memref<1x80xi32, #tpu.memory_space<vmem>>
      %dma_wait3A_415 = tpu.memref_squeeze %dma_wait3A_414 : memref<1x80xi32, #tpu.memory_space<vmem>> -> memref<80xi32, #tpu.memory_space<vmem>>
      %dma_wait3A_416 = arith.constant 0 : i32
      %dma_wait3A_417 = arith.constant 0 : i32
      %dma_wait3A_418 = tpu.memref_slice %arg6[%dma_wait3A_416, %dma_wait3A_417] : memref<10240x128xf32, #tpu.memory_space<vmem_shared>> -> memref<10240x128xf32, #tpu.memory_space<vmem_shared>>
      tpu.wait_indirect_dma semaphore(%arg17 : memref<!tpu.dma_semaphore, #tpu.memory_space<semaphore_mem>>) src(%arg9 : memref<80x128xf32, #tpu.memory_space<vmem>>) dst(%dma_wait3A_418 : memref<10240x128xf32, #tpu.memory_space<vmem_shared>>)
      %dma_start3A_419 = arith.constant 16 : i32
      %dma_start3A_420 = arith.constant 0 : i32
      %dma_start3A_421 = tpu.memref_slice %arg7[%dma_start3A_419, %dma_start3A_420] : memref<25x80xi32, #tpu.memory_space<vmem>> -> memref<1x80xi32, #tpu.memory_space<vmem>>
      %dma_start3A_422 = tpu.memref_squeeze %dma_start3A_421 : memref<1x80xi32, #tpu.memory_space<vmem>> -> memref<80xi32, #tpu.memory_space<vmem>>
      %dma_start3A_423 = arith.constant 0 : i32
      %dma_start3A_424 = arith.constant 0 : i32
      %dma_start3A_425 = tpu.memref_slice %arg2[%dma_start3A_423, %dma_start3A_424] : memref<10000x128xf32, #tpu.memory_space<hbm>> -> memref<10000x128xf32, #tpu.memory_space<hbm>>
      tpu.enqueue_indirect_dma source(%dma_start3A_425 : memref<10000x128xf32, #tpu.memory_space<hbm>>) target(%arg9 : memref<80x128xf32, #tpu.memory_space<vmem>>) offsets(%dma_start3A_422 : memref<80xi32, #tpu.memory_space<vmem>>) semaphore(%arg13 : memref<!tpu.dma_semaphore, #tpu.memory_space<semaphore_mem>>)
      %dma_wait3A_426 = arith.constant 13 : i32
      %dma_wait3A_427 = arith.constant 0 : i32
      %dma_wait3A_428 = tpu.memref_slice %arg7[%dma_wait3A_426, %dma_wait3A_427] : memref<25x80xi32, #tpu.memory_space<vmem>> -> memref<1x80xi32, #tpu.memory_space<vmem>>
      %dma_wait3A_429 = tpu.memref_squeeze %dma_wait3A_428 : memref<1x80xi32, #tpu.memory_space<vmem>> -> memref<80xi32, #tpu.memory_space<vmem>>
      %dma_wait3A_430 = arith.constant 0 : i32
      %dma_wait3A_431 = arith.constant 0 : i32
      %dma_wait3A_432 = tpu.memref_slice %arg2[%dma_wait3A_430, %dma_wait3A_431] : memref<10000x128xf32, #tpu.memory_space<hbm>> -> memref<10000x128xf32, #tpu.memory_space<hbm>>
      tpu.wait_indirect_dma semaphore(%arg14 : memref<!tpu.dma_semaphore, #tpu.memory_space<semaphore_mem>>) src(%dma_wait3A_432 : memref<10000x128xf32, #tpu.memory_space<hbm>>) dst(%arg10 : memref<80x128xf32, #tpu.memory_space<vmem>>)
      %dma_start3A_433 = arith.constant 13 : i32
      %dma_start3A_434 = arith.constant 0 : i32
      %dma_start3A_435 = tpu.memref_slice %arg8[%dma_start3A_433, %dma_start3A_434] : memref<25x80xi32, #tpu.memory_space<vmem>> -> memref<1x80xi32, #tpu.memory_space<vmem>>
      %dma_start3A_436 = tpu.memref_squeeze %dma_start3A_435 : memref<1x80xi32, #tpu.memory_space<vmem>> -> memref<80xi32, #tpu.memory_space<vmem>>
      %dma_start3A_437 = arith.constant 0 : i32
      %dma_start3A_438 = arith.constant 0 : i32
      %dma_start3A_439 = tpu.memref_slice %arg6[%dma_start3A_437, %dma_start3A_438] : memref<10240x128xf32, #tpu.memory_space<vmem_shared>> -> memref<10240x128xf32, #tpu.memory_space<vmem_shared>>
      tpu.enqueue_indirect_dma source(%arg10 : memref<80x128xf32, #tpu.memory_space<vmem>>) target(%dma_start3A_439 : memref<10240x128xf32, #tpu.memory_space<vmem_shared>>) offsets(%dma_start3A_436 : memref<80xi32, #tpu.memory_space<vmem>>) semaphore(%arg18 : memref<!tpu.dma_semaphore, #tpu.memory_space<semaphore_mem>>) {add = true}
      %dma_wait3A_440 = arith.constant 13 : i32
      %dma_wait3A_441 = arith.constant 0 : i32
      %dma_wait3A_442 = tpu.memref_slice %arg8[%dma_wait3A_440, %dma_wait3A_441] : memref<25x80xi32, #tpu.memory_space<vmem>> -> memref<1x80xi32, #tpu.memory_space<vmem>>
      %dma_wait3A_443 = tpu.memref_squeeze %dma_wait3A_442 : memref<1x80xi32, #tpu.memory_space<vmem>> -> memref<80xi32, #tpu.memory_space<vmem>>
      %dma_wait3A_444 = arith.constant 0 : i32
      %dma_wait3A_445 = arith.constant 0 : i32
      %dma_wait3A_446 = tpu.memref_slice %arg6[%dma_wait3A_444, %dma_wait3A_445] : memref<10240x128xf32, #tpu.memory_space<vmem_shared>> -> memref<10240x128xf32, #tpu.memory_space<vmem_shared>>
      tpu.wait_indirect_dma semaphore(%arg18 : memref<!tpu.dma_semaphore, #tpu.memory_space<semaphore_mem>>) src(%arg10 : memref<80x128xf32, #tpu.memory_space<vmem>>) dst(%dma_wait3A_446 : memref<10240x128xf32, #tpu.memory_space<vmem_shared>>)
      %dma_start3A_447 = arith.constant 17 : i32
      %dma_start3A_448 = arith.constant 0 : i32
      %dma_start3A_449 = tpu.memref_slice %arg7[%dma_start3A_447, %dma_start3A_448] : memref<25x80xi32, #tpu.memory_space<vmem>> -> memref<1x80xi32, #tpu.memory_space<vmem>>
      %dma_start3A_450 = tpu.memref_squeeze %dma_start3A_449 : memref<1x80xi32, #tpu.memory_space<vmem>> -> memref<80xi32, #tpu.memory_space<vmem>>
      %dma_start3A_451 = arith.constant 0 : i32
      %dma_start3A_452 = arith.constant 0 : i32
      %dma_start3A_453 = tpu.memref_slice %arg2[%dma_start3A_451, %dma_start3A_452] : memref<10000x128xf32, #tpu.memory_space<hbm>> -> memref<10000x128xf32, #tpu.memory_space<hbm>>
      tpu.enqueue_indirect_dma source(%dma_start3A_453 : memref<10000x128xf32, #tpu.memory_space<hbm>>) target(%arg10 : memref<80x128xf32, #tpu.memory_space<vmem>>) offsets(%dma_start3A_450 : memref<80xi32, #tpu.memory_space<vmem>>) semaphore(%arg14 : memref<!tpu.dma_semaphore, #tpu.memory_space<semaphore_mem>>)
      %dma_wait3A_454 = arith.constant 14 : i32
      %dma_wait3A_455 = arith.constant 0 : i32
      %dma_wait3A_456 = tpu.memref_slice %arg7[%dma_wait3A_454, %dma_wait3A_455] : memref<25x80xi32, #tpu.memory_space<vmem>> -> memref<1x80xi32, #tpu.memory_space<vmem>>
      %dma_wait3A_457 = tpu.memref_squeeze %dma_wait3A_456 : memref<1x80xi32, #tpu.memory_space<vmem>> -> memref<80xi32, #tpu.memory_space<vmem>>
      %dma_wait3A_458 = arith.constant 0 : i32
      %dma_wait3A_459 = arith.constant 0 : i32
      %dma_wait3A_460 = tpu.memref_slice %arg2[%dma_wait3A_458, %dma_wait3A_459] : memref<10000x128xf32, #tpu.memory_space<hbm>> -> memref<10000x128xf32, #tpu.memory_space<hbm>>
      tpu.wait_indirect_dma semaphore(%arg15 : memref<!tpu.dma_semaphore, #tpu.memory_space<semaphore_mem>>) src(%dma_wait3A_460 : memref<10000x128xf32, #tpu.memory_space<hbm>>) dst(%arg11 : memref<80x128xf32, #tpu.memory_space<vmem>>)
      %dma_start3A_461 = arith.constant 14 : i32
      %dma_start3A_462 = arith.constant 0 : i32
      %dma_start3A_463 = tpu.memref_slice %arg8[%dma_start3A_461, %dma_start3A_462] : memref<25x80xi32, #tpu.memory_space<vmem>> -> memref<1x80xi32, #tpu.memory_space<vmem>>
      %dma_start3A_464 = tpu.memref_squeeze %dma_start3A_463 : memref<1x80xi32, #tpu.memory_space<vmem>> -> memref<80xi32, #tpu.memory_space<vmem>>
      %dma_start3A_465 = arith.constant 0 : i32
      %dma_start3A_466 = arith.constant 0 : i32
      %dma_start3A_467 = tpu.memref_slice %arg6[%dma_start3A_465, %dma_start3A_466] : memref<10240x128xf32, #tpu.memory_space<vmem_shared>> -> memref<10240x128xf32, #tpu.memory_space<vmem_shared>>
      tpu.enqueue_indirect_dma source(%arg11 : memref<80x128xf32, #tpu.memory_space<vmem>>) target(%dma_start3A_467 : memref<10240x128xf32, #tpu.memory_space<vmem_shared>>) offsets(%dma_start3A_464 : memref<80xi32, #tpu.memory_space<vmem>>) semaphore(%arg19 : memref<!tpu.dma_semaphore, #tpu.memory_space<semaphore_mem>>) {add = true}
      %dma_wait3A_468 = arith.constant 14 : i32
      %dma_wait3A_469 = arith.constant 0 : i32
      %dma_wait3A_470 = tpu.memref_slice %arg8[%dma_wait3A_468, %dma_wait3A_469] : memref<25x80xi32, #tpu.memory_space<vmem>> -> memref<1x80xi32, #tpu.memory_space<vmem>>
      %dma_wait3A_471 = tpu.memref_squeeze %dma_wait3A_470 : memref<1x80xi32, #tpu.memory_space<vmem>> -> memref<80xi32, #tpu.memory_space<vmem>>
      %dma_wait3A_472 = arith.constant 0 : i32
      %dma_wait3A_473 = arith.constant 0 : i32
      %dma_wait3A_474 = tpu.memref_slice %arg6[%dma_wait3A_472, %dma_wait3A_473] : memref<10240x128xf32, #tpu.memory_space<vmem_shared>> -> memref<10240x128xf32, #tpu.memory_space<vmem_shared>>
      tpu.wait_indirect_dma semaphore(%arg19 : memref<!tpu.dma_semaphore, #tpu.memory_space<semaphore_mem>>) src(%arg11 : memref<80x128xf32, #tpu.memory_space<vmem>>) dst(%dma_wait3A_474 : memref<10240x128xf32, #tpu.memory_space<vmem_shared>>)
      %dma_start3A_475 = arith.constant 18 : i32
      %dma_start3A_476 = arith.constant 0 : i32
      %dma_start3A_477 = tpu.memref_slice %arg7[%dma_start3A_475, %dma_start3A_476] : memref<25x80xi32, #tpu.memory_space<vmem>> -> memref<1x80xi32, #tpu.memory_space<vmem>>
      %dma_start3A_478 = tpu.memref_squeeze %dma_start3A_477 : memref<1x80xi32, #tpu.memory_space<vmem>> -> memref<80xi32, #tpu.memory_space<vmem>>
      %dma_start3A_479 = arith.constant 0 : i32
      %dma_start3A_480 = arith.constant 0 : i32
      %dma_start3A_481 = tpu.memref_slice %arg2[%dma_start3A_479, %dma_start3A_480] : memref<10000x128xf32, #tpu.memory_space<hbm>> -> memref<10000x128xf32, #tpu.memory_space<hbm>>
      tpu.enqueue_indirect_dma source(%dma_start3A_481 : memref<10000x128xf32, #tpu.memory_space<hbm>>) target(%arg11 : memref<80x128xf32, #tpu.memory_space<vmem>>) offsets(%dma_start3A_478 : memref<80xi32, #tpu.memory_space<vmem>>) semaphore(%arg15 : memref<!tpu.dma_semaphore, #tpu.memory_space<semaphore_mem>>)
      %dma_wait3A_482 = arith.constant 15 : i32
      %dma_wait3A_483 = arith.constant 0 : i32
      %dma_wait3A_484 = tpu.memref_slice %arg7[%dma_wait3A_482, %dma_wait3A_483] : memref<25x80xi32, #tpu.memory_space<vmem>> -> memref<1x80xi32, #tpu.memory_space<vmem>>
      %dma_wait3A_485 = tpu.memref_squeeze %dma_wait3A_484 : memref<1x80xi32, #tpu.memory_space<vmem>> -> memref<80xi32, #tpu.memory_space<vmem>>
      %dma_wait3A_486 = arith.constant 0 : i32
      %dma_wait3A_487 = arith.constant 0 : i32
      %dma_wait3A_488 = tpu.memref_slice %arg2[%dma_wait3A_486, %dma_wait3A_487] : memref<10000x128xf32, #tpu.memory_space<hbm>> -> memref<10000x128xf32, #tpu.memory_space<hbm>>
      tpu.wait_indirect_dma semaphore(%arg16 : memref<!tpu.dma_semaphore, #tpu.memory_space<semaphore_mem>>) src(%dma_wait3A_488 : memref<10000x128xf32, #tpu.memory_space<hbm>>) dst(%arg12 : memref<80x128xf32, #tpu.memory_space<vmem>>)
      %dma_start3A_489 = arith.constant 15 : i32
      %dma_start3A_490 = arith.constant 0 : i32
      %dma_start3A_491 = tpu.memref_slice %arg8[%dma_start3A_489, %dma_start3A_490] : memref<25x80xi32, #tpu.memory_space<vmem>> -> memref<1x80xi32, #tpu.memory_space<vmem>>
      %dma_start3A_492 = tpu.memref_squeeze %dma_start3A_491 : memref<1x80xi32, #tpu.memory_space<vmem>> -> memref<80xi32, #tpu.memory_space<vmem>>
      %dma_start3A_493 = arith.constant 0 : i32
      %dma_start3A_494 = arith.constant 0 : i32
      %dma_start3A_495 = tpu.memref_slice %arg6[%dma_start3A_493, %dma_start3A_494] : memref<10240x128xf32, #tpu.memory_space<vmem_shared>> -> memref<10240x128xf32, #tpu.memory_space<vmem_shared>>
      tpu.enqueue_indirect_dma source(%arg12 : memref<80x128xf32, #tpu.memory_space<vmem>>) target(%dma_start3A_495 : memref<10240x128xf32, #tpu.memory_space<vmem_shared>>) offsets(%dma_start3A_492 : memref<80xi32, #tpu.memory_space<vmem>>) semaphore(%arg20 : memref<!tpu.dma_semaphore, #tpu.memory_space<semaphore_mem>>) {add = true}
      %dma_wait3A_496 = arith.constant 15 : i32
      %dma_wait3A_497 = arith.constant 0 : i32
      %dma_wait3A_498 = tpu.memref_slice %arg8[%dma_wait3A_496, %dma_wait3A_497] : memref<25x80xi32, #tpu.memory_space<vmem>> -> memref<1x80xi32, #tpu.memory_space<vmem>>
      %dma_wait3A_499 = tpu.memref_squeeze %dma_wait3A_498 : memref<1x80xi32, #tpu.memory_space<vmem>> -> memref<80xi32, #tpu.memory_space<vmem>>
      %dma_wait3A_500 = arith.constant 0 : i32
      %dma_wait3A_501 = arith.constant 0 : i32
      %dma_wait3A_502 = tpu.memref_slice %arg6[%dma_wait3A_500, %dma_wait3A_501] : memref<10240x128xf32, #tpu.memory_space<vmem_shared>> -> memref<10240x128xf32, #tpu.memory_space<vmem_shared>>
      tpu.wait_indirect_dma semaphore(%arg20 : memref<!tpu.dma_semaphore, #tpu.memory_space<semaphore_mem>>) src(%arg12 : memref<80x128xf32, #tpu.memory_space<vmem>>) dst(%dma_wait3A_502 : memref<10240x128xf32, #tpu.memory_space<vmem_shared>>)
      %dma_start3A_503 = arith.constant 19 : i32
      %dma_start3A_504 = arith.constant 0 : i32
      %dma_start3A_505 = tpu.memref_slice %arg7[%dma_start3A_503, %dma_start3A_504] : memref<25x80xi32, #tpu.memory_space<vmem>> -> memref<1x80xi32, #tpu.memory_space<vmem>>
      %dma_start3A_506 = tpu.memref_squeeze %dma_start3A_505 : memref<1x80xi32, #tpu.memory_space<vmem>> -> memref<80xi32, #tpu.memory_space<vmem>>
      %dma_start3A_507 = arith.constant 0 : i32
      %dma_start3A_508 = arith.constant 0 : i32
      %dma_start3A_509 = tpu.memref_slice %arg2[%dma_start3A_507, %dma_start3A_508] : memref<10000x128xf32, #tpu.memory_space<hbm>> -> memref<10000x128xf32, #tpu.memory_space<hbm>>
      tpu.enqueue_indirect_dma source(%dma_start3A_509 : memref<10000x128xf32, #tpu.memory_space<hbm>>) target(%arg12 : memref<80x128xf32, #tpu.memory_space<vmem>>) offsets(%dma_start3A_506 : memref<80xi32, #tpu.memory_space<vmem>>) semaphore(%arg16 : memref<!tpu.dma_semaphore, #tpu.memory_space<semaphore_mem>>)
      %dma_wait3A_510 = arith.constant 16 : i32
      %dma_wait3A_511 = arith.constant 0 : i32
      %dma_wait3A_512 = tpu.memref_slice %arg7[%dma_wait3A_510, %dma_wait3A_511] : memref<25x80xi32, #tpu.memory_space<vmem>> -> memref<1x80xi32, #tpu.memory_space<vmem>>
      %dma_wait3A_513 = tpu.memref_squeeze %dma_wait3A_512 : memref<1x80xi32, #tpu.memory_space<vmem>> -> memref<80xi32, #tpu.memory_space<vmem>>
      %dma_wait3A_514 = arith.constant 0 : i32
      %dma_wait3A_515 = arith.constant 0 : i32
      %dma_wait3A_516 = tpu.memref_slice %arg2[%dma_wait3A_514, %dma_wait3A_515] : memref<10000x128xf32, #tpu.memory_space<hbm>> -> memref<10000x128xf32, #tpu.memory_space<hbm>>
      tpu.wait_indirect_dma semaphore(%arg13 : memref<!tpu.dma_semaphore, #tpu.memory_space<semaphore_mem>>) src(%dma_wait3A_516 : memref<10000x128xf32, #tpu.memory_space<hbm>>) dst(%arg9 : memref<80x128xf32, #tpu.memory_space<vmem>>)
      %dma_start3A_517 = arith.constant 16 : i32
      %dma_start3A_518 = arith.constant 0 : i32
      %dma_start3A_519 = tpu.memref_slice %arg8[%dma_start3A_517, %dma_start3A_518] : memref<25x80xi32, #tpu.memory_space<vmem>> -> memref<1x80xi32, #tpu.memory_space<vmem>>
      %dma_start3A_520 = tpu.memref_squeeze %dma_start3A_519 : memref<1x80xi32, #tpu.memory_space<vmem>> -> memref<80xi32, #tpu.memory_space<vmem>>
      %dma_start3A_521 = arith.constant 0 : i32
      %dma_start3A_522 = arith.constant 0 : i32
      %dma_start3A_523 = tpu.memref_slice %arg6[%dma_start3A_521, %dma_start3A_522] : memref<10240x128xf32, #tpu.memory_space<vmem_shared>> -> memref<10240x128xf32, #tpu.memory_space<vmem_shared>>
      tpu.enqueue_indirect_dma source(%arg9 : memref<80x128xf32, #tpu.memory_space<vmem>>) target(%dma_start3A_523 : memref<10240x128xf32, #tpu.memory_space<vmem_shared>>) offsets(%dma_start3A_520 : memref<80xi32, #tpu.memory_space<vmem>>) semaphore(%arg17 : memref<!tpu.dma_semaphore, #tpu.memory_space<semaphore_mem>>) {add = true}
      %dma_wait3A_524 = arith.constant 16 : i32
      %dma_wait3A_525 = arith.constant 0 : i32
      %dma_wait3A_526 = tpu.memref_slice %arg8[%dma_wait3A_524, %dma_wait3A_525] : memref<25x80xi32, #tpu.memory_space<vmem>> -> memref<1x80xi32, #tpu.memory_space<vmem>>
      %dma_wait3A_527 = tpu.memref_squeeze %dma_wait3A_526 : memref<1x80xi32, #tpu.memory_space<vmem>> -> memref<80xi32, #tpu.memory_space<vmem>>
      %dma_wait3A_528 = arith.constant 0 : i32
      %dma_wait3A_529 = arith.constant 0 : i32
      %dma_wait3A_530 = tpu.memref_slice %arg6[%dma_wait3A_528, %dma_wait3A_529] : memref<10240x128xf32, #tpu.memory_space<vmem_shared>> -> memref<10240x128xf32, #tpu.memory_space<vmem_shared>>
      tpu.wait_indirect_dma semaphore(%arg17 : memref<!tpu.dma_semaphore, #tpu.memory_space<semaphore_mem>>) src(%arg9 : memref<80x128xf32, #tpu.memory_space<vmem>>) dst(%dma_wait3A_530 : memref<10240x128xf32, #tpu.memory_space<vmem_shared>>)
      %dma_start3A_531 = arith.constant 20 : i32
      %dma_start3A_532 = arith.constant 0 : i32
      %dma_start3A_533 = tpu.memref_slice %arg7[%dma_start3A_531, %dma_start3A_532] : memref<25x80xi32, #tpu.memory_space<vmem>> -> memref<1x80xi32, #tpu.memory_space<vmem>>
      %dma_start3A_534 = tpu.memref_squeeze %dma_start3A_533 : memref<1x80xi32, #tpu.memory_space<vmem>> -> memref<80xi32, #tpu.memory_space<vmem>>
      %dma_start3A_535 = arith.constant 0 : i32
      %dma_start3A_536 = arith.constant 0 : i32
      %dma_start3A_537 = tpu.memref_slice %arg2[%dma_start3A_535, %dma_start3A_536] : memref<10000x128xf32, #tpu.memory_space<hbm>> -> memref<10000x128xf32, #tpu.memory_space<hbm>>
      tpu.enqueue_indirect_dma source(%dma_start3A_537 : memref<10000x128xf32, #tpu.memory_space<hbm>>) target(%arg9 : memref<80x128xf32, #tpu.memory_space<vmem>>) offsets(%dma_start3A_534 : memref<80xi32, #tpu.memory_space<vmem>>) semaphore(%arg13 : memref<!tpu.dma_semaphore, #tpu.memory_space<semaphore_mem>>)
      %dma_wait3A_538 = arith.constant 17 : i32
      %dma_wait3A_539 = arith.constant 0 : i32
      %dma_wait3A_540 = tpu.memref_slice %arg7[%dma_wait3A_538, %dma_wait3A_539] : memref<25x80xi32, #tpu.memory_space<vmem>> -> memref<1x80xi32, #tpu.memory_space<vmem>>
      %dma_wait3A_541 = tpu.memref_squeeze %dma_wait3A_540 : memref<1x80xi32, #tpu.memory_space<vmem>> -> memref<80xi32, #tpu.memory_space<vmem>>
      %dma_wait3A_542 = arith.constant 0 : i32
      %dma_wait3A_543 = arith.constant 0 : i32
      %dma_wait3A_544 = tpu.memref_slice %arg2[%dma_wait3A_542, %dma_wait3A_543] : memref<10000x128xf32, #tpu.memory_space<hbm>> -> memref<10000x128xf32, #tpu.memory_space<hbm>>
      tpu.wait_indirect_dma semaphore(%arg14 : memref<!tpu.dma_semaphore, #tpu.memory_space<semaphore_mem>>) src(%dma_wait3A_544 : memref<10000x128xf32, #tpu.memory_space<hbm>>) dst(%arg10 : memref<80x128xf32, #tpu.memory_space<vmem>>)
      %dma_start3A_545 = arith.constant 17 : i32
      %dma_start3A_546 = arith.constant 0 : i32
      %dma_start3A_547 = tpu.memref_slice %arg8[%dma_start3A_545, %dma_start3A_546] : memref<25x80xi32, #tpu.memory_space<vmem>> -> memref<1x80xi32, #tpu.memory_space<vmem>>
      %dma_start3A_548 = tpu.memref_squeeze %dma_start3A_547 : memref<1x80xi32, #tpu.memory_space<vmem>> -> memref<80xi32, #tpu.memory_space<vmem>>
      %dma_start3A_549 = arith.constant 0 : i32
      %dma_start3A_550 = arith.constant 0 : i32
      %dma_start3A_551 = tpu.memref_slice %arg6[%dma_start3A_549, %dma_start3A_550] : memref<10240x128xf32, #tpu.memory_space<vmem_shared>> -> memref<10240x128xf32, #tpu.memory_space<vmem_shared>>
      tpu.enqueue_indirect_dma source(%arg10 : memref<80x128xf32, #tpu.memory_space<vmem>>) target(%dma_start3A_551 : memref<10240x128xf32, #tpu.memory_space<vmem_shared>>) offsets(%dma_start3A_548 : memref<80xi32, #tpu.memory_space<vmem>>) semaphore(%arg18 : memref<!tpu.dma_semaphore, #tpu.memory_space<semaphore_mem>>) {add = true}
      %dma_wait3A_552 = arith.constant 17 : i32
      %dma_wait3A_553 = arith.constant 0 : i32
      %dma_wait3A_554 = tpu.memref_slice %arg8[%dma_wait3A_552, %dma_wait3A_553] : memref<25x80xi32, #tpu.memory_space<vmem>> -> memref<1x80xi32, #tpu.memory_space<vmem>>
      %dma_wait3A_555 = tpu.memref_squeeze %dma_wait3A_554 : memref<1x80xi32, #tpu.memory_space<vmem>> -> memref<80xi32, #tpu.memory_space<vmem>>
      %dma_wait3A_556 = arith.constant 0 : i32
      %dma_wait3A_557 = arith.constant 0 : i32
      %dma_wait3A_558 = tpu.memref_slice %arg6[%dma_wait3A_556, %dma_wait3A_557] : memref<10240x128xf32, #tpu.memory_space<vmem_shared>> -> memref<10240x128xf32, #tpu.memory_space<vmem_shared>>
      tpu.wait_indirect_dma semaphore(%arg18 : memref<!tpu.dma_semaphore, #tpu.memory_space<semaphore_mem>>) src(%arg10 : memref<80x128xf32, #tpu.memory_space<vmem>>) dst(%dma_wait3A_558 : memref<10240x128xf32, #tpu.memory_space<vmem_shared>>)
      %dma_start3A_559 = arith.constant 21 : i32
      %dma_start3A_560 = arith.constant 0 : i32
      %dma_start3A_561 = tpu.memref_slice %arg7[%dma_start3A_559, %dma_start3A_560] : memref<25x80xi32, #tpu.memory_space<vmem>> -> memref<1x80xi32, #tpu.memory_space<vmem>>
      %dma_start3A_562 = tpu.memref_squeeze %dma_start3A_561 : memref<1x80xi32, #tpu.memory_space<vmem>> -> memref<80xi32, #tpu.memory_space<vmem>>
      %dma_start3A_563 = arith.constant 0 : i32
      %dma_start3A_564 = arith.constant 0 : i32
      %dma_start3A_565 = tpu.memref_slice %arg2[%dma_start3A_563, %dma_start3A_564] : memref<10000x128xf32, #tpu.memory_space<hbm>> -> memref<10000x128xf32, #tpu.memory_space<hbm>>
      tpu.enqueue_indirect_dma source(%dma_start3A_565 : memref<10000x128xf32, #tpu.memory_space<hbm>>) target(%arg10 : memref<80x128xf32, #tpu.memory_space<vmem>>) offsets(%dma_start3A_562 : memref<80xi32, #tpu.memory_space<vmem>>) semaphore(%arg14 : memref<!tpu.dma_semaphore, #tpu.memory_space<semaphore_mem>>)
      %dma_wait3A_566 = arith.constant 18 : i32
      %dma_wait3A_567 = arith.constant 0 : i32
      %dma_wait3A_568 = tpu.memref_slice %arg7[%dma_wait3A_566, %dma_wait3A_567] : memref<25x80xi32, #tpu.memory_space<vmem>> -> memref<1x80xi32, #tpu.memory_space<vmem>>
      %dma_wait3A_569 = tpu.memref_squeeze %dma_wait3A_568 : memref<1x80xi32, #tpu.memory_space<vmem>> -> memref<80xi32, #tpu.memory_space<vmem>>
      %dma_wait3A_570 = arith.constant 0 : i32
      %dma_wait3A_571 = arith.constant 0 : i32
      %dma_wait3A_572 = tpu.memref_slice %arg2[%dma_wait3A_570, %dma_wait3A_571] : memref<10000x128xf32, #tpu.memory_space<hbm>> -> memref<10000x128xf32, #tpu.memory_space<hbm>>
      tpu.wait_indirect_dma semaphore(%arg15 : memref<!tpu.dma_semaphore, #tpu.memory_space<semaphore_mem>>) src(%dma_wait3A_572 : memref<10000x128xf32, #tpu.memory_space<hbm>>) dst(%arg11 : memref<80x128xf32, #tpu.memory_space<vmem>>)
      %dma_start3A_573 = arith.constant 18 : i32
      %dma_start3A_574 = arith.constant 0 : i32
      %dma_start3A_575 = tpu.memref_slice %arg8[%dma_start3A_573, %dma_start3A_574] : memref<25x80xi32, #tpu.memory_space<vmem>> -> memref<1x80xi32, #tpu.memory_space<vmem>>
      %dma_start3A_576 = tpu.memref_squeeze %dma_start3A_575 : memref<1x80xi32, #tpu.memory_space<vmem>> -> memref<80xi32, #tpu.memory_space<vmem>>
      %dma_start3A_577 = arith.constant 0 : i32
      %dma_start3A_578 = arith.constant 0 : i32
      %dma_start3A_579 = tpu.memref_slice %arg6[%dma_start3A_577, %dma_start3A_578] : memref<10240x128xf32, #tpu.memory_space<vmem_shared>> -> memref<10240x128xf32, #tpu.memory_space<vmem_shared>>
      tpu.enqueue_indirect_dma source(%arg11 : memref<80x128xf32, #tpu.memory_space<vmem>>) target(%dma_start3A_579 : memref<10240x128xf32, #tpu.memory_space<vmem_shared>>) offsets(%dma_start3A_576 : memref<80xi32, #tpu.memory_space<vmem>>) semaphore(%arg19 : memref<!tpu.dma_semaphore, #tpu.memory_space<semaphore_mem>>) {add = true}
      %dma_wait3A_580 = arith.constant 18 : i32
      %dma_wait3A_581 = arith.constant 0 : i32
      %dma_wait3A_582 = tpu.memref_slice %arg8[%dma_wait3A_580, %dma_wait3A_581] : memref<25x80xi32, #tpu.memory_space<vmem>> -> memref<1x80xi32, #tpu.memory_space<vmem>>
      %dma_wait3A_583 = tpu.memref_squeeze %dma_wait3A_582 : memref<1x80xi32, #tpu.memory_space<vmem>> -> memref<80xi32, #tpu.memory_space<vmem>>
      %dma_wait3A_584 = arith.constant 0 : i32
      %dma_wait3A_585 = arith.constant 0 : i32
      %dma_wait3A_586 = tpu.memref_slice %arg6[%dma_wait3A_584, %dma_wait3A_585] : memref<10240x128xf32, #tpu.memory_space<vmem_shared>> -> memref<10240x128xf32, #tpu.memory_space<vmem_shared>>
      tpu.wait_indirect_dma semaphore(%arg19 : memref<!tpu.dma_semaphore, #tpu.memory_space<semaphore_mem>>) src(%arg11 : memref<80x128xf32, #tpu.memory_space<vmem>>) dst(%dma_wait3A_586 : memref<10240x128xf32, #tpu.memory_space<vmem_shared>>)
      %dma_start3A_587 = arith.constant 22 : i32
      %dma_start3A_588 = arith.constant 0 : i32
      %dma_start3A_589 = tpu.memref_slice %arg7[%dma_start3A_587, %dma_start3A_588] : memref<25x80xi32, #tpu.memory_space<vmem>> -> memref<1x80xi32, #tpu.memory_space<vmem>>
      %dma_start3A_590 = tpu.memref_squeeze %dma_start3A_589 : memref<1x80xi32, #tpu.memory_space<vmem>> -> memref<80xi32, #tpu.memory_space<vmem>>
      %dma_start3A_591 = arith.constant 0 : i32
      %dma_start3A_592 = arith.constant 0 : i32
      %dma_start3A_593 = tpu.memref_slice %arg2[%dma_start3A_591, %dma_start3A_592] : memref<10000x128xf32, #tpu.memory_space<hbm>> -> memref<10000x128xf32, #tpu.memory_space<hbm>>
      tpu.enqueue_indirect_dma source(%dma_start3A_593 : memref<10000x128xf32, #tpu.memory_space<hbm>>) target(%arg11 : memref<80x128xf32, #tpu.memory_space<vmem>>) offsets(%dma_start3A_590 : memref<80xi32, #tpu.memory_space<vmem>>) semaphore(%arg15 : memref<!tpu.dma_semaphore, #tpu.memory_space<semaphore_mem>>)
      %dma_wait3A_594 = arith.constant 19 : i32
      %dma_wait3A_595 = arith.constant 0 : i32
      %dma_wait3A_596 = tpu.memref_slice %arg7[%dma_wait3A_594, %dma_wait3A_595] : memref<25x80xi32, #tpu.memory_space<vmem>> -> memref<1x80xi32, #tpu.memory_space<vmem>>
      %dma_wait3A_597 = tpu.memref_squeeze %dma_wait3A_596 : memref<1x80xi32, #tpu.memory_space<vmem>> -> memref<80xi32, #tpu.memory_space<vmem>>
      %dma_wait3A_598 = arith.constant 0 : i32
      %dma_wait3A_599 = arith.constant 0 : i32
      %dma_wait3A_600 = tpu.memref_slice %arg2[%dma_wait3A_598, %dma_wait3A_599] : memref<10000x128xf32, #tpu.memory_space<hbm>> -> memref<10000x128xf32, #tpu.memory_space<hbm>>
      tpu.wait_indirect_dma semaphore(%arg16 : memref<!tpu.dma_semaphore, #tpu.memory_space<semaphore_mem>>) src(%dma_wait3A_600 : memref<10000x128xf32, #tpu.memory_space<hbm>>) dst(%arg12 : memref<80x128xf32, #tpu.memory_space<vmem>>)
      %dma_start3A_601 = arith.constant 19 : i32
      %dma_start3A_602 = arith.constant 0 : i32
      %dma_start3A_603 = tpu.memref_slice %arg8[%dma_start3A_601, %dma_start3A_602] : memref<25x80xi32, #tpu.memory_space<vmem>> -> memref<1x80xi32, #tpu.memory_space<vmem>>
      %dma_start3A_604 = tpu.memref_squeeze %dma_start3A_603 : memref<1x80xi32, #tpu.memory_space<vmem>> -> memref<80xi32, #tpu.memory_space<vmem>>
      %dma_start3A_605 = arith.constant 0 : i32
      %dma_start3A_606 = arith.constant 0 : i32
      %dma_start3A_607 = tpu.memref_slice %arg6[%dma_start3A_605, %dma_start3A_606] : memref<10240x128xf32, #tpu.memory_space<vmem_shared>> -> memref<10240x128xf32, #tpu.memory_space<vmem_shared>>
      tpu.enqueue_indirect_dma source(%arg12 : memref<80x128xf32, #tpu.memory_space<vmem>>) target(%dma_start3A_607 : memref<10240x128xf32, #tpu.memory_space<vmem_shared>>) offsets(%dma_start3A_604 : memref<80xi32, #tpu.memory_space<vmem>>) semaphore(%arg20 : memref<!tpu.dma_semaphore, #tpu.memory_space<semaphore_mem>>) {add = true}
      %dma_wait3A_608 = arith.constant 19 : i32
      %dma_wait3A_609 = arith.constant 0 : i32
      %dma_wait3A_610 = tpu.memref_slice %arg8[%dma_wait3A_608, %dma_wait3A_609] : memref<25x80xi32, #tpu.memory_space<vmem>> -> memref<1x80xi32, #tpu.memory_space<vmem>>
      %dma_wait3A_611 = tpu.memref_squeeze %dma_wait3A_610 : memref<1x80xi32, #tpu.memory_space<vmem>> -> memref<80xi32, #tpu.memory_space<vmem>>
      %dma_wait3A_612 = arith.constant 0 : i32
      %dma_wait3A_613 = arith.constant 0 : i32
      %dma_wait3A_614 = tpu.memref_slice %arg6[%dma_wait3A_612, %dma_wait3A_613] : memref<10240x128xf32, #tpu.memory_space<vmem_shared>> -> memref<10240x128xf32, #tpu.memory_space<vmem_shared>>
      tpu.wait_indirect_dma semaphore(%arg20 : memref<!tpu.dma_semaphore, #tpu.memory_space<semaphore_mem>>) src(%arg12 : memref<80x128xf32, #tpu.memory_space<vmem>>) dst(%dma_wait3A_614 : memref<10240x128xf32, #tpu.memory_space<vmem_shared>>)
      %dma_start3A_615 = arith.constant 23 : i32
      %dma_start3A_616 = arith.constant 0 : i32
      %dma_start3A_617 = tpu.memref_slice %arg7[%dma_start3A_615, %dma_start3A_616] : memref<25x80xi32, #tpu.memory_space<vmem>> -> memref<1x80xi32, #tpu.memory_space<vmem>>
      %dma_start3A_618 = tpu.memref_squeeze %dma_start3A_617 : memref<1x80xi32, #tpu.memory_space<vmem>> -> memref<80xi32, #tpu.memory_space<vmem>>
      %dma_start3A_619 = arith.constant 0 : i32
      %dma_start3A_620 = arith.constant 0 : i32
      %dma_start3A_621 = tpu.memref_slice %arg2[%dma_start3A_619, %dma_start3A_620] : memref<10000x128xf32, #tpu.memory_space<hbm>> -> memref<10000x128xf32, #tpu.memory_space<hbm>>
      tpu.enqueue_indirect_dma source(%dma_start3A_621 : memref<10000x128xf32, #tpu.memory_space<hbm>>) target(%arg12 : memref<80x128xf32, #tpu.memory_space<vmem>>) offsets(%dma_start3A_618 : memref<80xi32, #tpu.memory_space<vmem>>) semaphore(%arg16 : memref<!tpu.dma_semaphore, #tpu.memory_space<semaphore_mem>>)
      %dma_wait3A_622 = arith.constant 20 : i32
      %dma_wait3A_623 = arith.constant 0 : i32
      %dma_wait3A_624 = tpu.memref_slice %arg7[%dma_wait3A_622, %dma_wait3A_623] : memref<25x80xi32, #tpu.memory_space<vmem>> -> memref<1x80xi32, #tpu.memory_space<vmem>>
      %dma_wait3A_625 = tpu.memref_squeeze %dma_wait3A_624 : memref<1x80xi32, #tpu.memory_space<vmem>> -> memref<80xi32, #tpu.memory_space<vmem>>
      %dma_wait3A_626 = arith.constant 0 : i32
      %dma_wait3A_627 = arith.constant 0 : i32
      %dma_wait3A_628 = tpu.memref_slice %arg2[%dma_wait3A_626, %dma_wait3A_627] : memref<10000x128xf32, #tpu.memory_space<hbm>> -> memref<10000x128xf32, #tpu.memory_space<hbm>>
      tpu.wait_indirect_dma semaphore(%arg13 : memref<!tpu.dma_semaphore, #tpu.memory_space<semaphore_mem>>) src(%dma_wait3A_628 : memref<10000x128xf32, #tpu.memory_space<hbm>>) dst(%arg9 : memref<80x128xf32, #tpu.memory_space<vmem>>)
      %dma_start3A_629 = arith.constant 20 : i32
      %dma_start3A_630 = arith.constant 0 : i32
      %dma_start3A_631 = tpu.memref_slice %arg8[%dma_start3A_629, %dma_start3A_630] : memref<25x80xi32, #tpu.memory_space<vmem>> -> memref<1x80xi32, #tpu.memory_space<vmem>>
      %dma_start3A_632 = tpu.memref_squeeze %dma_start3A_631 : memref<1x80xi32, #tpu.memory_space<vmem>> -> memref<80xi32, #tpu.memory_space<vmem>>
      %dma_start3A_633 = arith.constant 0 : i32
      %dma_start3A_634 = arith.constant 0 : i32
      %dma_start3A_635 = tpu.memref_slice %arg6[%dma_start3A_633, %dma_start3A_634] : memref<10240x128xf32, #tpu.memory_space<vmem_shared>> -> memref<10240x128xf32, #tpu.memory_space<vmem_shared>>
      tpu.enqueue_indirect_dma source(%arg9 : memref<80x128xf32, #tpu.memory_space<vmem>>) target(%dma_start3A_635 : memref<10240x128xf32, #tpu.memory_space<vmem_shared>>) offsets(%dma_start3A_632 : memref<80xi32, #tpu.memory_space<vmem>>) semaphore(%arg17 : memref<!tpu.dma_semaphore, #tpu.memory_space<semaphore_mem>>) {add = true}
      %dma_wait3A_636 = arith.constant 20 : i32
      %dma_wait3A_637 = arith.constant 0 : i32
      %dma_wait3A_638 = tpu.memref_slice %arg8[%dma_wait3A_636, %dma_wait3A_637] : memref<25x80xi32, #tpu.memory_space<vmem>> -> memref<1x80xi32, #tpu.memory_space<vmem>>
      %dma_wait3A_639 = tpu.memref_squeeze %dma_wait3A_638 : memref<1x80xi32, #tpu.memory_space<vmem>> -> memref<80xi32, #tpu.memory_space<vmem>>
      %dma_wait3A_640 = arith.constant 0 : i32
      %dma_wait3A_641 = arith.constant 0 : i32
      %dma_wait3A_642 = tpu.memref_slice %arg6[%dma_wait3A_640, %dma_wait3A_641] : memref<10240x128xf32, #tpu.memory_space<vmem_shared>> -> memref<10240x128xf32, #tpu.memory_space<vmem_shared>>
      tpu.wait_indirect_dma semaphore(%arg17 : memref<!tpu.dma_semaphore, #tpu.memory_space<semaphore_mem>>) src(%arg9 : memref<80x128xf32, #tpu.memory_space<vmem>>) dst(%dma_wait3A_642 : memref<10240x128xf32, #tpu.memory_space<vmem_shared>>)
      %dma_start3A_643 = arith.constant 24 : i32
      %dma_start3A_644 = arith.constant 0 : i32
      %dma_start3A_645 = tpu.memref_slice %arg7[%dma_start3A_643, %dma_start3A_644] : memref<25x80xi32, #tpu.memory_space<vmem>> -> memref<1x80xi32, #tpu.memory_space<vmem>>
      %dma_start3A_646 = tpu.memref_squeeze %dma_start3A_645 : memref<1x80xi32, #tpu.memory_space<vmem>> -> memref<80xi32, #tpu.memory_space<vmem>>
      %dma_start3A_647 = arith.constant 0 : i32
      %dma_start3A_648 = arith.constant 0 : i32
      %dma_start3A_649 = tpu.memref_slice %arg2[%dma_start3A_647, %dma_start3A_648] : memref<10000x128xf32, #tpu.memory_space<hbm>> -> memref<10000x128xf32, #tpu.memory_space<hbm>>
      tpu.enqueue_indirect_dma source(%dma_start3A_649 : memref<10000x128xf32, #tpu.memory_space<hbm>>) target(%arg9 : memref<80x128xf32, #tpu.memory_space<vmem>>) offsets(%dma_start3A_646 : memref<80xi32, #tpu.memory_space<vmem>>) semaphore(%arg13 : memref<!tpu.dma_semaphore, #tpu.memory_space<semaphore_mem>>)
      %dma_wait3A_650 = arith.constant 21 : i32
      %dma_wait3A_651 = arith.constant 0 : i32
      %dma_wait3A_652 = tpu.memref_slice %arg7[%dma_wait3A_650, %dma_wait3A_651] : memref<25x80xi32, #tpu.memory_space<vmem>> -> memref<1x80xi32, #tpu.memory_space<vmem>>
      %dma_wait3A_653 = tpu.memref_squeeze %dma_wait3A_652 : memref<1x80xi32, #tpu.memory_space<vmem>> -> memref<80xi32, #tpu.memory_space<vmem>>
      %dma_wait3A_654 = arith.constant 0 : i32
      %dma_wait3A_655 = arith.constant 0 : i32
      %dma_wait3A_656 = tpu.memref_slice %arg2[%dma_wait3A_654, %dma_wait3A_655] : memref<10000x128xf32, #tpu.memory_space<hbm>> -> memref<10000x128xf32, #tpu.memory_space<hbm>>
      tpu.wait_indirect_dma semaphore(%arg14 : memref<!tpu.dma_semaphore, #tpu.memory_space<semaphore_mem>>) src(%dma_wait3A_656 : memref<10000x128xf32, #tpu.memory_space<hbm>>) dst(%arg10 : memref<80x128xf32, #tpu.memory_space<vmem>>)
      %dma_start3A_657 = arith.constant 21 : i32
      %dma_start3A_658 = arith.constant 0 : i32
      %dma_start3A_659 = tpu.memref_slice %arg8[%dma_start3A_657, %dma_start3A_658] : memref<25x80xi32, #tpu.memory_space<vmem>> -> memref<1x80xi32, #tpu.memory_space<vmem>>
      %dma_start3A_660 = tpu.memref_squeeze %dma_start3A_659 : memref<1x80xi32, #tpu.memory_space<vmem>> -> memref<80xi32, #tpu.memory_space<vmem>>
      %dma_start3A_661 = arith.constant 0 : i32
      %dma_start3A_662 = arith.constant 0 : i32
      %dma_start3A_663 = tpu.memref_slice %arg6[%dma_start3A_661, %dma_start3A_662] : memref<10240x128xf32, #tpu.memory_space<vmem_shared>> -> memref<10240x128xf32, #tpu.memory_space<vmem_shared>>
      tpu.enqueue_indirect_dma source(%arg10 : memref<80x128xf32, #tpu.memory_space<vmem>>) target(%dma_start3A_663 : memref<10240x128xf32, #tpu.memory_space<vmem_shared>>) offsets(%dma_start3A_660 : memref<80xi32, #tpu.memory_space<vmem>>) semaphore(%arg18 : memref<!tpu.dma_semaphore, #tpu.memory_space<semaphore_mem>>) {add = true}
      %dma_wait3A_664 = arith.constant 22 : i32
      %dma_wait3A_665 = arith.constant 0 : i32
      %dma_wait3A_666 = tpu.memref_slice %arg7[%dma_wait3A_664, %dma_wait3A_665] : memref<25x80xi32, #tpu.memory_space<vmem>> -> memref<1x80xi32, #tpu.memory_space<vmem>>
      %dma_wait3A_667 = tpu.memref_squeeze %dma_wait3A_666 : memref<1x80xi32, #tpu.memory_space<vmem>> -> memref<80xi32, #tpu.memory_space<vmem>>
      %dma_wait3A_668 = arith.constant 0 : i32
      %dma_wait3A_669 = arith.constant 0 : i32
      %dma_wait3A_670 = tpu.memref_slice %arg2[%dma_wait3A_668, %dma_wait3A_669] : memref<10000x128xf32, #tpu.memory_space<hbm>> -> memref<10000x128xf32, #tpu.memory_space<hbm>>
      tpu.wait_indirect_dma semaphore(%arg15 : memref<!tpu.dma_semaphore, #tpu.memory_space<semaphore_mem>>) src(%dma_wait3A_670 : memref<10000x128xf32, #tpu.memory_space<hbm>>) dst(%arg11 : memref<80x128xf32, #tpu.memory_space<vmem>>)
      %dma_start3A_671 = arith.constant 22 : i32
      %dma_start3A_672 = arith.constant 0 : i32
      %dma_start3A_673 = tpu.memref_slice %arg8[%dma_start3A_671, %dma_start3A_672] : memref<25x80xi32, #tpu.memory_space<vmem>> -> memref<1x80xi32, #tpu.memory_space<vmem>>
      %dma_start3A_674 = tpu.memref_squeeze %dma_start3A_673 : memref<1x80xi32, #tpu.memory_space<vmem>> -> memref<80xi32, #tpu.memory_space<vmem>>
      %dma_start3A_675 = arith.constant 0 : i32
      %dma_start3A_676 = arith.constant 0 : i32
      %dma_start3A_677 = tpu.memref_slice %arg6[%dma_start3A_675, %dma_start3A_676] : memref<10240x128xf32, #tpu.memory_space<vmem_shared>> -> memref<10240x128xf32, #tpu.memory_space<vmem_shared>>
      tpu.enqueue_indirect_dma source(%arg11 : memref<80x128xf32, #tpu.memory_space<vmem>>) target(%dma_start3A_677 : memref<10240x128xf32, #tpu.memory_space<vmem_shared>>) offsets(%dma_start3A_674 : memref<80xi32, #tpu.memory_space<vmem>>) semaphore(%arg19 : memref<!tpu.dma_semaphore, #tpu.memory_space<semaphore_mem>>) {add = true}
      %dma_wait3A_678 = arith.constant 23 : i32
      %dma_wait3A_679 = arith.constant 0 : i32
      %dma_wait3A_680 = tpu.memref_slice %arg7[%dma_wait3A_678, %dma_wait3A_679] : memref<25x80xi32, #tpu.memory_space<vmem>> -> memref<1x80xi32, #tpu.memory_space<vmem>>
      %dma_wait3A_681 = tpu.memref_squeeze %dma_wait3A_680 : memref<1x80xi32, #tpu.memory_space<vmem>> -> memref<80xi32, #tpu.memory_space<vmem>>
      %dma_wait3A_682 = arith.constant 0 : i32
      %dma_wait3A_683 = arith.constant 0 : i32
      %dma_wait3A_684 = tpu.memref_slice %arg2[%dma_wait3A_682, %dma_wait3A_683] : memref<10000x128xf32, #tpu.memory_space<hbm>> -> memref<10000x128xf32, #tpu.memory_space<hbm>>
      tpu.wait_indirect_dma semaphore(%arg16 : memref<!tpu.dma_semaphore, #tpu.memory_space<semaphore_mem>>) src(%dma_wait3A_684 : memref<10000x128xf32, #tpu.memory_space<hbm>>) dst(%arg12 : memref<80x128xf32, #tpu.memory_space<vmem>>)
      %dma_start3A_685 = arith.constant 23 : i32
      %dma_start3A_686 = arith.constant 0 : i32
      %dma_start3A_687 = tpu.memref_slice %arg8[%dma_start3A_685, %dma_start3A_686] : memref<25x80xi32, #tpu.memory_space<vmem>> -> memref<1x80xi32, #tpu.memory_space<vmem>>
      %dma_start3A_688 = tpu.memref_squeeze %dma_start3A_687 : memref<1x80xi32, #tpu.memory_space<vmem>> -> memref<80xi32, #tpu.memory_space<vmem>>
      %dma_start3A_689 = arith.constant 0 : i32
      %dma_start3A_690 = arith.constant 0 : i32
      %dma_start3A_691 = tpu.memref_slice %arg6[%dma_start3A_689, %dma_start3A_690] : memref<10240x128xf32, #tpu.memory_space<vmem_shared>> -> memref<10240x128xf32, #tpu.memory_space<vmem_shared>>
      tpu.enqueue_indirect_dma source(%arg12 : memref<80x128xf32, #tpu.memory_space<vmem>>) target(%dma_start3A_691 : memref<10240x128xf32, #tpu.memory_space<vmem_shared>>) offsets(%dma_start3A_688 : memref<80xi32, #tpu.memory_space<vmem>>) semaphore(%arg20 : memref<!tpu.dma_semaphore, #tpu.memory_space<semaphore_mem>>) {add = true}
      %dma_wait3A_692 = arith.constant 24 : i32
      %dma_wait3A_693 = arith.constant 0 : i32
      %dma_wait3A_694 = tpu.memref_slice %arg7[%dma_wait3A_692, %dma_wait3A_693] : memref<25x80xi32, #tpu.memory_space<vmem>> -> memref<1x80xi32, #tpu.memory_space<vmem>>
      %dma_wait3A_695 = tpu.memref_squeeze %dma_wait3A_694 : memref<1x80xi32, #tpu.memory_space<vmem>> -> memref<80xi32, #tpu.memory_space<vmem>>
      %dma_wait3A_696 = arith.constant 0 : i32
      %dma_wait3A_697 = arith.constant 0 : i32
      %dma_wait3A_698 = tpu.memref_slice %arg2[%dma_wait3A_696, %dma_wait3A_697] : memref<10000x128xf32, #tpu.memory_space<hbm>> -> memref<10000x128xf32, #tpu.memory_space<hbm>>
      tpu.wait_indirect_dma semaphore(%arg13 : memref<!tpu.dma_semaphore, #tpu.memory_space<semaphore_mem>>) src(%dma_wait3A_698 : memref<10000x128xf32, #tpu.memory_space<hbm>>) dst(%arg9 : memref<80x128xf32, #tpu.memory_space<vmem>>)
      %dma_start3A_699 = arith.constant 24 : i32
      %dma_start3A_700 = arith.constant 0 : i32
      %dma_start3A_701 = tpu.memref_slice %arg8[%dma_start3A_699, %dma_start3A_700] : memref<25x80xi32, #tpu.memory_space<vmem>> -> memref<1x80xi32, #tpu.memory_space<vmem>>
      %dma_start3A_702 = tpu.memref_squeeze %dma_start3A_701 : memref<1x80xi32, #tpu.memory_space<vmem>> -> memref<80xi32, #tpu.memory_space<vmem>>
      %dma_start3A_703 = arith.constant 0 : i32
      %dma_start3A_704 = arith.constant 0 : i32
      %dma_start3A_705 = tpu.memref_slice %arg6[%dma_start3A_703, %dma_start3A_704] : memref<10240x128xf32, #tpu.memory_space<vmem_shared>> -> memref<10240x128xf32, #tpu.memory_space<vmem_shared>>
      tpu.enqueue_indirect_dma source(%arg9 : memref<80x128xf32, #tpu.memory_space<vmem>>) target(%dma_start3A_705 : memref<10240x128xf32, #tpu.memory_space<vmem_shared>>) offsets(%dma_start3A_702 : memref<80xi32, #tpu.memory_space<vmem>>) semaphore(%arg17 : memref<!tpu.dma_semaphore, #tpu.memory_space<semaphore_mem>>) {add = true}
      %dma_wait3A_706 = arith.constant 24 : i32
      %dma_wait3A_707 = arith.constant 0 : i32
      %dma_wait3A_708 = tpu.memref_slice %arg8[%dma_wait3A_706, %dma_wait3A_707] : memref<25x80xi32, #tpu.memory_space<vmem>> -> memref<1x80xi32, #tpu.memory_space<vmem>>
      %dma_wait3A_709 = tpu.memref_squeeze %dma_wait3A_708 : memref<1x80xi32, #tpu.memory_space<vmem>> -> memref<80xi32, #tpu.memory_space<vmem>>
      %dma_wait3A_710 = arith.constant 0 : i32
      %dma_wait3A_711 = arith.constant 0 : i32
      %dma_wait3A_712 = tpu.memref_slice %arg6[%dma_wait3A_710, %dma_wait3A_711] : memref<10240x128xf32, #tpu.memory_space<vmem_shared>> -> memref<10240x128xf32, #tpu.memory_space<vmem_shared>>
      tpu.wait_indirect_dma semaphore(%arg17 : memref<!tpu.dma_semaphore, #tpu.memory_space<semaphore_mem>>) src(%arg9 : memref<80x128xf32, #tpu.memory_space<vmem>>) dst(%dma_wait3A_712 : memref<10240x128xf32, #tpu.memory_space<vmem_shared>>)
      %dma_wait3A_713 = arith.constant 23 : i32
      %dma_wait3A_714 = arith.constant 0 : i32
      %dma_wait3A_715 = tpu.memref_slice %arg8[%dma_wait3A_713, %dma_wait3A_714] : memref<25x80xi32, #tpu.memory_space<vmem>> -> memref<1x80xi32, #tpu.memory_space<vmem>>
      %dma_wait3A_716 = tpu.memref_squeeze %dma_wait3A_715 : memref<1x80xi32, #tpu.memory_space<vmem>> -> memref<80xi32, #tpu.memory_space<vmem>>
      %dma_wait3A_717 = arith.constant 0 : i32
      %dma_wait3A_718 = arith.constant 0 : i32
      %dma_wait3A_719 = tpu.memref_slice %arg6[%dma_wait3A_717, %dma_wait3A_718] : memref<10240x128xf32, #tpu.memory_space<vmem_shared>> -> memref<10240x128xf32, #tpu.memory_space<vmem_shared>>
      tpu.wait_indirect_dma semaphore(%arg20 : memref<!tpu.dma_semaphore, #tpu.memory_space<semaphore_mem>>) src(%arg12 : memref<80x128xf32, #tpu.memory_space<vmem>>) dst(%dma_wait3A_719 : memref<10240x128xf32, #tpu.memory_space<vmem_shared>>)
      %dma_wait3A_720 = arith.constant 22 : i32
      %dma_wait3A_721 = arith.constant 0 : i32
      %dma_wait3A_722 = tpu.memref_slice %arg8[%dma_wait3A_720, %dma_wait3A_721] : memref<25x80xi32, #tpu.memory_space<vmem>> -> memref<1x80xi32, #tpu.memory_space<vmem>>
      %dma_wait3A_723 = tpu.memref_squeeze %dma_wait3A_722 : memref<1x80xi32, #tpu.memory_space<vmem>> -> memref<80xi32, #tpu.memory_space<vmem>>
      %dma_wait3A_724 = arith.constant 0 : i32
      %dma_wait3A_725 = arith.constant 0 : i32
      %dma_wait3A_726 = tpu.memref_slice %arg6[%dma_wait3A_724, %dma_wait3A_725] : memref<10240x128xf32, #tpu.memory_space<vmem_shared>> -> memref<10240x128xf32, #tpu.memory_space<vmem_shared>>
      tpu.wait_indirect_dma semaphore(%arg19 : memref<!tpu.dma_semaphore, #tpu.memory_space<semaphore_mem>>) src(%arg11 : memref<80x128xf32, #tpu.memory_space<vmem>>) dst(%dma_wait3A_726 : memref<10240x128xf32, #tpu.memory_space<vmem_shared>>)
      %dma_wait3A_727 = arith.constant 21 : i32
      %dma_wait3A_728 = arith.constant 0 : i32
      %dma_wait3A_729 = tpu.memref_slice %arg8[%dma_wait3A_727, %dma_wait3A_728] : memref<25x80xi32, #tpu.memory_space<vmem>> -> memref<1x80xi32, #tpu.memory_space<vmem>>
      %dma_wait3A_730 = tpu.memref_squeeze %dma_wait3A_729 : memref<1x80xi32, #tpu.memory_space<vmem>> -> memref<80xi32, #tpu.memory_space<vmem>>
      %dma_wait3A_731 = arith.constant 0 : i32
      %dma_wait3A_732 = arith.constant 0 : i32
      %dma_wait3A_733 = tpu.memref_slice %arg6[%dma_wait3A_731, %dma_wait3A_732] : memref<10240x128xf32, #tpu.memory_space<vmem_shared>> -> memref<10240x128xf32, #tpu.memory_space<vmem_shared>>
      tpu.wait_indirect_dma semaphore(%arg18 : memref<!tpu.dma_semaphore, #tpu.memory_space<semaphore_mem>>) src(%arg10 : memref<80x128xf32, #tpu.memory_space<vmem>>) dst(%dma_wait3A_733 : memref<10240x128xf32, #tpu.memory_space<vmem_shared>>)
      %scan3A_734 = arith.constant 0 : i32
      scf.yield %scan3A_734 : i32
    }
    %scan3A_32 = arith.constant 5 : i32
    %barrier3A_33 = arith.constant 0 : index
    tpu.barrier barrier_id(%barrier3A_33)
    "tpu.region"() ({
      %run_scoped3A = tpu.sem_alloc : memref<!tpu.dma_semaphore, #tpu.memory_space<semaphore_mem>>
      %dma_start3A = arith.constant 0 : i32
      %dma_start3A_34 = arith.constant 0 : i32
      %dma_start3A_35 = tpu.memref_slice %arg5[%arg0, %arg1, %dma_start3A, %dma_start3A_34] : memref<2x16x640x128xf32, #tpu.memory_space<hbm>> -> memref<1x1x640x128xf32, #tpu.memory_space<hbm>>
      %dma_start3A_36 = tpu.memref_squeeze %dma_start3A_35 : memref<1x1x640x128xf32, #tpu.memory_space<hbm>> -> memref<640x128xf32, #tpu.memory_space<hbm>>
      %dma_start3A_37 = arith.constant 0 : i32
      %dma_start3A_38 = tpu.memref_slice %arg6[%mul3A_9, %dma_start3A_37] : memref<10240x128xf32, #tpu.memory_space<vmem_shared>> -> memref<640x128xf32, #tpu.memory_space<vmem_shared>>
      tpu.enqueue_dma source(%dma_start3A_38 : memref<640x128xf32, #tpu.memory_space<vmem_shared>>) target(%dma_start3A_36 : memref<640x128xf32, #tpu.memory_space<hbm>>) target_semaphore(%run_scoped3A : memref<!tpu.dma_semaphore, #tpu.memory_space<semaphore_mem>>)
      %dma_wait3A = arith.constant 0 : i32
      %dma_wait3A_39 = arith.constant 0 : i32
      %dma_wait3A_40 = tpu.memref_slice %arg5[%arg0, %arg1, %dma_wait3A, %dma_wait3A_39] : memref<2x16x640x128xf32, #tpu.memory_space<hbm>> -> memref<1x1x640x128xf32, #tpu.memory_space<hbm>>
      %dma_wait3A_41 = tpu.memref_squeeze %dma_wait3A_40 : memref<1x1x640x128xf32, #tpu.memory_space<hbm>> -> memref<640x128xf32, #tpu.memory_space<hbm>>
      %dma_wait3A_42 = arith.constant 0 : i32
      %dma_wait3A_43 = tpu.memref_slice %arg6[%mul3A_9, %dma_wait3A_42] : memref<10240x128xf32, #tpu.memory_space<vmem_shared>> -> memref<640x128xf32, #tpu.memory_space<vmem_shared>>
      tpu.wait_dma2 semaphore(%run_scoped3A : memref<!tpu.dma_semaphore, #tpu.memory_space<semaphore_mem>>) src(%dma_wait3A_43 : memref<640x128xf32, #tpu.memory_space<vmem_shared>>) dst(%dma_wait3A_41 : memref<640x128xf32, #tpu.memory_space<hbm>>)
      tpu.yield
    }) : () -> ()
    return
  }
}

#map = affine_map<(d0, d1) -> (0, 0)>
#map1 = affine_map<(d0, d1) -> (0, 0, 0, 0)>
module attributes {stable_mosaic.version = 14 : i64} {
  func.func @body(%arg0: i32, %arg1: i32, %arg2: memref<10000x128xf32, #tpu.memory_space<hbm>>, %arg3: memref<32x5x25x80xi32, #tpu.memory_space<hbm>>, %arg4: memref<32x5x25x80xi32, #tpu.memory_space<hbm>>, %arg5: memref<2x16x640x128xf32, #tpu.memory_space<hbm>>, %arg6: memref<10240x128xf32, #tpu.memory_space<vmem_shared>>, %arg7: memref<25x80xi32, #tpu.memory_space<vmem>>, %arg8: memref<25x80xi32, #tpu.memory_space<vmem>>, %arg9: memref<80x128xf32, #tpu.memory_space<vmem>>, %arg10: memref<80x128xf32, #tpu.memory_space<vmem>>, %arg11: memref<80x128xf32, #tpu.memory_space<vmem>>, %arg12: memref<80x128xf32, #tpu.memory_space<vmem>>, %arg13: memref<!tpu.dma_semaphore, #tpu.memory_space<semaphore_mem>>, %arg14: memref<!tpu.dma_semaphore, #tpu.memory_space<semaphore_mem>>, %arg15: memref<!tpu.dma_semaphore, #tpu.memory_space<semaphore_mem>>, %arg16: memref<!tpu.dma_semaphore, #tpu.memory_space<semaphore_mem>>, %arg17: memref<!tpu.dma_semaphore, #tpu.memory_space<semaphore_mem>>, %arg18: memref<!tpu.dma_semaphore, #tpu.memory_space<semaphore_mem>>, %arg19: memref<!tpu.dma_semaphore, #tpu.memory_space<semaphore_mem>>, %arg20: memref<!tpu.dma_semaphore, #tpu.memory_space<semaphore_mem>>) attributes {dimension_semantics = [#tpu.dimension_semantics<core_parallel>, #tpu.dimension_semantics<subcore_parallel>], iteration_bounds = array<i64: 2, 16>, scalar_prefetch = 0 : i64, scratch_operands = 15 : i64, tpu.core_type = #tpu.core_type<sc_vector_subcore>, window_params = [{transform_indices = #map}, {transform_indices = #map1}, {transform_indices = #map1}, {transform_indices = #map1}]} {
    %mul3A = arith.constant 16 : i32
    %mul3A_0 = arith.muli %arg0, %mul3A : i32
    %add3A = arith.addi %mul3A_0, %arg1 : i32
    %broadcast_in_dim3A = arith.constant 0.000000e+00 : f32
    %broadcast_in_dim3A_1 = vector.broadcast %broadcast_in_dim3A : f32 to vector<16xf32>
    %scan3A = arith.constant 0 : i32
    %scan3A_2 = arith.constant 0 : i32
    %scan3A_3 = arith.constant 640 : i32
    %scan3A_4 = arith.addi %scan3A_2, %scan3A_3 : i32
    %scan3A_5 = arith.constant 1 : i32
    %scan3A_6 = scf.for %scan3A_34 = %scan3A_2 to %scan3A_4 step %scan3A_5 iter_args(%scan3A_35 = %scan3A) -> (i32)  : i32 {
      %jit3A = arith.constant 8 : i32
      %div3A = arith.divsi %scan3A_34, %jit3A : i32
      %sign3A = arith.constant 0 : i32
      %sign3A_36 = arith.cmpi sgt, %scan3A_34, %sign3A : i32
      %sign3A_37 = arith.extui %sign3A_36 : i1 to i32
      %sign3A_38 = arith.constant 0 : i32
      %sign3A_39 = arith.cmpi slt, %scan3A_34, %sign3A_38 : i32
      %sign3A_40 = arith.extui %sign3A_39 : i1 to i32
      %sign3A_41 = arith.subi %sign3A_37, %sign3A_40 : i32
      %sign3A_42 = arith.constant 0 : i32
      %sign3A_43 = arith.cmpi sgt, %jit3A, %sign3A_42 : i32
      %sign3A_44 = arith.extui %sign3A_43 : i1 to i32
      %sign3A_45 = arith.constant 0 : i32
      %sign3A_46 = arith.cmpi slt, %jit3A, %sign3A_45 : i32
      %sign3A_47 = arith.extui %sign3A_46 : i1 to i32
      %sign3A_48 = arith.subi %sign3A_44, %sign3A_47 : i32
      %ne3A = arith.cmpi ne, %sign3A_41, %sign3A_48 : i32
      %rem3A = arith.remsi %scan3A_34, %jit3A : i32
      %ne3A_49 = arith.constant 0 : i32
      %ne3A_50 = arith.cmpi ne, %rem3A, %ne3A_49 : i32
      %and3A = arith.andi %ne3A, %ne3A_50 : i1
      %sub3A = arith.constant 1 : i32
      %sub3A_51 = arith.subi %div3A, %sub3A : i32
      %select_n3A = arith.select %and3A, %sub3A_51, %div3A : i32
      %jit3A_52 = arith.constant 8 : i32
      %eq3A = arith.constant 0 : i32
      %eq3A_53 = arith.cmpi eq, %jit3A_52, %eq3A : i32
      %jit3A_54 = arith.constant 1 : i32
      %select_n3A_55 = arith.select %eq3A_53, %jit3A_54, %jit3A_52 : i32
      %rem3A_56 = arith.remsi %scan3A_34, %select_n3A_55 : i32
      %ne3A_57 = arith.constant 0 : i32
      %ne3A_58 = arith.cmpi ne, %rem3A_56, %ne3A_57 : i32
      %lt3A = arith.constant 0 : i32
      %lt3A_59 = arith.cmpi slt, %rem3A_56, %lt3A : i32
      %lt3A_60 = arith.constant 0 : i32
      %lt3A_61 = arith.cmpi slt, %select_n3A_55, %lt3A_60 : i32
      %ne3A_62 = arith.xori %lt3A_59, %lt3A_61 : i1
      %and3A_63 = arith.andi %ne3A_62, %ne3A_58 : i1
      %add3A_64 = arith.addi %rem3A_56, %select_n3A_55 : i32
      %select_n3A_65 = arith.select %and3A_63, %add3A_64, %rem3A_56 : i32
      %mul3A_66 = arith.constant 16 : i32
      %mul3A_67 = arith.muli %select_n3A_65, %mul3A_66 : i32
      %swap3A = arith.index_cast %select_n3A : i32 to index
      %swap3A_68 = arith.index_cast %mul3A_67 : i32 to index
      %swap3A_69 = tpu.vector_load %arg9[%swap3A, %swap3A_68] {strides = array<i32>} : memref<80x128xf32, #tpu.memory_space<vmem>>, vector<1x16xf32>,
      %swap3A_70 = vector.shape_cast %swap3A_69 : vector<1x16xf32> to vector<16xf32>
      %swap3A_71 = vector.shape_cast %broadcast_in_dim3A_1 : vector<16xf32> to vector<1x16xf32>
      tpu.vector_store %arg9[%swap3A, %swap3A_68], %swap3A_71 {strides = array<i32>} : memref<80x128xf32, #tpu.memory_space<vmem>>, vector<1x16xf32>,
      %scan3A_72 = arith.constant 0 : i32
      scf.yield %scan3A_72 : i32
    }
    %scan3A_7 = arith.constant 640 : i32
    %mul3A_8 = arith.constant 640 : i32
    %mul3A_9 = arith.muli %arg1, %mul3A_8 : i32
    %add3A_10 = arith.constant 0 : i32
    %add3A_11 = arith.addi %mul3A_9, %add3A_10 : i32
    "tpu.region"() ({
      %run_scoped3A = tpu.sem_alloc : memref<!tpu.dma_semaphore, #tpu.memory_space<semaphore_mem>>
      %dma_start3A = arith.constant 0 : i32
      %dma_start3A_34 = tpu.memref_slice %arg6[%add3A_11, %dma_start3A] : memref<10240x128xf32, #tpu.memory_space<vmem_shared>> -> memref<80x128xf32, #tpu.memory_space<vmem_shared>>
      %dma_start3A_35 = arith.constant 0 : i32
      %dma_start3A_36 = tpu.memref_slice %arg6[%add3A_11, %dma_start3A_35] : memref<10240x128xf32, #tpu.memory_space<vmem_shared>> -> memref<80x128xf32, #tpu.memory_space<vmem_shared>>
      tpu.enqueue_dma source(%arg9 : memref<80x128xf32, #tpu.memory_space<vmem>>) target(%dma_start3A_36 : memref<80x128xf32, #tpu.memory_space<vmem_shared>>) target_semaphore(%run_scoped3A : memref<!tpu.dma_semaphore, #tpu.memory_space<semaphore_mem>>)
      %dma_wait3A = arith.constant 0 : i32
      %dma_wait3A_37 = tpu.memref_slice %arg6[%add3A_11, %dma_wait3A] : memref<10240x128xf32, #tpu.memory_space<vmem_shared>> -> memref<80x128xf32, #tpu.memory_space<vmem_shared>>
      %dma_wait3A_38 = arith.constant 0 : i32
      %dma_wait3A_39 = tpu.memref_slice %arg6[%add3A_11, %dma_wait3A_38] : memref<10240x128xf32, #tpu.memory_space<vmem_shared>> -> memref<80x128xf32, #tpu.memory_space<vmem_shared>>
      tpu.wait_dma2 semaphore(%run_scoped3A : memref<!tpu.dma_semaphore, #tpu.memory_space<semaphore_mem>>) src(%arg9 : memref<80x128xf32, #tpu.memory_space<vmem>>) dst(%dma_wait3A_39 : memref<80x128xf32, #tpu.memory_space<vmem_shared>>)
      tpu.yield
    }) : () -> ()
    %add3A_12 = arith.constant 80 : i32
    %add3A_13 = arith.addi %mul3A_9, %add3A_12 : i32
    "tpu.region"() ({
      %run_scoped3A = tpu.sem_alloc : memref<!tpu.dma_semaphore, #tpu.memory_space<semaphore_mem>>
      %dma_start3A = arith.constant 0 : i32
      %dma_start3A_34 = tpu.memref_slice %arg6[%add3A_13, %dma_start3A] : memref<10240x128xf32, #tpu.memory_space<vmem_shared>> -> memref<80x128xf32, #tpu.memory_space<vmem_shared>>
      %dma_start3A_35 = arith.constant 0 : i32
      %dma_start3A_36 = tpu.memref_slice %arg6[%add3A_13, %dma_start3A_35] : memref<10240x128xf32, #tpu.memory_space<vmem_shared>> -> memref<80x128xf32, #tpu.memory_space<vmem_shared>>
      tpu.enqueue_dma source(%arg9 : memref<80x128xf32, #tpu.memory_space<vmem>>) target(%dma_start3A_36 : memref<80x128xf32, #tpu.memory_space<vmem_shared>>) target_semaphore(%run_scoped3A : memref<!tpu.dma_semaphore, #tpu.memory_space<semaphore_mem>>)
      %dma_wait3A = arith.constant 0 : i32
      %dma_wait3A_37 = tpu.memref_slice %arg6[%add3A_13, %dma_wait3A] : memref<10240x128xf32, #tpu.memory_space<vmem_shared>> -> memref<80x128xf32, #tpu.memory_space<vmem_shared>>
      %dma_wait3A_38 = arith.constant 0 : i32
      %dma_wait3A_39 = tpu.memref_slice %arg6[%add3A_13, %dma_wait3A_38] : memref<10240x128xf32, #tpu.memory_space<vmem_shared>> -> memref<80x128xf32, #tpu.memory_space<vmem_shared>>
      tpu.wait_dma2 semaphore(%run_scoped3A : memref<!tpu.dma_semaphore, #tpu.memory_space<semaphore_mem>>) src(%arg9 : memref<80x128xf32, #tpu.memory_space<vmem>>) dst(%dma_wait3A_39 : memref<80x128xf32, #tpu.memory_space<vmem_shared>>)
      tpu.yield
    }) : () -> ()
    %add3A_14 = arith.constant 160 : i32
    %add3A_15 = arith.addi %mul3A_9, %add3A_14 : i32
    "tpu.region"() ({
      %run_scoped3A = tpu.sem_alloc : memref<!tpu.dma_semaphore, #tpu.memory_space<semaphore_mem>>
      %dma_start3A = arith.constant 0 : i32
      %dma_start3A_34 = tpu.memref_slice %arg6[%add3A_15, %dma_start3A] : memref<10240x128xf32, #tpu.memory_space<vmem_shared>> -> memref<80x128xf32, #tpu.memory_space<vmem_shared>>
      %dma_start3A_35 = arith.constant 0 : i32
      %dma_start3A_36 = tpu.memref_slice %arg6[%add3A_15, %dma_start3A_35] : memref<10240x128xf32, #tpu.memory_space<vmem_shared>> -> memref<80x128xf32, #tpu.memory_space<vmem_shared>>
      tpu.enqueue_dma source(%arg9 : memref<80x128xf32, #tpu.memory_space<vmem>>) target(%dma_start3A_36 : memref<80x128xf32, #tpu.memory_space<vmem_shared>>) target_semaphore(%run_scoped3A : memref<!tpu.dma_semaphore, #tpu.memory_space<semaphore_mem>>)
      %dma_wait3A = arith.constant 0 : i32
      %dma_wait3A_37 = tpu.memref_slice %arg6[%add3A_15, %dma_wait3A] : memref<10240x128xf32, #tpu.memory_space<vmem_shared>> -> memref<80x128xf32, #tpu.memory_space<vmem_shared>>
      %dma_wait3A_38 = arith.constant 0 : i32
      %dma_wait3A_39 = tpu.memref_slice %arg6[%add3A_15, %dma_wait3A_38] : memref<10240x128xf32, #tpu.memory_space<vmem_shared>> -> memref<80x128xf32, #tpu.memory_space<vmem_shared>>
      tpu.wait_dma2 semaphore(%run_scoped3A : memref<!tpu.dma_semaphore, #tpu.memory_space<semaphore_mem>>) src(%arg9 : memref<80x128xf32, #tpu.memory_space<vmem>>) dst(%dma_wait3A_39 : memref<80x128xf32, #tpu.memory_space<vmem_shared>>)
      tpu.yield
    }) : () -> ()
    %add3A_16 = arith.constant 240 : i32
    %add3A_17 = arith.addi %mul3A_9, %add3A_16 : i32
    "tpu.region"() ({
      %run_scoped3A = tpu.sem_alloc : memref<!tpu.dma_semaphore, #tpu.memory_space<semaphore_mem>>
      %dma_start3A = arith.constant 0 : i32
      %dma_start3A_34 = tpu.memref_slice %arg6[%add3A_17, %dma_start3A] : memref<10240x128xf32, #tpu.memory_space<vmem_shared>> -> memref<80x128xf32, #tpu.memory_space<vmem_shared>>
      %dma_start3A_35 = arith.constant 0 : i32
      %dma_start3A_36 = tpu.memref_slice %arg6[%add3A_17, %dma_start3A_35] : memref<10240x128xf32, #tpu.memory_space<vmem_shared>> -> memref<80x128xf32, #tpu.memory_space<vmem_shared>>
      tpu.enqueue_dma source(%arg9 : memref<80x128xf32, #tpu.memory_space<vmem>>) target(%dma_start3A_36 : memref<80x128xf32, #tpu.memory_space<vmem_shared>>) target_semaphore(%run_scoped3A : memref<!tpu.dma_semaphore, #tpu.memory_space<semaphore_mem>>)
      %dma_wait3A = arith.constant 0 : i32
      %dma_wait3A_37 = tpu.memref_slice %arg6[%add3A_17, %dma_wait3A] : memref<10240x128xf32, #tpu.memory_space<vmem_shared>> -> memref<80x128xf32, #tpu.memory_space<vmem_shared>>
      %dma_wait3A_38 = arith.constant 0 : i32
      %dma_wait3A_39 = tpu.memref_slice %arg6[%add3A_17, %dma_wait3A_38] : memref<10240x128xf32, #tpu.memory_space<vmem_shared>> -> memref<80x128xf32, #tpu.memory_space<vmem_shared>>
      tpu.wait_dma2 semaphore(%run_scoped3A : memref<!tpu.dma_semaphore, #tpu.memory_space<semaphore_mem>>) src(%arg9 : memref<80x128xf32, #tpu.memory_space<vmem>>) dst(%dma_wait3A_39 : memref<80x128xf32, #tpu.memory_space<vmem_shared>>)
      tpu.yield
    }) : () -> ()
    %add3A_18 = arith.constant 320 : i32
    %add3A_19 = arith.addi %mul3A_9, %add3A_18 : i32
    "tpu.region"() ({
      %run_scoped3A = tpu.sem_alloc : memref<!tpu.dma_semaphore, #tpu.memory_space<semaphore_mem>>
      %dma_start3A = arith.constant 0 : i32
      %dma_start3A_34 = tpu.memref_slice %arg6[%add3A_19, %dma_start3A] : memref<10240x128xf32, #tpu.memory_space<vmem_shared>> -> memref<80x128xf32, #tpu.memory_space<vmem_shared>>
      %dma_start3A_35 = arith.constant 0 : i32
      %dma_start3A_36 = tpu.memref_slice %arg6[%add3A_19, %dma_start3A_35] : memref<10240x128xf32, #tpu.memory_space<vmem_shared>> -> memref<80x128xf32, #tpu.memory_space<vmem_shared>>
      tpu.enqueue_dma source(%arg9 : memref<80x128xf32, #tpu.memory_space<vmem>>) target(%dma_start3A_36 : memref<80x128xf32, #tpu.memory_space<vmem_shared>>) target_semaphore(%run_scoped3A : memref<!tpu.dma_semaphore, #tpu.memory_space<semaphore_mem>>)
      %dma_wait3A = arith.constant 0 : i32
      %dma_wait3A_37 = tpu.memref_slice %arg6[%add3A_19, %dma_wait3A] : memref<10240x128xf32, #tpu.memory_space<vmem_shared>> -> memref<80x128xf32, #tpu.memory_space<vmem_shared>>
      %dma_wait3A_38 = arith.constant 0 : i32
      %dma_wait3A_39 = tpu.memref_slice %arg6[%add3A_19, %dma_wait3A_38] : memref<10240x128xf32, #tpu.memory_space<vmem_shared>> -> memref<80x128xf32, #tpu.memory_space<vmem_shared>>
      tpu.wait_dma2 semaphore(%run_scoped3A : memref<!tpu.dma_semaphore, #tpu.memory_space<semaphore_mem>>) src(%arg9 : memref<80x128xf32, #tpu.memory_space<vmem>>) dst(%dma_wait3A_39 : memref<80x128xf32, #tpu.memory_space<vmem_shared>>)
      tpu.yield
    }) : () -> ()
    %add3A_20 = arith.constant 400 : i32
    %add3A_21 = arith.addi %mul3A_9, %add3A_20 : i32
    "tpu.region"() ({
      %run_scoped3A = tpu.sem_alloc : memref<!tpu.dma_semaphore, #tpu.memory_space<semaphore_mem>>
      %dma_start3A = arith.constant 0 : i32
      %dma_start3A_34 = tpu.memref_slice %arg6[%add3A_21, %dma_start3A] : memref<10240x128xf32, #tpu.memory_space<vmem_shared>> -> memref<80x128xf32, #tpu.memory_space<vmem_shared>>
      %dma_start3A_35 = arith.constant 0 : i32
      %dma_start3A_36 = tpu.memref_slice %arg6[%add3A_21, %dma_start3A_35] : memref<10240x128xf32, #tpu.memory_space<vmem_shared>> -> memref<80x128xf32, #tpu.memory_space<vmem_shared>>
      tpu.enqueue_dma source(%arg9 : memref<80x128xf32, #tpu.memory_space<vmem>>) target(%dma_start3A_36 : memref<80x128xf32, #tpu.memory_space<vmem_shared>>) target_semaphore(%run_scoped3A : memref<!tpu.dma_semaphore, #tpu.memory_space<semaphore_mem>>)
      %dma_wait3A = arith.constant 0 : i32
      %dma_wait3A_37 = tpu.memref_slice %arg6[%add3A_21, %dma_wait3A] : memref<10240x128xf32, #tpu.memory_space<vmem_shared>> -> memref<80x128xf32, #tpu.memory_space<vmem_shared>>
      %dma_wait3A_38 = arith.constant 0 : i32
      %dma_wait3A_39 = tpu.memref_slice %arg6[%add3A_21, %dma_wait3A_38] : memref<10240x128xf32, #tpu.memory_space<vmem_shared>> -> memref<80x128xf32, #tpu.memory_space<vmem_shared>>
      tpu.wait_dma2 semaphore(%run_scoped3A : memref<!tpu.dma_semaphore, #tpu.memory_space<semaphore_mem>>) src(%arg9 : memref<80x128xf32, #tpu.memory_space<vmem>>) dst(%dma_wait3A_39 : memref<80x128xf32, #tpu.memory_space<vmem_shared>>)
      tpu.yield
    }) : () -> ()
    %add3A_22 = arith.constant 480 : i32
    %add3A_23 = arith.addi %mul3A_9, %add3A_22 : i32
    "tpu.region"() ({
      %run_scoped3A = tpu.sem_alloc : memref<!tpu.dma_semaphore, #tpu.memory_space<semaphore_mem>>
      %dma_start3A = arith.constant 0 : i32
      %dma_start3A_34 = tpu.memref_slice %arg6[%add3A_23, %dma_start3A] : memref<10240x128xf32, #tpu.memory_space<vmem_shared>> -> memref<80x128xf32, #tpu.memory_space<vmem_shared>>
      %dma_start3A_35 = arith.constant 0 : i32
      %dma_start3A_36 = tpu.memref_slice %arg6[%add3A_23, %dma_start3A_35] : memref<10240x128xf32, #tpu.memory_space<vmem_shared>> -> memref<80x128xf32, #tpu.memory_space<vmem_shared>>
      tpu.enqueue_dma source(%arg9 : memref<80x128xf32, #tpu.memory_space<vmem>>) target(%dma_start3A_36 : memref<80x128xf32, #tpu.memory_space<vmem_shared>>) target_semaphore(%run_scoped3A : memref<!tpu.dma_semaphore, #tpu.memory_space<semaphore_mem>>)
      %dma_wait3A = arith.constant 0 : i32
      %dma_wait3A_37 = tpu.memref_slice %arg6[%add3A_23, %dma_wait3A] : memref<10240x128xf32, #tpu.memory_space<vmem_shared>> -> memref<80x128xf32, #tpu.memory_space<vmem_shared>>
      %dma_wait3A_38 = arith.constant 0 : i32
      %dma_wait3A_39 = tpu.memref_slice %arg6[%add3A_23, %dma_wait3A_38] : memref<10240x128xf32, #tpu.memory_space<vmem_shared>> -> memref<80x128xf32, #tpu.memory_space<vmem_shared>>
      tpu.wait_dma2 semaphore(%run_scoped3A : memref<!tpu.dma_semaphore, #tpu.memory_space<semaphore_mem>>) src(%arg9 : memref<80x128xf32, #tpu.memory_space<vmem>>) dst(%dma_wait3A_39 : memref<80x128xf32, #tpu.memory_space<vmem_shared>>)
      tpu.yield
    }) : () -> ()
    %add3A_24 = arith.constant 560 : i32
    %add3A_25 = arith.addi %mul3A_9, %add3A_24 : i32
    "tpu.region"() ({
      %run_scoped3A = tpu.sem_alloc : memref<!tpu.dma_semaphore, #tpu.memory_space<semaphore_mem>>
      %dma_start3A = arith.constant 0 : i32
      %dma_start3A_34 = tpu.memref_slice %arg6[%add3A_25, %dma_start3A] : memref<10240x128xf32, #tpu.memory_space<vmem_shared>> -> memref<80x128xf32, #tpu.memory_space<vmem_shared>>
      %dma_start3A_35 = arith.constant 0 : i32
      %dma_start3A_36 = tpu.memref_slice %arg6[%add3A_25, %dma_start3A_35] : memref<10240x128xf32, #tpu.memory_space<vmem_shared>> -> memref<80x128xf32, #tpu.memory_space<vmem_shared>>
      tpu.enqueue_dma source(%arg9 : memref<80x128xf32, #tpu.memory_space<vmem>>) target(%dma_start3A_36 : memref<80x128xf32, #tpu.memory_space<vmem_shared>>) target_semaphore(%run_scoped3A : memref<!tpu.dma_semaphore, #tpu.memory_space<semaphore_mem>>)
      %dma_wait3A = arith.constant 0 : i32
      %dma_wait3A_37 = tpu.memref_slice %arg6[%add3A_25, %dma_wait3A] : memref<10240x128xf32, #tpu.memory_space<vmem_shared>> -> memref<80x128xf32, #tpu.memory_space<vmem_shared>>
      %dma_wait3A_38 = arith.constant 0 : i32
      %dma_wait3A_39 = tpu.memref_slice %arg6[%add3A_25, %dma_wait3A_38] : memref<10240x128xf32, #tpu.memory_space<vmem_shared>> -> memref<80x128xf32, #tpu.memory_space<vmem_shared>>
      tpu.wait_dma2 semaphore(%run_scoped3A : memref<!tpu.dma_semaphore, #tpu.memory_space<semaphore_mem>>) src(%arg9 : memref<80x128xf32, #tpu.memory_space<vmem>>) dst(%dma_wait3A_39 : memref<80x128xf32, #tpu.memory_space<vmem_shared>>)
      tpu.yield
    }) : () -> ()
    %barrier3A = arith.constant 0 : index
    tpu.barrier barrier_id(%barrier3A)
    %scan3A_26 = arith.constant 0 : i32
    %scan3A_27 = arith.constant 0 : i32
    %scan3A_28 = arith.constant 5 : i32
    %scan3A_29 = arith.addi %scan3A_27, %scan3A_28 : i32
    %scan3A_30 = arith.constant 1 : i32
    %scan3A_31 = scf.for %scan3A_34 = %scan3A_27 to %scan3A_29 step %scan3A_30 iter_args(%scan3A_35 = %scan3A_26) -> (i32)  : i32 {
      "tpu.region"() ({
        %run_scoped3A = tpu.sem_alloc : memref<!tpu.dma_semaphore, #tpu.memory_space<semaphore_mem>>
        %dma_start3A_735 = arith.constant 0 : i32
        %dma_start3A_736 = arith.constant 0 : i32
        %dma_start3A_737 = tpu.memref_slice %arg3[%add3A, %scan3A_34, %dma_start3A_735, %dma_start3A_736] : memref<32x5x25x80xi32, #tpu.memory_space<hbm>> -> memref<1x1x25x80xi32, #tpu.memory_space<hbm>>
        %dma_start3A_738 = tpu.memref_squeeze %dma_start3A_737 : memref<1x1x25x80xi32, #tpu.memory_space<hbm>> -> memref<25x80xi32, #tpu.memory_space<hbm>>
        %dma_start3A_739 = arith.constant 0 : i32
        %dma_start3A_740 = arith.constant 0 : i32
        %dma_start3A_741 = tpu.memref_slice %arg3[%add3A, %scan3A_34, %dma_start3A_739, %dma_start3A_740] : memref<32x5x25x80xi32, #tpu.memory_space<hbm>> -> memref<1x1x25x80xi32, #tpu.memory_space<hbm>>
        %dma_start3A_742 = tpu.memref_squeeze %dma_start3A_741 : memref<1x1x25x80xi32, #tpu.memory_space<hbm>> -> memref<25x80xi32, #tpu.memory_space<hbm>>
        tpu.enqueue_dma source(%dma_start3A_742 : memref<25x80xi32, #tpu.memory_space<hbm>>) target(%arg7 : memref<25x80xi32, #tpu.memory_space<vmem>>) target_semaphore(%run_scoped3A : memref<!tpu.dma_semaphore, #tpu.memory_space<semaphore_mem>>)
        %dma_wait3A_743 = arith.constant 0 : i32
        %dma_wait3A_744 = arith.constant 0 : i32
        %dma_wait3A_745 = tpu.memref_slice %arg3[%add3A, %scan3A_34, %dma_wait3A_743, %dma_wait3A_744] : memref<32x5x25x80xi32, #tpu.memory_space<hbm>> -> memref<1x1x25x80xi32, #tpu.memory_space<hbm>>
        %dma_wait3A_746 = tpu.memref_squeeze %dma_wait3A_745 : memref<1x1x25x80xi32, #tpu.memory_space<hbm>> -> memref<25x80xi32, #tpu.memory_space<hbm>>
        %dma_wait3A_747 = arith.constant 0 : i32
        %dma_wait3A_748 = arith.constant 0 : i32
        %dma_wait3A_749 = tpu.memref_slice %arg3[%add3A, %scan3A_34, %dma_wait3A_747, %dma_wait3A_748] : memref<32x5x25x80xi32, #tpu.memory_space<hbm>> -> memref<1x1x25x80xi32, #tpu.memory_space<hbm>>
        %dma_wait3A_750 = tpu.memref_squeeze %dma_wait3A_749 : memref<1x1x25x80xi32, #tpu.memory_space<hbm>> -> memref<25x80xi32, #tpu.memory_space<hbm>>
        tpu.wait_dma2 semaphore(%run_scoped3A : memref<!tpu.dma_semaphore, #tpu.memory_space<semaphore_mem>>) src(%dma_wait3A_750 : memref<25x80xi32, #tpu.memory_space<hbm>>) dst(%arg7 : memref<25x80xi32, #tpu.memory_space<vmem>>)
        tpu.yield
      }) : () -> ()
      "tpu.region"() ({
        %run_scoped3A = tpu.sem_alloc : memref<!tpu.dma_semaphore, #tpu.memory_space<semaphore_mem>>
        %dma_start3A_735 = arith.constant 0 : i32
        %dma_start3A_736 = arith.constant 0 : i32
        %dma_start3A_737 = tpu.memref_slice %arg4[%add3A, %scan3A_34, %dma_start3A_735, %dma_start3A_736] : memref<32x5x25x80xi32, #tpu.memory_space<hbm>> -> memref<1x1x25x80xi32, #tpu.memory_space<hbm>>
        %dma_start3A_738 = tpu.memref_squeeze %dma_start3A_737 : memref<1x1x25x80xi32, #tpu.memory_space<hbm>> -> memref<25x80xi32, #tpu.memory_space<hbm>>
        %dma_start3A_739 = arith.constant 0 : i32
        %dma_start3A_740 = arith.constant 0 : i32
        %dma_start3A_741 = tpu.memref_slice %arg4[%add3A, %scan3A_34, %dma_start3A_739, %dma_start3A_740] : memref<32x5x25x80xi32, #tpu.memory_space<hbm>> -> memref<1x1x25x80xi32, #tpu.memory_space<hbm>>
        %dma_start3A_742 = tpu.memref_squeeze %dma_start3A_741 : memref<1x1x25x80xi32, #tpu.memory_space<hbm>> -> memref<25x80xi32, #tpu.memory_space<hbm>>
        tpu.enqueue_dma source(%dma_start3A_742 : memref<25x80xi32, #tpu.memory_space<hbm>>) target(%arg8 : memref<25x80xi32, #tpu.memory_space<vmem>>) target_semaphore(%run_scoped3A : memref<!tpu.dma_semaphore, #tpu.memory_space<semaphore_mem>>)
        %dma_wait3A_743 = arith.constant 0 : i32
        %dma_wait3A_744 = arith.constant 0 : i32
        %dma_wait3A_745 = tpu.memref_slice %arg4[%add3A, %scan3A_34, %dma_wait3A_743, %dma_wait3A_744] : memref<32x5x25x80xi32, #tpu.memory_space<hbm>> -> memref<1x1x25x80xi32, #tpu.memory_space<hbm>>
        %dma_wait3A_746 = tpu.memref_squeeze %dma_wait3A_745 : memref<1x1x25x80xi32, #tpu.memory_space<hbm>> -> memref<25x80xi32, #tpu.memory_space<hbm>>
        %dma_wait3A_747 = arith.constant 0 : i32
        %dma_wait3A_748 = arith.constant 0 : i32
        %dma_wait3A_749 = tpu.memref_slice %arg4[%add3A, %scan3A_34, %dma_wait3A_747, %dma_wait3A_748] : memref<32x5x25x80xi32, #tpu.memory_space<hbm>> -> memref<1x1x25x80xi32, #tpu.memory_space<hbm>>
        %dma_wait3A_750 = tpu.memref_squeeze %dma_wait3A_749 : memref<1x1x25x80xi32, #tpu.memory_space<hbm>> -> memref<25x80xi32, #tpu.memory_space<hbm>>
        tpu.wait_dma2 semaphore(%run_scoped3A : memref<!tpu.dma_semaphore, #tpu.memory_space<semaphore_mem>>) src(%dma_wait3A_750 : memref<25x80xi32, #tpu.memory_space<hbm>>) dst(%arg8 : memref<25x80xi32, #tpu.memory_space<vmem>>)
        tpu.yield
      }) : () -> ()
      %dma_start3A = arith.constant 0 : i32
      %dma_start3A_36 = arith.constant 0 : i32
      %dma_start3A_37 = tpu.memref_slice %arg7[%dma_start3A, %dma_start3A_36] : memref<25x80xi32, #tpu.memory_space<vmem>> -> memref<1x80xi32, #tpu.memory_space<vmem>>
      %dma_start3A_38 = tpu.memref_squeeze %dma_start3A_37 : memref<1x80xi32, #tpu.memory_space<vmem>> -> memref<80xi32, #tpu.memory_space<vmem>>
      %dma_start3A_39 = arith.constant 0 : i32
      %dma_start3A_40 = arith.constant 0 : i32
      %dma_start3A_41 = tpu.memref_slice %arg2[%dma_start3A_39, %dma_start3A_40] : memref<10000x128xf32, #tpu.memory_space<hbm>> -> memref<10000x128xf32, #tpu.memory_space<hbm>>
      tpu.enqueue_indirect_dma source(%dma_start3A_41 : memref<10000x128xf32, #tpu.memory_space<hbm>>) target(%arg9 : memref<80x128xf32, #tpu.memory_space<vmem>>) offsets(%dma_start3A_38 : memref<80xi32, #tpu.memory_space<vmem>>) semaphore(%arg13 : memref<!tpu.dma_semaphore, #tpu.memory_space<semaphore_mem>>)
      %dma_start3A_42 = arith.constant 1 : i32
      %dma_start3A_43 = arith.constant 0 : i32
      %dma_start3A_44 = tpu.memref_slice %arg7[%dma_start3A_42, %dma_start3A_43] : memref<25x80xi32, #tpu.memory_space<vmem>> -> memref<1x80xi32, #tpu.memory_space<vmem>>
      %dma_start3A_45 = tpu.memref_squeeze %dma_start3A_44 : memref<1x80xi32, #tpu.memory_space<vmem>> -> memref<80xi32, #tpu.memory_space<vmem>>
      %dma_start3A_46 = arith.constant 0 : i32
      %dma_start3A_47 = arith.constant 0 : i32
      %dma_start3A_48 = tpu.memref_slice %arg2[%dma_start3A_46, %dma_start3A_47] : memref<10000x128xf32, #tpu.memory_space<hbm>> -> memref<10000x128xf32, #tpu.memory_space<hbm>>
      tpu.enqueue_indirect_dma source(%dma_start3A_48 : memref<10000x128xf32, #tpu.memory_space<hbm>>) target(%arg10 : memref<80x128xf32, #tpu.memory_space<vmem>>) offsets(%dma_start3A_45 : memref<80xi32, #tpu.memory_space<vmem>>) semaphore(%arg14 : memref<!tpu.dma_semaphore, #tpu.memory_space<semaphore_mem>>)
      %dma_start3A_49 = arith.constant 2 : i32
      %dma_start3A_50 = arith.constant 0 : i32
      %dma_start3A_51 = tpu.memref_slice %arg7[%dma_start3A_49, %dma_start3A_50] : memref<25x80xi32, #tpu.memory_space<vmem>> -> memref<1x80xi32, #tpu.memory_space<vmem>>
      %dma_start3A_52 = tpu.memref_squeeze %dma_start3A_51 : memref<1x80xi32, #tpu.memory_space<vmem>> -> memref<80xi32, #tpu.memory_space<vmem>>
      %dma_start3A_53 = arith.constant 0 : i32
      %dma_start3A_54 = arith.constant 0 : i32
      %dma_start3A_55 = tpu.memref_slice %arg2[%dma_start3A_53, %dma_start3A_54] : memref<10000x128xf32, #tpu.memory_space<hbm>> -> memref<10000x128xf32, #tpu.memory_space<hbm>>
      tpu.enqueue_indirect_dma source(%dma_start3A_55 : memref<10000x128xf32, #tpu.memory_space<hbm>>) target(%arg11 : memref<80x128xf32, #tpu.memory_space<vmem>>) offsets(%dma_start3A_52 : memref<80xi32, #tpu.memory_space<vmem>>) semaphore(%arg15 : memref<!tpu.dma_semaphore, #tpu.memory_space<semaphore_mem>>)
      %dma_start3A_56 = arith.constant 3 : i32
      %dma_start3A_57 = arith.constant 0 : i32
      %dma_start3A_58 = tpu.memref_slice %arg7[%dma_start3A_56, %dma_start3A_57] : memref<25x80xi32, #tpu.memory_space<vmem>> -> memref<1x80xi32, #tpu.memory_space<vmem>>
      %dma_start3A_59 = tpu.memref_squeeze %dma_start3A_58 : memref<1x80xi32, #tpu.memory_space<vmem>> -> memref<80xi32, #tpu.memory_space<vmem>>
      %dma_start3A_60 = arith.constant 0 : i32
      %dma_start3A_61 = arith.constant 0 : i32
      %dma_start3A_62 = tpu.memref_slice %arg2[%dma_start3A_60, %dma_start3A_61] : memref<10000x128xf32, #tpu.memory_space<hbm>> -> memref<10000x128xf32, #tpu.memory_space<hbm>>
      tpu.enqueue_indirect_dma source(%dma_start3A_62 : memref<10000x128xf32, #tpu.memory_space<hbm>>) target(%arg12 : memref<80x128xf32, #tpu.memory_space<vmem>>) offsets(%dma_start3A_59 : memref<80xi32, #tpu.memory_space<vmem>>) semaphore(%arg16 : memref<!tpu.dma_semaphore, #tpu.memory_space<semaphore_mem>>)
      %dma_wait3A = arith.constant 0 : i32
      %dma_wait3A_63 = arith.constant 0 : i32
      %dma_wait3A_64 = tpu.memref_slice %arg7[%dma_wait3A, %dma_wait3A_63] : memref<25x80xi32, #tpu.memory_space<vmem>> -> memref<1x80xi32, #tpu.memory_space<vmem>>
      %dma_wait3A_65 = tpu.memref_squeeze %dma_wait3A_64 : memref<1x80xi32, #tpu.memory_space<vmem>> -> memref<80xi32, #tpu.memory_space<vmem>>
      %dma_wait3A_66 = arith.constant 0 : i32
      %dma_wait3A_67 = arith.constant 0 : i32
      %dma_wait3A_68 = tpu.memref_slice %arg2[%dma_wait3A_66, %dma_wait3A_67] : memref<10000x128xf32, #tpu.memory_space<hbm>> -> memref<10000x128xf32, #tpu.memory_space<hbm>>
      tpu.wait_indirect_dma semaphore(%arg13 : memref<!tpu.dma_semaphore, #tpu.memory_space<semaphore_mem>>) src(%dma_wait3A_68 : memref<10000x128xf32, #tpu.memory_space<hbm>>) dst(%arg9 : memref<80x128xf32, #tpu.memory_space<vmem>>)
      %dma_start3A_69 = arith.constant 0 : i32
      %dma_start3A_70 = arith.constant 0 : i32
      %dma_start3A_71 = tpu.memref_slice %arg8[%dma_start3A_69, %dma_start3A_70] : memref<25x80xi32, #tpu.memory_space<vmem>> -> memref<1x80xi32, #tpu.memory_space<vmem>>
      %dma_start3A_72 = tpu.memref_squeeze %dma_start3A_71 : memref<1x80xi32, #tpu.memory_space<vmem>> -> memref<80xi32, #tpu.memory_space<vmem>>
      %dma_start3A_73 = arith.constant 0 : i32
      %dma_start3A_74 = arith.constant 0 : i32
      %dma_start3A_75 = tpu.memref_slice %arg6[%dma_start3A_73, %dma_start3A_74] : memref<10240x128xf32, #tpu.memory_space<vmem_shared>> -> memref<10240x128xf32, #tpu.memory_space<vmem_shared>>
      tpu.enqueue_indirect_dma source(%arg9 : memref<80x128xf32, #tpu.memory_space<vmem>>) target(%dma_start3A_75 : memref<10240x128xf32, #tpu.memory_space<vmem_shared>>) offsets(%dma_start3A_72 : memref<80xi32, #tpu.memory_space<vmem>>) semaphore(%arg17 : memref<!tpu.dma_semaphore, #tpu.memory_space<semaphore_mem>>) {add = true}
      %dma_wait3A_76 = arith.constant 0 : i32
      %dma_wait3A_77 = arith.constant 0 : i32
      %dma_wait3A_78 = tpu.memref_slice %arg8[%dma_wait3A_76, %dma_wait3A_77] : memref<25x80xi32, #tpu.memory_space<vmem>> -> memref<1x80xi32, #tpu.memory_space<vmem>>
      %dma_wait3A_79 = tpu.memref_squeeze %dma_wait3A_78 : memref<1x80xi32, #tpu.memory_space<vmem>> -> memref<80xi32, #tpu.memory_space<vmem>>
      %dma_wait3A_80 = arith.constant 0 : i32
      %dma_wait3A_81 = arith.constant 0 : i32
      %dma_wait3A_82 = tpu.memref_slice %arg6[%dma_wait3A_80, %dma_wait3A_81] : memref<10240x128xf32, #tpu.memory_space<vmem_shared>> -> memref<10240x128xf32, #tpu.memory_space<vmem_shared>>
      tpu.wait_indirect_dma semaphore(%arg17 : memref<!tpu.dma_semaphore, #tpu.memory_space<semaphore_mem>>) src(%arg9 : memref<80x128xf32, #tpu.memory_space<vmem>>) dst(%dma_wait3A_82 : memref<10240x128xf32, #tpu.memory_space<vmem_shared>>)
      %dma_start3A_83 = arith.constant 4 : i32
      %dma_start3A_84 = arith.constant 0 : i32
      %dma_start3A_85 = tpu.memref_slice %arg7[%dma_start3A_83, %dma_start3A_84] : memref<25x80xi32, #tpu.memory_space<vmem>> -> memref<1x80xi32, #tpu.memory_space<vmem>>
      %dma_start3A_86 = tpu.memref_squeeze %dma_start3A_85 : memref<1x80xi32, #tpu.memory_space<vmem>> -> memref<80xi32, #tpu.memory_space<vmem>>
      %dma_start3A_87 = arith.constant 0 : i32
      %dma_start3A_88 = arith.constant 0 : i32
      %dma_start3A_89 = tpu.memref_slice %arg2[%dma_start3A_87, %dma_start3A_88] : memref<10000x128xf32, #tpu.memory_space<hbm>> -> memref<10000x128xf32, #tpu.memory_space<hbm>>
      tpu.enqueue_indirect_dma source(%dma_start3A_89 : memref<10000x128xf32, #tpu.memory_space<hbm>>) target(%arg9 : memref<80x128xf32, #tpu.memory_space<vmem>>) offsets(%dma_start3A_86 : memref<80xi32, #tpu.memory_space<vmem>>) semaphore(%arg13 : memref<!tpu.dma_semaphore, #tpu.memory_space<semaphore_mem>>)
      %dma_wait3A_90 = arith.constant 1 : i32
      %dma_wait3A_91 = arith.constant 0 : i32
      %dma_wait3A_92 = tpu.memref_slice %arg7[%dma_wait3A_90, %dma_wait3A_91] : memref<25x80xi32, #tpu.memory_space<vmem>> -> memref<1x80xi32, #tpu.memory_space<vmem>>
      %dma_wait3A_93 = tpu.memref_squeeze %dma_wait3A_92 : memref<1x80xi32, #tpu.memory_space<vmem>> -> memref<80xi32, #tpu.memory_space<vmem>>
      %dma_wait3A_94 = arith.constant 0 : i32
      %dma_wait3A_95 = arith.constant 0 : i32
      %dma_wait3A_96 = tpu.memref_slice %arg2[%dma_wait3A_94, %dma_wait3A_95] : memref<10000x128xf32, #tpu.memory_space<hbm>> -> memref<10000x128xf32, #tpu.memory_space<hbm>>
      tpu.wait_indirect_dma semaphore(%arg14 : memref<!tpu.dma_semaphore, #tpu.memory_space<semaphore_mem>>) src(%dma_wait3A_96 : memref<10000x128xf32, #tpu.memory_space<hbm>>) dst(%arg10 : memref<80x128xf32, #tpu.memory_space<vmem>>)
      %dma_start3A_97 = arith.constant 1 : i32
      %dma_start3A_98 = arith.constant 0 : i32
      %dma_start3A_99 = tpu.memref_slice %arg8[%dma_start3A_97, %dma_start3A_98] : memref<25x80xi32, #tpu.memory_space<vmem>> -> memref<1x80xi32, #tpu.memory_space<vmem>>
      %dma_start3A_100 = tpu.memref_squeeze %dma_start3A_99 : memref<1x80xi32, #tpu.memory_space<vmem>> -> memref<80xi32, #tpu.memory_space<vmem>>
      %dma_start3A_101 = arith.constant 0 : i32
      %dma_start3A_102 = arith.constant 0 : i32
      %dma_start3A_103 = tpu.memref_slice %arg6[%dma_start3A_101, %dma_start3A_102] : memref<10240x128xf32, #tpu.memory_space<vmem_shared>> -> memref<10240x128xf32, #tpu.memory_space<vmem_shared>>
      tpu.enqueue_indirect_dma source(%arg10 : memref<80x128xf32, #tpu.memory_space<vmem>>) target(%dma_start3A_103 : memref<10240x128xf32, #tpu.memory_space<vmem_shared>>) offsets(%dma_start3A_100 : memref<80xi32, #tpu.memory_space<vmem>>) semaphore(%arg18 : memref<!tpu.dma_semaphore, #tpu.memory_space<semaphore_mem>>) {add = true}
      %dma_wait3A_104 = arith.constant 1 : i32
      %dma_wait3A_105 = arith.constant 0 : i32
      %dma_wait3A_106 = tpu.memref_slice %arg8[%dma_wait3A_104, %dma_wait3A_105] : memref<25x80xi32, #tpu.memory_space<vmem>> -> memref<1x80xi32, #tpu.memory_space<vmem>>
      %dma_wait3A_107 = tpu.memref_squeeze %dma_wait3A_106 : memref<1x80xi32, #tpu.memory_space<vmem>> -> memref<80xi32, #tpu.memory_space<vmem>>
      %dma_wait3A_108 = arith.constant 0 : i32
      %dma_wait3A_109 = arith.constant 0 : i32
      %dma_wait3A_110 = tpu.memref_slice %arg6[%dma_wait3A_108, %dma_wait3A_109] : memref<10240x128xf32, #tpu.memory_space<vmem_shared>> -> memref<10240x128xf32, #tpu.memory_space<vmem_shared>>
      tpu.wait_indirect_dma semaphore(%arg18 : memref<!tpu.dma_semaphore, #tpu.memory_space<semaphore_mem>>) src(%arg10 : memref<80x128xf32, #tpu.memory_space<vmem>>) dst(%dma_wait3A_110 : memref<10240x128xf32, #tpu.memory_space<vmem_shared>>)
      %dma_start3A_111 = arith.constant 5 : i32
      %dma_start3A_112 = arith.constant 0 : i32
      %dma_start3A_113 = tpu.memref_slice %arg7[%dma_start3A_111, %dma_start3A_112] : memref<25x80xi32, #tpu.memory_space<vmem>> -> memref<1x80xi32, #tpu.memory_space<vmem>>
      %dma_start3A_114 = tpu.memref_squeeze %dma_start3A_113 : memref<1x80xi32, #tpu.memory_space<vmem>> -> memref<80xi32, #tpu.memory_space<vmem>>
      %dma_start3A_115 = arith.constant 0 : i32
      %dma_start3A_116 = arith.constant 0 : i32
      %dma_start3A_117 = tpu.memref_slice %arg2[%dma_start3A_115, %dma_start3A_116] : memref<10000x128xf32, #tpu.memory_space<hbm>> -> memref<10000x128xf32, #tpu.memory_space<hbm>>
      tpu.enqueue_indirect_dma source(%dma_start3A_117 : memref<10000x128xf32, #tpu.memory_space<hbm>>) target(%arg10 : memref<80x128xf32, #tpu.memory_space<vmem>>) offsets(%dma_start3A_114 : memref<80xi32, #tpu.memory_space<vmem>>) semaphore(%arg14 : memref<!tpu.dma_semaphore, #tpu.memory_space<semaphore_mem>>)
      %dma_wait3A_118 = arith.constant 2 : i32
      %dma_wait3A_119 = arith.constant 0 : i32
      %dma_wait3A_120 = tpu.memref_slice %arg7[%dma_wait3A_118, %dma_wait3A_119] : memref<25x80xi32, #tpu.memory_space<vmem>> -> memref<1x80xi32, #tpu.memory_space<vmem>>
      %dma_wait3A_121 = tpu.memref_squeeze %dma_wait3A_120 : memref<1x80xi32, #tpu.memory_space<vmem>> -> memref<80xi32, #tpu.memory_space<vmem>>
      %dma_wait3A_122 = arith.constant 0 : i32
      %dma_wait3A_123 = arith.constant 0 : i32
      %dma_wait3A_124 = tpu.memref_slice %arg2[%dma_wait3A_122, %dma_wait3A_123] : memref<10000x128xf32, #tpu.memory_space<hbm>> -> memref<10000x128xf32, #tpu.memory_space<hbm>>
      tpu.wait_indirect_dma semaphore(%arg15 : memref<!tpu.dma_semaphore, #tpu.memory_space<semaphore_mem>>) src(%dma_wait3A_124 : memref<10000x128xf32, #tpu.memory_space<hbm>>) dst(%arg11 : memref<80x128xf32, #tpu.memory_space<vmem>>)
      %dma_start3A_125 = arith.constant 2 : i32
      %dma_start3A_126 = arith.constant 0 : i32
      %dma_start3A_127 = tpu.memref_slice %arg8[%dma_start3A_125, %dma_start3A_126] : memref<25x80xi32, #tpu.memory_space<vmem>> -> memref<1x80xi32, #tpu.memory_space<vmem>>
      %dma_start3A_128 = tpu.memref_squeeze %dma_start3A_127 : memref<1x80xi32, #tpu.memory_space<vmem>> -> memref<80xi32, #tpu.memory_space<vmem>>
      %dma_start3A_129 = arith.constant 0 : i32
      %dma_start3A_130 = arith.constant 0 : i32
      %dma_start3A_131 = tpu.memref_slice %arg6[%dma_start3A_129, %dma_start3A_130] : memref<10240x128xf32, #tpu.memory_space<vmem_shared>> -> memref<10240x128xf32, #tpu.memory_space<vmem_shared>>
      tpu.enqueue_indirect_dma source(%arg11 : memref<80x128xf32, #tpu.memory_space<vmem>>) target(%dma_start3A_131 : memref<10240x128xf32, #tpu.memory_space<vmem_shared>>) offsets(%dma_start3A_128 : memref<80xi32, #tpu.memory_space<vmem>>) semaphore(%arg19 : memref<!tpu.dma_semaphore, #tpu.memory_space<semaphore_mem>>) {add = true}
      %dma_wait3A_132 = arith.constant 2 : i32
      %dma_wait3A_133 = arith.constant 0 : i32
      %dma_wait3A_134 = tpu.memref_slice %arg8[%dma_wait3A_132, %dma_wait3A_133] : memref<25x80xi32, #tpu.memory_space<vmem>> -> memref<1x80xi32, #tpu.memory_space<vmem>>
      %dma_wait3A_135 = tpu.memref_squeeze %dma_wait3A_134 : memref<1x80xi32, #tpu.memory_space<vmem>> -> memref<80xi32, #tpu.memory_space<vmem>>
      %dma_wait3A_136 = arith.constant 0 : i32
      %dma_wait3A_137 = arith.constant 0 : i32
      %dma_wait3A_138 = tpu.memref_slice %arg6[%dma_wait3A_136, %dma_wait3A_137] : memref<10240x128xf32, #tpu.memory_space<vmem_shared>> -> memref<10240x128xf32, #tpu.memory_space<vmem_shared>>
      tpu.wait_indirect_dma semaphore(%arg19 : memref<!tpu.dma_semaphore, #tpu.memory_space<semaphore_mem>>) src(%arg11 : memref<80x128xf32, #tpu.memory_space<vmem>>) dst(%dma_wait3A_138 : memref<10240x128xf32, #tpu.memory_space<vmem_shared>>)
      %dma_start3A_139 = arith.constant 6 : i32
      %dma_start3A_140 = arith.constant 0 : i32
      %dma_start3A_141 = tpu.memref_slice %arg7[%dma_start3A_139, %dma_start3A_140] : memref<25x80xi32, #tpu.memory_space<vmem>> -> memref<1x80xi32, #tpu.memory_space<vmem>>
      %dma_start3A_142 = tpu.memref_squeeze %dma_start3A_141 : memref<1x80xi32, #tpu.memory_space<vmem>> -> memref<80xi32, #tpu.memory_space<vmem>>
      %dma_start3A_143 = arith.constant 0 : i32
      %dma_start3A_144 = arith.constant 0 : i32
      %dma_start3A_145 = tpu.memref_slice %arg2[%dma_start3A_143, %dma_start3A_144] : memref<10000x128xf32, #tpu.memory_space<hbm>> -> memref<10000x128xf32, #tpu.memory_space<hbm>>
      tpu.enqueue_indirect_dma source(%dma_start3A_145 : memref<10000x128xf32, #tpu.memory_space<hbm>>) target(%arg11 : memref<80x128xf32, #tpu.memory_space<vmem>>) offsets(%dma_start3A_142 : memref<80xi32, #tpu.memory_space<vmem>>) semaphore(%arg15 : memref<!tpu.dma_semaphore, #tpu.memory_space<semaphore_mem>>)
      %dma_wait3A_146 = arith.constant 3 : i32
      %dma_wait3A_147 = arith.constant 0 : i32
      %dma_wait3A_148 = tpu.memref_slice %arg7[%dma_wait3A_146, %dma_wait3A_147] : memref<25x80xi32, #tpu.memory_space<vmem>> -> memref<1x80xi32, #tpu.memory_space<vmem>>
      %dma_wait3A_149 = tpu.memref_squeeze %dma_wait3A_148 : memref<1x80xi32, #tpu.memory_space<vmem>> -> memref<80xi32, #tpu.memory_space<vmem>>
      %dma_wait3A_150 = arith.constant 0 : i32
      %dma_wait3A_151 = arith.constant 0 : i32
      %dma_wait3A_152 = tpu.memref_slice %arg2[%dma_wait3A_150, %dma_wait3A_151] : memref<10000x128xf32, #tpu.memory_space<hbm>> -> memref<10000x128xf32, #tpu.memory_space<hbm>>
      tpu.wait_indirect_dma semaphore(%arg16 : memref<!tpu.dma_semaphore, #tpu.memory_space<semaphore_mem>>) src(%dma_wait3A_152 : memref<10000x128xf32, #tpu.memory_space<hbm>>) dst(%arg12 : memref<80x128xf32, #tpu.memory_space<vmem>>)
      %dma_start3A_153 = arith.constant 3 : i32
      %dma_start3A_154 = arith.constant 0 : i32
      %dma_start3A_155 = tpu.memref_slice %arg8[%dma_start3A_153, %dma_start3A_154] : memref<25x80xi32, #tpu.memory_space<vmem>> -> memref<1x80xi32, #tpu.memory_space<vmem>>
      %dma_start3A_156 = tpu.memref_squeeze %dma_start3A_155 : memref<1x80xi32, #tpu.memory_space<vmem>> -> memref<80xi32, #tpu.memory_space<vmem>>
      %dma_start3A_157 = arith.constant 0 : i32
      %dma_start3A_158 = arith.constant 0 : i32
      %dma_start3A_159 = tpu.memref_slice %arg6[%dma_start3A_157, %dma_start3A_158] : memref<10240x128xf32, #tpu.memory_space<vmem_shared>> -> memref<10240x128xf32, #tpu.memory_space<vmem_shared>>
      tpu.enqueue_indirect_dma source(%arg12 : memref<80x128xf32, #tpu.memory_space<vmem>>) target(%dma_start3A_159 : memref<10240x128xf32, #tpu.memory_space<vmem_shared>>) offsets(%dma_start3A_156 : memref<80xi32, #tpu.memory_space<vmem>>) semaphore(%arg20 : memref<!tpu.dma_semaphore, #tpu.memory_space<semaphore_mem>>) {add = true}
      %dma_wait3A_160 = arith.constant 3 : i32
      %dma_wait3A_161 = arith.constant 0 : i32
      %dma_wait3A_162 = tpu.memref_slice %arg8[%dma_wait3A_160, %dma_wait3A_161] : memref<25x80xi32, #tpu.memory_space<vmem>> -> memref<1x80xi32, #tpu.memory_space<vmem>>
      %dma_wait3A_163 = tpu.memref_squeeze %dma_wait3A_162 : memref<1x80xi32, #tpu.memory_space<vmem>> -> memref<80xi32, #tpu.memory_space<vmem>>
      %dma_wait3A_164 = arith.constant 0 : i32
      %dma_wait3A_165 = arith.constant 0 : i32
      %dma_wait3A_166 = tpu.memref_slice %arg6[%dma_wait3A_164, %dma_wait3A_165] : memref<10240x128xf32, #tpu.memory_space<vmem_shared>> -> memref<10240x128xf32, #tpu.memory_space<vmem_shared>>
      tpu.wait_indirect_dma semaphore(%arg20 : memref<!tpu.dma_semaphore, #tpu.memory_space<semaphore_mem>>) src(%arg12 : memref<80x128xf32, #tpu.memory_space<vmem>>) dst(%dma_wait3A_166 : memref<10240x128xf32, #tpu.memory_space<vmem_shared>>)
      %dma_start3A_167 = arith.constant 7 : i32
      %dma_start3A_168 = arith.constant 0 : i32
      %dma_start3A_169 = tpu.memref_slice %arg7[%dma_start3A_167, %dma_start3A_168] : memref<25x80xi32, #tpu.memory_space<vmem>> -> memref<1x80xi32, #tpu.memory_space<vmem>>
      %dma_start3A_170 = tpu.memref_squeeze %dma_start3A_169 : memref<1x80xi32, #tpu.memory_space<vmem>> -> memref<80xi32, #tpu.memory_space<vmem>>
      %dma_start3A_171 = arith.constant 0 : i32
      %dma_start3A_172 = arith.constant 0 : i32
      %dma_start3A_173 = tpu.memref_slice %arg2[%dma_start3A_171, %dma_start3A_172] : memref<10000x128xf32, #tpu.memory_space<hbm>> -> memref<10000x128xf32, #tpu.memory_space<hbm>>
      tpu.enqueue_indirect_dma source(%dma_start3A_173 : memref<10000x128xf32, #tpu.memory_space<hbm>>) target(%arg12 : memref<80x128xf32, #tpu.memory_space<vmem>>) offsets(%dma_start3A_170 : memref<80xi32, #tpu.memory_space<vmem>>) semaphore(%arg16 : memref<!tpu.dma_semaphore, #tpu.memory_space<semaphore_mem>>)
      %dma_wait3A_174 = arith.constant 4 : i32
      %dma_wait3A_175 = arith.constant 0 : i32
      %dma_wait3A_176 = tpu.memref_slice %arg7[%dma_wait3A_174, %dma_wait3A_175] : memref<25x80xi32, #tpu.memory_space<vmem>> -> memref<1x80xi32, #tpu.memory_space<vmem>>
      %dma_wait3A_177 = tpu.memref_squeeze %dma_wait3A_176 : memref<1x80xi32, #tpu.memory_space<vmem>> -> memref<80xi32, #tpu.memory_space<vmem>>
      %dma_wait3A_178 = arith.constant 0 : i32
      %dma_wait3A_179 = arith.constant 0 : i32
      %dma_wait3A_180 = tpu.memref_slice %arg2[%dma_wait3A_178, %dma_wait3A_179] : memref<10000x128xf32, #tpu.memory_space<hbm>> -> memref<10000x128xf32, #tpu.memory_space<hbm>>
      tpu.wait_indirect_dma semaphore(%arg13 : memref<!tpu.dma_semaphore, #tpu.memory_space<semaphore_mem>>) src(%dma_wait3A_180 : memref<10000x128xf32, #tpu.memory_space<hbm>>) dst(%arg9 : memref<80x128xf32, #tpu.memory_space<vmem>>)
      %dma_start3A_181 = arith.constant 4 : i32
      %dma_start3A_182 = arith.constant 0 : i32
      %dma_start3A_183 = tpu.memref_slice %arg8[%dma_start3A_181, %dma_start3A_182] : memref<25x80xi32, #tpu.memory_space<vmem>> -> memref<1x80xi32, #tpu.memory_space<vmem>>
      %dma_start3A_184 = tpu.memref_squeeze %dma_start3A_183 : memref<1x80xi32, #tpu.memory_space<vmem>> -> memref<80xi32, #tpu.memory_space<vmem>>
      %dma_start3A_185 = arith.constant 0 : i32
      %dma_start3A_186 = arith.constant 0 : i32
      %dma_start3A_187 = tpu.memref_slice %arg6[%dma_start3A_185, %dma_start3A_186] : memref<10240x128xf32, #tpu.memory_space<vmem_shared>> -> memref<10240x128xf32, #tpu.memory_space<vmem_shared>>
      tpu.enqueue_indirect_dma source(%arg9 : memref<80x128xf32, #tpu.memory_space<vmem>>) target(%dma_start3A_187 : memref<10240x128xf32, #tpu.memory_space<vmem_shared>>) offsets(%dma_start3A_184 : memref<80xi32, #tpu.memory_space<vmem>>) semaphore(%arg17 : memref<!tpu.dma_semaphore, #tpu.memory_space<semaphore_mem>>) {add = true}
      %dma_wait3A_188 = arith.constant 4 : i32
      %dma_wait3A_189 = arith.constant 0 : i32
      %dma_wait3A_190 = tpu.memref_slice %arg8[%dma_wait3A_188, %dma_wait3A_189] : memref<25x80xi32, #tpu.memory_space<vmem>> -> memref<1x80xi32, #tpu.memory_space<vmem>>
      %dma_wait3A_191 = tpu.memref_squeeze %dma_wait3A_190 : memref<1x80xi32, #tpu.memory_space<vmem>> -> memref<80xi32, #tpu.memory_space<vmem>>
      %dma_wait3A_192 = arith.constant 0 : i32
      %dma_wait3A_193 = arith.constant 0 : i32
      %dma_wait3A_194 = tpu.memref_slice %arg6[%dma_wait3A_192, %dma_wait3A_193] : memref<10240x128xf32, #tpu.memory_space<vmem_shared>> -> memref<10240x128xf32, #tpu.memory_space<vmem_shared>>
      tpu.wait_indirect_dma semaphore(%arg17 : memref<!tpu.dma_semaphore, #tpu.memory_space<semaphore_mem>>) src(%arg9 : memref<80x128xf32, #tpu.memory_space<vmem>>) dst(%dma_wait3A_194 : memref<10240x128xf32, #tpu.memory_space<vmem_shared>>)
      %dma_start3A_195 = arith.constant 8 : i32
      %dma_start3A_196 = arith.constant 0 : i32
      %dma_start3A_197 = tpu.memref_slice %arg7[%dma_start3A_195, %dma_start3A_196] : memref<25x80xi32, #tpu.memory_space<vmem>> -> memref<1x80xi32, #tpu.memory_space<vmem>>
      %dma_start3A_198 = tpu.memref_squeeze %dma_start3A_197 : memref<1x80xi32, #tpu.memory_space<vmem>> -> memref<80xi32, #tpu.memory_space<vmem>>
      %dma_start3A_199 = arith.constant 0 : i32
      %dma_start3A_200 = arith.constant 0 : i32
      %dma_start3A_201 = tpu.memref_slice %arg2[%dma_start3A_199, %dma_start3A_200] : memref<10000x128xf32, #tpu.memory_space<hbm>> -> memref<10000x128xf32, #tpu.memory_space<hbm>>
      tpu.enqueue_indirect_dma source(%dma_start3A_201 : memref<10000x128xf32, #tpu.memory_space<hbm>>) target(%arg9 : memref<80x128xf32, #tpu.memory_space<vmem>>) offsets(%dma_start3A_198 : memref<80xi32, #tpu.memory_space<vmem>>) semaphore(%arg13 : memref<!tpu.dma_semaphore, #tpu.memory_space<semaphore_mem>>)
      %dma_wait3A_202 = arith.constant 5 : i32
      %dma_wait3A_203 = arith.constant 0 : i32
      %dma_wait3A_204 = tpu.memref_slice %arg7[%dma_wait3A_202, %dma_wait3A_203] : memref<25x80xi32, #tpu.memory_space<vmem>> -> memref<1x80xi32, #tpu.memory_space<vmem>>
      %dma_wait3A_205 = tpu.memref_squeeze %dma_wait3A_204 : memref<1x80xi32, #tpu.memory_space<vmem>> -> memref<80xi32, #tpu.memory_space<vmem>>
      %dma_wait3A_206 = arith.constant 0 : i32
      %dma_wait3A_207 = arith.constant 0 : i32
      %dma_wait3A_208 = tpu.memref_slice %arg2[%dma_wait3A_206, %dma_wait3A_207] : memref<10000x128xf32, #tpu.memory_space<hbm>> -> memref<10000x128xf32, #tpu.memory_space<hbm>>
      tpu.wait_indirect_dma semaphore(%arg14 : memref<!tpu.dma_semaphore, #tpu.memory_space<semaphore_mem>>) src(%dma_wait3A_208 : memref<10000x128xf32, #tpu.memory_space<hbm>>) dst(%arg10 : memref<80x128xf32, #tpu.memory_space<vmem>>)
      %dma_start3A_209 = arith.constant 5 : i32
      %dma_start3A_210 = arith.constant 0 : i32
      %dma_start3A_211 = tpu.memref_slice %arg8[%dma_start3A_209, %dma_start3A_210] : memref<25x80xi32, #tpu.memory_space<vmem>> -> memref<1x80xi32, #tpu.memory_space<vmem>>
      %dma_start3A_212 = tpu.memref_squeeze %dma_start3A_211 : memref<1x80xi32, #tpu.memory_space<vmem>> -> memref<80xi32, #tpu.memory_space<vmem>>
      %dma_start3A_213 = arith.constant 0 : i32
      %dma_start3A_214 = arith.constant 0 : i32
      %dma_start3A_215 = tpu.memref_slice %arg6[%dma_start3A_213, %dma_start3A_214] : memref<10240x128xf32, #tpu.memory_space<vmem_shared>> -> memref<10240x128xf32, #tpu.memory_space<vmem_shared>>
      tpu.enqueue_indirect_dma source(%arg10 : memref<80x128xf32, #tpu.memory_space<vmem>>) target(%dma_start3A_215 : memref<10240x128xf32, #tpu.memory_space<vmem_shared>>) offsets(%dma_start3A_212 : memref<80xi32, #tpu.memory_space<vmem>>) semaphore(%arg18 : memref<!tpu.dma_semaphore, #tpu.memory_space<semaphore_mem>>) {add = true}
      %dma_wait3A_216 = arith.constant 5 : i32
      %dma_wait3A_217 = arith.constant 0 : i32
      %dma_wait3A_218 = tpu.memref_slice %arg8[%dma_wait3A_216, %dma_wait3A_217] : memref<25x80xi32, #tpu.memory_space<vmem>> -> memref<1x80xi32, #tpu.memory_space<vmem>>
      %dma_wait3A_219 = tpu.memref_squeeze %dma_wait3A_218 : memref<1x80xi32, #tpu.memory_space<vmem>> -> memref<80xi32, #tpu.memory_space<vmem>>
      %dma_wait3A_220 = arith.constant 0 : i32
      %dma_wait3A_221 = arith.constant 0 : i32
      %dma_wait3A_222 = tpu.memref_slice %arg6[%dma_wait3A_220, %dma_wait3A_221] : memref<10240x128xf32, #tpu.memory_space<vmem_shared>> -> memref<10240x128xf32, #tpu.memory_space<vmem_shared>>
      tpu.wait_indirect_dma semaphore(%arg18 : memref<!tpu.dma_semaphore, #tpu.memory_space<semaphore_mem>>) src(%arg10 : memref<80x128xf32, #tpu.memory_space<vmem>>) dst(%dma_wait3A_222 : memref<10240x128xf32, #tpu.memory_space<vmem_shared>>)
      %dma_start3A_223 = arith.constant 9 : i32
      %dma_start3A_224 = arith.constant 0 : i32
      %dma_start3A_225 = tpu.memref_slice %arg7[%dma_start3A_223, %dma_start3A_224] : memref<25x80xi32, #tpu.memory_space<vmem>> -> memref<1x80xi32, #tpu.memory_space<vmem>>
      %dma_start3A_226 = tpu.memref_squeeze %dma_start3A_225 : memref<1x80xi32, #tpu.memory_space<vmem>> -> memref<80xi32, #tpu.memory_space<vmem>>
      %dma_start3A_227 = arith.constant 0 : i32
      %dma_start3A_228 = arith.constant 0 : i32
      %dma_start3A_229 = tpu.memref_slice %arg2[%dma_start3A_227, %dma_start3A_228] : memref<10000x128xf32, #tpu.memory_space<hbm>> -> memref<10000x128xf32, #tpu.memory_space<hbm>>
      tpu.enqueue_indirect_dma source(%dma_start3A_229 : memref<10000x128xf32, #tpu.memory_space<hbm>>) target(%arg10 : memref<80x128xf32, #tpu.memory_space<vmem>>) offsets(%dma_start3A_226 : memref<80xi32, #tpu.memory_space<vmem>>) semaphore(%arg14 : memref<!tpu.dma_semaphore, #tpu.memory_space<semaphore_mem>>)
      %dma_wait3A_230 = arith.constant 6 : i32
      %dma_wait3A_231 = arith.constant 0 : i32
      %dma_wait3A_232 = tpu.memref_slice %arg7[%dma_wait3A_230, %dma_wait3A_231] : memref<25x80xi32, #tpu.memory_space<vmem>> -> memref<1x80xi32, #tpu.memory_space<vmem>>
      %dma_wait3A_233 = tpu.memref_squeeze %dma_wait3A_232 : memref<1x80xi32, #tpu.memory_space<vmem>> -> memref<80xi32, #tpu.memory_space<vmem>>
      %dma_wait3A_234 = arith.constant 0 : i32
      %dma_wait3A_235 = arith.constant 0 : i32
      %dma_wait3A_236 = tpu.memref_slice %arg2[%dma_wait3A_234, %dma_wait3A_235] : memref<10000x128xf32, #tpu.memory_space<hbm>> -> memref<10000x128xf32, #tpu.memory_space<hbm>>
      tpu.wait_indirect_dma semaphore(%arg15 : memref<!tpu.dma_semaphore, #tpu.memory_space<semaphore_mem>>) src(%dma_wait3A_236 : memref<10000x128xf32, #tpu.memory_space<hbm>>) dst(%arg11 : memref<80x128xf32, #tpu.memory_space<vmem>>)
      %dma_start3A_237 = arith.constant 6 : i32
      %dma_start3A_238 = arith.constant 0 : i32
      %dma_start3A_239 = tpu.memref_slice %arg8[%dma_start3A_237, %dma_start3A_238] : memref<25x80xi32, #tpu.memory_space<vmem>> -> memref<1x80xi32, #tpu.memory_space<vmem>>
      %dma_start3A_240 = tpu.memref_squeeze %dma_start3A_239 : memref<1x80xi32, #tpu.memory_space<vmem>> -> memref<80xi32, #tpu.memory_space<vmem>>
      %dma_start3A_241 = arith.constant 0 : i32
      %dma_start3A_242 = arith.constant 0 : i32
      %dma_start3A_243 = tpu.memref_slice %arg6[%dma_start3A_241, %dma_start3A_242] : memref<10240x128xf32, #tpu.memory_space<vmem_shared>> -> memref<10240x128xf32, #tpu.memory_space<vmem_shared>>
      tpu.enqueue_indirect_dma source(%arg11 : memref<80x128xf32, #tpu.memory_space<vmem>>) target(%dma_start3A_243 : memref<10240x128xf32, #tpu.memory_space<vmem_shared>>) offsets(%dma_start3A_240 : memref<80xi32, #tpu.memory_space<vmem>>) semaphore(%arg19 : memref<!tpu.dma_semaphore, #tpu.memory_space<semaphore_mem>>) {add = true}
      %dma_wait3A_244 = arith.constant 6 : i32
      %dma_wait3A_245 = arith.constant 0 : i32
      %dma_wait3A_246 = tpu.memref_slice %arg8[%dma_wait3A_244, %dma_wait3A_245] : memref<25x80xi32, #tpu.memory_space<vmem>> -> memref<1x80xi32, #tpu.memory_space<vmem>>
      %dma_wait3A_247 = tpu.memref_squeeze %dma_wait3A_246 : memref<1x80xi32, #tpu.memory_space<vmem>> -> memref<80xi32, #tpu.memory_space<vmem>>
      %dma_wait3A_248 = arith.constant 0 : i32
      %dma_wait3A_249 = arith.constant 0 : i32
      %dma_wait3A_250 = tpu.memref_slice %arg6[%dma_wait3A_248, %dma_wait3A_249] : memref<10240x128xf32, #tpu.memory_space<vmem_shared>> -> memref<10240x128xf32, #tpu.memory_space<vmem_shared>>
      tpu.wait_indirect_dma semaphore(%arg19 : memref<!tpu.dma_semaphore, #tpu.memory_space<semaphore_mem>>) src(%arg11 : memref<80x128xf32, #tpu.memory_space<vmem>>) dst(%dma_wait3A_250 : memref<10240x128xf32, #tpu.memory_space<vmem_shared>>)
      %dma_start3A_251 = arith.constant 10 : i32
      %dma_start3A_252 = arith.constant 0 : i32
      %dma_start3A_253 = tpu.memref_slice %arg7[%dma_start3A_251, %dma_start3A_252] : memref<25x80xi32, #tpu.memory_space<vmem>> -> memref<1x80xi32, #tpu.memory_space<vmem>>
      %dma_start3A_254 = tpu.memref_squeeze %dma_start3A_253 : memref<1x80xi32, #tpu.memory_space<vmem>> -> memref<80xi32, #tpu.memory_space<vmem>>
      %dma_start3A_255 = arith.constant 0 : i32
      %dma_start3A_256 = arith.constant 0 : i32
      %dma_start3A_257 = tpu.memref_slice %arg2[%dma_start3A_255, %dma_start3A_256] : memref<10000x128xf32, #tpu.memory_space<hbm>> -> memref<10000x128xf32, #tpu.memory_space<hbm>>
      tpu.enqueue_indirect_dma source(%dma_start3A_257 : memref<10000x128xf32, #tpu.memory_space<hbm>>) target(%arg11 : memref<80x128xf32, #tpu.memory_space<vmem>>) offsets(%dma_start3A_254 : memref<80xi32, #tpu.memory_space<vmem>>) semaphore(%arg15 : memref<!tpu.dma_semaphore, #tpu.memory_space<semaphore_mem>>)
      %dma_wait3A_258 = arith.constant 7 : i32
      %dma_wait3A_259 = arith.constant 0 : i32
      %dma_wait3A_260 = tpu.memref_slice %arg7[%dma_wait3A_258, %dma_wait3A_259] : memref<25x80xi32, #tpu.memory_space<vmem>> -> memref<1x80xi32, #tpu.memory_space<vmem>>
      %dma_wait3A_261 = tpu.memref_squeeze %dma_wait3A_260 : memref<1x80xi32, #tpu.memory_space<vmem>> -> memref<80xi32, #tpu.memory_space<vmem>>
      %dma_wait3A_262 = arith.constant 0 : i32
      %dma_wait3A_263 = arith.constant 0 : i32
      %dma_wait3A_264 = tpu.memref_slice %arg2[%dma_wait3A_262, %dma_wait3A_263] : memref<10000x128xf32, #tpu.memory_space<hbm>> -> memref<10000x128xf32, #tpu.memory_space<hbm>>
      tpu.wait_indirect_dma semaphore(%arg16 : memref<!tpu.dma_semaphore, #tpu.memory_space<semaphore_mem>>) src(%dma_wait3A_264 : memref<10000x128xf32, #tpu.memory_space<hbm>>) dst(%arg12 : memref<80x128xf32, #tpu.memory_space<vmem>>)
      %dma_start3A_265 = arith.constant 7 : i32
      %dma_start3A_266 = arith.constant 0 : i32
      %dma_start3A_267 = tpu.memref_slice %arg8[%dma_start3A_265, %dma_start3A_266] : memref<25x80xi32, #tpu.memory_space<vmem>> -> memref<1x80xi32, #tpu.memory_space<vmem>>
      %dma_start3A_268 = tpu.memref_squeeze %dma_start3A_267 : memref<1x80xi32, #tpu.memory_space<vmem>> -> memref<80xi32, #tpu.memory_space<vmem>>
      %dma_start3A_269 = arith.constant 0 : i32
      %dma_start3A_270 = arith.constant 0 : i32
      %dma_start3A_271 = tpu.memref_slice %arg6[%dma_start3A_269, %dma_start3A_270] : memref<10240x128xf32, #tpu.memory_space<vmem_shared>> -> memref<10240x128xf32, #tpu.memory_space<vmem_shared>>
      tpu.enqueue_indirect_dma source(%arg12 : memref<80x128xf32, #tpu.memory_space<vmem>>) target(%dma_start3A_271 : memref<10240x128xf32, #tpu.memory_space<vmem_shared>>) offsets(%dma_start3A_268 : memref<80xi32, #tpu.memory_space<vmem>>) semaphore(%arg20 : memref<!tpu.dma_semaphore, #tpu.memory_space<semaphore_mem>>) {add = true}
      %dma_wait3A_272 = arith.constant 7 : i32
      %dma_wait3A_273 = arith.constant 0 : i32
      %dma_wait3A_274 = tpu.memref_slice %arg8[%dma_wait3A_272, %dma_wait3A_273] : memref<25x80xi32, #tpu.memory_space<vmem>> -> memref<1x80xi32, #tpu.memory_space<vmem>>
      %dma_wait3A_275 = tpu.memref_squeeze %dma_wait3A_274 : memref<1x80xi32, #tpu.memory_space<vmem>> -> memref<80xi32, #tpu.memory_space<vmem>>
      %dma_wait3A_276 = arith.constant 0 : i32
      %dma_wait3A_277 = arith.constant 0 : i32
      %dma_wait3A_278 = tpu.memref_slice %arg6[%dma_wait3A_276, %dma_wait3A_277] : memref<10240x128xf32, #tpu.memory_space<vmem_shared>> -> memref<10240x128xf32, #tpu.memory_space<vmem_shared>>
      tpu.wait_indirect_dma semaphore(%arg20 : memref<!tpu.dma_semaphore, #tpu.memory_space<semaphore_mem>>) src(%arg12 : memref<80x128xf32, #tpu.memory_space<vmem>>) dst(%dma_wait3A_278 : memref<10240x128xf32, #tpu.memory_space<vmem_shared>>)
      %dma_start3A_279 = arith.constant 11 : i32
      %dma_start3A_280 = arith.constant 0 : i32
      %dma_start3A_281 = tpu.memref_slice %arg7[%dma_start3A_279, %dma_start3A_280] : memref<25x80xi32, #tpu.memory_space<vmem>> -> memref<1x80xi32, #tpu.memory_space<vmem>>
      %dma_start3A_282 = tpu.memref_squeeze %dma_start3A_281 : memref<1x80xi32, #tpu.memory_space<vmem>> -> memref<80xi32, #tpu.memory_space<vmem>>
      %dma_start3A_283 = arith.constant 0 : i32
      %dma_start3A_284 = arith.constant 0 : i32
      %dma_start3A_285 = tpu.memref_slice %arg2[%dma_start3A_283, %dma_start3A_284] : memref<10000x128xf32, #tpu.memory_space<hbm>> -> memref<10000x128xf32, #tpu.memory_space<hbm>>
      tpu.enqueue_indirect_dma source(%dma_start3A_285 : memref<10000x128xf32, #tpu.memory_space<hbm>>) target(%arg12 : memref<80x128xf32, #tpu.memory_space<vmem>>) offsets(%dma_start3A_282 : memref<80xi32, #tpu.memory_space<vmem>>) semaphore(%arg16 : memref<!tpu.dma_semaphore, #tpu.memory_space<semaphore_mem>>)
      %dma_wait3A_286 = arith.constant 8 : i32
      %dma_wait3A_287 = arith.constant 0 : i32
      %dma_wait3A_288 = tpu.memref_slice %arg7[%dma_wait3A_286, %dma_wait3A_287] : memref<25x80xi32, #tpu.memory_space<vmem>> -> memref<1x80xi32, #tpu.memory_space<vmem>>
      %dma_wait3A_289 = tpu.memref_squeeze %dma_wait3A_288 : memref<1x80xi32, #tpu.memory_space<vmem>> -> memref<80xi32, #tpu.memory_space<vmem>>
      %dma_wait3A_290 = arith.constant 0 : i32
      %dma_wait3A_291 = arith.constant 0 : i32
      %dma_wait3A_292 = tpu.memref_slice %arg2[%dma_wait3A_290, %dma_wait3A_291] : memref<10000x128xf32, #tpu.memory_space<hbm>> -> memref<10000x128xf32, #tpu.memory_space<hbm>>
      tpu.wait_indirect_dma semaphore(%arg13 : memref<!tpu.dma_semaphore, #tpu.memory_space<semaphore_mem>>) src(%dma_wait3A_292 : memref<10000x128xf32, #tpu.memory_space<hbm>>) dst(%arg9 : memref<80x128xf32, #tpu.memory_space<vmem>>)
      %dma_start3A_293 = arith.constant 8 : i32
      %dma_start3A_294 = arith.constant 0 : i32
      %dma_start3A_295 = tpu.memref_slice %arg8[%dma_start3A_293, %dma_start3A_294] : memref<25x80xi32, #tpu.memory_space<vmem>> -> memref<1x80xi32, #tpu.memory_space<vmem>>
      %dma_start3A_296 = tpu.memref_squeeze %dma_start3A_295 : memref<1x80xi32, #tpu.memory_space<vmem>> -> memref<80xi32, #tpu.memory_space<vmem>>
      %dma_start3A_297 = arith.constant 0 : i32
      %dma_start3A_298 = arith.constant 0 : i32
      %dma_start3A_299 = tpu.memref_slice %arg6[%dma_start3A_297, %dma_start3A_298] : memref<10240x128xf32, #tpu.memory_space<vmem_shared>> -> memref<10240x128xf32, #tpu.memory_space<vmem_shared>>
      tpu.enqueue_indirect_dma source(%arg9 : memref<80x128xf32, #tpu.memory_space<vmem>>) target(%dma_start3A_299 : memref<10240x128xf32, #tpu.memory_space<vmem_shared>>) offsets(%dma_start3A_296 : memref<80xi32, #tpu.memory_space<vmem>>) semaphore(%arg17 : memref<!tpu.dma_semaphore, #tpu.memory_space<semaphore_mem>>) {add = true}
      %dma_wait3A_300 = arith.constant 8 : i32
      %dma_wait3A_301 = arith.constant 0 : i32
      %dma_wait3A_302 = tpu.memref_slice %arg8[%dma_wait3A_300, %dma_wait3A_301] : memref<25x80xi32, #tpu.memory_space<vmem>> -> memref<1x80xi32, #tpu.memory_space<vmem>>
      %dma_wait3A_303 = tpu.memref_squeeze %dma_wait3A_302 : memref<1x80xi32, #tpu.memory_space<vmem>> -> memref<80xi32, #tpu.memory_space<vmem>>
      %dma_wait3A_304 = arith.constant 0 : i32
      %dma_wait3A_305 = arith.constant 0 : i32
      %dma_wait3A_306 = tpu.memref_slice %arg6[%dma_wait3A_304, %dma_wait3A_305] : memref<10240x128xf32, #tpu.memory_space<vmem_shared>> -> memref<10240x128xf32, #tpu.memory_space<vmem_shared>>
      tpu.wait_indirect_dma semaphore(%arg17 : memref<!tpu.dma_semaphore, #tpu.memory_space<semaphore_mem>>) src(%arg9 : memref<80x128xf32, #tpu.memory_space<vmem>>) dst(%dma_wait3A_306 : memref<10240x128xf32, #tpu.memory_space<vmem_shared>>)
      %dma_start3A_307 = arith.constant 12 : i32
      %dma_start3A_308 = arith.constant 0 : i32
      %dma_start3A_309 = tpu.memref_slice %arg7[%dma_start3A_307, %dma_start3A_308] : memref<25x80xi32, #tpu.memory_space<vmem>> -> memref<1x80xi32, #tpu.memory_space<vmem>>
      %dma_start3A_310 = tpu.memref_squeeze %dma_start3A_309 : memref<1x80xi32, #tpu.memory_space<vmem>> -> memref<80xi32, #tpu.memory_space<vmem>>
      %dma_start3A_311 = arith.constant 0 : i32
      %dma_start3A_312 = arith.constant 0 : i32
      %dma_start3A_313 = tpu.memref_slice %arg2[%dma_start3A_311, %dma_start3A_312] : memref<10000x128xf32, #tpu.memory_space<hbm>> -> memref<10000x128xf32, #tpu.memory_space<hbm>>
      tpu.enqueue_indirect_dma source(%dma_start3A_313 : memref<10000x128xf32, #tpu.memory_space<hbm>>) target(%arg9 : memref<80x128xf32, #tpu.memory_space<vmem>>) offsets(%dma_start3A_310 : memref<80xi32, #tpu.memory_space<vmem>>) semaphore(%arg13 : memref<!tpu.dma_semaphore, #tpu.memory_space<semaphore_mem>>)
      %dma_wait3A_314 = arith.constant 9 : i32
      %dma_wait3A_315 = arith.constant 0 : i32
      %dma_wait3A_316 = tpu.memref_slice %arg7[%dma_wait3A_314, %dma_wait3A_315] : memref<25x80xi32, #tpu.memory_space<vmem>> -> memref<1x80xi32, #tpu.memory_space<vmem>>
      %dma_wait3A_317 = tpu.memref_squeeze %dma_wait3A_316 : memref<1x80xi32, #tpu.memory_space<vmem>> -> memref<80xi32, #tpu.memory_space<vmem>>
      %dma_wait3A_318 = arith.constant 0 : i32
      %dma_wait3A_319 = arith.constant 0 : i32
      %dma_wait3A_320 = tpu.memref_slice %arg2[%dma_wait3A_318, %dma_wait3A_319] : memref<10000x128xf32, #tpu.memory_space<hbm>> -> memref<10000x128xf32, #tpu.memory_space<hbm>>
      tpu.wait_indirect_dma semaphore(%arg14 : memref<!tpu.dma_semaphore, #tpu.memory_space<semaphore_mem>>) src(%dma_wait3A_320 : memref<10000x128xf32, #tpu.memory_space<hbm>>) dst(%arg10 : memref<80x128xf32, #tpu.memory_space<vmem>>)
      %dma_start3A_321 = arith.constant 9 : i32
      %dma_start3A_322 = arith.constant 0 : i32
      %dma_start3A_323 = tpu.memref_slice %arg8[%dma_start3A_321, %dma_start3A_322] : memref<25x80xi32, #tpu.memory_space<vmem>> -> memref<1x80xi32, #tpu.memory_space<vmem>>
      %dma_start3A_324 = tpu.memref_squeeze %dma_start3A_323 : memref<1x80xi32, #tpu.memory_space<vmem>> -> memref<80xi32, #tpu.memory_space<vmem>>
      %dma_start3A_325 = arith.constant 0 : i32
      %dma_start3A_326 = arith.constant 0 : i32
      %dma_start3A_327 = tpu.memref_slice %arg6[%dma_start3A_325, %dma_start3A_326] : memref<10240x128xf32, #tpu.memory_space<vmem_shared>> -> memref<10240x128xf32, #tpu.memory_space<vmem_shared>>
      tpu.enqueue_indirect_dma source(%arg10 : memref<80x128xf32, #tpu.memory_space<vmem>>) target(%dma_start3A_327 : memref<10240x128xf32, #tpu.memory_space<vmem_shared>>) offsets(%dma_start3A_324 : memref<80xi32, #tpu.memory_space<vmem>>) semaphore(%arg18 : memref<!tpu.dma_semaphore, #tpu.memory_space<semaphore_mem>>) {add = true}
      %dma_wait3A_328 = arith.constant 9 : i32
      %dma_wait3A_329 = arith.constant 0 : i32
      %dma_wait3A_330 = tpu.memref_slice %arg8[%dma_wait3A_328, %dma_wait3A_329] : memref<25x80xi32, #tpu.memory_space<vmem>> -> memref<1x80xi32, #tpu.memory_space<vmem>>
      %dma_wait3A_331 = tpu.memref_squeeze %dma_wait3A_330 : memref<1x80xi32, #tpu.memory_space<vmem>> -> memref<80xi32, #tpu.memory_space<vmem>>
      %dma_wait3A_332 = arith.constant 0 : i32
      %dma_wait3A_333 = arith.constant 0 : i32
      %dma_wait3A_334 = tpu.memref_slice %arg6[%dma_wait3A_332, %dma_wait3A_333] : memref<10240x128xf32, #tpu.memory_space<vmem_shared>> -> memref<10240x128xf32, #tpu.memory_space<vmem_shared>>
      tpu.wait_indirect_dma semaphore(%arg18 : memref<!tpu.dma_semaphore, #tpu.memory_space<semaphore_mem>>) src(%arg10 : memref<80x128xf32, #tpu.memory_space<vmem>>) dst(%dma_wait3A_334 : memref<10240x128xf32, #tpu.memory_space<vmem_shared>>)
      %dma_start3A_335 = arith.constant 13 : i32
      %dma_start3A_336 = arith.constant 0 : i32
      %dma_start3A_337 = tpu.memref_slice %arg7[%dma_start3A_335, %dma_start3A_336] : memref<25x80xi32, #tpu.memory_space<vmem>> -> memref<1x80xi32, #tpu.memory_space<vmem>>
      %dma_start3A_338 = tpu.memref_squeeze %dma_start3A_337 : memref<1x80xi32, #tpu.memory_space<vmem>> -> memref<80xi32, #tpu.memory_space<vmem>>
      %dma_start3A_339 = arith.constant 0 : i32
      %dma_start3A_340 = arith.constant 0 : i32
      %dma_start3A_341 = tpu.memref_slice %arg2[%dma_start3A_339, %dma_start3A_340] : memref<10000x128xf32, #tpu.memory_space<hbm>> -> memref<10000x128xf32, #tpu.memory_space<hbm>>
      tpu.enqueue_indirect_dma source(%dma_start3A_341 : memref<10000x128xf32, #tpu.memory_space<hbm>>) target(%arg10 : memref<80x128xf32, #tpu.memory_space<vmem>>) offsets(%dma_start3A_338 : memref<80xi32, #tpu.memory_space<vmem>>) semaphore(%arg14 : memref<!tpu.dma_semaphore, #tpu.memory_space<semaphore_mem>>)
      %dma_wait3A_342 = arith.constant 10 : i32
      %dma_wait3A_343 = arith.constant 0 : i32
      %dma_wait3A_344 = tpu.memref_slice %arg7[%dma_wait3A_342, %dma_wait3A_343] : memref<25x80xi32, #tpu.memory_space<vmem>> -> memref<1x80xi32, #tpu.memory_space<vmem>>
      %dma_wait3A_345 = tpu.memref_squeeze %dma_wait3A_344 : memref<1x80xi32, #tpu.memory_space<vmem>> -> memref<80xi32, #tpu.memory_space<vmem>>
      %dma_wait3A_346 = arith.constant 0 : i32
      %dma_wait3A_347 = arith.constant 0 : i32
      %dma_wait3A_348 = tpu.memref_slice %arg2[%dma_wait3A_346, %dma_wait3A_347] : memref<10000x128xf32, #tpu.memory_space<hbm>> -> memref<10000x128xf32, #tpu.memory_space<hbm>>
      tpu.wait_indirect_dma semaphore(%arg15 : memref<!tpu.dma_semaphore, #tpu.memory_space<semaphore_mem>>) src(%dma_wait3A_348 : memref<10000x128xf32, #tpu.memory_space<hbm>>) dst(%arg11 : memref<80x128xf32, #tpu.memory_space<vmem>>)
      %dma_start3A_349 = arith.constant 10 : i32
      %dma_start3A_350 = arith.constant 0 : i32
      %dma_start3A_351 = tpu.memref_slice %arg8[%dma_start3A_349, %dma_start3A_350] : memref<25x80xi32, #tpu.memory_space<vmem>> -> memref<1x80xi32, #tpu.memory_space<vmem>>
      %dma_start3A_352 = tpu.memref_squeeze %dma_start3A_351 : memref<1x80xi32, #tpu.memory_space<vmem>> -> memref<80xi32, #tpu.memory_space<vmem>>
      %dma_start3A_353 = arith.constant 0 : i32
      %dma_start3A_354 = arith.constant 0 : i32
      %dma_start3A_355 = tpu.memref_slice %arg6[%dma_start3A_353, %dma_start3A_354] : memref<10240x128xf32, #tpu.memory_space<vmem_shared>> -> memref<10240x128xf32, #tpu.memory_space<vmem_shared>>
      tpu.enqueue_indirect_dma source(%arg11 : memref<80x128xf32, #tpu.memory_space<vmem>>) target(%dma_start3A_355 : memref<10240x128xf32, #tpu.memory_space<vmem_shared>>) offsets(%dma_start3A_352 : memref<80xi32, #tpu.memory_space<vmem>>) semaphore(%arg19 : memref<!tpu.dma_semaphore, #tpu.memory_space<semaphore_mem>>) {add = true}
      %dma_wait3A_356 = arith.constant 10 : i32
      %dma_wait3A_357 = arith.constant 0 : i32
      %dma_wait3A_358 = tpu.memref_slice %arg8[%dma_wait3A_356, %dma_wait3A_357] : memref<25x80xi32, #tpu.memory_space<vmem>> -> memref<1x80xi32, #tpu.memory_space<vmem>>
      %dma_wait3A_359 = tpu.memref_squeeze %dma_wait3A_358 : memref<1x80xi32, #tpu.memory_space<vmem>> -> memref<80xi32, #tpu.memory_space<vmem>>
      %dma_wait3A_360 = arith.constant 0 : i32
      %dma_wait3A_361 = arith.constant 0 : i32
      %dma_wait3A_362 = tpu.memref_slice %arg6[%dma_wait3A_360, %dma_wait3A_361] : memref<10240x128xf32, #tpu.memory_space<vmem_shared>> -> memref<10240x128xf32, #tpu.memory_space<vmem_shared>>
      tpu.wait_indirect_dma semaphore(%arg19 : memref<!tpu.dma_semaphore, #tpu.memory_space<semaphore_mem>>) src(%arg11 : memref<80x128xf32, #tpu.memory_space<vmem>>) dst(%dma_wait3A_362 : memref<10240x128xf32, #tpu.memory_space<vmem_shared>>)
      %dma_start3A_363 = arith.constant 14 : i32
      %dma_start3A_364 = arith.constant 0 : i32
      %dma_start3A_365 = tpu.memref_slice %arg7[%dma_start3A_363, %dma_start3A_364] : memref<25x80xi32, #tpu.memory_space<vmem>> -> memref<1x80xi32, #tpu.memory_space<vmem>>
      %dma_start3A_366 = tpu.memref_squeeze %dma_start3A_365 : memref<1x80xi32, #tpu.memory_space<vmem>> -> memref<80xi32, #tpu.memory_space<vmem>>
      %dma_start3A_367 = arith.constant 0 : i32
      %dma_start3A_368 = arith.constant 0 : i32
      %dma_start3A_369 = tpu.memref_slice %arg2[%dma_start3A_367, %dma_start3A_368] : memref<10000x128xf32, #tpu.memory_space<hbm>> -> memref<10000x128xf32, #tpu.memory_space<hbm>>
      tpu.enqueue_indirect_dma source(%dma_start3A_369 : memref<10000x128xf32, #tpu.memory_space<hbm>>) target(%arg11 : memref<80x128xf32, #tpu.memory_space<vmem>>) offsets(%dma_start3A_366 : memref<80xi32, #tpu.memory_space<vmem>>) semaphore(%arg15 : memref<!tpu.dma_semaphore, #tpu.memory_space<semaphore_mem>>)
      %dma_wait3A_370 = arith.constant 11 : i32
      %dma_wait3A_371 = arith.constant 0 : i32
      %dma_wait3A_372 = tpu.memref_slice %arg7[%dma_wait3A_370, %dma_wait3A_371] : memref<25x80xi32, #tpu.memory_space<vmem>> -> memref<1x80xi32, #tpu.memory_space<vmem>>
      %dma_wait3A_373 = tpu.memref_squeeze %dma_wait3A_372 : memref<1x80xi32, #tpu.memory_space<vmem>> -> memref<80xi32, #tpu.memory_space<vmem>>
      %dma_wait3A_374 = arith.constant 0 : i32
      %dma_wait3A_375 = arith.constant 0 : i32
      %dma_wait3A_376 = tpu.memref_slice %arg2[%dma_wait3A_374, %dma_wait3A_375] : memref<10000x128xf32, #tpu.memory_space<hbm>> -> memref<10000x128xf32, #tpu.memory_space<hbm>>
      tpu.wait_indirect_dma semaphore(%arg16 : memref<!tpu.dma_semaphore, #tpu.memory_space<semaphore_mem>>) src(%dma_wait3A_376 : memref<10000x128xf32, #tpu.memory_space<hbm>>) dst(%arg12 : memref<80x128xf32, #tpu.memory_space<vmem>>)
      %dma_start3A_377 = arith.constant 11 : i32
      %dma_start3A_378 = arith.constant 0 : i32
      %dma_start3A_379 = tpu.memref_slice %arg8[%dma_start3A_377, %dma_start3A_378] : memref<25x80xi32, #tpu.memory_space<vmem>> -> memref<1x80xi32, #tpu.memory_space<vmem>>
      %dma_start3A_380 = tpu.memref_squeeze %dma_start3A_379 : memref<1x80xi32, #tpu.memory_space<vmem>> -> memref<80xi32, #tpu.memory_space<vmem>>
      %dma_start3A_381 = arith.constant 0 : i32
      %dma_start3A_382 = arith.constant 0 : i32
      %dma_start3A_383 = tpu.memref_slice %arg6[%dma_start3A_381, %dma_start3A_382] : memref<10240x128xf32, #tpu.memory_space<vmem_shared>> -> memref<10240x128xf32, #tpu.memory_space<vmem_shared>>
      tpu.enqueue_indirect_dma source(%arg12 : memref<80x128xf32, #tpu.memory_space<vmem>>) target(%dma_start3A_383 : memref<10240x128xf32, #tpu.memory_space<vmem_shared>>) offsets(%dma_start3A_380 : memref<80xi32, #tpu.memory_space<vmem>>) semaphore(%arg20 : memref<!tpu.dma_semaphore, #tpu.memory_space<semaphore_mem>>) {add = true}
      %dma_wait3A_384 = arith.constant 11 : i32
      %dma_wait3A_385 = arith.constant 0 : i32
      %dma_wait3A_386 = tpu.memref_slice %arg8[%dma_wait3A_384, %dma_wait3A_385] : memref<25x80xi32, #tpu.memory_space<vmem>> -> memref<1x80xi32, #tpu.memory_space<vmem>>
      %dma_wait3A_387 = tpu.memref_squeeze %dma_wait3A_386 : memref<1x80xi32, #tpu.memory_space<vmem>> -> memref<80xi32, #tpu.memory_space<vmem>>
      %dma_wait3A_388 = arith.constant 0 : i32
      %dma_wait3A_389 = arith.constant 0 : i32
      %dma_wait3A_390 = tpu.memref_slice %arg6[%dma_wait3A_388, %dma_wait3A_389] : memref<10240x128xf32, #tpu.memory_space<vmem_shared>> -> memref<10240x128xf32, #tpu.memory_space<vmem_shared>>
      tpu.wait_indirect_dma semaphore(%arg20 : memref<!tpu.dma_semaphore, #tpu.memory_space<semaphore_mem>>) src(%arg12 : memref<80x128xf32, #tpu.memory_space<vmem>>) dst(%dma_wait3A_390 : memref<10240x128xf32, #tpu.memory_space<vmem_shared>>)
      %dma_start3A_391 = arith.constant 15 : i32
      %dma_start3A_392 = arith.constant 0 : i32
      %dma_start3A_393 = tpu.memref_slice %arg7[%dma_start3A_391, %dma_start3A_392] : memref<25x80xi32, #tpu.memory_space<vmem>> -> memref<1x80xi32, #tpu.memory_space<vmem>>
      %dma_start3A_394 = tpu.memref_squeeze %dma_start3A_393 : memref<1x80xi32, #tpu.memory_space<vmem>> -> memref<80xi32, #tpu.memory_space<vmem>>
      %dma_start3A_395 = arith.constant 0 : i32
      %dma_start3A_396 = arith.constant 0 : i32
      %dma_start3A_397 = tpu.memref_slice %arg2[%dma_start3A_395, %dma_start3A_396] : memref<10000x128xf32, #tpu.memory_space<hbm>> -> memref<10000x128xf32, #tpu.memory_space<hbm>>
      tpu.enqueue_indirect_dma source(%dma_start3A_397 : memref<10000x128xf32, #tpu.memory_space<hbm>>) target(%arg12 : memref<80x128xf32, #tpu.memory_space<vmem>>) offsets(%dma_start3A_394 : memref<80xi32, #tpu.memory_space<vmem>>) semaphore(%arg16 : memref<!tpu.dma_semaphore, #tpu.memory_space<semaphore_mem>>)
      %dma_wait3A_398 = arith.constant 12 : i32
      %dma_wait3A_399 = arith.constant 0 : i32
      %dma_wait3A_400 = tpu.memref_slice %arg7[%dma_wait3A_398, %dma_wait3A_399] : memref<25x80xi32, #tpu.memory_space<vmem>> -> memref<1x80xi32, #tpu.memory_space<vmem>>
      %dma_wait3A_401 = tpu.memref_squeeze %dma_wait3A_400 : memref<1x80xi32, #tpu.memory_space<vmem>> -> memref<80xi32, #tpu.memory_space<vmem>>
      %dma_wait3A_402 = arith.constant 0 : i32
      %dma_wait3A_403 = arith.constant 0 : i32
      %dma_wait3A_404 = tpu.memref_slice %arg2[%dma_wait3A_402, %dma_wait3A_403] : memref<10000x128xf32, #tpu.memory_space<hbm>> -> memref<10000x128xf32, #tpu.memory_space<hbm>>
      tpu.wait_indirect_dma semaphore(%arg13 : memref<!tpu.dma_semaphore, #tpu.memory_space<semaphore_mem>>) src(%dma_wait3A_404 : memref<10000x128xf32, #tpu.memory_space<hbm>>) dst(%arg9 : memref<80x128xf32, #tpu.memory_space<vmem>>)
      %dma_start3A_405 = arith.constant 12 : i32
      %dma_start3A_406 = arith.constant 0 : i32
      %dma_start3A_407 = tpu.memref_slice %arg8[%dma_start3A_405, %dma_start3A_406] : memref<25x80xi32, #tpu.memory_space<vmem>> -> memref<1x80xi32, #tpu.memory_space<vmem>>
      %dma_start3A_408 = tpu.memref_squeeze %dma_start3A_407 : memref<1x80xi32, #tpu.memory_space<vmem>> -> memref<80xi32, #tpu.memory_space<vmem>>
      %dma_start3A_409 = arith.constant 0 : i32
      %dma_start3A_410 = arith.constant 0 : i32
      %dma_start3A_411 = tpu.memref_slice %arg6[%dma_start3A_409, %dma_start3A_410] : memref<10240x128xf32, #tpu.memory_space<vmem_shared>> -> memref<10240x128xf32, #tpu.memory_space<vmem_shared>>
      tpu.enqueue_indirect_dma source(%arg9 : memref<80x128xf32, #tpu.memory_space<vmem>>) target(%dma_start3A_411 : memref<10240x128xf32, #tpu.memory_space<vmem_shared>>) offsets(%dma_start3A_408 : memref<80xi32, #tpu.memory_space<vmem>>) semaphore(%arg17 : memref<!tpu.dma_semaphore, #tpu.memory_space<semaphore_mem>>) {add = true}
      %dma_wait3A_412 = arith.constant 12 : i32
      %dma_wait3A_413 = arith.constant 0 : i32
      %dma_wait3A_414 = tpu.memref_slice %arg8[%dma_wait3A_412, %dma_wait3A_413] : memref<25x80xi32, #tpu.memory_space<vmem>> -> memref<1x80xi32, #tpu.memory_space<vmem>>
      %dma_wait3A_415 = tpu.memref_squeeze %dma_wait3A_414 : memref<1x80xi32, #tpu.memory_space<vmem>> -> memref<80xi32, #tpu.memory_space<vmem>>
      %dma_wait3A_416 = arith.constant 0 : i32
      %dma_wait3A_417 = arith.constant 0 : i32
      %dma_wait3A_418 = tpu.memref_slice %arg6[%dma_wait3A_416, %dma_wait3A_417] : memref<10240x128xf32, #tpu.memory_space<vmem_shared>> -> memref<10240x128xf32, #tpu.memory_space<vmem_shared>>
      tpu.wait_indirect_dma semaphore(%arg17 : memref<!tpu.dma_semaphore, #tpu.memory_space<semaphore_mem>>) src(%arg9 : memref<80x128xf32, #tpu.memory_space<vmem>>) dst(%dma_wait3A_418 : memref<10240x128xf32, #tpu.memory_space<vmem_shared>>)
      %dma_start3A_419 = arith.constant 16 : i32
      %dma_start3A_420 = arith.constant 0 : i32
      %dma_start3A_421 = tpu.memref_slice %arg7[%dma_start3A_419, %dma_start3A_420] : memref<25x80xi32, #tpu.memory_space<vmem>> -> memref<1x80xi32, #tpu.memory_space<vmem>>
      %dma_start3A_422 = tpu.memref_squeeze %dma_start3A_421 : memref<1x80xi32, #tpu.memory_space<vmem>> -> memref<80xi32, #tpu.memory_space<vmem>>
      %dma_start3A_423 = arith.constant 0 : i32
      %dma_start3A_424 = arith.constant 0 : i32
      %dma_start3A_425 = tpu.memref_slice %arg2[%dma_start3A_423, %dma_start3A_424] : memref<10000x128xf32, #tpu.memory_space<hbm>> -> memref<10000x128xf32, #tpu.memory_space<hbm>>
      tpu.enqueue_indirect_dma source(%dma_start3A_425 : memref<10000x128xf32, #tpu.memory_space<hbm>>) target(%arg9 : memref<80x128xf32, #tpu.memory_space<vmem>>) offsets(%dma_start3A_422 : memref<80xi32, #tpu.memory_space<vmem>>) semaphore(%arg13 : memref<!tpu.dma_semaphore, #tpu.memory_space<semaphore_mem>>)
      %dma_wait3A_426 = arith.constant 13 : i32
      %dma_wait3A_427 = arith.constant 0 : i32
      %dma_wait3A_428 = tpu.memref_slice %arg7[%dma_wait3A_426, %dma_wait3A_427] : memref<25x80xi32, #tpu.memory_space<vmem>> -> memref<1x80xi32, #tpu.memory_space<vmem>>
      %dma_wait3A_429 = tpu.memref_squeeze %dma_wait3A_428 : memref<1x80xi32, #tpu.memory_space<vmem>> -> memref<80xi32, #tpu.memory_space<vmem>>
      %dma_wait3A_430 = arith.constant 0 : i32
      %dma_wait3A_431 = arith.constant 0 : i32
      %dma_wait3A_432 = tpu.memref_slice %arg2[%dma_wait3A_430, %dma_wait3A_431] : memref<10000x128xf32, #tpu.memory_space<hbm>> -> memref<10000x128xf32, #tpu.memory_space<hbm>>
      tpu.wait_indirect_dma semaphore(%arg14 : memref<!tpu.dma_semaphore, #tpu.memory_space<semaphore_mem>>) src(%dma_wait3A_432 : memref<10000x128xf32, #tpu.memory_space<hbm>>) dst(%arg10 : memref<80x128xf32, #tpu.memory_space<vmem>>)
      %dma_start3A_433 = arith.constant 13 : i32
      %dma_start3A_434 = arith.constant 0 : i32
      %dma_start3A_435 = tpu.memref_slice %arg8[%dma_start3A_433, %dma_start3A_434] : memref<25x80xi32, #tpu.memory_space<vmem>> -> memref<1x80xi32, #tpu.memory_space<vmem>>
      %dma_start3A_436 = tpu.memref_squeeze %dma_start3A_435 : memref<1x80xi32, #tpu.memory_space<vmem>> -> memref<80xi32, #tpu.memory_space<vmem>>
      %dma_start3A_437 = arith.constant 0 : i32
      %dma_start3A_438 = arith.constant 0 : i32
      %dma_start3A_439 = tpu.memref_slice %arg6[%dma_start3A_437, %dma_start3A_438] : memref<10240x128xf32, #tpu.memory_space<vmem_shared>> -> memref<10240x128xf32, #tpu.memory_space<vmem_shared>>
      tpu.enqueue_indirect_dma source(%arg10 : memref<80x128xf32, #tpu.memory_space<vmem>>) target(%dma_start3A_439 : memref<10240x128xf32, #tpu.memory_space<vmem_shared>>) offsets(%dma_start3A_436 : memref<80xi32, #tpu.memory_space<vmem>>) semaphore(%arg18 : memref<!tpu.dma_semaphore, #tpu.memory_space<semaphore_mem>>) {add = true}
      %dma_wait3A_440 = arith.constant 13 : i32
      %dma_wait3A_441 = arith.constant 0 : i32
      %dma_wait3A_442 = tpu.memref_slice %arg8[%dma_wait3A_440, %dma_wait3A_441] : memref<25x80xi32, #tpu.memory_space<vmem>> -> memref<1x80xi32, #tpu.memory_space<vmem>>
      %dma_wait3A_443 = tpu.memref_squeeze %dma_wait3A_442 : memref<1x80xi32, #tpu.memory_space<vmem>> -> memref<80xi32, #tpu.memory_space<vmem>>
      %dma_wait3A_444 = arith.constant 0 : i32
      %dma_wait3A_445 = arith.constant 0 : i32
      %dma_wait3A_446 = tpu.memref_slice %arg6[%dma_wait3A_444, %dma_wait3A_445] : memref<10240x128xf32, #tpu.memory_space<vmem_shared>> -> memref<10240x128xf32, #tpu.memory_space<vmem_shared>>
      tpu.wait_indirect_dma semaphore(%arg18 : memref<!tpu.dma_semaphore, #tpu.memory_space<semaphore_mem>>) src(%arg10 : memref<80x128xf32, #tpu.memory_space<vmem>>) dst(%dma_wait3A_446 : memref<10240x128xf32, #tpu.memory_space<vmem_shared>>)
      %dma_start3A_447 = arith.constant 17 : i32
      %dma_start3A_448 = arith.constant 0 : i32
      %dma_start3A_449 = tpu.memref_slice %arg7[%dma_start3A_447, %dma_start3A_448] : memref<25x80xi32, #tpu.memory_space<vmem>> -> memref<1x80xi32, #tpu.memory_space<vmem>>
      %dma_start3A_450 = tpu.memref_squeeze %dma_start3A_449 : memref<1x80xi32, #tpu.memory_space<vmem>> -> memref<80xi32, #tpu.memory_space<vmem>>
      %dma_start3A_451 = arith.constant 0 : i32
      %dma_start3A_452 = arith.constant 0 : i32
      %dma_start3A_453 = tpu.memref_slice %arg2[%dma_start3A_451, %dma_start3A_452] : memref<10000x128xf32, #tpu.memory_space<hbm>> -> memref<10000x128xf32, #tpu.memory_space<hbm>>
      tpu.enqueue_indirect_dma source(%dma_start3A_453 : memref<10000x128xf32, #tpu.memory_space<hbm>>) target(%arg10 : memref<80x128xf32, #tpu.memory_space<vmem>>) offsets(%dma_start3A_450 : memref<80xi32, #tpu.memory_space<vmem>>) semaphore(%arg14 : memref<!tpu.dma_semaphore, #tpu.memory_space<semaphore_mem>>)
      %dma_wait3A_454 = arith.constant 14 : i32
      %dma_wait3A_455 = arith.constant 0 : i32
      %dma_wait3A_456 = tpu.memref_slice %arg7[%dma_wait3A_454, %dma_wait3A_455] : memref<25x80xi32, #tpu.memory_space<vmem>> -> memref<1x80xi32, #tpu.memory_space<vmem>>
      %dma_wait3A_457 = tpu.memref_squeeze %dma_wait3A_456 : memref<1x80xi32, #tpu.memory_space<vmem>> -> memref<80xi32, #tpu.memory_space<vmem>>
      %dma_wait3A_458 = arith.constant 0 : i32
      %dma_wait3A_459 = arith.constant 0 : i32
      %dma_wait3A_460 = tpu.memref_slice %arg2[%dma_wait3A_458, %dma_wait3A_459] : memref<10000x128xf32, #tpu.memory_space<hbm>> -> memref<10000x128xf32, #tpu.memory_space<hbm>>
      tpu.wait_indirect_dma semaphore(%arg15 : memref<!tpu.dma_semaphore, #tpu.memory_space<semaphore_mem>>) src(%dma_wait3A_460 : memref<10000x128xf32, #tpu.memory_space<hbm>>) dst(%arg11 : memref<80x128xf32, #tpu.memory_space<vmem>>)
      %dma_start3A_461 = arith.constant 14 : i32
      %dma_start3A_462 = arith.constant 0 : i32
      %dma_start3A_463 = tpu.memref_slice %arg8[%dma_start3A_461, %dma_start3A_462] : memref<25x80xi32, #tpu.memory_space<vmem>> -> memref<1x80xi32, #tpu.memory_space<vmem>>
      %dma_start3A_464 = tpu.memref_squeeze %dma_start3A_463 : memref<1x80xi32, #tpu.memory_space<vmem>> -> memref<80xi32, #tpu.memory_space<vmem>>
      %dma_start3A_465 = arith.constant 0 : i32
      %dma_start3A_466 = arith.constant 0 : i32
      %dma_start3A_467 = tpu.memref_slice %arg6[%dma_start3A_465, %dma_start3A_466] : memref<10240x128xf32, #tpu.memory_space<vmem_shared>> -> memref<10240x128xf32, #tpu.memory_space<vmem_shared>>
      tpu.enqueue_indirect_dma source(%arg11 : memref<80x128xf32, #tpu.memory_space<vmem>>) target(%dma_start3A_467 : memref<10240x128xf32, #tpu.memory_space<vmem_shared>>) offsets(%dma_start3A_464 : memref<80xi32, #tpu.memory_space<vmem>>) semaphore(%arg19 : memref<!tpu.dma_semaphore, #tpu.memory_space<semaphore_mem>>) {add = true}
      %dma_wait3A_468 = arith.constant 14 : i32
      %dma_wait3A_469 = arith.constant 0 : i32
      %dma_wait3A_470 = tpu.memref_slice %arg8[%dma_wait3A_468, %dma_wait3A_469] : memref<25x80xi32, #tpu.memory_space<vmem>> -> memref<1x80xi32, #tpu.memory_space<vmem>>
      %dma_wait3A_471 = tpu.memref_squeeze %dma_wait3A_470 : memref<1x80xi32, #tpu.memory_space<vmem>> -> memref<80xi32, #tpu.memory_space<vmem>>
      %dma_wait3A_472 = arith.constant 0 : i32
      %dma_wait3A_473 = arith.constant 0 : i32
      %dma_wait3A_474 = tpu.memref_slice %arg6[%dma_wait3A_472, %dma_wait3A_473] : memref<10240x128xf32, #tpu.memory_space<vmem_shared>> -> memref<10240x128xf32, #tpu.memory_space<vmem_shared>>
      tpu.wait_indirect_dma semaphore(%arg19 : memref<!tpu.dma_semaphore, #tpu.memory_space<semaphore_mem>>) src(%arg11 : memref<80x128xf32, #tpu.memory_space<vmem>>) dst(%dma_wait3A_474 : memref<10240x128xf32, #tpu.memory_space<vmem_shared>>)
      %dma_start3A_475 = arith.constant 18 : i32
      %dma_start3A_476 = arith.constant 0 : i32
      %dma_start3A_477 = tpu.memref_slice %arg7[%dma_start3A_475, %dma_start3A_476] : memref<25x80xi32, #tpu.memory_space<vmem>> -> memref<1x80xi32, #tpu.memory_space<vmem>>
      %dma_start3A_478 = tpu.memref_squeeze %dma_start3A_477 : memref<1x80xi32, #tpu.memory_space<vmem>> -> memref<80xi32, #tpu.memory_space<vmem>>
      %dma_start3A_479 = arith.constant 0 : i32
      %dma_start3A_480 = arith.constant 0 : i32
      %dma_start3A_481 = tpu.memref_slice %arg2[%dma_start3A_479, %dma_start3A_480] : memref<10000x128xf32, #tpu.memory_space<hbm>> -> memref<10000x128xf32, #tpu.memory_space<hbm>>
      tpu.enqueue_indirect_dma source(%dma_start3A_481 : memref<10000x128xf32, #tpu.memory_space<hbm>>) target(%arg11 : memref<80x128xf32, #tpu.memory_space<vmem>>) offsets(%dma_start3A_478 : memref<80xi32, #tpu.memory_space<vmem>>) semaphore(%arg15 : memref<!tpu.dma_semaphore, #tpu.memory_space<semaphore_mem>>)
      %dma_wait3A_482 = arith.constant 15 : i32
      %dma_wait3A_483 = arith.constant 0 : i32
      %dma_wait3A_484 = tpu.memref_slice %arg7[%dma_wait3A_482, %dma_wait3A_483] : memref<25x80xi32, #tpu.memory_space<vmem>> -> memref<1x80xi32, #tpu.memory_space<vmem>>
      %dma_wait3A_485 = tpu.memref_squeeze %dma_wait3A_484 : memref<1x80xi32, #tpu.memory_space<vmem>> -> memref<80xi32, #tpu.memory_space<vmem>>
      %dma_wait3A_486 = arith.constant 0 : i32
      %dma_wait3A_487 = arith.constant 0 : i32
      %dma_wait3A_488 = tpu.memref_slice %arg2[%dma_wait3A_486, %dma_wait3A_487] : memref<10000x128xf32, #tpu.memory_space<hbm>> -> memref<10000x128xf32, #tpu.memory_space<hbm>>
      tpu.wait_indirect_dma semaphore(%arg16 : memref<!tpu.dma_semaphore, #tpu.memory_space<semaphore_mem>>) src(%dma_wait3A_488 : memref<10000x128xf32, #tpu.memory_space<hbm>>) dst(%arg12 : memref<80x128xf32, #tpu.memory_space<vmem>>)
      %dma_start3A_489 = arith.constant 15 : i32
      %dma_start3A_490 = arith.constant 0 : i32
      %dma_start3A_491 = tpu.memref_slice %arg8[%dma_start3A_489, %dma_start3A_490] : memref<25x80xi32, #tpu.memory_space<vmem>> -> memref<1x80xi32, #tpu.memory_space<vmem>>
      %dma_start3A_492 = tpu.memref_squeeze %dma_start3A_491 : memref<1x80xi32, #tpu.memory_space<vmem>> -> memref<80xi32, #tpu.memory_space<vmem>>
      %dma_start3A_493 = arith.constant 0 : i32
      %dma_start3A_494 = arith.constant 0 : i32
      %dma_start3A_495 = tpu.memref_slice %arg6[%dma_start3A_493, %dma_start3A_494] : memref<10240x128xf32, #tpu.memory_space<vmem_shared>> -> memref<10240x128xf32, #tpu.memory_space<vmem_shared>>
      tpu.enqueue_indirect_dma source(%arg12 : memref<80x128xf32, #tpu.memory_space<vmem>>) target(%dma_start3A_495 : memref<10240x128xf32, #tpu.memory_space<vmem_shared>>) offsets(%dma_start3A_492 : memref<80xi32, #tpu.memory_space<vmem>>) semaphore(%arg20 : memref<!tpu.dma_semaphore, #tpu.memory_space<semaphore_mem>>) {add = true}
      %dma_wait3A_496 = arith.constant 15 : i32
      %dma_wait3A_497 = arith.constant 0 : i32
      %dma_wait3A_498 = tpu.memref_slice %arg8[%dma_wait3A_496, %dma_wait3A_497] : memref<25x80xi32, #tpu.memory_space<vmem>> -> memref<1x80xi32, #tpu.memory_space<vmem>>
      %dma_wait3A_499 = tpu.memref_squeeze %dma_wait3A_498 : memref<1x80xi32, #tpu.memory_space<vmem>> -> memref<80xi32, #tpu.memory_space<vmem>>
      %dma_wait3A_500 = arith.constant 0 : i32
      %dma_wait3A_501 = arith.constant 0 : i32
      %dma_wait3A_502 = tpu.memref_slice %arg6[%dma_wait3A_500, %dma_wait3A_501] : memref<10240x128xf32, #tpu.memory_space<vmem_shared>> -> memref<10240x128xf32, #tpu.memory_space<vmem_shared>>
      tpu.wait_indirect_dma semaphore(%arg20 : memref<!tpu.dma_semaphore, #tpu.memory_space<semaphore_mem>>) src(%arg12 : memref<80x128xf32, #tpu.memory_space<vmem>>) dst(%dma_wait3A_502 : memref<10240x128xf32, #tpu.memory_space<vmem_shared>>)
      %dma_start3A_503 = arith.constant 19 : i32
      %dma_start3A_504 = arith.constant 0 : i32
      %dma_start3A_505 = tpu.memref_slice %arg7[%dma_start3A_503, %dma_start3A_504] : memref<25x80xi32, #tpu.memory_space<vmem>> -> memref<1x80xi32, #tpu.memory_space<vmem>>
      %dma_start3A_506 = tpu.memref_squeeze %dma_start3A_505 : memref<1x80xi32, #tpu.memory_space<vmem>> -> memref<80xi32, #tpu.memory_space<vmem>>
      %dma_start3A_507 = arith.constant 0 : i32
      %dma_start3A_508 = arith.constant 0 : i32
      %dma_start3A_509 = tpu.memref_slice %arg2[%dma_start3A_507, %dma_start3A_508] : memref<10000x128xf32, #tpu.memory_space<hbm>> -> memref<10000x128xf32, #tpu.memory_space<hbm>>
      tpu.enqueue_indirect_dma source(%dma_start3A_509 : memref<10000x128xf32, #tpu.memory_space<hbm>>) target(%arg12 : memref<80x128xf32, #tpu.memory_space<vmem>>) offsets(%dma_start3A_506 : memref<80xi32, #tpu.memory_space<vmem>>) semaphore(%arg16 : memref<!tpu.dma_semaphore, #tpu.memory_space<semaphore_mem>>)
      %dma_wait3A_510 = arith.constant 16 : i32
      %dma_wait3A_511 = arith.constant 0 : i32
      %dma_wait3A_512 = tpu.memref_slice %arg7[%dma_wait3A_510, %dma_wait3A_511] : memref<25x80xi32, #tpu.memory_space<vmem>> -> memref<1x80xi32, #tpu.memory_space<vmem>>
      %dma_wait3A_513 = tpu.memref_squeeze %dma_wait3A_512 : memref<1x80xi32, #tpu.memory_space<vmem>> -> memref<80xi32, #tpu.memory_space<vmem>>
      %dma_wait3A_514 = arith.constant 0 : i32
      %dma_wait3A_515 = arith.constant 0 : i32
      %dma_wait3A_516 = tpu.memref_slice %arg2[%dma_wait3A_514, %dma_wait3A_515] : memref<10000x128xf32, #tpu.memory_space<hbm>> -> memref<10000x128xf32, #tpu.memory_space<hbm>>
      tpu.wait_indirect_dma semaphore(%arg13 : memref<!tpu.dma_semaphore, #tpu.memory_space<semaphore_mem>>) src(%dma_wait3A_516 : memref<10000x128xf32, #tpu.memory_space<hbm>>) dst(%arg9 : memref<80x128xf32, #tpu.memory_space<vmem>>)
      %dma_start3A_517 = arith.constant 16 : i32
      %dma_start3A_518 = arith.constant 0 : i32
      %dma_start3A_519 = tpu.memref_slice %arg8[%dma_start3A_517, %dma_start3A_518] : memref<25x80xi32, #tpu.memory_space<vmem>> -> memref<1x80xi32, #tpu.memory_space<vmem>>
      %dma_start3A_520 = tpu.memref_squeeze %dma_start3A_519 : memref<1x80xi32, #tpu.memory_space<vmem>> -> memref<80xi32, #tpu.memory_space<vmem>>
      %dma_start3A_521 = arith.constant 0 : i32
      %dma_start3A_522 = arith.constant 0 : i32
      %dma_start3A_523 = tpu.memref_slice %arg6[%dma_start3A_521, %dma_start3A_522] : memref<10240x128xf32, #tpu.memory_space<vmem_shared>> -> memref<10240x128xf32, #tpu.memory_space<vmem_shared>>
      tpu.enqueue_indirect_dma source(%arg9 : memref<80x128xf32, #tpu.memory_space<vmem>>) target(%dma_start3A_523 : memref<10240x128xf32, #tpu.memory_space<vmem_shared>>) offsets(%dma_start3A_520 : memref<80xi32, #tpu.memory_space<vmem>>) semaphore(%arg17 : memref<!tpu.dma_semaphore, #tpu.memory_space<semaphore_mem>>) {add = true}
      %dma_wait3A_524 = arith.constant 16 : i32
      %dma_wait3A_525 = arith.constant 0 : i32
      %dma_wait3A_526 = tpu.memref_slice %arg8[%dma_wait3A_524, %dma_wait3A_525] : memref<25x80xi32, #tpu.memory_space<vmem>> -> memref<1x80xi32, #tpu.memory_space<vmem>>
      %dma_wait3A_527 = tpu.memref_squeeze %dma_wait3A_526 : memref<1x80xi32, #tpu.memory_space<vmem>> -> memref<80xi32, #tpu.memory_space<vmem>>
      %dma_wait3A_528 = arith.constant 0 : i32
      %dma_wait3A_529 = arith.constant 0 : i32
      %dma_wait3A_530 = tpu.memref_slice %arg6[%dma_wait3A_528, %dma_wait3A_529] : memref<10240x128xf32, #tpu.memory_space<vmem_shared>> -> memref<10240x128xf32, #tpu.memory_space<vmem_shared>>
      tpu.wait_indirect_dma semaphore(%arg17 : memref<!tpu.dma_semaphore, #tpu.memory_space<semaphore_mem>>) src(%arg9 : memref<80x128xf32, #tpu.memory_space<vmem>>) dst(%dma_wait3A_530 : memref<10240x128xf32, #tpu.memory_space<vmem_shared>>)
      %dma_start3A_531 = arith.constant 20 : i32
      %dma_start3A_532 = arith.constant 0 : i32
      %dma_start3A_533 = tpu.memref_slice %arg7[%dma_start3A_531, %dma_start3A_532] : memref<25x80xi32, #tpu.memory_space<vmem>> -> memref<1x80xi32, #tpu.memory_space<vmem>>
      %dma_start3A_534 = tpu.memref_squeeze %dma_start3A_533 : memref<1x80xi32, #tpu.memory_space<vmem>> -> memref<80xi32, #tpu.memory_space<vmem>>
      %dma_start3A_535 = arith.constant 0 : i32
      %dma_start3A_536 = arith.constant 0 : i32
      %dma_start3A_537 = tpu.memref_slice %arg2[%dma_start3A_535, %dma_start3A_536] : memref<10000x128xf32, #tpu.memory_space<hbm>> -> memref<10000x128xf32, #tpu.memory_space<hbm>>
      tpu.enqueue_indirect_dma source(%dma_start3A_537 : memref<10000x128xf32, #tpu.memory_space<hbm>>) target(%arg9 : memref<80x128xf32, #tpu.memory_space<vmem>>) offsets(%dma_start3A_534 : memref<80xi32, #tpu.memory_space<vmem>>) semaphore(%arg13 : memref<!tpu.dma_semaphore, #tpu.memory_space<semaphore_mem>>)
      %dma_wait3A_538 = arith.constant 17 : i32
      %dma_wait3A_539 = arith.constant 0 : i32
      %dma_wait3A_540 = tpu.memref_slice %arg7[%dma_wait3A_538, %dma_wait3A_539] : memref<25x80xi32, #tpu.memory_space<vmem>> -> memref<1x80xi32, #tpu.memory_space<vmem>>
      %dma_wait3A_541 = tpu.memref_squeeze %dma_wait3A_540 : memref<1x80xi32, #tpu.memory_space<vmem>> -> memref<80xi32, #tpu.memory_space<vmem>>
      %dma_wait3A_542 = arith.constant 0 : i32
      %dma_wait3A_543 = arith.constant 0 : i32
      %dma_wait3A_544 = tpu.memref_slice %arg2[%dma_wait3A_542, %dma_wait3A_543] : memref<10000x128xf32, #tpu.memory_space<hbm>> -> memref<10000x128xf32, #tpu.memory_space<hbm>>
      tpu.wait_indirect_dma semaphore(%arg14 : memref<!tpu.dma_semaphore, #tpu.memory_space<semaphore_mem>>) src(%dma_wait3A_544 : memref<10000x128xf32, #tpu.memory_space<hbm>>) dst(%arg10 : memref<80x128xf32, #tpu.memory_space<vmem>>)
      %dma_start3A_545 = arith.constant 17 : i32
      %dma_start3A_546 = arith.constant 0 : i32
      %dma_start3A_547 = tpu.memref_slice %arg8[%dma_start3A_545, %dma_start3A_546] : memref<25x80xi32, #tpu.memory_space<vmem>> -> memref<1x80xi32, #tpu.memory_space<vmem>>
      %dma_start3A_548 = tpu.memref_squeeze %dma_start3A_547 : memref<1x80xi32, #tpu.memory_space<vmem>> -> memref<80xi32, #tpu.memory_space<vmem>>
      %dma_start3A_549 = arith.constant 0 : i32
      %dma_start3A_550 = arith.constant 0 : i32
      %dma_start3A_551 = tpu.memref_slice %arg6[%dma_start3A_549, %dma_start3A_550] : memref<10240x128xf32, #tpu.memory_space<vmem_shared>> -> memref<10240x128xf32, #tpu.memory_space<vmem_shared>>
      tpu.enqueue_indirect_dma source(%arg10 : memref<80x128xf32, #tpu.memory_space<vmem>>) target(%dma_start3A_551 : memref<10240x128xf32, #tpu.memory_space<vmem_shared>>) offsets(%dma_start3A_548 : memref<80xi32, #tpu.memory_space<vmem>>) semaphore(%arg18 : memref<!tpu.dma_semaphore, #tpu.memory_space<semaphore_mem>>) {add = true}
      %dma_wait3A_552 = arith.constant 17 : i32
      %dma_wait3A_553 = arith.constant 0 : i32
      %dma_wait3A_554 = tpu.memref_slice %arg8[%dma_wait3A_552, %dma_wait3A_553] : memref<25x80xi32, #tpu.memory_space<vmem>> -> memref<1x80xi32, #tpu.memory_space<vmem>>
      %dma_wait3A_555 = tpu.memref_squeeze %dma_wait3A_554 : memref<1x80xi32, #tpu.memory_space<vmem>> -> memref<80xi32, #tpu.memory_space<vmem>>
      %dma_wait3A_556 = arith.constant 0 : i32
      %dma_wait3A_557 = arith.constant 0 : i32
      %dma_wait3A_558 = tpu.memref_slice %arg6[%dma_wait3A_556, %dma_wait3A_557] : memref<10240x128xf32, #tpu.memory_space<vmem_shared>> -> memref<10240x128xf32, #tpu.memory_space<vmem_shared>>
      tpu.wait_indirect_dma semaphore(%arg18 : memref<!tpu.dma_semaphore, #tpu.memory_space<semaphore_mem>>) src(%arg10 : memref<80x128xf32, #tpu.memory_space<vmem>>) dst(%dma_wait3A_558 : memref<10240x128xf32, #tpu.memory_space<vmem_shared>>)
      %dma_start3A_559 = arith.constant 21 : i32
      %dma_start3A_560 = arith.constant 0 : i32
      %dma_start3A_561 = tpu.memref_slice %arg7[%dma_start3A_559, %dma_start3A_560] : memref<25x80xi32, #tpu.memory_space<vmem>> -> memref<1x80xi32, #tpu.memory_space<vmem>>
      %dma_start3A_562 = tpu.memref_squeeze %dma_start3A_561 : memref<1x80xi32, #tpu.memory_space<vmem>> -> memref<80xi32, #tpu.memory_space<vmem>>
      %dma_start3A_563 = arith.constant 0 : i32
      %dma_start3A_564 = arith.constant 0 : i32
      %dma_start3A_565 = tpu.memref_slice %arg2[%dma_start3A_563, %dma_start3A_564] : memref<10000x128xf32, #tpu.memory_space<hbm>> -> memref<10000x128xf32, #tpu.memory_space<hbm>>
      tpu.enqueue_indirect_dma source(%dma_start3A_565 : memref<10000x128xf32, #tpu.memory_space<hbm>>) target(%arg10 : memref<80x128xf32, #tpu.memory_space<vmem>>) offsets(%dma_start3A_562 : memref<80xi32, #tpu.memory_space<vmem>>) semaphore(%arg14 : memref<!tpu.dma_semaphore, #tpu.memory_space<semaphore_mem>>)
      %dma_wait3A_566 = arith.constant 18 : i32
      %dma_wait3A_567 = arith.constant 0 : i32
      %dma_wait3A_568 = tpu.memref_slice %arg7[%dma_wait3A_566, %dma_wait3A_567] : memref<25x80xi32, #tpu.memory_space<vmem>> -> memref<1x80xi32, #tpu.memory_space<vmem>>
      %dma_wait3A_569 = tpu.memref_squeeze %dma_wait3A_568 : memref<1x80xi32, #tpu.memory_space<vmem>> -> memref<80xi32, #tpu.memory_space<vmem>>
      %dma_wait3A_570 = arith.constant 0 : i32
      %dma_wait3A_571 = arith.constant 0 : i32
      %dma_wait3A_572 = tpu.memref_slice %arg2[%dma_wait3A_570, %dma_wait3A_571] : memref<10000x128xf32, #tpu.memory_space<hbm>> -> memref<10000x128xf32, #tpu.memory_space<hbm>>
      tpu.wait_indirect_dma semaphore(%arg15 : memref<!tpu.dma_semaphore, #tpu.memory_space<semaphore_mem>>) src(%dma_wait3A_572 : memref<10000x128xf32, #tpu.memory_space<hbm>>) dst(%arg11 : memref<80x128xf32, #tpu.memory_space<vmem>>)
      %dma_start3A_573 = arith.constant 18 : i32
      %dma_start3A_574 = arith.constant 0 : i32
      %dma_start3A_575 = tpu.memref_slice %arg8[%dma_start3A_573, %dma_start3A_574] : memref<25x80xi32, #tpu.memory_space<vmem>> -> memref<1x80xi32, #tpu.memory_space<vmem>>
      %dma_start3A_576 = tpu.memref_squeeze %dma_start3A_575 : memref<1x80xi32, #tpu.memory_space<vmem>> -> memref<80xi32, #tpu.memory_space<vmem>>
      %dma_start3A_577 = arith.constant 0 : i32
      %dma_start3A_578 = arith.constant 0 : i32
      %dma_start3A_579 = tpu.memref_slice %arg6[%dma_start3A_577, %dma_start3A_578] : memref<10240x128xf32, #tpu.memory_space<vmem_shared>> -> memref<10240x128xf32, #tpu.memory_space<vmem_shared>>
      tpu.enqueue_indirect_dma source(%arg11 : memref<80x128xf32, #tpu.memory_space<vmem>>) target(%dma_start3A_579 : memref<10240x128xf32, #tpu.memory_space<vmem_shared>>) offsets(%dma_start3A_576 : memref<80xi32, #tpu.memory_space<vmem>>) semaphore(%arg19 : memref<!tpu.dma_semaphore, #tpu.memory_space<semaphore_mem>>) {add = true}
      %dma_wait3A_580 = arith.constant 18 : i32
      %dma_wait3A_581 = arith.constant 0 : i32
      %dma_wait3A_582 = tpu.memref_slice %arg8[%dma_wait3A_580, %dma_wait3A_581] : memref<25x80xi32, #tpu.memory_space<vmem>> -> memref<1x80xi32, #tpu.memory_space<vmem>>
      %dma_wait3A_583 = tpu.memref_squeeze %dma_wait3A_582 : memref<1x80xi32, #tpu.memory_space<vmem>> -> memref<80xi32, #tpu.memory_space<vmem>>
      %dma_wait3A_584 = arith.constant 0 : i32
      %dma_wait3A_585 = arith.constant 0 : i32
      %dma_wait3A_586 = tpu.memref_slice %arg6[%dma_wait3A_584, %dma_wait3A_585] : memref<10240x128xf32, #tpu.memory_space<vmem_shared>> -> memref<10240x128xf32, #tpu.memory_space<vmem_shared>>
      tpu.wait_indirect_dma semaphore(%arg19 : memref<!tpu.dma_semaphore, #tpu.memory_space<semaphore_mem>>) src(%arg11 : memref<80x128xf32, #tpu.memory_space<vmem>>) dst(%dma_wait3A_586 : memref<10240x128xf32, #tpu.memory_space<vmem_shared>>)
      %dma_start3A_587 = arith.constant 22 : i32
      %dma_start3A_588 = arith.constant 0 : i32
      %dma_start3A_589 = tpu.memref_slice %arg7[%dma_start3A_587, %dma_start3A_588] : memref<25x80xi32, #tpu.memory_space<vmem>> -> memref<1x80xi32, #tpu.memory_space<vmem>>
      %dma_start3A_590 = tpu.memref_squeeze %dma_start3A_589 : memref<1x80xi32, #tpu.memory_space<vmem>> -> memref<80xi32, #tpu.memory_space<vmem>>
      %dma_start3A_591 = arith.constant 0 : i32
      %dma_start3A_592 = arith.constant 0 : i32
      %dma_start3A_593 = tpu.memref_slice %arg2[%dma_start3A_591, %dma_start3A_592] : memref<10000x128xf32, #tpu.memory_space<hbm>> -> memref<10000x128xf32, #tpu.memory_space<hbm>>
      tpu.enqueue_indirect_dma source(%dma_start3A_593 : memref<10000x128xf32, #tpu.memory_space<hbm>>) target(%arg11 : memref<80x128xf32, #tpu.memory_space<vmem>>) offsets(%dma_start3A_590 : memref<80xi32, #tpu.memory_space<vmem>>) semaphore(%arg15 : memref<!tpu.dma_semaphore, #tpu.memory_space<semaphore_mem>>)
      %dma_wait3A_594 = arith.constant 19 : i32
      %dma_wait3A_595 = arith.constant 0 : i32
      %dma_wait3A_596 = tpu.memref_slice %arg7[%dma_wait3A_594, %dma_wait3A_595] : memref<25x80xi32, #tpu.memory_space<vmem>> -> memref<1x80xi32, #tpu.memory_space<vmem>>
      %dma_wait3A_597 = tpu.memref_squeeze %dma_wait3A_596 : memref<1x80xi32, #tpu.memory_space<vmem>> -> memref<80xi32, #tpu.memory_space<vmem>>
      %dma_wait3A_598 = arith.constant 0 : i32
      %dma_wait3A_599 = arith.constant 0 : i32
      %dma_wait3A_600 = tpu.memref_slice %arg2[%dma_wait3A_598, %dma_wait3A_599] : memref<10000x128xf32, #tpu.memory_space<hbm>> -> memref<10000x128xf32, #tpu.memory_space<hbm>>
      tpu.wait_indirect_dma semaphore(%arg16 : memref<!tpu.dma_semaphore, #tpu.memory_space<semaphore_mem>>) src(%dma_wait3A_600 : memref<10000x128xf32, #tpu.memory_space<hbm>>) dst(%arg12 : memref<80x128xf32, #tpu.memory_space<vmem>>)
      %dma_start3A_601 = arith.constant 19 : i32
      %dma_start3A_602 = arith.constant 0 : i32
      %dma_start3A_603 = tpu.memref_slice %arg8[%dma_start3A_601, %dma_start3A_602] : memref<25x80xi32, #tpu.memory_space<vmem>> -> memref<1x80xi32, #tpu.memory_space<vmem>>
      %dma_start3A_604 = tpu.memref_squeeze %dma_start3A_603 : memref<1x80xi32, #tpu.memory_space<vmem>> -> memref<80xi32, #tpu.memory_space<vmem>>
      %dma_start3A_605 = arith.constant 0 : i32
      %dma_start3A_606 = arith.constant 0 : i32
      %dma_start3A_607 = tpu.memref_slice %arg6[%dma_start3A_605, %dma_start3A_606] : memref<10240x128xf32, #tpu.memory_space<vmem_shared>> -> memref<10240x128xf32, #tpu.memory_space<vmem_shared>>
      tpu.enqueue_indirect_dma source(%arg12 : memref<80x128xf32, #tpu.memory_space<vmem>>) target(%dma_start3A_607 : memref<10240x128xf32, #tpu.memory_space<vmem_shared>>) offsets(%dma_start3A_604 : memref<80xi32, #tpu.memory_space<vmem>>) semaphore(%arg20 : memref<!tpu.dma_semaphore, #tpu.memory_space<semaphore_mem>>) {add = true}
      %dma_wait3A_608 = arith.constant 19 : i32
      %dma_wait3A_609 = arith.constant 0 : i32
      %dma_wait3A_610 = tpu.memref_slice %arg8[%dma_wait3A_608, %dma_wait3A_609] : memref<25x80xi32, #tpu.memory_space<vmem>> -> memref<1x80xi32, #tpu.memory_space<vmem>>
      %dma_wait3A_611 = tpu.memref_squeeze %dma_wait3A_610 : memref<1x80xi32, #tpu.memory_space<vmem>> -> memref<80xi32, #tpu.memory_space<vmem>>
      %dma_wait3A_612 = arith.constant 0 : i32
      %dma_wait3A_613 = arith.constant 0 : i32
      %dma_wait3A_614 = tpu.memref_slice %arg6[%dma_wait3A_612, %dma_wait3A_613] : memref<10240x128xf32, #tpu.memory_space<vmem_shared>> -> memref<10240x128xf32, #tpu.memory_space<vmem_shared>>
      tpu.wait_indirect_dma semaphore(%arg20 : memref<!tpu.dma_semaphore, #tpu.memory_space<semaphore_mem>>) src(%arg12 : memref<80x128xf32, #tpu.memory_space<vmem>>) dst(%dma_wait3A_614 : memref<10240x128xf32, #tpu.memory_space<vmem_shared>>)
      %dma_start3A_615 = arith.constant 23 : i32
      %dma_start3A_616 = arith.constant 0 : i32
      %dma_start3A_617 = tpu.memref_slice %arg7[%dma_start3A_615, %dma_start3A_616] : memref<25x80xi32, #tpu.memory_space<vmem>> -> memref<1x80xi32, #tpu.memory_space<vmem>>
      %dma_start3A_618 = tpu.memref_squeeze %dma_start3A_617 : memref<1x80xi32, #tpu.memory_space<vmem>> -> memref<80xi32, #tpu.memory_space<vmem>>
      %dma_start3A_619 = arith.constant 0 : i32
      %dma_start3A_620 = arith.constant 0 : i32
      %dma_start3A_621 = tpu.memref_slice %arg2[%dma_start3A_619, %dma_start3A_620] : memref<10000x128xf32, #tpu.memory_space<hbm>> -> memref<10000x128xf32, #tpu.memory_space<hbm>>
      tpu.enqueue_indirect_dma source(%dma_start3A_621 : memref<10000x128xf32, #tpu.memory_space<hbm>>) target(%arg12 : memref<80x128xf32, #tpu.memory_space<vmem>>) offsets(%dma_start3A_618 : memref<80xi32, #tpu.memory_space<vmem>>) semaphore(%arg16 : memref<!tpu.dma_semaphore, #tpu.memory_space<semaphore_mem>>)
      %dma_wait3A_622 = arith.constant 20 : i32
      %dma_wait3A_623 = arith.constant 0 : i32
      %dma_wait3A_624 = tpu.memref_slice %arg7[%dma_wait3A_622, %dma_wait3A_623] : memref<25x80xi32, #tpu.memory_space<vmem>> -> memref<1x80xi32, #tpu.memory_space<vmem>>
      %dma_wait3A_625 = tpu.memref_squeeze %dma_wait3A_624 : memref<1x80xi32, #tpu.memory_space<vmem>> -> memref<80xi32, #tpu.memory_space<vmem>>
      %dma_wait3A_626 = arith.constant 0 : i32
      %dma_wait3A_627 = arith.constant 0 : i32
      %dma_wait3A_628 = tpu.memref_slice %arg2[%dma_wait3A_626, %dma_wait3A_627] : memref<10000x128xf32, #tpu.memory_space<hbm>> -> memref<10000x128xf32, #tpu.memory_space<hbm>>
      tpu.wait_indirect_dma semaphore(%arg13 : memref<!tpu.dma_semaphore, #tpu.memory_space<semaphore_mem>>) src(%dma_wait3A_628 : memref<10000x128xf32, #tpu.memory_space<hbm>>) dst(%arg9 : memref<80x128xf32, #tpu.memory_space<vmem>>)
      %dma_start3A_629 = arith.constant 20 : i32
      %dma_start3A_630 = arith.constant 0 : i32
      %dma_start3A_631 = tpu.memref_slice %arg8[%dma_start3A_629, %dma_start3A_630] : memref<25x80xi32, #tpu.memory_space<vmem>> -> memref<1x80xi32, #tpu.memory_space<vmem>>
      %dma_start3A_632 = tpu.memref_squeeze %dma_start3A_631 : memref<1x80xi32, #tpu.memory_space<vmem>> -> memref<80xi32, #tpu.memory_space<vmem>>
      %dma_start3A_633 = arith.constant 0 : i32
      %dma_start3A_634 = arith.constant 0 : i32
      %dma_start3A_635 = tpu.memref_slice %arg6[%dma_start3A_633, %dma_start3A_634] : memref<10240x128xf32, #tpu.memory_space<vmem_shared>> -> memref<10240x128xf32, #tpu.memory_space<vmem_shared>>
      tpu.enqueue_indirect_dma source(%arg9 : memref<80x128xf32, #tpu.memory_space<vmem>>) target(%dma_start3A_635 : memref<10240x128xf32, #tpu.memory_space<vmem_shared>>) offsets(%dma_start3A_632 : memref<80xi32, #tpu.memory_space<vmem>>) semaphore(%arg17 : memref<!tpu.dma_semaphore, #tpu.memory_space<semaphore_mem>>) {add = true}
      %dma_wait3A_636 = arith.constant 20 : i32
      %dma_wait3A_637 = arith.constant 0 : i32
      %dma_wait3A_638 = tpu.memref_slice %arg8[%dma_wait3A_636, %dma_wait3A_637] : memref<25x80xi32, #tpu.memory_space<vmem>> -> memref<1x80xi32, #tpu.memory_space<vmem>>
      %dma_wait3A_639 = tpu.memref_squeeze %dma_wait3A_638 : memref<1x80xi32, #tpu.memory_space<vmem>> -> memref<80xi32, #tpu.memory_space<vmem>>
      %dma_wait3A_640 = arith.constant 0 : i32
      %dma_wait3A_641 = arith.constant 0 : i32
      %dma_wait3A_642 = tpu.memref_slice %arg6[%dma_wait3A_640, %dma_wait3A_641] : memref<10240x128xf32, #tpu.memory_space<vmem_shared>> -> memref<10240x128xf32, #tpu.memory_space<vmem_shared>>
      tpu.wait_indirect_dma semaphore(%arg17 : memref<!tpu.dma_semaphore, #tpu.memory_space<semaphore_mem>>) src(%arg9 : memref<80x128xf32, #tpu.memory_space<vmem>>) dst(%dma_wait3A_642 : memref<10240x128xf32, #tpu.memory_space<vmem_shared>>)
      %dma_start3A_643 = arith.constant 24 : i32
      %dma_start3A_644 = arith.constant 0 : i32
      %dma_start3A_645 = tpu.memref_slice %arg7[%dma_start3A_643, %dma_start3A_644] : memref<25x80xi32, #tpu.memory_space<vmem>> -> memref<1x80xi32, #tpu.memory_space<vmem>>
      %dma_start3A_646 = tpu.memref_squeeze %dma_start3A_645 : memref<1x80xi32, #tpu.memory_space<vmem>> -> memref<80xi32, #tpu.memory_space<vmem>>
      %dma_start3A_647 = arith.constant 0 : i32
      %dma_start3A_648 = arith.constant 0 : i32
      %dma_start3A_649 = tpu.memref_slice %arg2[%dma_start3A_647, %dma_start3A_648] : memref<10000x128xf32, #tpu.memory_space<hbm>> -> memref<10000x128xf32, #tpu.memory_space<hbm>>
      tpu.enqueue_indirect_dma source(%dma_start3A_649 : memref<10000x128xf32, #tpu.memory_space<hbm>>) target(%arg9 : memref<80x128xf32, #tpu.memory_space<vmem>>) offsets(%dma_start3A_646 : memref<80xi32, #tpu.memory_space<vmem>>) semaphore(%arg13 : memref<!tpu.dma_semaphore, #tpu.memory_space<semaphore_mem>>)
      %dma_wait3A_650 = arith.constant 21 : i32
      %dma_wait3A_651 = arith.constant 0 : i32
      %dma_wait3A_652 = tpu.memref_slice %arg7[%dma_wait3A_650, %dma_wait3A_651] : memref<25x80xi32, #tpu.memory_space<vmem>> -> memref<1x80xi32, #tpu.memory_space<vmem>>
      %dma_wait3A_653 = tpu.memref_squeeze %dma_wait3A_652 : memref<1x80xi32, #tpu.memory_space<vmem>> -> memref<80xi32, #tpu.memory_space<vmem>>
      %dma_wait3A_654 = arith.constant 0 : i32
      %dma_wait3A_655 = arith.constant 0 : i32
      %dma_wait3A_656 = tpu.memref_slice %arg2[%dma_wait3A_654, %dma_wait3A_655] : memref<10000x128xf32, #tpu.memory_space<hbm>> -> memref<10000x128xf32, #tpu.memory_space<hbm>>
      tpu.wait_indirect_dma semaphore(%arg14 : memref<!tpu.dma_semaphore, #tpu.memory_space<semaphore_mem>>) src(%dma_wait3A_656 : memref<10000x128xf32, #tpu.memory_space<hbm>>) dst(%arg10 : memref<80x128xf32, #tpu.memory_space<vmem>>)
      %dma_start3A_657 = arith.constant 21 : i32
      %dma_start3A_658 = arith.constant 0 : i32
      %dma_start3A_659 = tpu.memref_slice %arg8[%dma_start3A_657, %dma_start3A_658] : memref<25x80xi32, #tpu.memory_space<vmem>> -> memref<1x80xi32, #tpu.memory_space<vmem>>
      %dma_start3A_660 = tpu.memref_squeeze %dma_start3A_659 : memref<1x80xi32, #tpu.memory_space<vmem>> -> memref<80xi32, #tpu.memory_space<vmem>>
      %dma_start3A_661 = arith.constant 0 : i32
      %dma_start3A_662 = arith.constant 0 : i32
      %dma_start3A_663 = tpu.memref_slice %arg6[%dma_start3A_661, %dma_start3A_662] : memref<10240x128xf32, #tpu.memory_space<vmem_shared>> -> memref<10240x128xf32, #tpu.memory_space<vmem_shared>>
      tpu.enqueue_indirect_dma source(%arg10 : memref<80x128xf32, #tpu.memory_space<vmem>>) target(%dma_start3A_663 : memref<10240x128xf32, #tpu.memory_space<vmem_shared>>) offsets(%dma_start3A_660 : memref<80xi32, #tpu.memory_space<vmem>>) semaphore(%arg18 : memref<!tpu.dma_semaphore, #tpu.memory_space<semaphore_mem>>) {add = true}
      %dma_wait3A_664 = arith.constant 22 : i32
      %dma_wait3A_665 = arith.constant 0 : i32
      %dma_wait3A_666 = tpu.memref_slice %arg7[%dma_wait3A_664, %dma_wait3A_665] : memref<25x80xi32, #tpu.memory_space<vmem>> -> memref<1x80xi32, #tpu.memory_space<vmem>>
      %dma_wait3A_667 = tpu.memref_squeeze %dma_wait3A_666 : memref<1x80xi32, #tpu.memory_space<vmem>> -> memref<80xi32, #tpu.memory_space<vmem>>
      %dma_wait3A_668 = arith.constant 0 : i32
      %dma_wait3A_669 = arith.constant 0 : i32
      %dma_wait3A_670 = tpu.memref_slice %arg2[%dma_wait3A_668, %dma_wait3A_669] : memref<10000x128xf32, #tpu.memory_space<hbm>> -> memref<10000x128xf32, #tpu.memory_space<hbm>>
      tpu.wait_indirect_dma semaphore(%arg15 : memref<!tpu.dma_semaphore, #tpu.memory_space<semaphore_mem>>) src(%dma_wait3A_670 : memref<10000x128xf32, #tpu.memory_space<hbm>>) dst(%arg11 : memref<80x128xf32, #tpu.memory_space<vmem>>)
      %dma_start3A_671 = arith.constant 22 : i32
      %dma_start3A_672 = arith.constant 0 : i32
      %dma_start3A_673 = tpu.memref_slice %arg8[%dma_start3A_671, %dma_start3A_672] : memref<25x80xi32, #tpu.memory_space<vmem>> -> memref<1x80xi32, #tpu.memory_space<vmem>>
      %dma_start3A_674 = tpu.memref_squeeze %dma_start3A_673 : memref<1x80xi32, #tpu.memory_space<vmem>> -> memref<80xi32, #tpu.memory_space<vmem>>
      %dma_start3A_675 = arith.constant 0 : i32
      %dma_start3A_676 = arith.constant 0 : i32
      %dma_start3A_677 = tpu.memref_slice %arg6[%dma_start3A_675, %dma_start3A_676] : memref<10240x128xf32, #tpu.memory_space<vmem_shared>> -> memref<10240x128xf32, #tpu.memory_space<vmem_shared>>
      tpu.enqueue_indirect_dma source(%arg11 : memref<80x128xf32, #tpu.memory_space<vmem>>) target(%dma_start3A_677 : memref<10240x128xf32, #tpu.memory_space<vmem_shared>>) offsets(%dma_start3A_674 : memref<80xi32, #tpu.memory_space<vmem>>) semaphore(%arg19 : memref<!tpu.dma_semaphore, #tpu.memory_space<semaphore_mem>>) {add = true}
      %dma_wait3A_678 = arith.constant 23 : i32
      %dma_wait3A_679 = arith.constant 0 : i32
      %dma_wait3A_680 = tpu.memref_slice %arg7[%dma_wait3A_678, %dma_wait3A_679] : memref<25x80xi32, #tpu.memory_space<vmem>> -> memref<1x80xi32, #tpu.memory_space<vmem>>
      %dma_wait3A_681 = tpu.memref_squeeze %dma_wait3A_680 : memref<1x80xi32, #tpu.memory_space<vmem>> -> memref<80xi32, #tpu.memory_space<vmem>>
      %dma_wait3A_682 = arith.constant 0 : i32
      %dma_wait3A_683 = arith.constant 0 : i32
      %dma_wait3A_684 = tpu.memref_slice %arg2[%dma_wait3A_682, %dma_wait3A_683] : memref<10000x128xf32, #tpu.memory_space<hbm>> -> memref<10000x128xf32, #tpu.memory_space<hbm>>
      tpu.wait_indirect_dma semaphore(%arg16 : memref<!tpu.dma_semaphore, #tpu.memory_space<semaphore_mem>>) src(%dma_wait3A_684 : memref<10000x128xf32, #tpu.memory_space<hbm>>) dst(%arg12 : memref<80x128xf32, #tpu.memory_space<vmem>>)
      %dma_start3A_685 = arith.constant 23 : i32
      %dma_start3A_686 = arith.constant 0 : i32
      %dma_start3A_687 = tpu.memref_slice %arg8[%dma_start3A_685, %dma_start3A_686] : memref<25x80xi32, #tpu.memory_space<vmem>> -> memref<1x80xi32, #tpu.memory_space<vmem>>
      %dma_start3A_688 = tpu.memref_squeeze %dma_start3A_687 : memref<1x80xi32, #tpu.memory_space<vmem>> -> memref<80xi32, #tpu.memory_space<vmem>>
      %dma_start3A_689 = arith.constant 0 : i32
      %dma_start3A_690 = arith.constant 0 : i32
      %dma_start3A_691 = tpu.memref_slice %arg6[%dma_start3A_689, %dma_start3A_690] : memref<10240x128xf32, #tpu.memory_space<vmem_shared>> -> memref<10240x128xf32, #tpu.memory_space<vmem_shared>>
      tpu.enqueue_indirect_dma source(%arg12 : memref<80x128xf32, #tpu.memory_space<vmem>>) target(%dma_start3A_691 : memref<10240x128xf32, #tpu.memory_space<vmem_shared>>) offsets(%dma_start3A_688 : memref<80xi32, #tpu.memory_space<vmem>>) semaphore(%arg20 : memref<!tpu.dma_semaphore, #tpu.memory_space<semaphore_mem>>) {add = true}
      %dma_wait3A_692 = arith.constant 24 : i32
      %dma_wait3A_693 = arith.constant 0 : i32
      %dma_wait3A_694 = tpu.memref_slice %arg7[%dma_wait3A_692, %dma_wait3A_693] : memref<25x80xi32, #tpu.memory_space<vmem>> -> memref<1x80xi32, #tpu.memory_space<vmem>>
      %dma_wait3A_695 = tpu.memref_squeeze %dma_wait3A_694 : memref<1x80xi32, #tpu.memory_space<vmem>> -> memref<80xi32, #tpu.memory_space<vmem>>
      %dma_wait3A_696 = arith.constant 0 : i32
      %dma_wait3A_697 = arith.constant 0 : i32
      %dma_wait3A_698 = tpu.memref_slice %arg2[%dma_wait3A_696, %dma_wait3A_697] : memref<10000x128xf32, #tpu.memory_space<hbm>> -> memref<10000x128xf32, #tpu.memory_space<hbm>>
      tpu.wait_indirect_dma semaphore(%arg13 : memref<!tpu.dma_semaphore, #tpu.memory_space<semaphore_mem>>) src(%dma_wait3A_698 : memref<10000x128xf32, #tpu.memory_space<hbm>>) dst(%arg9 : memref<80x128xf32, #tpu.memory_space<vmem>>)
      %dma_start3A_699 = arith.constant 24 : i32
      %dma_start3A_700 = arith.constant 0 : i32
      %dma_start3A_701 = tpu.memref_slice %arg8[%dma_start3A_699, %dma_start3A_700] : memref<25x80xi32, #tpu.memory_space<vmem>> -> memref<1x80xi32, #tpu.memory_space<vmem>>
      %dma_start3A_702 = tpu.memref_squeeze %dma_start3A_701 : memref<1x80xi32, #tpu.memory_space<vmem>> -> memref<80xi32, #tpu.memory_space<vmem>>
      %dma_start3A_703 = arith.constant 0 : i32
      %dma_start3A_704 = arith.constant 0 : i32
      %dma_start3A_705 = tpu.memref_slice %arg6[%dma_start3A_703, %dma_start3A_704] : memref<10240x128xf32, #tpu.memory_space<vmem_shared>> -> memref<10240x128xf32, #tpu.memory_space<vmem_shared>>
      tpu.enqueue_indirect_dma source(%arg9 : memref<80x128xf32, #tpu.memory_space<vmem>>) target(%dma_start3A_705 : memref<10240x128xf32, #tpu.memory_space<vmem_shared>>) offsets(%dma_start3A_702 : memref<80xi32, #tpu.memory_space<vmem>>) semaphore(%arg17 : memref<!tpu.dma_semaphore, #tpu.memory_space<semaphore_mem>>) {add = true}
      %dma_wait3A_706 = arith.constant 24 : i32
      %dma_wait3A_707 = arith.constant 0 : i32
      %dma_wait3A_708 = tpu.memref_slice %arg8[%dma_wait3A_706, %dma_wait3A_707] : memref<25x80xi32, #tpu.memory_space<vmem>> -> memref<1x80xi32, #tpu.memory_space<vmem>>
      %dma_wait3A_709 = tpu.memref_squeeze %dma_wait3A_708 : memref<1x80xi32, #tpu.memory_space<vmem>> -> memref<80xi32, #tpu.memory_space<vmem>>
      %dma_wait3A_710 = arith.constant 0 : i32
      %dma_wait3A_711 = arith.constant 0 : i32
      %dma_wait3A_712 = tpu.memref_slice %arg6[%dma_wait3A_710, %dma_wait3A_711] : memref<10240x128xf32, #tpu.memory_space<vmem_shared>> -> memref<10240x128xf32, #tpu.memory_space<vmem_shared>>
      tpu.wait_indirect_dma semaphore(%arg17 : memref<!tpu.dma_semaphore, #tpu.memory_space<semaphore_mem>>) src(%arg9 : memref<80x128xf32, #tpu.memory_space<vmem>>) dst(%dma_wait3A_712 : memref<10240x128xf32, #tpu.memory_space<vmem_shared>>)
      %dma_wait3A_713 = arith.constant 23 : i32
      %dma_wait3A_714 = arith.constant 0 : i32
      %dma_wait3A_715 = tpu.memref_slice %arg8[%dma_wait3A_713, %dma_wait3A_714] : memref<25x80xi32, #tpu.memory_space<vmem>> -> memref<1x80xi32, #tpu.memory_space<vmem>>
      %dma_wait3A_716 = tpu.memref_squeeze %dma_wait3A_715 : memref<1x80xi32, #tpu.memory_space<vmem>> -> memref<80xi32, #tpu.memory_space<vmem>>
      %dma_wait3A_717 = arith.constant 0 : i32
      %dma_wait3A_718 = arith.constant 0 : i32
      %dma_wait3A_719 = tpu.memref_slice %arg6[%dma_wait3A_717, %dma_wait3A_718] : memref<10240x128xf32, #tpu.memory_space<vmem_shared>> -> memref<10240x128xf32, #tpu.memory_space<vmem_shared>>
      tpu.wait_indirect_dma semaphore(%arg20 : memref<!tpu.dma_semaphore, #tpu.memory_space<semaphore_mem>>) src(%arg12 : memref<80x128xf32, #tpu.memory_space<vmem>>) dst(%dma_wait3A_719 : memref<10240x128xf32, #tpu.memory_space<vmem_shared>>)
      %dma_wait3A_720 = arith.constant 22 : i32
      %dma_wait3A_721 = arith.constant 0 : i32
      %dma_wait3A_722 = tpu.memref_slice %arg8[%dma_wait3A_720, %dma_wait3A_721] : memref<25x80xi32, #tpu.memory_space<vmem>> -> memref<1x80xi32, #tpu.memory_space<vmem>>
      %dma_wait3A_723 = tpu.memref_squeeze %dma_wait3A_722 : memref<1x80xi32, #tpu.memory_space<vmem>> -> memref<80xi32, #tpu.memory_space<vmem>>
      %dma_wait3A_724 = arith.constant 0 : i32
      %dma_wait3A_725 = arith.constant 0 : i32
      %dma_wait3A_726 = tpu.memref_slice %arg6[%dma_wait3A_724, %dma_wait3A_725] : memref<10240x128xf32, #tpu.memory_space<vmem_shared>> -> memref<10240x128xf32, #tpu.memory_space<vmem_shared>>
      tpu.wait_indirect_dma semaphore(%arg19 : memref<!tpu.dma_semaphore, #tpu.memory_space<semaphore_mem>>) src(%arg11 : memref<80x128xf32, #tpu.memory_space<vmem>>) dst(%dma_wait3A_726 : memref<10240x128xf32, #tpu.memory_space<vmem_shared>>)
      %dma_wait3A_727 = arith.constant 21 : i32
      %dma_wait3A_728 = arith.constant 0 : i32
      %dma_wait3A_729 = tpu.memref_slice %arg8[%dma_wait3A_727, %dma_wait3A_728] : memref<25x80xi32, #tpu.memory_space<vmem>> -> memref<1x80xi32, #tpu.memory_space<vmem>>
      %dma_wait3A_730 = tpu.memref_squeeze %dma_wait3A_729 : memref<1x80xi32, #tpu.memory_space<vmem>> -> memref<80xi32, #tpu.memory_space<vmem>>
      %dma_wait3A_731 = arith.constant 0 : i32
      %dma_wait3A_732 = arith.constant 0 : i32
      %dma_wait3A_733 = tpu.memref_slice %arg6[%dma_wait3A_731, %dma_wait3A_732] : memref<10240x128xf32, #tpu.memory_space<vmem_shared>> -> memref<10240x128xf32, #tpu.memory_space<vmem_shared>>
      tpu.wait_indirect_dma semaphore(%arg18 : memref<!tpu.dma_semaphore, #tpu.memory_space<semaphore_mem>>) src(%arg10 : memref<80x128xf32, #tpu.memory_space<vmem>>) dst(%dma_wait3A_733 : memref<10240x128xf32, #tpu.memory_space<vmem_shared>>)
      %scan3A_734 = arith.constant 0 : i32
      scf.yield %scan3A_734 : i32
    }
    %scan3A_32 = arith.constant 5 : i32
    %barrier3A_33 = arith.constant 0 : index
    tpu.barrier barrier_id(%barrier3A_33)
    "tpu.region"() ({
      %run_scoped3A = tpu.sem_alloc : memref<!tpu.dma_semaphore, #tpu.memory_space<semaphore_mem>>
      %dma_start3A = arith.constant 0 : i32
      %dma_start3A_34 = arith.constant 0 : i32
      %dma_start3A_35 = tpu.memref_slice %arg5[%arg0, %arg1, %dma_start3A, %dma_start3A_34] : memref<2x16x640x128xf32, #tpu.memory_space<hbm>> -> memref<1x1x640x128xf32, #tpu.memory_space<hbm>>
      %dma_start3A_36 = tpu.memref_squeeze %dma_start3A_35 : memref<1x1x640x128xf32, #tpu.memory_space<hbm>> -> memref<640x128xf32, #tpu.memory_space<hbm>>
      %dma_start3A_37 = arith.constant 0 : i32
      %dma_start3A_38 = tpu.memref_slice %arg6[%mul3A_9, %dma_start3A_37] : memref<10240x128xf32, #tpu.memory_space<vmem_shared>> -> memref<640x128xf32, #tpu.memory_space<vmem_shared>>
      tpu.enqueue_dma source(%dma_start3A_38 : memref<640x128xf32, #tpu.memory_space<vmem_shared>>) target(%dma_start3A_36 : memref<640x128xf32, #tpu.memory_space<hbm>>) target_semaphore(%run_scoped3A : memref<!tpu.dma_semaphore, #tpu.memory_space<semaphore_mem>>)
      %dma_wait3A = arith.constant 0 : i32
      %dma_wait3A_39 = arith.constant 0 : i32
      %dma_wait3A_40 = tpu.memref_slice %arg5[%arg0, %arg1, %dma_wait3A, %dma_wait3A_39] : memref<2x16x640x128xf32, #tpu.memory_space<hbm>> -> memref<1x1x640x128xf32, #tpu.memory_space<hbm>>
      %dma_wait3A_41 = tpu.memref_squeeze %dma_wait3A_40 : memref<1x1x640x128xf32, #tpu.memory_space<hbm>> -> memref<640x128xf32, #tpu.memory_space<hbm>>
      %dma_wait3A_42 = arith.constant 0 : i32
      %dma_wait3A_43 = tpu.memref_slice %arg6[%mul3A_9, %dma_wait3A_42] : memref<10240x128xf32, #tpu.memory_space<vmem_shared>> -> memref<640x128xf32, #tpu.memory_space<vmem_shared>>
      tpu.wait_dma2 semaphore(%run_scoped3A : memref<!tpu.dma_semaphore, #tpu.memory_space<semaphore_mem>>) src(%dma_wait3A_43 : memref<640x128xf32, #tpu.memory_space<vmem_shared>>) dst(%dma_wait3A_41 : memref<640x128xf32, #tpu.memory_space<hbm>>)
      tpu.yield
    }) : () -> ()
    return
  }
}

#map = affine_map<(d0, d1) -> (0, 0, 0)>
#map1 = affine_map<(d0, d1) -> (0, 0)>
module attributes {stable_mosaic.version = 14 : i64} {
  func.func @body(%arg0: i32, %arg1: i32, %arg2: memref<32x625x16xi32, #tpu.memory_space<hbm>>, %arg3: memref<32x10000xf32, #tpu.memory_space<hbm>>, %arg4: memref<625x16xi32, #tpu.memory_space<vmem>>, %arg5: memref<10000xf32, #tpu.memory_space<vmem>>, %arg6: memref<16xf32, #tpu.memory_space<vmem>>) attributes {dimension_semantics = [#tpu.dimension_semantics<core_parallel>, #tpu.dimension_semantics<subcore_parallel>], iteration_bounds = array<i64: 2, 16>, scalar_prefetch = 0 : i64, scratch_operands = 3 : i64, tpu.core_type = #tpu.core_type<sc_vector_subcore>, window_params = [{transform_indices = #map}, {transform_indices = #map1}]} {
    %mul3A = arith.constant 16 : i32
    %mul3A_0 = arith.muli %arg0, %mul3A : i32
    %add3A = arith.addi %mul3A_0, %arg1 : i32
    %broadcast_in_dim3A = arith.constant 0.000000e+00 : f32
    %broadcast_in_dim3A_1 = vector.broadcast %broadcast_in_dim3A : f32 to vector<16xf32>
    %scan3A = arith.constant 0 : i32
    %scan3A_2 = arith.constant 0 : i32
    %scan3A_3 = arith.constant 625 : i32
    %scan3A_4 = arith.addi %scan3A_2, %scan3A_3 : i32
    %scan3A_5 = arith.constant 1 : i32
    %scan3A_6 = scf.for %scan3A_18 = %scan3A_2 to %scan3A_4 step %scan3A_5 iter_args(%scan3A_19 = %scan3A) -> (i32)  : i32 {
      %mul3A_20 = arith.constant 16 : i32
      %mul3A_21 = arith.muli %scan3A_18, %mul3A_20 : i32
      %swap3A_22 = arith.index_cast %mul3A_21 : i32 to index
      %swap3A_23 = tpu.vector_load %arg5[%swap3A_22] {strides = array<i32>} : memref<10000xf32, #tpu.memory_space<vmem>>, vector<16xf32>,
      tpu.vector_store %arg5[%swap3A_22], %broadcast_in_dim3A_1 {strides = array<i32>} : memref<10000xf32, #tpu.memory_space<vmem>>, vector<16xf32>,
      %scan3A_24 = arith.constant 0 : i32
      scf.yield %scan3A_24 : i32
    }
    %scan3A_7 = arith.constant 625 : i32
    "tpu.region"() ({
      %run_scoped3A = tpu.sem_alloc : memref<!tpu.dma_semaphore, #tpu.memory_space<semaphore_mem>>
      %dma_start3A = arith.constant 0 : i32
      %dma_start3A_18 = arith.constant 0 : i32
      %dma_start3A_19 = tpu.memref_slice %arg2[%add3A, %dma_start3A, %dma_start3A_18] : memref<32x625x16xi32, #tpu.memory_space<hbm>> -> memref<1x625x16xi32, #tpu.memory_space<hbm>>
      %dma_start3A_20 = tpu.memref_squeeze %dma_start3A_19 : memref<1x625x16xi32, #tpu.memory_space<hbm>> -> memref<625x16xi32, #tpu.memory_space<hbm>>
      %dma_start3A_21 = arith.constant 0 : i32
      %dma_start3A_22 = arith.constant 0 : i32
      %dma_start3A_23 = tpu.memref_slice %arg2[%add3A, %dma_start3A_21, %dma_start3A_22] : memref<32x625x16xi32, #tpu.memory_space<hbm>> -> memref<1x625x16xi32, #tpu.memory_space<hbm>>
      %dma_start3A_24 = tpu.memref_squeeze %dma_start3A_23 : memref<1x625x16xi32, #tpu.memory_space<hbm>> -> memref<625x16xi32, #tpu.memory_space<hbm>>
      tpu.enqueue_dma source(%dma_start3A_24 : memref<625x16xi32, #tpu.memory_space<hbm>>) target(%arg4 : memref<625x16xi32, #tpu.memory_space<vmem>>) target_semaphore(%run_scoped3A : memref<!tpu.dma_semaphore, #tpu.memory_space<semaphore_mem>>)
      %dma_wait3A = arith.constant 0 : i32
      %dma_wait3A_25 = arith.constant 0 : i32
      %dma_wait3A_26 = tpu.memref_slice %arg2[%add3A, %dma_wait3A, %dma_wait3A_25] : memref<32x625x16xi32, #tpu.memory_space<hbm>> -> memref<1x625x16xi32, #tpu.memory_space<hbm>>
      %dma_wait3A_27 = tpu.memref_squeeze %dma_wait3A_26 : memref<1x625x16xi32, #tpu.memory_space<hbm>> -> memref<625x16xi32, #tpu.memory_space<hbm>>
      %dma_wait3A_28 = arith.constant 0 : i32
      %dma_wait3A_29 = arith.constant 0 : i32
      %dma_wait3A_30 = tpu.memref_slice %arg2[%add3A, %dma_wait3A_28, %dma_wait3A_29] : memref<32x625x16xi32, #tpu.memory_space<hbm>> -> memref<1x625x16xi32, #tpu.memory_space<hbm>>
      %dma_wait3A_31 = tpu.memref_squeeze %dma_wait3A_30 : memref<1x625x16xi32, #tpu.memory_space<hbm>> -> memref<625x16xi32, #tpu.memory_space<hbm>>
      tpu.wait_dma2 semaphore(%run_scoped3A : memref<!tpu.dma_semaphore, #tpu.memory_space<semaphore_mem>>) src(%dma_wait3A_31 : memref<625x16xi32, #tpu.memory_space<hbm>>) dst(%arg4 : memref<625x16xi32, #tpu.memory_space<vmem>>)
      tpu.yield
    }) : () -> ()
    %broadcast_in_dim3A_8 = arith.constant 1.000000e+00 : f32
    %broadcast_in_dim3A_9 = vector.broadcast %broadcast_in_dim3A_8 : f32 to vector<16xf32>
    %swap3A = arith.constant 0 : index
    %swap3A_10 = tpu.vector_load %arg6[%swap3A] {strides = array<i32>} : memref<16xf32, #tpu.memory_space<vmem>>, vector<16xf32>,
    tpu.vector_store %arg6[%swap3A], %broadcast_in_dim3A_9 {strides = array<i32>} : memref<16xf32, #tpu.memory_space<vmem>>, vector<16xf32>,
    %scan3A_11 = arith.constant 0 : i32
    %scan3A_12 = arith.constant 0 : i32
    %scan3A_13 = arith.constant 625 : i32
    %scan3A_14 = arith.addi %scan3A_12, %scan3A_13 : i32
    %scan3A_15 = arith.constant 1 : i32
    %scan3A_16 = scf.for %scan3A_18 = %scan3A_12 to %scan3A_14 step %scan3A_15 iter_args(%scan3A_19 = %scan3A_11) -> (i32)  : i32 {
      %get3A = arith.index_cast %scan3A_18 : i32 to index
      %get3A_20 = arith.constant 0 : index
      %get3A_21 = tpu.vector_load %arg4[%get3A, %get3A_20] {strides = array<i32>} : memref<625x16xi32, #tpu.memory_space<vmem>>, vector<16xi32>,
      %get3A_22 = arith.constant 0 : index
      %get3A_23 = tpu.vector_load %arg6[%get3A_22] {strides = array<i32>} : memref<16xf32, #tpu.memory_space<vmem>>, vector<16xf32>,
      tpu.vector_store_idx %arg5[%get3A_21], %get3A_23 {add = true} : memref<10000xf32, #tpu.memory_space<vmem>>[vector<16xi32>], vector<16xf32>,
      %scan3A_24 = arith.constant 0 : i32
      scf.yield %scan3A_24 : i32
    }
    %scan3A_17 = arith.constant 625 : i32
    "tpu.region"() ({
      %run_scoped3A = tpu.sem_alloc : memref<!tpu.dma_semaphore, #tpu.memory_space<semaphore_mem>>
      %dma_start3A = arith.constant 0 : i32
      %dma_start3A_18 = tpu.memref_slice %arg3[%add3A, %dma_start3A] : memref<32x10000xf32, #tpu.memory_space<hbm>> -> memref<1x10000xf32, #tpu.memory_space<hbm>>
      %dma_start3A_19 = tpu.memref_squeeze %dma_start3A_18 : memref<1x10000xf32, #tpu.memory_space<hbm>> -> memref<10000xf32, #tpu.memory_space<hbm>>
      %dma_start3A_20 = arith.constant 0 : i32
      %dma_start3A_21 = tpu.memref_slice %arg3[%add3A, %dma_start3A_20] : memref<32x10000xf32, #tpu.memory_space<hbm>> -> memref<1x10000xf32, #tpu.memory_space<hbm>>
      %dma_start3A_22 = tpu.memref_squeeze %dma_start3A_21 : memref<1x10000xf32, #tpu.memory_space<hbm>> -> memref<10000xf32, #tpu.memory_space<hbm>>
      tpu.enqueue_dma source(%arg5 : memref<10000xf32, #tpu.memory_space<vmem>>) target(%dma_start3A_22 : memref<10000xf32, #tpu.memory_space<hbm>>) target_semaphore(%run_scoped3A : memref<!tpu.dma_semaphore, #tpu.memory_space<semaphore_mem>>)
      %dma_wait3A = arith.constant 0 : i32
      %dma_wait3A_23 = tpu.memref_slice %arg3[%add3A, %dma_wait3A] : memref<32x10000xf32, #tpu.memory_space<hbm>> -> memref<1x10000xf32, #tpu.memory_space<hbm>>
      %dma_wait3A_24 = tpu.memref_squeeze %dma_wait3A_23 : memref<1x10000xf32, #tpu.memory_space<hbm>> -> memref<10000xf32, #tpu.memory_space<hbm>>
      %dma_wait3A_25 = arith.constant 0 : i32
      %dma_wait3A_26 = tpu.memref_slice %arg3[%add3A, %dma_wait3A_25] : memref<32x10000xf32, #tpu.memory_space<hbm>> -> memref<1x10000xf32, #tpu.memory_space<hbm>>
      %dma_wait3A_27 = tpu.memref_squeeze %dma_wait3A_26 : memref<1x10000xf32, #tpu.memory_space<hbm>> -> memref<10000xf32, #tpu.memory_space<hbm>>
      tpu.wait_dma2 semaphore(%run_scoped3A : memref<!tpu.dma_semaphore, #tpu.memory_space<semaphore_mem>>) src(%arg5 : memref<10000xf32, #tpu.memory_space<vmem>>) dst(%dma_wait3A_27 : memref<10000xf32, #tpu.memory_space<hbm>>)
      tpu.yield
    }) : () -> ()
    return
  }
}

module attributes {stable_mosaic.version = 14 : i64} {
  func.func @_tc_layer_body(%arg0: i32, %arg1: memref<2000x128xf32, #tpu.memory_space<vmem>>, %arg2: memref<2000x128xf32, #tpu.memory_space<vmem>>, %arg3: memref<2000x128xf32, #tpu.memory_space<vmem>>, %arg4: memref<2000x32xf32, #tpu.memory_space<vmem>>, %arg5: memref<128x128xf32, #tpu.memory_space<vmem>>, %arg6: memref<1x128xf32, #tpu.memory_space<vmem>>, %arg7: memref<2000x128xf32, #tpu.memory_space<vmem>>) attributes {dimension_semantics = [#tpu.dimension_semantics<arbitrary>], iteration_bounds = array<i64: 5>, scalar_prefetch = 0 : i64, scratch_operands = 0 : i64, tpu.core_type = #tpu.core_type<tc>, window_params = [{transform_indices = @transform_0, window_bounds = array<i64: 2000, 128>}, {transform_indices = @transform_1, window_bounds = array<i64: 2000, 128>}, {transform_indices = @transform_2, window_bounds = array<i64: 2000, 128>}, {transform_indices = @transform_3, window_bounds = array<i64: 2000, 32>}, {pipeline_mode = #tpu.pipeline_mode<synchronous>, transform_indices = @transform_4, window_bounds = array<i64: 128, 128>}, {pipeline_mode = #tpu.pipeline_mode<synchronous>, transform_indices = @transform_5, window_bounds = array<i64: 1, 128>}, {transform_indices = @transform_6, window_bounds = array<i64: 2000, 128>}]} {
    %get3A = arith.constant 0 : index
    %get3A_0 = arith.constant 0 : index
    %get3A_1 = vector.load %arg4[%get3A, %get3A_0] : memref<2000x32xf32, #tpu.memory_space<vmem>>, vector<2000x32xf32>
    %reduce_sum3A = arith.constant dense<0.000000e+00> : vector<2000xf32>
    %reduce_sum3A_2 = vector.multi_reduction <add>, %get3A_1, %reduce_sum3A [1] : vector<2000x32xf32> to vector<2000xf32>
    %broadcast_in_dim3A = vector.shape_cast %reduce_sum3A_2 : vector<2000xf32> to vector<2000x1xf32>
    %add3A = arith.constant 1.000000e+00 : f32
    %add3A_3 = vector.broadcast %add3A : f32 to vector<2000x1xf32>
    %add3A_4 = arith.addf %broadcast_in_dim3A, %add3A_3 : vector<2000x1xf32>
    %div3A = arith.constant 1.000000e+00 : f32
    %div3A_5 = vector.broadcast %div3A : f32 to vector<2000x1xf32>
    %div3A_6 = arith.divf %div3A_5, %add3A_4 : vector<2000x1xf32>
    %get3A_7 = arith.constant 0 : index
    %get3A_8 = arith.constant 0 : index
    %get3A_9 = vector.load %arg1[%get3A_7, %get3A_8] : memref<2000x128xf32, #tpu.memory_space<vmem>>, vector<2000x128xf32>
    %get3A_10 = arith.constant 0 : index
    %get3A_11 = arith.constant 0 : index
    %get3A_12 = vector.load %arg2[%get3A_10, %get3A_11] : memref<2000x128xf32, #tpu.memory_space<vmem>>, vector<2000x128xf32>
    %add3A_13 = arith.addf %get3A_9, %get3A_12 : vector<2000x128xf32>
    %get3A_14 = arith.constant 0 : index
    %get3A_15 = arith.constant 0 : index
    %get3A_16 = vector.load %arg3[%get3A_14, %get3A_15] : memref<2000x128xf32, #tpu.memory_space<vmem>>, vector<2000x128xf32>
    %add3A_17 = arith.addf %add3A_13, %get3A_16 : vector<2000x128xf32>
    %mul3A = vector.broadcast %div3A_6 : vector<2000x1xf32> to vector<2000x128xf32>
    %mul3A_18 = arith.mulf %add3A_17, %mul3A : vector<2000x128xf32>
    %get3A_19 = arith.constant 0 : index
    %get3A_20 = arith.constant 0 : index
    %get3A_21 = vector.load %arg5[%get3A_19, %get3A_20] : memref<128x128xf32, #tpu.memory_space<vmem>>, vector<128x128xf32>
    %dot_general3A = arith.constant dense<0.000000e+00> : vector<2000x128xf32>
    %dot_general3A_22 = tpu.matmul %mul3A_18, %get3A_21, %dot_general3A {dimension_numbers = #tpu.dot_dimension_numbers<[1], [0], [0], [1], [0, 0, 1, 1], [], []>, transpose_lhs_hint = false} : vector<2000x128xf32>, vector<128x128xf32>, vector<2000x128xf32> -> vector<2000x128xf32>
    %get3A_23 = arith.constant 0 : index
    %get3A_24 = arith.constant 0 : index
    %get3A_25 = vector.load %arg6[%get3A_23, %get3A_24] : memref<1x128xf32, #tpu.memory_space<vmem>>, vector<1x128xf32>
    %add3A_26 = vector.broadcast %get3A_25 : vector<1x128xf32> to vector<2000x128xf32>
    %add3A_27 = arith.addf %dot_general3A_22, %add3A_26 : vector<2000x128xf32>
    %max3A = arith.constant 0.000000e+00 : f32
    %max3A_28 = vector.broadcast %max3A : f32 to vector<2000x128xf32>
    %max3A_29 = arith.maximumf %add3A_27, %max3A_28 : vector<2000x128xf32>
    %swap3A = arith.constant 0 : index
    %swap3A_30 = arith.constant 0 : index
    %swap3A_31 = vector.load %arg7[%swap3A, %swap3A_30] : memref<2000x128xf32, #tpu.memory_space<vmem>>, vector<2000x128xf32>
    tpu.vector_store %arg7[%swap3A, %swap3A_30], %max3A_29 {strides = array<i32>} : memref<2000x128xf32, #tpu.memory_space<vmem>>, vector<2000x128xf32>,
    return
  }
  func.func @transform_0(%arg0: i32) -> (i32, i32) {
    %c0_i32 = arith.constant 0 : i32
    %c0_i32_0 = arith.constant 0 : i32
    return %arg0, %c0_i32 : i32, i32
  }
  func.func @transform_1(%arg0: i32) -> (i32, i32) {
    %c0_i32 = arith.constant 0 : i32
    %c0_i32_0 = arith.constant 0 : i32
    return %arg0, %c0_i32 : i32, i32
  }
  func.func @transform_2(%arg0: i32) -> (i32, i32) {
    %c0_i32 = arith.constant 0 : i32
    %c0_i32_0 = arith.constant 0 : i32
    return %arg0, %c0_i32 : i32, i32
  }
  func.func @transform_3(%arg0: i32) -> (i32, i32) {
    %c0_i32 = arith.constant 0 : i32
    %c0_i32_0 = arith.constant 0 : i32
    return %arg0, %c0_i32 : i32, i32
  }
  func.func @transform_4(%arg0: i32) -> (i32, i32) {
    %c0_i32 = arith.constant 0 : i32
    %c0_i32_0 = arith.constant 0 : i32
    %c0_i32_1 = arith.constant 0 : i32
    return %c0_i32, %c0_i32_0 : i32, i32
  }
  func.func @transform_5(%arg0: i32) -> (i32, i32) {
    %c0_i32 = arith.constant 0 : i32
    %c0_i32_0 = arith.constant 0 : i32
    %c0_i32_1 = arith.constant 0 : i32
    return %c0_i32, %c0_i32_0 : i32, i32
  }
  func.func @transform_6(%arg0: i32) -> (i32, i32) {
    %c0_i32 = arith.constant 0 : i32
    %c0_i32_0 = arith.constant 0 : i32
    return %arg0, %c0_i32 : i32, i32
  }
}

module attributes {stable_mosaic.version = 14 : i64} {
  func.func @_tc_layer_body(%arg0: i32, %arg1: memref<2000x128xf32, #tpu.memory_space<vmem>>, %arg2: memref<2000x128xf32, #tpu.memory_space<vmem>>, %arg3: memref<2000x128xf32, #tpu.memory_space<vmem>>, %arg4: memref<2000x32xf32, #tpu.memory_space<vmem>>, %arg5: memref<128x128xf32, #tpu.memory_space<vmem>>, %arg6: memref<1x128xf32, #tpu.memory_space<vmem>>, %arg7: memref<2000x128xf32, #tpu.memory_space<vmem>>) attributes {dimension_semantics = [#tpu.dimension_semantics<arbitrary>], iteration_bounds = array<i64: 5>, scalar_prefetch = 0 : i64, scratch_operands = 0 : i64, tpu.core_type = #tpu.core_type<tc>, window_params = [{transform_indices = @transform_0, window_bounds = array<i64: 2000, 128>}, {transform_indices = @transform_1, window_bounds = array<i64: 2000, 128>}, {transform_indices = @transform_2, window_bounds = array<i64: 2000, 128>}, {transform_indices = @transform_3, window_bounds = array<i64: 2000, 32>}, {pipeline_mode = #tpu.pipeline_mode<synchronous>, transform_indices = @transform_4, window_bounds = array<i64: 128, 128>}, {pipeline_mode = #tpu.pipeline_mode<synchronous>, transform_indices = @transform_5, window_bounds = array<i64: 1, 128>}, {transform_indices = @transform_6, window_bounds = array<i64: 2000, 128>}]} {
    %get3A = arith.constant 0 : index
    %get3A_0 = arith.constant 0 : index
    %get3A_1 = vector.load %arg4[%get3A, %get3A_0] : memref<2000x32xf32, #tpu.memory_space<vmem>>, vector<2000x32xf32>
    %reduce_sum3A = arith.constant dense<0.000000e+00> : vector<2000xf32>
    %reduce_sum3A_2 = vector.multi_reduction <add>, %get3A_1, %reduce_sum3A [1] : vector<2000x32xf32> to vector<2000xf32>
    %broadcast_in_dim3A = vector.shape_cast %reduce_sum3A_2 : vector<2000xf32> to vector<2000x1xf32>
    %add3A = arith.constant 1.000000e+00 : f32
    %add3A_3 = vector.broadcast %add3A : f32 to vector<2000x1xf32>
    %add3A_4 = arith.addf %broadcast_in_dim3A, %add3A_3 : vector<2000x1xf32>
    %div3A = arith.constant 1.000000e+00 : f32
    %div3A_5 = vector.broadcast %div3A : f32 to vector<2000x1xf32>
    %div3A_6 = arith.divf %div3A_5, %add3A_4 : vector<2000x1xf32>
    %get3A_7 = arith.constant 0 : index
    %get3A_8 = arith.constant 0 : index
    %get3A_9 = vector.load %arg1[%get3A_7, %get3A_8] : memref<2000x128xf32, #tpu.memory_space<vmem>>, vector<2000x128xf32>
    %get3A_10 = arith.constant 0 : index
    %get3A_11 = arith.constant 0 : index
    %get3A_12 = vector.load %arg2[%get3A_10, %get3A_11] : memref<2000x128xf32, #tpu.memory_space<vmem>>, vector<2000x128xf32>
    %add3A_13 = arith.addf %get3A_9, %get3A_12 : vector<2000x128xf32>
    %get3A_14 = arith.constant 0 : index
    %get3A_15 = arith.constant 0 : index
    %get3A_16 = vector.load %arg3[%get3A_14, %get3A_15] : memref<2000x128xf32, #tpu.memory_space<vmem>>, vector<2000x128xf32>
    %add3A_17 = arith.addf %add3A_13, %get3A_16 : vector<2000x128xf32>
    %mul3A = vector.broadcast %div3A_6 : vector<2000x1xf32> to vector<2000x128xf32>
    %mul3A_18 = arith.mulf %add3A_17, %mul3A : vector<2000x128xf32>
    %get3A_19 = arith.constant 0 : index
    %get3A_20 = arith.constant 0 : index
    %get3A_21 = vector.load %arg5[%get3A_19, %get3A_20] : memref<128x128xf32, #tpu.memory_space<vmem>>, vector<128x128xf32>
    %dot_general3A = arith.constant dense<0.000000e+00> : vector<2000x128xf32>
    %dot_general3A_22 = tpu.matmul %mul3A_18, %get3A_21, %dot_general3A {dimension_numbers = #tpu.dot_dimension_numbers<[1], [0], [0], [1], [0, 0, 1, 1], [], []>, transpose_lhs_hint = false} : vector<2000x128xf32>, vector<128x128xf32>, vector<2000x128xf32> -> vector<2000x128xf32>
    %get3A_23 = arith.constant 0 : index
    %get3A_24 = arith.constant 0 : index
    %get3A_25 = vector.load %arg6[%get3A_23, %get3A_24] : memref<1x128xf32, #tpu.memory_space<vmem>>, vector<1x128xf32>
    %add3A_26 = vector.broadcast %get3A_25 : vector<1x128xf32> to vector<2000x128xf32>
    %add3A_27 = arith.addf %dot_general3A_22, %add3A_26 : vector<2000x128xf32>
    %max3A = arith.constant 0.000000e+00 : f32
    %max3A_28 = vector.broadcast %max3A : f32 to vector<2000x128xf32>
    %max3A_29 = arith.maximumf %add3A_27, %max3A_28 : vector<2000x128xf32>
    %swap3A = arith.constant 0 : index
    %swap3A_30 = arith.constant 0 : index
    %swap3A_31 = vector.load %arg7[%swap3A, %swap3A_30] : memref<2000x128xf32, #tpu.memory_space<vmem>>, vector<2000x128xf32>
    tpu.vector_store %arg7[%swap3A, %swap3A_30], %max3A_29 {strides = array<i32>} : memref<2000x128xf32, #tpu.memory_space<vmem>>, vector<2000x128xf32>,
    return
  }
  func.func @transform_0(%arg0: i32) -> (i32, i32) {
    %c0_i32 = arith.constant 0 : i32
    %c0_i32_0 = arith.constant 0 : i32
    return %arg0, %c0_i32 : i32, i32
  }
  func.func @transform_1(%arg0: i32) -> (i32, i32) {
    %c0_i32 = arith.constant 0 : i32
    %c0_i32_0 = arith.constant 0 : i32
    return %arg0, %c0_i32 : i32, i32
  }
  func.func @transform_2(%arg0: i32) -> (i32, i32) {
    %c0_i32 = arith.constant 0 : i32
    %c0_i32_0 = arith.constant 0 : i32
    return %arg0, %c0_i32 : i32, i32
  }
  func.func @transform_3(%arg0: i32) -> (i32, i32) {
    %c0_i32 = arith.constant 0 : i32
    %c0_i32_0 = arith.constant 0 : i32
    return %arg0, %c0_i32 : i32, i32
  }
  func.func @transform_4(%arg0: i32) -> (i32, i32) {
    %c0_i32 = arith.constant 0 : i32
    %c0_i32_0 = arith.constant 0 : i32
    %c0_i32_1 = arith.constant 0 : i32
    return %c0_i32, %c0_i32_0 : i32, i32
  }
  func.func @transform_5(%arg0: i32) -> (i32, i32) {
    %c0_i32 = arith.constant 0 : i32
    %c0_i32_0 = arith.constant 0 : i32
    %c0_i32_1 = arith.constant 0 : i32
    return %c0_i32, %c0_i32_0 : i32, i32
  }
  func.func @transform_6(%arg0: i32) -> (i32, i32) {
    %c0_i32 = arith.constant 0 : i32
    %c0_i32_0 = arith.constant 0 : i32
    return %arg0, %c0_i32 : i32, i32
  }
}

</mosaic_0001>

<sc_bundles>
// kernel: kernel.10.cloned.1.call-start
scs
__scs_entry_jumppad:
0x0: {  	(pc) =	sbr.rel $0x88, $3  }
0x1: {  	(tag) =	ssettag $0x0;
	lr =	simm.s32 $0x1  }
0x2: {  	[smem:$0x3F9B] =	sst lr;
	_ =	strace $0xD0000000  }
0x3: {  	_ = 	snop  }
0x4: {  	_ = 	snop  }
0x5: {  	_ = 	snop  }
0x6: {  	_ = 	snop  }
0x7: {  	_ = 	snop  }
__scs_overlays_trampoline_lowered:
0x8: {  	[smem:$0x3FAA] =	sst s0  }
0x9: {  	[smem:$0x3FAB] =	sst s1  }
0xa: {  	[smem:$0x3FAC] =	sst s2  }
0xb: {  	[smem:$0x3FAD] =	sst s3  }
0xc: {  	[smem:$0x3FAE] =	sst s4  }
0xd: {  	[smem:$0x3FAF] =	sst s5  }
0xe: {  	[smem:$0x3FB0] =	sst s6  }
0xf: {  	[smem:$0x3FB1] =	sst s7  }
0x10: {  	[smem:$0x3FB2] =	sst s8  }
0x11: {  	[smem:$0x3FB3] =	sst s9;
	s0 =	simm.s32 @!p0 $0x0  }
0x12: {  	s1 =	sld [smem:$0x3F99];
	s0 =	simm.s32 @p0 $0x1  }
0x13: {  	[smem:$0x3FB4] =	sst s0;
	s0 =	simm.s32 @!p1 $0x0  }
0x14: {  	s2 =	sld [smem:$0x3F98];
	s0 =	simm.s32 @p1 $0x1  }
0x15: {  	[smem:$0x3FB5] =	sst s0;
	s0 =	simm.s32 @!p2 $0x0  }
0x16: {  	s3 =	sld [smem:$0x3FDB];
	s0 =	simm.s32 @p2 $0x1  }
0x17: {  	s4 =	simm.s32 $0x1BF5;
	[smem:$0x3FB7] =	sst s0  }
0x18: {  	s0 =	sld [smem:$0x3F9A];
	_ =	swait.ge [sflag:s4], $0x0  }
0x19: {  	s7 =	sld [smem:$0x3F9B]  }
0x1a: {  	s8 =	sadd.s32 $0xFFFFE003, lr  }
0x1b: {  	s9 =	sadd.s32 $0xFFFFFEF7, lr;
	s5 =	simm.s32 $0xFFFFFFFF;
	p2 =	slt.u32 s8, $0xFFFFF086  }
0x1c: {  	p1 =	slt.u32 s9, $0xF7A;
	s5 =	simm.s32 @!p2 $0x0  }
0x1d: {  	s5 =	simm.s32 @p1 $0x1;
	p0 =	seq.s32 s7, s2  }
0x1e: {  	s7 =	smul.u32 @!p0 $0xF7A, s2;
	p2 =	seq.s32 @!p0 s5, $0x0  }
0x1f: {  	s9 =	smul.u32 $0xF7A, s1;
	s8 =	simm.s32 @!p0 $0x1BF5;
	p2 =	por !p2, p0  }
0x20: {  	[sflag:s8] =	ssyncset.s32 @!p0 $0xFFFFF086;
	s6 =	sadd.s32 @!p0 s3, s7;
	s7 =	simm.s32 @!p0 $0x108  }
0x21: {  	s3 =	sadd.s32 s3, s9;
	s6 =	sadd.s32 @!p0 $0x88, s6;
	s7 =	simm.s32 @p2 $0x1082  }
0x22: {  	[simem:s7], [sflag:s8] =	dma.local @!p0 [hbm:s6], $0xF7A  }
0x23: {  	s9 =	sor.u32 $0xD0000000, s2;
	s6 =	simm.s32 $0x108;
	_ =	swait.ge @!p0 [sflag:s8], $0x0  }
0x24: {  	s3 =	sadd.s32 $0x88, s3;
	s6 =	simm.s32 @!p1 $0x1082;
	[sflag:s4] =	ssyncset.s32 $0xFFFFF086  }
0x25: {  	[simem:s6], [sflag:s4] =	dma.local [hbm:s3], $0xF7A  }
0x26: {  	[smem:$0x3F9B] =	sst s1;
	(tag) =	ssettag s2;
	_ =	strace s9  }
0x27: {  	s1 =	sld [smem:$0x3FAB]  }
0x28: {  	s2 =	sld [smem:$0x3FAC]  }
0x29: {  	s4 =	sld [smem:$0x3FAE]  }
0x2a: {  	p0 =	seq.s32 s5, $0x0;
	s5 =	sld [smem:$0x3FAF]  }
0x2b: {  	s6 =	sld [smem:$0x3FB0]  }
0x2c: {  	s7 =	sld [smem:$0x3FB1]  }
0x2d: {  	s3 =	simm.s32 $0x108;
	s8 =	sld [smem:$0x3FB2]  }
0x2e: {  	s3 =	simm.s32 @!p0 $0x1082;
	s9 =	sld [smem:$0x3FB3]  }
0x2f: {  	lr =	sadd.s32 s0, s3;
	s0 =	sld [smem:$0x3FAA]  }
0x30: {  	s3 =	sld [smem:$0x3FAD]  }
0x31: {  	[smem:$0x3FB6] =	sst s10  }
0x32: {  	s10 =	sld [smem:$0x3FB4];
	_ =	sdelay $0x3  }
0x33: {  	p0 =	seq.s32 s10, $0x1;
	s10 =	sld [smem:$0x3FB6];
	_ =	sdelay $0x3  }
0x34: {  	[smem:$0x3FB6] =	sst s10  }
0x35: {  	s10 =	sld [smem:$0x3FB5];
	_ =	sdelay $0x3  }
0x36: {  	p1 =	seq.s32 s10, $0x1;
	s10 =	sld [smem:$0x3FB6];
	_ =	sdelay $0x3  }
0x37: {  	[smem:$0x3FB6] =	sst s10  }
0x38: {  	s10 =	sld [smem:$0x3FB7]  }
0x39: {  	_ = 	snop;
	(pc) =	sbr.ind lr, $3  }
0x3a: {  	_ = 	snop  }
0x3b: {  	_ = 	snop  }
0x3c: {  	p2 =	seq.s32 s10, $0x1;
	s10 =	sld [smem:$0x3FB6]  }
0x3d: {  	_ =	shalt  }
0x3e: {  	_ =	shalt  }
0x3f: {  	_ =	shalt  }
0x40: {  	_ =	shalt  }
0x41: {  	_ =	shalt  }
0x42: {  	_ =	shalt  }
0x43: {  	_ =	shalt  }
0x44: {  	_ =	shalt  }
0x45: {  	_ =	shalt  }
0x46: {  	_ =	shalt  }
0x47: {  	_ =	shalt  }
0x48: {  	_ =	shalt  }
0x49: {  	_ =	shalt  }
0x4a: {  	_ =	shalt  }
0x4b: {  	_ =	shalt  }
0x4c: {  	_ =	shalt  }
0x4d: {  	_ =	shalt  }
0x4e: {  	_ =	shalt  }
0x4f: {  	_ =	shalt  }
0x50: {  	_ =	shalt  }
0x51: {  	_ =	shalt  }
0x52: {  	_ =	shalt  }
0x53: {  	_ =	shalt  }
0x54: {  	_ =	shalt  }
0x55: {  	_ =	shalt  }
0x56: {  	_ =	shalt  }
0x57: {  	_ =	shalt  }
0x58: {  	_ =	shalt  }
0x59: {  	_ =	shalt  }
0x5a: {  	_ =	shalt  }
0x5b: {  	_ =	shalt  }
0x5c: {  	_ =	shalt  }
0x5d: {  	_ =	shalt  }
0x5e: {  	_ =	shalt  }
0x5f: {  	_ =	shalt  }
0x60: {  	_ =	shalt  }
0x61: {  	_ =	shalt  }
0x62: {  	_ =	shalt  }
0x63: {  	_ =	shalt  }
0x64: {  	_ =	shalt  }
0x65: {  	_ =	shalt  }
0x66: {  	_ =	shalt  }
0x67: {  	_ =	shalt  }
0x68: {  	_ =	shalt  }
0x69: {  	_ =	shalt  }
0x6a: {  	_ =	shalt  }
0x6b: {  	_ =	shalt  }
0x6c: {  	_ =	shalt  }
0x6d: {  	_ =	shalt  }
0x6e: {  	_ =	shalt  }
0x6f: {  	_ =	shalt  }
0x70: {  	_ =	shalt  }
0x71: {  	_ =	shalt  }
0x72: {  	_ =	shalt  }
0x73: {  	_ =	shalt  }
0x74: {  	_ =	shalt  }
0x75: {  	_ =	shalt  }
0x76: {  	_ =	shalt  }
0x77: {  	_ =	shalt  }
0x78: {  	_ =	shalt  }
0x79: {  	_ =	shalt  }
0x7a: {  	_ =	shalt  }
0x7b: {  	_ =	shalt  }
0x7c: {  	_ =	shalt  }
0x7d: {  	_ =	shalt  }
0x7e: {  	_ =	shalt  }
0x7f: {  	_ =	shalt  }
0x80: {  	_ =	shalt  }
0x81: {  	_ =	shalt  }
0x82: {  	_ =	shalt  }
0x83: {  	_ =	shalt  }
0x84: {  	_ =	shalt  }
0x85: {  	_ =	shalt  }
0x86: {  	_ =	shalt  }
0x87: {  	_ =	shalt  }
.Lfunc_end0:
.L_simem_size_0:
called_computation.1_lowered:
.L_overlay_start_0:
0x88: {  	s2 =	sld [smem:$0x3FD9]  }
0x89: {  	s3 =	sld [smem:$0x3FFE];
	_ =	sdelay $0x1  }
0x8a: {  	s1 =	srdreg.scid  }
0x8b: {  	s0 =	sand.u32 $0x1, s1  }
0x8c: {  	s17 =	sshll.u32 s0, $0xA;
	s2 =	sadd.s32 s3, s2  }
0x8d: {  	s2 =	sadd.s32 s2, s17  }
0x8e: {  	[smem:$0x3FC2] =	sst s2  }
0x8f: {  	_ = 	snop  }
0x90: {  	s2 =	sld [smem:$0x3FC9];
	(tm) =	ssettm $0x1  }
0x91: {  	s18 =	sld [smem:$0x3FFB];
	_ =	sdelay $0x3  }
0x92: {  	_ =	strace s18  }
0x93: {  	s3 =	sld [smem:$0x3FFC];
	_ =	sdelay $0x3  }
0x94: {  	_ =	strace s3  }
0x95: {  	s3 =	sld [smem:$0x3FFD];
	_ =	sdelay $0x3  }
0x96: {  	_ =	strace s3  }
0x97: {  	_ =	strace $0x8FFFFFFF  }
0x98: {  	s19 =	sld [smem:$0x3FDB];
	_ =	sdelay $0x1  }
0x99: {  	s4 =	simm.s32 $_scs_section_size  }
0x9a: {  	s5 =	simm.s32 $_size__tile_overlayer_lowered;
	s6 =	simm.s32 $_tile_overlayer_lowered  }
0x9b: {  	s22 =	simm.s32 $0x1BFF;
	s21 =	sshll.u32 s6, $0x1;
	s3 =	sadd.s32 s4, s19  }
0x9c: {  	s7 =	simm.s32 $0x0;
	s20 =	sshll.u32 s5, $0x1;
	s5 =	sadd.s32 s21, s3  }
0x9d: {  	[timem:s7], [sflag:s22] =	dma.local [hbm:s5], s20  }
0x9e: {  	_ =	swait.ge [sflag:s22], s20  }
0x9f: {  	s4 =	ssub.s32 $0x0, s20;
	[sflag:s22] =	ssyncset.done $0x0  }
0xa0: {  	[sflag:s22] =	ssyncadd.s32 s4;
	_ =	sdelay $0x1  }
0xa1: {  	s23 =	simm.s32 $0x1B8B  }
0xa2: {  	_ =	swait.ge [sflag:s23], $0x1  }
0xa3: {  	[sflag:s23] =	ssyncset.done $0x0  }
0xa4: {  	s25 =	simm.s32 $0x1B8E;
	s24 =	sld [smem:$0x3FFE];
	[sflag:s23] =	ssyncadd.s32 $0xFFFFFFFF  }
0xa5: {  	s26 =	simm.s32 $execute0_lowered;
	[smem:$0x3FD2] =	sst s25  }
0xa6: {  	s5 =	sshll.u32 s26, $0x1;
	_ =	strace $0x80000046;
	[dreg:$0x1] =	wrdreg $0xFFFFFFFF  }
0xa7: {  	s28 =	simm.s32 $_size_execute0_lowered;
	s3 =	sadd.s32 s3, s5;
	[dreg:$0x0] =	wrdreg $0x0  }
0xa8: {  	s5 =	sshll.u32 s28, $0x1;
	[dreg:$0x2] =	wrdreg s3  }
0xa9: {  	[dreg:$0x3] =	wrdreg s5  }
0xaa: {  	[dreg:$0x4] =	wrdreg $0xC0  }
0xab: {  	_ =	task [dreg:s7], $0x5FFFF  }
0xac: {  	[dreg:$0x1] =	wrdreg $0xFFFFFFFF  }
0xad: {  	[dreg:$0x0] =	wrdreg $0x60  }
0xae: {  	[dreg:$0x2] =	wrdreg s2  }
0xaf: {  	[dreg:$0x3] =	wrdreg s24  }
0xb0: {  	[dreg:$0x4] =	wrdreg $0x0  }
0xb1: {  	[dreg:$0x5] =	wrdreg $0xA  }
0xb2: {  	_ =	task.clear_ibuf [dreg:s7], $0x6FFFF;
	_ =	strace $0x90000046  }
0xb3: {  	s29 =	simm.s32 $0xA;
	_ =	strace $0x80000048  }
0xb4: {  	_ =	swait.ge [sflag:s29], $0x1  }
0xb5: {  	[sflag:s29] =	ssyncadd.s32 $0xFFFFFFFF  }
0xb6: {  	_ =	strace $0x90000048  }
0xb7: {  	_ =	sfence  }
0xb8: {  	s30 =	sld [smem:$0x0];
	_ =	sdelay $0x2  }
0xb9: {  	s31 =	sshll.u32 s1, $0xD;
	s1 =	sshrl.u32 s1, $0x2  }
0xba: {  	s3 =	sand.u32 $0x4000, s31;
	s1 =	sadd.s32 s1, s30  }
0xbb: {  	s0 =	sor.u32 s3, s0;
	s1 =	sshll.u32 s1, $0x11  }
0xbc: {  	s0 =	sor.u32 s1, s0  }
0xbd: {  	s0 =	sadd.s32 $0x8F2B, s0  }
0xbe: {  	[sflag:s0] =	ssyncadd.remote.s32 $0x1  }
0xbf: {  	_ =	sfence.sel $0xFFFF  }
0xc0: {  	[dreg:$0x0] =	wrdreg $0xFFFFFFFF;
	(pc) =	sbr.abs _section_cstart, $3  }
0xc1: {  	[dreg:$0x1] =	wrdreg $0xFFFFFFFF  }
0xc2: {  	_ =	task.clear_ibuf [dreg:s7], $0x2FFFF;
	_ =	strace $0x9FFFFFFF  }
0xc3: {  	(tm) =	ssettm $0x7FFFFFFF  }
tec
execute0_lowered:
.L_overlay_start_1:
0x0: {  	(tag) =	ssettag $0x1  }
0x1: {  	s0 =	srdreg.scid;
	s8 =	stileid.u32  }
0x2: {  	s0 =	sand.u32 $0x1, s0;
	s4 =	smul.u32 $0x5000, s8  }
0x3: {  	s2 =	rddreg [dreg:$0x0];
	s1 =	smul.u32 $0x50000, s0  }
0x4: {  	s5 =	rddreg [dreg:$0x1]  }
0x5: {  	s3 =	rddreg [dreg:$0x2];
	s1 =	sadd.s32 s4, s1;
	s4 =	simm.s32 $0x0  }
0x6: {  	s14 =	simm.s32 $0x14080;
	[smem:$0x7FF] =	sst s4  }
0x7: {  	s15 =	simm.s32 $0x14100;
	_ =	strace $0x80000047;
	[dreg:$0x6] =	wrdreg s14  }
0x8: {  	s16 =	simm.s32 $0x14180;
	[dreg:$0x7] =	wrdreg s15  }
0x9: {  	s17 =	simm.s32 $0x14200;
	[dreg:$0x8] =	wrdreg s16  }
0xa: {  	s18 =	simm.s32 $0x15080;
	[dreg:$0x9] =	wrdreg s17  }
0xb: {  	s19 =	simm.s32 $0x14280;
	[dreg:$0xa] =	wrdreg s18  }
0xc: {  	s20 =	simm.s32 $0x15100;
	[dreg:$0xb] =	wrdreg s19  }
0xd: {  	s21 =	simm.s32 $0x14300;
	[dreg:$0xc] =	wrdreg s20  }
0xe: {  	s22 =	simm.s32 $0x15180;
	[dreg:$0xd] =	wrdreg s21  }
0xf: {  	s23 =	simm.s32 $0x14380;
	[dreg:$0xe] =	wrdreg s22  }
0x10: {  	s24 =	simm.s32 $0x15200;
	[dreg:$0xf] =	wrdreg s23  }
0x11: {  	s26 =	simm.s32 $0x14400;
	[dreg:$0x10] =	wrdreg s24  }
0x12: {  	s9 =	simm.s32 $0x15280;
	[dreg:$0x11] =	wrdreg s26  }
0x13: {  	s10 =	simm.s32 $0x14480;
	[dreg:$0x12] =	wrdreg s9  }
0x14: {  	s11 =	simm.s32 $0x15300;
	[dreg:$0x13] =	wrdreg s10  }
0x15: {  	s12 =	simm.s32 $0x14500;
	[dreg:$0x14] =	wrdreg s11  }
0x16: {  	s13 =	simm.s32 $0x15380;
	[dreg:$0x15] =	wrdreg s12  }
0x17: {  	[dreg:$0x16] =	wrdreg s13;
	s14 =	simm.s32 $0x14580  }
0x18: {  	s16 =	simm.s32 $0x15400;
	[dreg:$0x17] =	wrdreg s14  }
0x19: {  	s18 =	simm.s32 $0x14600;
	[dreg:$0x18] =	wrdreg s16  }
0x1a: {  	s28 =	simm.s32 $0x3;
	s19 =	simm.s32 $0x15480;
	[dreg:$0x19] =	wrdreg s18  }
0x1b: {  	s29 =	simm.s32 $0x7;
	s21 =	simm.s32 $0x14680;
	[dreg:$0x1a] =	wrdreg s19  }
0x1c: {  	s30 =	simm.s32 $0x4;
	s22 =	simm.s32 $0x15500;
	[dreg:$0x1b] =	wrdreg s21  }
0x1d: {  	s31 =	simm.s32 $0x8;
	s24 =	simm.s32 $0x14700;
	[dreg:$0x1c] =	wrdreg s22  }
0x1e: {  	s7 =	smul.u32 $0x14000, s8;
	s26 =	simm.s32 $0x15580;
	[dreg:$0x1d] =	wrdreg s24  }
0x1f: {  	s25 =	smul.u32 $0x140000, s0;
	s9 =	simm.s32 $0x14780;
	[dreg:$0x1e] =	wrdreg s26  }
0x20: {  	s1 =	sshrl.u32 s1, $0x3;
	s11 =	simm.s32 $0x15600;
	[dreg:$0x1f] =	wrdreg s9  }
0x21: {  	s1 =	sadd.s32 s1, s5;
	s13 =	simm.s32 $0x14800;
	[smem:$0x7EB] =	sst s11  }
0x22: {  	s0 =	ssub.s32 $0x2, s0;
	s6 =	sadd.s32 $0x1E00, s1;
	[smem:$0x7ED] =	sst s13  }
0x23: {  	s15 =	sshrl.u32 s0, $0x1;
	s1 =	sadd.s32 $0x15E00, s1;
	[dreg:$0x4] =	wrdreg s6  }
0x24: {  	s0 =	ssub.s32 s0, s15;
	s15 =	simm.s32 $0x15680;
	[dreg:$0x5] =	wrdreg s1  }
0x25: {  	s17 =	smul.u32 $0x50000, s8;
	s16 =	simm.s32 $0x14880;
	[smem:$0x7F0] =	sst s15  }
0x26: {  	s18 =	simm.s32 $0x14900;
	s19 =	simm.s32 $0x15780;
	[smem:$0x7F2] =	sst s16  }
0x27: {  	s21 =	simm.s32 $0x15800;
	s22 =	simm.s32 $0x14A00;
	[smem:$0x7F5] =	sst s18  }
0x28: {  	s24 =	simm.s32 $0x14A80;
	s26 =	simm.s32 $0x14B00;
	[smem:$0x7F6] =	sst s19  }
0x29: {  	s9 =	simm.s32 $0x15B00;
	s11 =	simm.s32 $0x15C00;
	[smem:$0x7F8] =	sst s21  }
0x2a: {  	s6 =	sadd.s32 s7, s25;
	s20 =	sshrl.u32 s17, $0x2;
	[smem:$0x7F9] =	sst s22  }
0x2b: {  	s17 =	simm.s32 $0x15700;
	s0 =	smax.u32 s0, $0x1;
	[smem:$0x7FB] =	sst s24  }
0x2c: {  	s15 =	simm.s32 $0x16000;
	s16 =	simm.s32 $0x9;
	[smem:$0x7FD] =	sst s26  }
0x2d: {  	s18 =	simm.s32 $0x15000;
	s6 =	sshrl.u32 s6, $0x3;
	[smem:$0x7F3] =	sst s0  }
0x2e: {  	[smem:$0x7F4] =	sst s17;
	s5 =	sadd.s32 s6, s5;
	s6 =	sadd.s32 s20, s3  }
0x2f: {  	s19 =	simm.s32 $0x50;
	s20 =	simm.s32 $0x14980;
	[smem:$0x7EE] =	sst s6  }
0x30: {  	s21 =	simm.s32 $0x1B000;
	s23 =	sadd.s32 $0x2800, s6;
	[smem:$0x7F7] =	sst s20  }
0x31: {  	s22 =	simm.s32 $0x1D800;
	s25 =	sadd.s32 $0x5000, s6;
	[smem:$0x7E6] =	sst s23  }
0x32: {  	s24 =	simm.s32 $0x5;
	s8 =	sadd.s32 $0x7800, s6;
	[smem:$0x7E7] =	sst s25  }
0x33: {  	s26 =	simm.s32 $0x6;
	s10 =	sadd.s32 $0xA000, s6;
	[smem:$0x7E8] =	sst s8  }
0x34: {  	s1 =	simm.s32 $0x15980;
	s12 =	sadd.s32 $0xC800, s6;
	[smem:$0x7E9] =	sst s10  }
0x35: {  	s7 =	simm.s32 $0x14C00;
	s14 =	sadd.s32 $0xF000, s6;
	[smem:$0x7EA] =	sst s12  }
0x36: {  	s17 =	simm.s32 $0x14000;
	s6 =	sadd.s32 $0x11800, s6;
	[smem:$0x7EC] =	sst s14  }
0x37: {  	s0 =	simm.s32 $0x14B80;
	s5 =	sadd.s32 $0x29E00, s5;
	[smem:$0x7EF] =	sst s6  }
0x38: {  	s20 =	simm.s32 $0x18800;
	[smem:$0x7F1] =	sst s5;
	s23 =	simm.s32 $0x15880  }
0x39: {  	s25 =	simm.s32 $0x15900;
	s6 =	simm.s32 $0x15A00;
	s8 =	simm.s32 $0x15A80  }
0x3a: {  	s10 =	simm.s32 $0x15B80;
	s12 =	simm.s32 $0x0;
	[smem:$0x7FA] =	sst s23  }
0x3b: {  	v0 =	vimm.f32 $0.0e+00;
	[smem:$0x7FC] =	sst s25;
	s23 =	simm.s32 $0x1;
	s25 =	simm.s32 $0x2  }
.LBB2_1:
0x3c: {  	s5 =	sand.u32 $0xFE00, s4  }
0x3d: {  	[smem:$0x7E5] =	sst s12;
	s14 =	sand.u32 $0x70, s4;
	s5 =	sshrl.u32 s5, $0x2  }
0x3e: {  	s13 =	simm.s32 $0x40;
	s5 =	sor.u32 s14, s5;
	s14 =	simm.s32 $0x0  }
.LBB2_2:
0x3f: {  	p0 =	sne.s32 s13, $0x9FC0  }
0x40: {  	[tilespmem:s5+$0x16000] =	vst v0;
	s14 =	sadd.s32 $0x10, s14;
	s5 =	smov.u32 s13;
	s13 =	sadd.s32 $0x40, s13  }
.Ltmp0:
0x41: {  	(pc) =	sbr.rel @p0 .LBB2_2-.Ltmp0, $4  }
0x42: {  	_ = 	snop  }
0x43: {  	s5 =	sand.u32 $0xFE00, s5  }
0x44: {  	s12 =	sand.u32 $0x70, s14;
	s5 =	sshrl.u32 s5, $0x2  }
0x45: {  	s5 =	sor.u32 s12, s5  }
0x46: {  	s13 =	sld [smem:$0x7EE];
	_ =	sdelay $0x1  }
0x47: {  	[tilespmem:s5+$0x16000] =	vst v0  }
0x48: {  	[spmem:s13] =	stream.linear.scatter [tilespmem:s15], [sflag:$0x9], $0x2800, $0x38;
	v63 =	vld [tilespmem:$0x0]  }
0x49: {  	_ =	swait.ge [sflag:s16], $0x2800  }
0x4a: {  	s14 =	sld [smem:$0x7E6]  }
0x4b: {  	[sflag:s16] =	ssyncset.done $0x0  }
0x4c: {  	[sflag:s16] =	ssyncadd.s32 $0xFFFFD800  }
0x4d: {  	[spmem:s14] =	stream.linear.scatter [tilespmem:s15], [sflag:$0x9], $0x2800, $0x38;
	v63 =	vld [tilespmem:$0x0]  }
0x4e: {  	_ =	swait.ge [sflag:s16], $0x2800  }
0x4f: {  	s12 =	sld [smem:$0x7E7]  }
0x50: {  	[sflag:s16] =	ssyncset.done $0x0  }
0x51: {  	[sflag:s16] =	ssyncadd.s32 $0xFFFFD800  }
0x52: {  	[spmem:s12] =	stream.linear.scatter [tilespmem:s15], [sflag:$0x9], $0x2800, $0x38;
	v63 =	vld [tilespmem:$0x0]  }
0x53: {  	_ =	swait.ge [sflag:s16], $0x2800  }
0x54: {  	s13 =	sld [smem:$0x7E8]  }
0x55: {  	[sflag:s16] =	ssyncset.done $0x0  }
0x56: {  	[sflag:s16] =	ssyncadd.s32 $0xFFFFD800  }
0x57: {  	[spmem:s13] =	stream.linear.scatter [tilespmem:s15], [sflag:$0x9], $0x2800, $0x38;
	v63 =	vld [tilespmem:$0x0]  }
0x58: {  	_ =	swait.ge [sflag:s16], $0x2800  }
0x59: {  	s14 =	sld [smem:$0x7E9]  }
0x5a: {  	[sflag:s16] =	ssyncset.done $0x0  }
0x5b: {  	[sflag:s16] =	ssyncadd.s32 $0xFFFFD800  }
0x5c: {  	[spmem:s14] =	stream.linear.scatter [tilespmem:s15], [sflag:$0x9], $0x2800, $0x38;
	v63 =	vld [tilespmem:$0x0]  }
0x5d: {  	_ =	swait.ge [sflag:s16], $0x2800  }
0x5e: {  	s12 =	sld [smem:$0x7EA]  }
0x5f: {  	[sflag:s16] =	ssyncset.done $0x0  }
0x60: {  	[sflag:s16] =	ssyncadd.s32 $0xFFFFD800  }
0x61: {  	[spmem:s12] =	stream.linear.scatter [tilespmem:s15], [sflag:$0x9], $0x2800, $0x38;
	v63 =	vld [tilespmem:$0x0]  }
0x62: {  	_ =	swait.ge [sflag:s16], $0x2800  }
0x63: {  	s13 =	sld [smem:$0x7EC]  }
0x64: {  	[sflag:s16] =	ssyncset.done $0x0  }
0x65: {  	[sflag:s16] =	ssyncadd.s32 $0xFFFFD800  }
0x66: {  	[spmem:s13] =	stream.linear.scatter [tilespmem:s15], [sflag:$0x9], $0x2800, $0x38;
	v63 =	vld [tilespmem:$0x0]  }
0x67: {  	_ =	swait.ge [sflag:s16], $0x2800  }
0x68: {  	s14 =	sld [smem:$0x7EF]  }
0x69: {  	[sflag:s16] =	ssyncset.done $0x0  }
0x6a: {  	[sflag:s16] =	ssyncadd.s32 $0xFFFFD800  }
0x6b: {  	[spmem:s14] =	stream.linear.scatter [tilespmem:s15], [sflag:$0x9], $0x2800, $0x38;
	v63 =	vld [tilespmem:$0x0]  }
0x6c: {  	_ =	swait.ge [sflag:s16], $0x2800  }
0x6d: {  	[sflag:s16] =	ssyncset.done $0x0  }
0x6e: {  	[sflag:s16] =	ssyncadd.s32 $0xFFFFD800  }
0x6f: {  	[bflag:$0x0] =	sbarrier.arrive $0xFFFF  }
0x70: {  	s12 =	rddreg [dreg:$0x5]  }
0x71: {  	s5 =	sadd.s32 $0x0, s12  }
0x72: {  	[tilespmem:s17], [sflag:$0x9] =	stream.linear.gather [hbm4b:s5+s4], $0xC80, $0x38;
	v63 =	vld [tilespmem:$0x0]  }
0x73: {  	_ =	swait.ge [sflag:s16], $0xC80  }
0x74: {  	s13 =	rddreg [dreg:$0x4];
	[sflag:s16] =	ssyncset.done $0x0  }
0x75: {  	[sflag:s16] =	ssyncadd.s32 $0xFFFFF380;
	s5 =	sadd.s32 $0x0, s13  }
0x76: {  	[tilespmem:s18], [sflag:$0x9] =	stream.linear.gather [hbm4b:s5+s4], $0xC80, $0x38;
	v63 =	vld [tilespmem:$0x0]  }
0x77: {  	_ =	swait.ge [sflag:s16], $0xC80  }
0x78: {  	[sflag:s16] =	ssyncset.done $0x0  }
0x79: {  	[sflag:s16] =	ssyncadd.s32 $0xFFFFF380  }
0x7a: {  	[tilespmem:s15], [sflag:$0x1] =	stream.indirect.gather [hbm4b:s2+s19], $0x80, s17, s19, $0xb8;
	v63 =	vld [tilespmem:$0x0]  }
0x7b: {  	s14 =	rddreg [dreg:$0x6]  }
0x7c: {  	[tilespmem:s20], [sflag:$0x2] =	stream.indirect.gather [hbm4b:s2+s19], $0x80, s14, s19, $0xb8;
	v63 =	vld [tilespmem:$0x0]  }
0x7d: {  	s12 =	rddreg [dreg:$0x7]  }
0x7e: {  	[tilespmem:s21], [sflag:$0x3] =	stream.indirect.gather [hbm4b:s2+s19], $0x80, s12, s19, $0xb8;
	v63 =	vld [tilespmem:$0x0]  }
0x7f: {  	s13 =	rddreg [dreg:$0x8]  }
0x80: {  	[tilespmem:s22], [sflag:$0x4] =	stream.indirect.gather [hbm4b:s2+s19], $0x80, s13, s19, $0xb8;
	v63 =	vld [tilespmem:$0x0]  }
0x81: {  	_ =	swait.ge [sflag:s23], $0x2800  }
0x82: {  	[sflag:s23] =	ssyncset.done $0x0  }
0x83: {  	[sflag:s23] =	ssyncadd.s32 $0xFFFFD800  }
0x84: {  	[spmem:s3] =	stream.indirect.scatter.add.f32 [tilespmem:s15], [sflag:$0x5], $0x80, s18, s19, $0xb8;
	v63 =	vld [tilespmem:$0x0]  }
0x85: {  	_ =	swait.ge [sflag:s24], $0x2800  }
0x86: {  	[sflag:s24] =	ssyncset.done $0x0  }
0x87: {  	s14 =	rddreg [dreg:$0x9];
	[sflag:s24] =	ssyncadd.s32 $0xFFFFD800  }
0x88: {  	[tilespmem:s15], [sflag:$0x1] =	stream.indirect.gather [hbm4b:s2+s19], $0x80, s14, s19, $0xb8;
	v63 =	vld [tilespmem:$0x0]  }
0x89: {  	_ =	swait.ge [sflag:s25], $0x2800  }
0x8a: {  	[sflag:s25] =	ssyncset.done $0x0  }
0x8b: {  	s12 =	rddreg [dreg:$0xa];
	[sflag:s25] =	ssyncadd.s32 $0xFFFFD800  }
0x8c: {  	[spmem:s3] =	stream.indirect.scatter.add.f32 [tilespmem:s20], [sflag:$0x6], $0x80, s12, s19, $0xb8;
	v63 =	vld [tilespmem:$0x0]  }
0x8d: {  	_ =	swait.ge [sflag:s26], $0x2800  }
0x8e: {  	[sflag:s26] =	ssyncset.done $0x0  }
0x8f: {  	s13 =	rddreg [dreg:$0xb];
	[sflag:s26] =	ssyncadd.s32 $0xFFFFD800  }
0x90: {  	[tilespmem:s20], [sflag:$0x2] =	stream.indirect.gather [hbm4b:s2+s19], $0x80, s13, s19, $0xb8;
	v63 =	vld [tilespmem:$0x0]  }
0x91: {  	_ =	swait.ge [sflag:s28], $0x2800  }
0x92: {  	[sflag:s28] =	ssyncset.done $0x0  }
0x93: {  	s14 =	rddreg [dreg:$0xc];
	[sflag:s28] =	ssyncadd.s32 $0xFFFFD800  }
0x94: {  	[spmem:s3] =	stream.indirect.scatter.add.f32 [tilespmem:s21], [sflag:$0x7], $0x80, s14, s19, $0xb8;
	v63 =	vld [tilespmem:$0x0]  }
0x95: {  	_ =	swait.ge [sflag:s29], $0x2800  }
0x96: {  	[sflag:s29] =	ssyncset.done $0x0  }
0x97: {  	s12 =	rddreg [dreg:$0xd];
	[sflag:s29] =	ssyncadd.s32 $0xFFFFD800  }
0x98: {  	[tilespmem:s21], [sflag:$0x3] =	stream.indirect.gather [hbm4b:s2+s19], $0x80, s12, s19, $0xb8;
	v63 =	vld [tilespmem:$0x0]  }
0x99: {  	_ =	swait.ge [sflag:s30], $0x2800  }
0x9a: {  	[sflag:s30] =	ssyncset.done $0x0  }
0x9b: {  	s13 =	rddreg [dreg:$0xe];
	[sflag:s30] =	ssyncadd.s32 $0xFFFFD800  }
0x9c: {  	[spmem:s3] =	stream.indirect.scatter.add.f32 [tilespmem:s22], [sflag:$0x8], $0x80, s13, s19, $0xb8;
	v63 =	vld [tilespmem:$0x0]  }
0x9d: {  	_ =	swait.ge [sflag:s31], $0x2800  }
0x9e: {  	[sflag:s31] =	ssyncset.done $0x0  }
0x9f: {  	s14 =	rddreg [dreg:$0xf];
	[sflag:s31] =	ssyncadd.s32 $0xFFFFD800  }
0xa0: {  	[tilespmem:s22], [sflag:$0x4] =	stream.indirect.gather [hbm4b:s2+s19], $0x80, s14, s19, $0xb8;
	v63 =	vld [tilespmem:$0x0]  }
0xa1: {  	_ =	swait.ge [sflag:s23], $0x2800  }
0xa2: {  	[sflag:s23] =	ssyncset.done $0x0  }
0xa3: {  	s12 =	rddreg [dreg:$0x10];
	[sflag:s23] =	ssyncadd.s32 $0xFFFFD800  }
0xa4: {  	[spmem:s3] =	stream.indirect.scatter.add.f32 [tilespmem:s15], [sflag:$0x5], $0x80, s12, s19, $0xb8;
	v63 =	vld [tilespmem:$0x0]  }
0xa5: {  	_ =	swait.ge [sflag:s24], $0x2800  }
0xa6: {  	[sflag:s24] =	ssyncset.done $0x0  }
0xa7: {  	s13 =	rddreg [dreg:$0x11];
	[sflag:s24] =	ssyncadd.s32 $0xFFFFD800  }
0xa8: {  	[tilespmem:s15], [sflag:$0x1] =	stream.indirect.gather [hbm4b:s2+s19], $0x80, s13, s19, $0xb8;
	v63 =	vld [tilespmem:$0x0]  }
0xa9: {  	_ =	swait.ge [sflag:s25], $0x2800  }
0xaa: {  	[sflag:s25] =	ssyncset.done $0x0  }
0xab: {  	s14 =	rddreg [dreg:$0x12];
	[sflag:s25] =	ssyncadd.s32 $0xFFFFD800  }
0xac: {  	[spmem:s3] =	stream.indirect.scatter.add.f32 [tilespmem:s20], [sflag:$0x6], $0x80, s14, s19, $0xb8;
	v63 =	vld [tilespmem:$0x0]  }
0xad: {  	_ =	swait.ge [sflag:s26], $0x2800  }
0xae: {  	[sflag:s26] =	ssyncset.done $0x0  }
0xaf: {  	s12 =	rddreg [dreg:$0x13];
	[sflag:s26] =	ssyncadd.s32 $0xFFFFD800  }
0xb0: {  	[tilespmem:s20], [sflag:$0x2] =	stream.indirect.gather [hbm4b:s2+s19], $0x80, s12, s19, $0xb8;
	v63 =	vld [tilespmem:$0x0]  }
0xb1: {  	_ =	swait.ge [sflag:s28], $0x2800  }
0xb2: {  	[sflag:s28] =	ssyncset.done $0x0  }
0xb3: {  	s13 =	rddreg [dreg:$0x14];
	[sflag:s28] =	ssyncadd.s32 $0xFFFFD800  }
0xb4: {  	[spmem:s3] =	stream.indirect.scatter.add.f32 [tilespmem:s21], [sflag:$0x7], $0x80, s13, s19, $0xb8;
	v63 =	vld [tilespmem:$0x0]  }
0xb5: {  	_ =	swait.ge [sflag:s29], $0x2800  }
0xb6: {  	[sflag:s29] =	ssyncset.done $0x0  }
0xb7: {  	s14 =	rddreg [dreg:$0x15];
	[sflag:s29] =	ssyncadd.s32 $0xFFFFD800  }
0xb8: {  	[tilespmem:s21], [sflag:$0x3] =	stream.indirect.gather [hbm4b:s2+s19], $0x80, s14, s19, $0xb8;
	v63 =	vld [tilespmem:$0x0]  }
0xb9: {  	_ =	swait.ge [sflag:s30], $0x2800  }
0xba: {  	[sflag:s30] =	ssyncset.done $0x0  }
0xbb: {  	s12 =	rddreg [dreg:$0x16];
	[sflag:s30] =	ssyncadd.s32 $0xFFFFD800  }
0xbc: {  	[spmem:s3] =	stream.indirect.scatter.add.f32 [tilespmem:s22], [sflag:$0x8], $0x80, s12, s19, $0xb8;
	v63 =	vld [tilespmem:$0x0]  }
0xbd: {  	_ =	swait.ge [sflag:s31], $0x2800  }
0xbe: {  	[sflag:s31] =	ssyncset.done $0x0  }
0xbf: {  	s13 =	rddreg [dreg:$0x17];
	[sflag:s31] =	ssyncadd.s32 $0xFFFFD800  }
0xc0: {  	[tilespmem:s22], [sflag:$0x4] =	stream.indirect.gather [hbm4b:s2+s19], $0x80, s13, s19, $0xb8;
	v63 =	vld [tilespmem:$0x0]  }
0xc1: {  	_ =	swait.ge [sflag:s23], $0x2800  }
0xc2: {  	[sflag:s23] =	ssyncset.done $0x0  }
0xc3: {  	s14 =	rddreg [dreg:$0x18];
	[sflag:s23] =	ssyncadd.s32 $0xFFFFD800  }
0xc4: {  	[spmem:s3] =	stream.indirect.scatter.add.f32 [tilespmem:s15], [sflag:$0x5], $0x80, s14, s19, $0xb8;
	v63 =	vld [tilespmem:$0x0]  }
0xc5: {  	_ =	swait.ge [sflag:s24], $0x2800  }
0xc6: {  	[sflag:s24] =	ssyncset.done $0x0  }
0xc7: {  	s12 =	rddreg [dreg:$0x19];
	[sflag:s24] =	ssyncadd.s32 $0xFFFFD800  }
0xc8: {  	[tilespmem:s15], [sflag:$0x1] =	stream.indirect.gather [hbm4b:s2+s19], $0x80, s12, s19, $0xb8;
	v63 =	vld [tilespmem:$0x0]  }
0xc9: {  	_ =	swait.ge [sflag:s25], $0x2800  }
0xca: {  	[sflag:s25] =	ssyncset.done $0x0  }
0xcb: {  	s13 =	rddreg [dreg:$0x1a];
	[sflag:s25] =	ssyncadd.s32 $0xFFFFD800  }
0xcc: {  	[spmem:s3] =	stream.indirect.scatter.add.f32 [tilespmem:s20], [sflag:$0x6], $0x80, s13, s19, $0xb8;
	v63 =	vld [tilespmem:$0x0]  }
0xcd: {  	_ =	swait.ge [sflag:s26], $0x2800  }
0xce: {  	[sflag:s26] =	ssyncset.done $0x0  }
0xcf: {  	s14 =	rddreg [dreg:$0x1b];
	[sflag:s26] =	ssyncadd.s32 $0xFFFFD800  }
0xd0: {  	[tilespmem:s20], [sflag:$0x2] =	stream.indirect.gather [hbm4b:s2+s19], $0x80, s14, s19, $0xb8;
	v63 =	vld [tilespmem:$0x0]  }
0xd1: {  	_ =	swait.ge [sflag:s28], $0x2800  }
0xd2: {  	[sflag:s28] =	ssyncset.done $0x0  }
0xd3: {  	s12 =	rddreg [dreg:$0x1c];
	[sflag:s28] =	ssyncadd.s32 $0xFFFFD800  }
0xd4: {  	[spmem:s3] =	stream.indirect.scatter.add.f32 [tilespmem:s21], [sflag:$0x7], $0x80, s12, s19, $0xb8;
	v63 =	vld [tilespmem:$0x0]  }
0xd5: {  	_ =	swait.ge [sflag:s29], $0x2800  }
0xd6: {  	[sflag:s29] =	ssyncset.done $0x0  }
0xd7: {  	s13 =	rddreg [dreg:$0x1d];
	[sflag:s29] =	ssyncadd.s32 $0xFFFFD800  }
0xd8: {  	[tilespmem:s21], [sflag:$0x3] =	stream.indirect.gather [hbm4b:s2+s19], $0x80, s13, s19, $0xb8;
	v63 =	vld [tilespmem:$0x0]  }
0xd9: {  	_ =	swait.ge [sflag:s30], $0x2800  }
0xda: {  	[sflag:s30] =	ssyncset.done $0x0  }
0xdb: {  	s14 =	rddreg [dreg:$0x1e];
	[sflag:s30] =	ssyncadd.s32 $0xFFFFD800  }
0xdc: {  	[spmem:s3] =	stream.indirect.scatter.add.f32 [tilespmem:s22], [sflag:$0x8], $0x80, s14, s19, $0xb8;
	v63 =	vld [tilespmem:$0x0]  }
0xdd: {  	_ =	swait.ge [sflag:s31], $0x2800  }
0xde: {  	[sflag:s31] =	ssyncset.done $0x0  }
0xdf: {  	s12 =	rddreg [dreg:$0x1f];
	[sflag:s31] =	ssyncadd.s32 $0xFFFFD800  }
0xe0: {  	[tilespmem:s22], [sflag:$0x4] =	stream.indirect.gather [hbm4b:s2+s19], $0x80, s12, s19, $0xb8;
	v63 =	vld [tilespmem:$0x0]  }
0xe1: {  	_ =	swait.ge [sflag:s23], $0x2800  }
0xe2: {  	s13 =	sld [smem:$0x7EB]  }
0xe3: {  	[sflag:s23] =	ssyncset.done $0x0  }
0xe4: {  	[sflag:s23] =	ssyncadd.s32 $0xFFFFD800  }
0xe5: {  	[spmem:s3] =	stream.indirect.scatter.add.f32 [tilespmem:s15], [sflag:$0x5], $0x80, s13, s19, $0xb8;
	v63 =	vld [tilespmem:$0x0]  }
0xe6: {  	_ =	swait.ge [sflag:s24], $0x2800  }
0xe7: {  	s14 =	sld [smem:$0x7ED]  }
0xe8: {  	[sflag:s24] =	ssyncset.done $0x0  }
0xe9: {  	[sflag:s24] =	ssyncadd.s32 $0xFFFFD800  }
0xea: {  	[tilespmem:s15], [sflag:$0x1] =	stream.indirect.gather [hbm4b:s2+s19], $0x80, s14, s19, $0xb8;
	v63 =	vld [tilespmem:$0x0]  }
0xeb: {  	_ =	swait.ge [sflag:s25], $0x2800  }
0xec: {  	s12 =	sld [smem:$0x7F0]  }
0xed: {  	[sflag:s25] =	ssyncset.done $0x0  }
0xee: {  	[sflag:s25] =	ssyncadd.s32 $0xFFFFD800  }
0xef: {  	[spmem:s3] =	stream.indirect.scatter.add.f32 [tilespmem:s20], [sflag:$0x6], $0x80, s12, s19, $0xb8;
	v63 =	vld [tilespmem:$0x0]  }
0xf0: {  	_ =	swait.ge [sflag:s26], $0x2800  }
0xf1: {  	s13 =	sld [smem:$0x7F2]  }
0xf2: {  	[sflag:s26] =	ssyncset.done $0x0  }
0xf3: {  	[sflag:s26] =	ssyncadd.s32 $0xFFFFD800  }
0xf4: {  	[tilespmem:s20], [sflag:$0x2] =	stream.indirect.gather [hbm4b:s2+s19], $0x80, s13, s19, $0xb8;
	v63 =	vld [tilespmem:$0x0]  }
0xf5: {  	_ =	swait.ge [sflag:s28], $0x2800  }
0xf6: {  	s14 =	sld [smem:$0x7F4]  }
0xf7: {  	[sflag:s28] =	ssyncset.done $0x0  }
0xf8: {  	[sflag:s28] =	ssyncadd.s32 $0xFFFFD800  }
0xf9: {  	[spmem:s3] =	stream.indirect.scatter.add.f32 [tilespmem:s21], [sflag:$0x7], $0x80, s14, s19, $0xb8;
	v63 =	vld [tilespmem:$0x0]  }
0xfa: {  	_ =	swait.ge [sflag:s29], $0x2800  }
0xfb: {  	s12 =	sld [smem:$0x7F5]  }
0xfc: {  	[sflag:s29] =	ssyncset.done $0x0  }
0xfd: {  	[sflag:s29] =	ssyncadd.s32 $0xFFFFD800  }
0xfe: {  	[tilespmem:s21], [sflag:$0x3] =	stream.indirect.gather [hbm4b:s2+s19], $0x80, s12, s19, $0xb8;
	v63 =	vld [tilespmem:$0x0]  }
0xff: {  	_ =	swait.ge [sflag:s30], $0x2800  }
0x100: {  	s13 =	sld [smem:$0x7F6]  }
0x101: {  	[sflag:s30] =	ssyncset.done $0x0  }
0x102: {  	[sflag:s30] =	ssyncadd.s32 $0xFFFFD800  }
0x103: {  	[spmem:s3] =	stream.indirect.scatter.add.f32 [tilespmem:s22], [sflag:$0x8], $0x80, s13, s19, $0xb8;
	v63 =	vld [tilespmem:$0x0]  }
0x104: {  	_ =	swait.ge [sflag:s31], $0x2800  }
0x105: {  	s14 =	sld [smem:$0x7F7]  }
0x106: {  	[sflag:s31] =	ssyncset.done $0x0  }
0x107: {  	[sflag:s31] =	ssyncadd.s32 $0xFFFFD800  }
0x108: {  	[tilespmem:s22], [sflag:$0x4] =	stream.indirect.gather [hbm4b:s2+s19], $0x80, s14, s19, $0xb8;
	v63 =	vld [tilespmem:$0x0]  }
0x109: {  	_ =	swait.ge [sflag:s23], $0x2800  }
0x10a: {  	s12 =	sld [smem:$0x7F8]  }
0x10b: {  	[sflag:s23] =	ssyncset.done $0x0  }
0x10c: {  	[sflag:s23] =	ssyncadd.s32 $0xFFFFD800  }
0x10d: {  	[spmem:s3] =	stream.indirect.scatter.add.f32 [tilespmem:s15], [sflag:$0x5], $0x80, s12, s19, $0xb8;
	v63 =	vld [tilespmem:$0x0]  }
0x10e: {  	_ =	swait.ge [sflag:s24], $0x2800  }
0x10f: {  	s13 =	sld [smem:$0x7F9]  }
0x110: {  	[sflag:s24] =	ssyncset.done $0x0  }
0x111: {  	[sflag:s24] =	ssyncadd.s32 $0xFFFFD800  }
0x112: {  	[tilespmem:s15], [sflag:$0x1] =	stream.indirect.gather [hbm4b:s2+s19], $0x80, s13, s19, $0xb8;
	v63 =	vld [tilespmem:$0x0]  }
0x113: {  	_ =	swait.ge [sflag:s25], $0x2800  }
0x114: {  	s14 =	sld [smem:$0x7FA]  }
0x115: {  	[sflag:s25] =	ssyncset.done $0x0  }
0x116: {  	[sflag:s25] =	ssyncadd.s32 $0xFFFFD800  }
0x117: {  	[spmem:s3] =	stream.indirect.scatter.add.f32 [tilespmem:s20], [sflag:$0x6], $0x80, s14, s19, $0xb8;
	v63 =	vld [tilespmem:$0x0]  }
0x118: {  	_ =	swait.ge [sflag:s26], $0x2800  }
0x119: {  	s12 =	sld [smem:$0x7FB]  }
0x11a: {  	[sflag:s26] =	ssyncset.done $0x0  }
0x11b: {  	[sflag:s26] =	ssyncadd.s32 $0xFFFFD800  }
0x11c: {  	[tilespmem:s20], [sflag:$0x2] =	stream.indirect.gather [hbm4b:s2+s19], $0x80, s12, s19, $0xb8;
	v63 =	vld [tilespmem:$0x0]  }
0x11d: {  	_ =	swait.ge [sflag:s28], $0x2800  }
0x11e: {  	s13 =	sld [smem:$0x7FC]  }
0x11f: {  	[sflag:s28] =	ssyncset.done $0x0  }
0x120: {  	[sflag:s28] =	ssyncadd.s32 $0xFFFFD800  }
0x121: {  	[spmem:s3] =	stream.indirect.scatter.add.f32 [tilespmem:s21], [sflag:$0x7], $0x80, s13, s19, $0xb8;
	v63 =	vld [tilespmem:$0x0]  }
0x122: {  	_ =	swait.ge [sflag:s29], $0x2800  }
0x123: {  	s14 =	sld [smem:$0x7FD]  }
0x124: {  	[sflag:s29] =	ssyncset.done $0x0  }
0x125: {  	[sflag:s29] =	ssyncadd.s32 $0xFFFFD800  }
0x126: {  	[tilespmem:s21], [sflag:$0x3] =	stream.indirect.gather [hbm4b:s2+s19], $0x80, s14, s19, $0xb8;
	v63 =	vld [tilespmem:$0x0]  }
0x127: {  	_ =	swait.ge [sflag:s30], $0x2800  }
0x128: {  	[sflag:s30] =	ssyncset.done $0x0  }
0x129: {  	[sflag:s30] =	ssyncadd.s32 $0xFFFFD800  }
0x12a: {  	[spmem:s3] =	stream.indirect.scatter.add.f32 [tilespmem:s22], [sflag:$0x8], $0x80, s1, s19, $0xb8;
	v63 =	vld [tilespmem:$0x0]  }
0x12b: {  	_ =	swait.ge [sflag:s31], $0x2800  }
0x12c: {  	[sflag:s31] =	ssyncset.done $0x0  }
0x12d: {  	[sflag:s31] =	ssyncadd.s32 $0xFFFFD800  }
0x12e: {  	[tilespmem:s22], [sflag:$0x4] =	stream.indirect.gather [hbm4b:s2+s19], $0x80, s0, s19, $0xb8;
	v63 =	vld [tilespmem:$0x0]  }
0x12f: {  	_ =	swait.ge [sflag:s23], $0x2800  }
0x130: {  	[sflag:s23] =	ssyncset.done $0x0  }
0x131: {  	[sflag:s23] =	ssyncadd.s32 $0xFFFFD800  }
0x132: {  	[spmem:s3] =	stream.indirect.scatter.add.f32 [tilespmem:s15], [sflag:$0x5], $0x80, s6, s19, $0xb8;
	v63 =	vld [tilespmem:$0x0]  }
0x133: {  	_ =	swait.ge [sflag:s24], $0x2800  }
0x134: {  	[sflag:s24] =	ssyncset.done $0x0  }
0x135: {  	[sflag:s24] =	ssyncadd.s32 $0xFFFFD800  }
0x136: {  	[tilespmem:s15], [sflag:$0x1] =	stream.indirect.gather [hbm4b:s2+s19], $0x80, s7, s19, $0xb8;
	v63 =	vld [tilespmem:$0x0]  }
0x137: {  	_ =	swait.ge [sflag:s25], $0x2800  }
0x138: {  	[sflag:s25] =	ssyncset.done $0x0  }
0x139: {  	[sflag:s25] =	ssyncadd.s32 $0xFFFFD800  }
0x13a: {  	[spmem:s3] =	stream.indirect.scatter.add.f32 [tilespmem:s20], [sflag:$0x6], $0x80, s8, s19, $0xb8;
	v63 =	vld [tilespmem:$0x0]  }
0x13b: {  	_ =	swait.ge [sflag:s28], $0x2800  }
0x13c: {  	[sflag:s28] =	ssyncset.done $0x0  }
0x13d: {  	[sflag:s28] =	ssyncadd.s32 $0xFFFFD800  }
0x13e: {  	[spmem:s3] =	stream.indirect.scatter.add.f32 [tilespmem:s21], [sflag:$0x7], $0x80, s9, s19, $0xb8;
	v63 =	vld [tilespmem:$0x0]  }
0x13f: {  	_ =	swait.ge [sflag:s30], $0x2800  }
0x140: {  	[sflag:s30] =	ssyncset.done $0x0  }
0x141: {  	[sflag:s30] =	ssyncadd.s32 $0xFFFFD800  }
0x142: {  	[spmem:s3] =	stream.indirect.scatter.add.f32 [tilespmem:s22], [sflag:$0x8], $0x80, s10, s19, $0xb8;
	v63 =	vld [tilespmem:$0x0]  }
0x143: {  	_ =	swait.ge [sflag:s23], $0x2800  }
0x144: {  	[sflag:s23] =	ssyncset.done $0x0  }
0x145: {  	[sflag:s23] =	ssyncadd.s32 $0xFFFFD800  }
0x146: {  	[spmem:s3] =	stream.indirect.scatter.add.f32 [tilespmem:s15], [sflag:$0x5], $0x80, s11, s19, $0xb8;
	v63 =	vld [tilespmem:$0x0]  }
0x147: {  	_ =	swait.ge [sflag:s24], $0x2800  }
0x148: {  	[sflag:s24] =	ssyncset.done $0x0  }
0x149: {  	[sflag:s24] =	ssyncadd.s32 $0xFFFFD800  }
0x14a: {  	_ =	swait.ge [sflag:s31], $0x2800  }
0x14b: {  	[sflag:s31] =	ssyncset.done $0x0  }
0x14c: {  	[sflag:s31] =	ssyncadd.s32 $0xFFFFD800  }
0x14d: {  	_ =	swait.ge [sflag:s29], $0x2800  }
0x14e: {  	[sflag:s29] =	ssyncset.done $0x0  }
0x14f: {  	[sflag:s29] =	ssyncadd.s32 $0xFFFFD800  }
0x150: {  	s13 =	simm.s32 $0x200;
	_ =	swait.ge [sflag:s26], $0x2800  }
0x151: {  	s14 =	simm.s32 $0x400;
	s5 =	rddreg [dreg:$0x5];
	[sflag:s26] =	ssyncset.done $0x0  }
.LBB2_4:
0x152: {  	[sflag:s26] =	ssyncadd.s32 $0xFFFFD800;
	s5 =	sadd.s32 s13, s5  }
0x153: {  	[tilespmem:s17], [sflag:$0x9] =	stream.linear.gather [hbm4b:s5+s4], $0xC80, $0x38;
	v63 =	vld [tilespmem:$0x0]  }
0x154: {  	_ =	swait.ge [sflag:s16], $0xC80  }
0x155: {  	s5 =	rddreg [dreg:$0x4];
	[sflag:s16] =	ssyncset.done $0x0  }
0x156: {  	[sflag:s16] =	ssyncadd.s32 $0xFFFFF380;
	s5 =	sadd.s32 s13, s5  }
0x157: {  	[tilespmem:s18], [sflag:$0x9] =	stream.linear.gather [hbm4b:s5+s4], $0xC80, $0x38;
	v63 =	vld [tilespmem:$0x0]  }
0x158: {  	_ =	swait.ge [sflag:s16], $0xC80  }
0x159: {  	[sflag:s16] =	ssyncset.done $0x0  }
0x15a: {  	[sflag:s16] =	ssyncadd.s32 $0xFFFFF380  }
0x15b: {  	[tilespmem:s15], [sflag:$0x1] =	stream.indirect.gather [hbm4b:s2+s19], $0x80, s17, s19, $0xb8;
	v63 =	vld [tilespmem:$0x0]  }
0x15c: {  	s12 =	smov.u32 s14;
	s5 =	rddreg [dreg:$0x6]  }
0x15d: {  	[tilespmem:s20], [sflag:$0x2] =	stream.indirect.gather [hbm4b:s2+s19], $0x80, s5, s19, $0xb8;
	v63 =	vld [tilespmem:$0x0]  }
0x15e: {  	s13 =	smov.u32 s12;
	s12 =	rddreg [dreg:$0x7]  }
0x15f: {  	[tilespmem:s21], [sflag:$0x3] =	stream.indirect.gather [hbm4b:s2+s19], $0x80, s12, s19, $0xb8;
	v63 =	vld [tilespmem:$0x0]  }
0x160: {  	s5 =	rddreg [dreg:$0x8]  }
0x161: {  	[tilespmem:s22], [sflag:$0x4] =	stream.indirect.gather [hbm4b:s2+s19], $0x80, s5, s19, $0xb8;
	v63 =	vld [tilespmem:$0x0]  }
0x162: {  	_ =	swait.ge [sflag:s23], $0x2800  }
0x163: {  	[sflag:s23] =	ssyncset.done $0x0  }
0x164: {  	[sflag:s23] =	ssyncadd.s32 $0xFFFFD800  }
0x165: {  	[spmem:s3] =	stream.indirect.scatter.add.f32 [tilespmem:s15], [sflag:$0x5], $0x80, s18, s19, $0xb8;
	v63 =	vld [tilespmem:$0x0]  }
0x166: {  	_ =	swait.ge [sflag:s24], $0x2800  }
0x167: {  	[sflag:s24] =	ssyncset.done $0x0  }
0x168: {  	s12 =	rddreg [dreg:$0x9];
	[sflag:s24] =	ssyncadd.s32 $0xFFFFD800  }
0x169: {  	[tilespmem:s15], [sflag:$0x1] =	stream.indirect.gather [hbm4b:s2+s19], $0x80, s12, s19, $0xb8;
	v63 =	vld [tilespmem:$0x0]  }
0x16a: {  	_ =	swait.ge [sflag:s25], $0x2800  }
0x16b: {  	[sflag:s25] =	ssyncset.done $0x0  }
0x16c: {  	s12 =	rddreg [dreg:$0xa];
	[sflag:s25] =	ssyncadd.s32 $0xFFFFD800  }
0x16d: {  	[spmem:s3] =	stream.indirect.scatter.add.f32 [tilespmem:s20], [sflag:$0x6], $0x80, s12, s19, $0xb8;
	v63 =	vld [tilespmem:$0x0]  }
0x16e: {  	_ =	swait.ge [sflag:s26], $0x2800  }
0x16f: {  	[sflag:s26] =	ssyncset.done $0x0  }
0x170: {  	s12 =	rddreg [dreg:$0xb];
	[sflag:s26] =	ssyncadd.s32 $0xFFFFD800  }
0x171: {  	[tilespmem:s20], [sflag:$0x2] =	stream.indirect.gather [hbm4b:s2+s19], $0x80, s12, s19, $0xb8;
	v63 =	vld [tilespmem:$0x0]  }
0x172: {  	_ =	swait.ge [sflag:s28], $0x2800  }
0x173: {  	[sflag:s28] =	ssyncset.done $0x0  }
0x174: {  	s12 =	rddreg [dreg:$0xc];
	[sflag:s28] =	ssyncadd.s32 $0xFFFFD800  }
0x175: {  	[spmem:s3] =	stream.indirect.scatter.add.f32 [tilespmem:s21], [sflag:$0x7], $0x80, s12, s19, $0xb8;
	v63 =	vld [tilespmem:$0x0]  }
0x176: {  	_ =	swait.ge [sflag:s29], $0x2800  }
0x177: {  	[sflag:s29] =	ssyncset.done $0x0  }
0x178: {  	s12 =	rddreg [dreg:$0xd];
	[sflag:s29] =	ssyncadd.s32 $0xFFFFD800  }
0x179: {  	[tilespmem:s21], [sflag:$0x3] =	stream.indirect.gather [hbm4b:s2+s19], $0x80, s12, s19, $0xb8;
	v63 =	vld [tilespmem:$0x0]  }
0x17a: {  	_ =	swait.ge [sflag:s30], $0x2800  }
0x17b: {  	[sflag:s30] =	ssyncset.done $0x0  }
0x17c: {  	s12 =	rddreg [dreg:$0xe];
	[sflag:s30] =	ssyncadd.s32 $0xFFFFD800  }
0x17d: {  	[spmem:s3] =	stream.indirect.scatter.add.f32 [tilespmem:s22], [sflag:$0x8], $0x80, s12, s19, $0xb8;
	v63 =	vld [tilespmem:$0x0]  }
0x17e: {  	_ =	swait.ge [sflag:s31], $0x2800  }
0x17f: {  	[sflag:s31] =	ssyncset.done $0x0  }
0x180: {  	s12 =	rddreg [dreg:$0xf];
	[sflag:s31] =	ssyncadd.s32 $0xFFFFD800  }
0x181: {  	[tilespmem:s22], [sflag:$0x4] =	stream.indirect.gather [hbm4b:s2+s19], $0x80, s12, s19, $0xb8;
	v63 =	vld [tilespmem:$0x0]  }
0x182: {  	_ =	swait.ge [sflag:s23], $0x2800  }
0x183: {  	[sflag:s23] =	ssyncset.done $0x0  }
0x184: {  	s12 =	rddreg [dreg:$0x10];
	[sflag:s23] =	ssyncadd.s32 $0xFFFFD800  }
0x185: {  	[spmem:s3] =	stream.indirect.scatter.add.f32 [tilespmem:s15], [sflag:$0x5], $0x80, s12, s19, $0xb8;
	v63 =	vld [tilespmem:$0x0]  }
0x186: {  	_ =	swait.ge [sflag:s24], $0x2800  }
0x187: {  	[sflag:s24] =	ssyncset.done $0x0  }
0x188: {  	s12 =	rddreg [dreg:$0x11];
	[sflag:s24] =	ssyncadd.s32 $0xFFFFD800  }
0x189: {  	[tilespmem:s15], [sflag:$0x1] =	stream.indirect.gather [hbm4b:s2+s19], $0x80, s12, s19, $0xb8;
	v63 =	vld [tilespmem:$0x0]  }
0x18a: {  	_ =	swait.ge [sflag:s25], $0x2800  }
0x18b: {  	[sflag:s25] =	ssyncset.done $0x0  }
0x18c: {  	s12 =	rddreg [dreg:$0x12];
	[sflag:s25] =	ssyncadd.s32 $0xFFFFD800  }
0x18d: {  	[spmem:s3] =	stream.indirect.scatter.add.f32 [tilespmem:s20], [sflag:$0x6], $0x80, s12, s19, $0xb8;
	v63 =	vld [tilespmem:$0x0]  }
0x18e: {  	_ =	swait.ge [sflag:s26], $0x2800  }
0x18f: {  	[sflag:s26] =	ssyncset.done $0x0  }
0x190: {  	s12 =	rddreg [dreg:$0x13];
	[sflag:s26] =	ssyncadd.s32 $0xFFFFD800  }
0x191: {  	[tilespmem:s20], [sflag:$0x2] =	stream.indirect.gather [hbm4b:s2+s19], $0x80, s12, s19, $0xb8;
	v63 =	vld [tilespmem:$0x0]  }
0x192: {  	_ =	swait.ge [sflag:s28], $0x2800  }
0x193: {  	[sflag:s28] =	ssyncset.done $0x0  }
0x194: {  	s12 =	rddreg [dreg:$0x14];
	[sflag:s28] =	ssyncadd.s32 $0xFFFFD800  }
0x195: {  	[spmem:s3] =	stream.indirect.scatter.add.f32 [tilespmem:s21], [sflag:$0x7], $0x80, s12, s19, $0xb8;
	v63 =	vld [tilespmem:$0x0]  }
0x196: {  	_ =	swait.ge [sflag:s29], $0x2800  }
0x197: {  	[sflag:s29] =	ssyncset.done $0x0  }
0x198: {  	s12 =	rddreg [dreg:$0x15];
	[sflag:s29] =	ssyncadd.s32 $0xFFFFD800  }
0x199: {  	[tilespmem:s21], [sflag:$0x3] =	stream.indirect.gather [hbm4b:s2+s19], $0x80, s12, s19, $0xb8;
	v63 =	vld [tilespmem:$0x0]  }
0x19a: {  	_ =	swait.ge [sflag:s30], $0x2800  }
0x19b: {  	[sflag:s30] =	ssyncset.done $0x0  }
0x19c: {  	s12 =	rddreg [dreg:$0x16];
	[sflag:s30] =	ssyncadd.s32 $0xFFFFD800  }
0x19d: {  	[spmem:s3] =	stream.indirect.scatter.add.f32 [tilespmem:s22], [sflag:$0x8], $0x80, s12, s19, $0xb8;
	v63 =	vld [tilespmem:$0x0]  }
0x19e: {  	_ =	swait.ge [sflag:s31], $0x2800  }
0x19f: {  	[sflag:s31] =	ssyncset.done $0x0  }
0x1a0: {  	s12 =	rddreg [dreg:$0x17];
	[sflag:s31] =	ssyncadd.s32 $0xFFFFD800  }
0x1a1: {  	[tilespmem:s22], [sflag:$0x4] =	stream.indirect.gather [hbm4b:s2+s19], $0x80, s12, s19, $0xb8;
	v63 =	vld [tilespmem:$0x0]  }
0x1a2: {  	_ =	swait.ge [sflag:s23], $0x2800  }
0x1a3: {  	[sflag:s23] =	ssyncset.done $0x0  }
0x1a4: {  	s12 =	rddreg [dreg:$0x18];
	[sflag:s23] =	ssyncadd.s32 $0xFFFFD800  }
0x1a5: {  	[spmem:s3] =	stream.indirect.scatter.add.f32 [tilespmem:s15], [sflag:$0x5], $0x80, s12, s19, $0xb8;
	v63 =	vld [tilespmem:$0x0]  }
0x1a6: {  	_ =	swait.ge [sflag:s24], $0x2800  }
0x1a7: {  	[sflag:s24] =	ssyncset.done $0x0  }
0x1a8: {  	s12 =	rddreg [dreg:$0x19];
	[sflag:s24] =	ssyncadd.s32 $0xFFFFD800  }
0x1a9: {  	[tilespmem:s15], [sflag:$0x1] =	stream.indirect.gather [hbm4b:s2+s19], $0x80, s12, s19, $0xb8;
	v63 =	vld [tilespmem:$0x0]  }
0x1aa: {  	_ =	swait.ge [sflag:s25], $0x2800  }
0x1ab: {  	[sflag:s25] =	ssyncset.done $0x0  }
0x1ac: {  	s12 =	rddreg [dreg:$0x1a];
	[sflag:s25] =	ssyncadd.s32 $0xFFFFD800  }
0x1ad: {  	[spmem:s3] =	stream.indirect.scatter.add.f32 [tilespmem:s20], [sflag:$0x6], $0x80, s12, s19, $0xb8;
	v63 =	vld [tilespmem:$0x0]  }
0x1ae: {  	_ =	swait.ge [sflag:s26], $0x2800  }
0x1af: {  	[sflag:s26] =	ssyncset.done $0x0  }
0x1b0: {  	s12 =	rddreg [dreg:$0x1b];
	[sflag:s26] =	ssyncadd.s32 $0xFFFFD800  }
0x1b1: {  	[tilespmem:s20], [sflag:$0x2] =	stream.indirect.gather [hbm4b:s2+s19], $0x80, s12, s19, $0xb8;
	v63 =	vld [tilespmem:$0x0]  }
0x1b2: {  	_ =	swait.ge [sflag:s28], $0x2800  }
0x1b3: {  	[sflag:s28] =	ssyncset.done $0x0  }
0x1b4: {  	s12 =	rddreg [dreg:$0x1c];
	[sflag:s28] =	ssyncadd.s32 $0xFFFFD800  }
0x1b5: {  	[spmem:s3] =	stream.indirect.scatter.add.f32 [tilespmem:s21], [sflag:$0x7], $0x80, s12, s19, $0xb8;
	v63 =	vld [tilespmem:$0x0]  }
0x1b6: {  	_ =	swait.ge [sflag:s29], $0x2800  }
0x1b7: {  	[sflag:s29] =	ssyncset.done $0x0  }
0x1b8: {  	s12 =	rddreg [dreg:$0x1d];
	[sflag:s29] =	ssyncadd.s32 $0xFFFFD800  }
0x1b9: {  	[tilespmem:s21], [sflag:$0x3] =	stream.indirect.gather [hbm4b:s2+s19], $0x80, s12, s19, $0xb8;
	v63 =	vld [tilespmem:$0x0]  }
0x1ba: {  	_ =	swait.ge [sflag:s30], $0x2800  }
0x1bb: {  	[sflag:s30] =	ssyncset.done $0x0  }
0x1bc: {  	s12 =	rddreg [dreg:$0x1e];
	[sflag:s30] =	ssyncadd.s32 $0xFFFFD800  }
0x1bd: {  	[spmem:s3] =	stream.indirect.scatter.add.f32 [tilespmem:s22], [sflag:$0x8], $0x80, s12, s19, $0xb8;
	v63 =	vld [tilespmem:$0x0]  }
0x1be: {  	_ =	swait.ge [sflag:s31], $0x2800  }
0x1bf: {  	[sflag:s31] =	ssyncset.done $0x0  }
0x1c0: {  	s12 =	rddreg [dreg:$0x1f];
	[sflag:s31] =	ssyncadd.s32 $0xFFFFD800  }
0x1c1: {  	[tilespmem:s22], [sflag:$0x4] =	stream.indirect.gather [hbm4b:s2+s19], $0x80, s12, s19, $0xb8;
	v63 =	vld [tilespmem:$0x0]  }
0x1c2: {  	_ =	swait.ge [sflag:s23], $0x2800  }
0x1c3: {  	s12 =	sld [smem:$0x7EB]  }
0x1c4: {  	[sflag:s23] =	ssyncset.done $0x0  }
0x1c5: {  	[sflag:s23] =	ssyncadd.s32 $0xFFFFD800  }
0x1c6: {  	[spmem:s3] =	stream.indirect.scatter.add.f32 [tilespmem:s15], [sflag:$0x5], $0x80, s12, s19, $0xb8;
	v63 =	vld [tilespmem:$0x0]  }
0x1c7: {  	_ =	swait.ge [sflag:s24], $0x2800  }
0x1c8: {  	s12 =	sld [smem:$0x7ED]  }
0x1c9: {  	[sflag:s24] =	ssyncset.done $0x0  }
0x1ca: {  	[sflag:s24] =	ssyncadd.s32 $0xFFFFD800  }
0x1cb: {  	[tilespmem:s15], [sflag:$0x1] =	stream.indirect.gather [hbm4b:s2+s19], $0x80, s12, s19, $0xb8;
	v63 =	vld [tilespmem:$0x0]  }
0x1cc: {  	_ =	swait.ge [sflag:s25], $0x2800  }
0x1cd: {  	s12 =	sld [smem:$0x7F0]  }
0x1ce: {  	[sflag:s25] =	ssyncset.done $0x0  }
0x1cf: {  	[sflag:s25] =	ssyncadd.s32 $0xFFFFD800  }
0x1d0: {  	[spmem:s3] =	stream.indirect.scatter.add.f32 [tilespmem:s20], [sflag:$0x6], $0x80, s12, s19, $0xb8;
	v63 =	vld [tilespmem:$0x0]  }
0x1d1: {  	_ =	swait.ge [sflag:s26], $0x2800  }
0x1d2: {  	s12 =	sld [smem:$0x7F2]  }
0x1d3: {  	[sflag:s26] =	ssyncset.done $0x0  }
0x1d4: {  	[sflag:s26] =	ssyncadd.s32 $0xFFFFD800  }
0x1d5: {  	[tilespmem:s20], [sflag:$0x2] =	stream.indirect.gather [hbm4b:s2+s19], $0x80, s12, s19, $0xb8;
	v63 =	vld [tilespmem:$0x0]  }
0x1d6: {  	_ =	swait.ge [sflag:s28], $0x2800  }
0x1d7: {  	s12 =	sld [smem:$0x7F4]  }
0x1d8: {  	[sflag:s28] =	ssyncset.done $0x0  }
0x1d9: {  	[sflag:s28] =	ssyncadd.s32 $0xFFFFD800  }
0x1da: {  	[spmem:s3] =	stream.indirect.scatter.add.f32 [tilespmem:s21], [sflag:$0x7], $0x80, s12, s19, $0xb8;
	v63 =	vld [tilespmem:$0x0]  }
0x1db: {  	_ =	swait.ge [sflag:s29], $0x2800  }
0x1dc: {  	s12 =	sld [smem:$0x7F5]  }
0x1dd: {  	[sflag:s29] =	ssyncset.done $0x0  }
0x1de: {  	[sflag:s29] =	ssyncadd.s32 $0xFFFFD800  }
0x1df: {  	[tilespmem:s21], [sflag:$0x3] =	stream.indirect.gather [hbm4b:s2+s19], $0x80, s12, s19, $0xb8;
	v63 =	vld [tilespmem:$0x0]  }
0x1e0: {  	_ =	swait.ge [sflag:s30], $0x2800  }
0x1e1: {  	s12 =	sld [smem:$0x7F6]  }
0x1e2: {  	[sflag:s30] =	ssyncset.done $0x0  }
0x1e3: {  	[sflag:s30] =	ssyncadd.s32 $0xFFFFD800  }
0x1e4: {  	[spmem:s3] =	stream.indirect.scatter.add.f32 [tilespmem:s22], [sflag:$0x8], $0x80, s12, s19, $0xb8;
	v63 =	vld [tilespmem:$0x0]  }
0x1e5: {  	_ =	swait.ge [sflag:s31], $0x2800  }
0x1e6: {  	s12 =	sld [smem:$0x7F7]  }
0x1e7: {  	[sflag:s31] =	ssyncset.done $0x0  }
0x1e8: {  	[sflag:s31] =	ssyncadd.s32 $0xFFFFD800  }
0x1e9: {  	[tilespmem:s22], [sflag:$0x4] =	stream.indirect.gather [hbm4b:s2+s19], $0x80, s12, s19, $0xb8;
	v63 =	vld [tilespmem:$0x0]  }
0x1ea: {  	_ =	swait.ge [sflag:s23], $0x2800  }
0x1eb: {  	s12 =	sld [smem:$0x7F8]  }
0x1ec: {  	[sflag:s23] =	ssyncset.done $0x0  }
0x1ed: {  	[sflag:s23] =	ssyncadd.s32 $0xFFFFD800  }
0x1ee: {  	[spmem:s3] =	stream.indirect.scatter.add.f32 [tilespmem:s15], [sflag:$0x5], $0x80, s12, s19, $0xb8;
	v63 =	vld [tilespmem:$0x0]  }
0x1ef: {  	_ =	swait.ge [sflag:s24], $0x2800  }
0x1f0: {  	s12 =	sld [smem:$0x7F9]  }
0x1f1: {  	[sflag:s24] =	ssyncset.done $0x0  }
0x1f2: {  	[sflag:s24] =	ssyncadd.s32 $0xFFFFD800  }
0x1f3: {  	[tilespmem:s15], [sflag:$0x1] =	stream.indirect.gather [hbm4b:s2+s19], $0x80, s12, s19, $0xb8;
	v63 =	vld [tilespmem:$0x0]  }
0x1f4: {  	_ =	swait.ge [sflag:s25], $0x2800  }
0x1f5: {  	s12 =	sld [smem:$0x7FA]  }
0x1f6: {  	[sflag:s25] =	ssyncset.done $0x0  }
0x1f7: {  	[sflag:s25] =	ssyncadd.s32 $0xFFFFD800  }
0x1f8: {  	[spmem:s3] =	stream.indirect.scatter.add.f32 [tilespmem:s20], [sflag:$0x6], $0x80, s12, s19, $0xb8;
	v63 =	vld [tilespmem:$0x0]  }
0x1f9: {  	_ =	swait.ge [sflag:s26], $0x2800  }
0x1fa: {  	s12 =	sld [smem:$0x7FB]  }
0x1fb: {  	[sflag:s26] =	ssyncset.done $0x0  }
0x1fc: {  	[sflag:s26] =	ssyncadd.s32 $0xFFFFD800  }
0x1fd: {  	[tilespmem:s20], [sflag:$0x2] =	stream.indirect.gather [hbm4b:s2+s19], $0x80, s12, s19, $0xb8;
	v63 =	vld [tilespmem:$0x0]  }
0x1fe: {  	_ =	swait.ge [sflag:s28], $0x2800  }
0x1ff: {  	s12 =	sld [smem:$0x7FC]  }
0x200: {  	[sflag:s28] =	ssyncset.done $0x0  }
0x201: {  	[sflag:s28] =	ssyncadd.s32 $0xFFFFD800  }
0x202: {  	[spmem:s3] =	stream.indirect.scatter.add.f32 [tilespmem:s21], [sflag:$0x7], $0x80, s12, s19, $0xb8;
	v63 =	vld [tilespmem:$0x0]  }
0x203: {  	_ =	swait.ge [sflag:s29], $0x2800  }
0x204: {  	s12 =	sld [smem:$0x7FD]  }
0x205: {  	[sflag:s29] =	ssyncset.done $0x0  }
0x206: {  	[sflag:s29] =	ssyncadd.s32 $0xFFFFD800  }
0x207: {  	[tilespmem:s21], [sflag:$0x3] =	stream.indirect.gather [hbm4b:s2+s19], $0x80, s12, s19, $0xb8;
	v63 =	vld [tilespmem:$0x0]  }
0x208: {  	_ =	swait.ge [sflag:s30], $0x2800  }
0x209: {  	[sflag:s30] =	ssyncset.done $0x0  }
0x20a: {  	[sflag:s30] =	ssyncadd.s32 $0xFFFFD800  }
0x20b: {  	[spmem:s3] =	stream.indirect.scatter.add.f32 [tilespmem:s22], [sflag:$0x8], $0x80, s1, s19, $0xb8;
	v63 =	vld [tilespmem:$0x0]  }
0x20c: {  	_ =	swait.ge [sflag:s31], $0x2800  }
0x20d: {  	[sflag:s31] =	ssyncset.done $0x0  }
0x20e: {  	[sflag:s31] =	ssyncadd.s32 $0xFFFFD800  }
0x20f: {  	[tilespmem:s22], [sflag:$0x4] =	stream.indirect.gather [hbm4b:s2+s19], $0x80, s0, s19, $0xb8;
	v63 =	vld [tilespmem:$0x0]  }
0x210: {  	_ =	swait.ge [sflag:s23], $0x2800  }
0x211: {  	[sflag:s23] =	ssyncset.done $0x0  }
0x212: {  	[sflag:s23] =	ssyncadd.s32 $0xFFFFD800  }
0x213: {  	[spmem:s3] =	stream.indirect.scatter.add.f32 [tilespmem:s15], [sflag:$0x5], $0x80, s6, s19, $0xb8;
	v63 =	vld [tilespmem:$0x0]  }
0x214: {  	_ =	swait.ge [sflag:s24], $0x2800  }
0x215: {  	[sflag:s24] =	ssyncset.done $0x0  }
0x216: {  	[sflag:s24] =	ssyncadd.s32 $0xFFFFD800  }
0x217: {  	[tilespmem:s15], [sflag:$0x1] =	stream.indirect.gather [hbm4b:s2+s19], $0x80, s7, s19, $0xb8;
	v63 =	vld [tilespmem:$0x0]  }
0x218: {  	_ =	swait.ge [sflag:s25], $0x2800  }
0x219: {  	[sflag:s25] =	ssyncset.done $0x0  }
0x21a: {  	[sflag:s25] =	ssyncadd.s32 $0xFFFFD800  }
0x21b: {  	[spmem:s3] =	stream.indirect.scatter.add.f32 [tilespmem:s20], [sflag:$0x6], $0x80, s8, s19, $0xb8;
	v63 =	vld [tilespmem:$0x0]  }
0x21c: {  	_ =	swait.ge [sflag:s28], $0x2800  }
0x21d: {  	[sflag:s28] =	ssyncset.done $0x0  }
0x21e: {  	[sflag:s28] =	ssyncadd.s32 $0xFFFFD800  }
0x21f: {  	[spmem:s3] =	stream.indirect.scatter.add.f32 [tilespmem:s21], [sflag:$0x7], $0x80, s9, s19, $0xb8;
	v63 =	vld [tilespmem:$0x0]  }
0x220: {  	_ =	swait.ge [sflag:s30], $0x2800  }
0x221: {  	[sflag:s30] =	ssyncset.done $0x0  }
0x222: {  	[sflag:s30] =	ssyncadd.s32 $0xFFFFD800  }
0x223: {  	[spmem:s3] =	stream.indirect.scatter.add.f32 [tilespmem:s22], [sflag:$0x8], $0x80, s10, s19, $0xb8;
	v63 =	vld [tilespmem:$0x0]  }
0x224: {  	_ =	swait.ge [sflag:s23], $0x2800  }
0x225: {  	[sflag:s23] =	ssyncset.done $0x0  }
0x226: {  	[sflag:s23] =	ssyncadd.s32 $0xFFFFD800  }
0x227: {  	[spmem:s3] =	stream.indirect.scatter.add.f32 [tilespmem:s15], [sflag:$0x5], $0x80, s11, s19, $0xb8;
	v63 =	vld [tilespmem:$0x0]  }
0x228: {  	_ =	swait.ge [sflag:s24], $0x2800  }
0x229: {  	[sflag:s24] =	ssyncset.done $0x0  }
0x22a: {  	[sflag:s24] =	ssyncadd.s32 $0xFFFFD800  }
0x22b: {  	_ =	swait.ge [sflag:s31], $0x2800  }
0x22c: {  	[sflag:s31] =	ssyncset.done $0x0  }
0x22d: {  	p0 =	sne.s32 s14, $0x800;
	[sflag:s31] =	ssyncadd.s32 $0xFFFFD800  }
.Ltmp1:
0x22e: {  	_ =	swait.ge [sflag:s29], $0x2800;
	(pc) =	sbr.rel @p0 .LBB2_4-.Ltmp1, $4  }
0x22f: {  	[sflag:s29] =	ssyncset.done $0x0  }
0x230: {  	[sflag:s29] =	ssyncadd.s32 $0xFFFFD800  }
0x231: {  	_ =	swait.ge [sflag:s26], $0x2800  }
0x232: {  	s14 =	sadd.s32 $0x200, s14;
	s5 =	rddreg [dreg:$0x5];
	[sflag:s26] =	ssyncset.done $0x0  }
0x233: {  	[sflag:s26] =	ssyncadd.s32 $0xFFFFD800;
	s5 =	sadd.s32 s13, s5  }
0x234: {  	[tilespmem:s17], [sflag:$0x9] =	stream.linear.gather [hbm4b:s5+s4], $0xC80, $0x38;
	v63 =	vld [tilespmem:$0x0]  }
0x235: {  	_ =	swait.ge [sflag:s16], $0xC80  }
0x236: {  	s12 =	rddreg [dreg:$0x4];
	[sflag:s16] =	ssyncset.done $0x0  }
0x237: {  	[sflag:s16] =	ssyncadd.s32 $0xFFFFF380;
	s5 =	sadd.s32 s13, s12  }
0x238: {  	[tilespmem:s18], [sflag:$0x9] =	stream.linear.gather [hbm4b:s5+s4], $0xC80, $0x38;
	v63 =	vld [tilespmem:$0x0]  }
0x239: {  	_ =	swait.ge [sflag:s16], $0xC80  }
0x23a: {  	[sflag:s16] =	ssyncset.done $0x0  }
0x23b: {  	[sflag:s16] =	ssyncadd.s32 $0xFFFFF380  }
0x23c: {  	[tilespmem:s15], [sflag:$0x1] =	stream.indirect.gather [hbm4b:s2+s19], $0x80, s17, s19, $0xb8;
	v63 =	vld [tilespmem:$0x0]  }
0x23d: {  	s14 =	rddreg [dreg:$0x6]  }
0x23e: {  	[tilespmem:s20], [sflag:$0x2] =	stream.indirect.gather [hbm4b:s2+s19], $0x80, s14, s19, $0xb8;
	v63 =	vld [tilespmem:$0x0]  }
0x23f: {  	s12 =	rddreg [dreg:$0x7]  }
0x240: {  	[tilespmem:s21], [sflag:$0x3] =	stream.indirect.gather [hbm4b:s2+s19], $0x80, s12, s19, $0xb8;
	v63 =	vld [tilespmem:$0x0]  }
0x241: {  	s13 =	rddreg [dreg:$0x8]  }
0x242: {  	[tilespmem:s22], [sflag:$0x4] =	stream.indirect.gather [hbm4b:s2+s19], $0x80, s13, s19, $0xb8;
	v63 =	vld [tilespmem:$0x0]  }
0x243: {  	_ =	swait.ge [sflag:s23], $0x2800  }
0x244: {  	[sflag:s23] =	ssyncset.done $0x0  }
0x245: {  	[sflag:s23] =	ssyncadd.s32 $0xFFFFD800  }
0x246: {  	[spmem:s3] =	stream.indirect.scatter.add.f32 [tilespmem:s15], [sflag:$0x5], $0x80, s18, s19, $0xb8;
	v63 =	vld [tilespmem:$0x0]  }
0x247: {  	_ =	swait.ge [sflag:s24], $0x2800  }
0x248: {  	[sflag:s24] =	ssyncset.done $0x0  }
0x249: {  	s14 =	rddreg [dreg:$0x9];
	[sflag:s24] =	ssyncadd.s32 $0xFFFFD800  }
0x24a: {  	[tilespmem:s15], [sflag:$0x1] =	stream.indirect.gather [hbm4b:s2+s19], $0x80, s14, s19, $0xb8;
	v63 =	vld [tilespmem:$0x0]  }
0x24b: {  	_ =	swait.ge [sflag:s25], $0x2800  }
0x24c: {  	[sflag:s25] =	ssyncset.done $0x0  }
0x24d: {  	s12 =	rddreg [dreg:$0xa];
	[sflag:s25] =	ssyncadd.s32 $0xFFFFD800  }
0x24e: {  	[spmem:s3] =	stream.indirect.scatter.add.f32 [tilespmem:s20], [sflag:$0x6], $0x80, s12, s19, $0xb8;
	v63 =	vld [tilespmem:$0x0]  }
0x24f: {  	_ =	swait.ge [sflag:s26], $0x2800  }
0x250: {  	[sflag:s26] =	ssyncset.done $0x0  }
0x251: {  	s13 =	rddreg [dreg:$0xb];
	[sflag:s26] =	ssyncadd.s32 $0xFFFFD800  }
0x252: {  	[tilespmem:s20], [sflag:$0x2] =	stream.indirect.gather [hbm4b:s2+s19], $0x80, s13, s19, $0xb8;
	v63 =	vld [tilespmem:$0x0]  }
0x253: {  	_ =	swait.ge [sflag:s28], $0x2800  }
0x254: {  	[sflag:s28] =	ssyncset.done $0x0  }
0x255: {  	s14 =	rddreg [dreg:$0xc];
	[sflag:s28] =	ssyncadd.s32 $0xFFFFD800  }
0x256: {  	[spmem:s3] =	stream.indirect.scatter.add.f32 [tilespmem:s21], [sflag:$0x7], $0x80, s14, s19, $0xb8;
	v63 =	vld [tilespmem:$0x0]  }
0x257: {  	_ =	swait.ge [sflag:s29], $0x2800  }
0x258: {  	[sflag:s29] =	ssyncset.done $0x0  }
0x259: {  	s12 =	rddreg [dreg:$0xd];
	[sflag:s29] =	ssyncadd.s32 $0xFFFFD800  }
0x25a: {  	[tilespmem:s21], [sflag:$0x3] =	stream.indirect.gather [hbm4b:s2+s19], $0x80, s12, s19, $0xb8;
	v63 =	vld [tilespmem:$0x0]  }
0x25b: {  	_ =	swait.ge [sflag:s30], $0x2800  }
0x25c: {  	[sflag:s30] =	ssyncset.done $0x0  }
0x25d: {  	s13 =	rddreg [dreg:$0xe];
	[sflag:s30] =	ssyncadd.s32 $0xFFFFD800  }
0x25e: {  	[spmem:s3] =	stream.indirect.scatter.add.f32 [tilespmem:s22], [sflag:$0x8], $0x80, s13, s19, $0xb8;
	v63 =	vld [tilespmem:$0x0]  }
0x25f: {  	_ =	swait.ge [sflag:s31], $0x2800  }
0x260: {  	[sflag:s31] =	ssyncset.done $0x0  }
0x261: {  	s14 =	rddreg [dreg:$0xf];
	[sflag:s31] =	ssyncadd.s32 $0xFFFFD800  }
0x262: {  	[tilespmem:s22], [sflag:$0x4] =	stream.indirect.gather [hbm4b:s2+s19], $0x80, s14, s19, $0xb8;
	v63 =	vld [tilespmem:$0x0]  }
0x263: {  	_ =	swait.ge [sflag:s23], $0x2800  }
0x264: {  	[sflag:s23] =	ssyncset.done $0x0  }
0x265: {  	s12 =	rddreg [dreg:$0x10];
	[sflag:s23] =	ssyncadd.s32 $0xFFFFD800  }
0x266: {  	[spmem:s3] =	stream.indirect.scatter.add.f32 [tilespmem:s15], [sflag:$0x5], $0x80, s12, s19, $0xb8;
	v63 =	vld [tilespmem:$0x0]  }
0x267: {  	_ =	swait.ge [sflag:s24], $0x2800  }
0x268: {  	[sflag:s24] =	ssyncset.done $0x0  }
0x269: {  	s13 =	rddreg [dreg:$0x11];
	[sflag:s24] =	ssyncadd.s32 $0xFFFFD800  }
0x26a: {  	[tilespmem:s15], [sflag:$0x1] =	stream.indirect.gather [hbm4b:s2+s19], $0x80, s13, s19, $0xb8;
	v63 =	vld [tilespmem:$0x0]  }
0x26b: {  	_ =	swait.ge [sflag:s25], $0x2800  }
0x26c: {  	[sflag:s25] =	ssyncset.done $0x0  }
0x26d: {  	s14 =	rddreg [dreg:$0x12];
	[sflag:s25] =	ssyncadd.s32 $0xFFFFD800  }
0x26e: {  	[spmem:s3] =	stream.indirect.scatter.add.f32 [tilespmem:s20], [sflag:$0x6], $0x80, s14, s19, $0xb8;
	v63 =	vld [tilespmem:$0x0]  }
0x26f: {  	_ =	swait.ge [sflag:s26], $0x2800  }
0x270: {  	[sflag:s26] =	ssyncset.done $0x0  }
0x271: {  	s12 =	rddreg [dreg:$0x13];
	[sflag:s26] =	ssyncadd.s32 $0xFFFFD800  }
0x272: {  	[tilespmem:s20], [sflag:$0x2] =	stream.indirect.gather [hbm4b:s2+s19], $0x80, s12, s19, $0xb8;
	v63 =	vld [tilespmem:$0x0]  }
0x273: {  	_ =	swait.ge [sflag:s28], $0x2800  }
0x274: {  	[sflag:s28] =	ssyncset.done $0x0  }
0x275: {  	s13 =	rddreg [dreg:$0x14];
	[sflag:s28] =	ssyncadd.s32 $0xFFFFD800  }
0x276: {  	[spmem:s3] =	stream.indirect.scatter.add.f32 [tilespmem:s21], [sflag:$0x7], $0x80, s13, s19, $0xb8;
	v63 =	vld [tilespmem:$0x0]  }
0x277: {  	_ =	swait.ge [sflag:s29], $0x2800  }
0x278: {  	[sflag:s29] =	ssyncset.done $0x0  }
0x279: {  	s14 =	rddreg [dreg:$0x15];
	[sflag:s29] =	ssyncadd.s32 $0xFFFFD800  }
0x27a: {  	[tilespmem:s21], [sflag:$0x3] =	stream.indirect.gather [hbm4b:s2+s19], $0x80, s14, s19, $0xb8;
	v63 =	vld [tilespmem:$0x0]  }
0x27b: {  	_ =	swait.ge [sflag:s30], $0x2800  }
0x27c: {  	[sflag:s30] =	ssyncset.done $0x0  }
0x27d: {  	s12 =	rddreg [dreg:$0x16];
	[sflag:s30] =	ssyncadd.s32 $0xFFFFD800  }
0x27e: {  	[spmem:s3] =	stream.indirect.scatter.add.f32 [tilespmem:s22], [sflag:$0x8], $0x80, s12, s19, $0xb8;
	v63 =	vld [tilespmem:$0x0]  }
0x27f: {  	_ =	swait.ge [sflag:s31], $0x2800  }
0x280: {  	[sflag:s31] =	ssyncset.done $0x0  }
0x281: {  	s13 =	rddreg [dreg:$0x17];
	[sflag:s31] =	ssyncadd.s32 $0xFFFFD800  }
0x282: {  	[tilespmem:s22], [sflag:$0x4] =	stream.indirect.gather [hbm4b:s2+s19], $0x80, s13, s19, $0xb8;
	v63 =	vld [tilespmem:$0x0]  }
0x283: {  	_ =	swait.ge [sflag:s23], $0x2800  }
0x284: {  	[sflag:s23] =	ssyncset.done $0x0  }
0x285: {  	s14 =	rddreg [dreg:$0x18];
	[sflag:s23] =	ssyncadd.s32 $0xFFFFD800  }
0x286: {  	[spmem:s3] =	stream.indirect.scatter.add.f32 [tilespmem:s15], [sflag:$0x5], $0x80, s14, s19, $0xb8;
	v63 =	vld [tilespmem:$0x0]  }
0x287: {  	_ =	swait.ge [sflag:s24], $0x2800  }
0x288: {  	[sflag:s24] =	ssyncset.done $0x0  }
0x289: {  	s12 =	rddreg [dreg:$0x19];
	[sflag:s24] =	ssyncadd.s32 $0xFFFFD800  }
0x28a: {  	[tilespmem:s15], [sflag:$0x1] =	stream.indirect.gather [hbm4b:s2+s19], $0x80, s12, s19, $0xb8;
	v63 =	vld [tilespmem:$0x0]  }
0x28b: {  	_ =	swait.ge [sflag:s25], $0x2800  }
0x28c: {  	[sflag:s25] =	ssyncset.done $0x0  }
0x28d: {  	s13 =	rddreg [dreg:$0x1a];
	[sflag:s25] =	ssyncadd.s32 $0xFFFFD800  }
0x28e: {  	[spmem:s3] =	stream.indirect.scatter.add.f32 [tilespmem:s20], [sflag:$0x6], $0x80, s13, s19, $0xb8;
	v63 =	vld [tilespmem:$0x0]  }
0x28f: {  	_ =	swait.ge [sflag:s26], $0x2800  }
0x290: {  	[sflag:s26] =	ssyncset.done $0x0  }
0x291: {  	s14 =	rddreg [dreg:$0x1b];
	[sflag:s26] =	ssyncadd.s32 $0xFFFFD800  }
0x292: {  	[tilespmem:s20], [sflag:$0x2] =	stream.indirect.gather [hbm4b:s2+s19], $0x80, s14, s19, $0xb8;
	v63 =	vld [tilespmem:$0x0]  }
0x293: {  	_ =	swait.ge [sflag:s28], $0x2800  }
0x294: {  	[sflag:s28] =	ssyncset.done $0x0  }
0x295: {  	s12 =	rddreg [dreg:$0x1c];
	[sflag:s28] =	ssyncadd.s32 $0xFFFFD800  }
0x296: {  	[spmem:s3] =	stream.indirect.scatter.add.f32 [tilespmem:s21], [sflag:$0x7], $0x80, s12, s19, $0xb8;
	v63 =	vld [tilespmem:$0x0]  }
0x297: {  	_ =	swait.ge [sflag:s29], $0x2800  }
0x298: {  	[sflag:s29] =	ssyncset.done $0x0  }
0x299: {  	s13 =	rddreg [dreg:$0x1d];
	[sflag:s29] =	ssyncadd.s32 $0xFFFFD800  }
0x29a: {  	[tilespmem:s21], [sflag:$0x3] =	stream.indirect.gather [hbm4b:s2+s19], $0x80, s13, s19, $0xb8;
	v63 =	vld [tilespmem:$0x0]  }
0x29b: {  	_ =	swait.ge [sflag:s30], $0x2800  }
0x29c: {  	[sflag:s30] =	ssyncset.done $0x0  }
0x29d: {  	s14 =	rddreg [dreg:$0x1e];
	[sflag:s30] =	ssyncadd.s32 $0xFFFFD800  }
0x29e: {  	[spmem:s3] =	stream.indirect.scatter.add.f32 [tilespmem:s22], [sflag:$0x8], $0x80, s14, s19, $0xb8;
	v63 =	vld [tilespmem:$0x0]  }
0x29f: {  	_ =	swait.ge [sflag:s31], $0x2800  }
0x2a0: {  	[sflag:s31] =	ssyncset.done $0x0  }
0x2a1: {  	s12 =	rddreg [dreg:$0x1f];
	[sflag:s31] =	ssyncadd.s32 $0xFFFFD800  }
0x2a2: {  	[tilespmem:s22], [sflag:$0x4] =	stream.indirect.gather [hbm4b:s2+s19], $0x80, s12, s19, $0xb8;
	v63 =	vld [tilespmem:$0x0]  }
0x2a3: {  	_ =	swait.ge [sflag:s23], $0x2800  }
0x2a4: {  	s13 =	sld [smem:$0x7EB]  }
0x2a5: {  	[sflag:s23] =	ssyncset.done $0x0  }
0x2a6: {  	[sflag:s23] =	ssyncadd.s32 $0xFFFFD800  }
0x2a7: {  	[spmem:s3] =	stream.indirect.scatter.add.f32 [tilespmem:s15], [sflag:$0x5], $0x80, s13, s19, $0xb8;
	v63 =	vld [tilespmem:$0x0]  }
0x2a8: {  	_ =	swait.ge [sflag:s24], $0x2800  }
0x2a9: {  	s14 =	sld [smem:$0x7ED]  }
0x2aa: {  	[sflag:s24] =	ssyncset.done $0x0  }
0x2ab: {  	[sflag:s24] =	ssyncadd.s32 $0xFFFFD800  }
0x2ac: {  	[tilespmem:s15], [sflag:$0x1] =	stream.indirect.gather [hbm4b:s2+s19], $0x80, s14, s19, $0xb8;
	v63 =	vld [tilespmem:$0x0]  }
0x2ad: {  	_ =	swait.ge [sflag:s25], $0x2800  }
0x2ae: {  	s12 =	sld [smem:$0x7F0]  }
0x2af: {  	[sflag:s25] =	ssyncset.done $0x0  }
0x2b0: {  	[sflag:s25] =	ssyncadd.s32 $0xFFFFD800  }
0x2b1: {  	[spmem:s3] =	stream.indirect.scatter.add.f32 [tilespmem:s20], [sflag:$0x6], $0x80, s12, s19, $0xb8;
	v63 =	vld [tilespmem:$0x0]  }
0x2b2: {  	_ =	swait.ge [sflag:s26], $0x2800  }
0x2b3: {  	s13 =	sld [smem:$0x7F2]  }
0x2b4: {  	[sflag:s26] =	ssyncset.done $0x0  }
0x2b5: {  	[sflag:s26] =	ssyncadd.s32 $0xFFFFD800  }
0x2b6: {  	[tilespmem:s20], [sflag:$0x2] =	stream.indirect.gather [hbm4b:s2+s19], $0x80, s13, s19, $0xb8;
	v63 =	vld [tilespmem:$0x0]  }
0x2b7: {  	_ =	swait.ge [sflag:s28], $0x2800  }
0x2b8: {  	s14 =	sld [smem:$0x7F4]  }
0x2b9: {  	[sflag:s28] =	ssyncset.done $0x0  }
0x2ba: {  	[sflag:s28] =	ssyncadd.s32 $0xFFFFD800  }
0x2bb: {  	[spmem:s3] =	stream.indirect.scatter.add.f32 [tilespmem:s21], [sflag:$0x7], $0x80, s14, s19, $0xb8;
	v63 =	vld [tilespmem:$0x0]  }
0x2bc: {  	_ =	swait.ge [sflag:s29], $0x2800  }
0x2bd: {  	s12 =	sld [smem:$0x7F5]  }
0x2be: {  	[sflag:s29] =	ssyncset.done $0x0  }
0x2bf: {  	[sflag:s29] =	ssyncadd.s32 $0xFFFFD800  }
0x2c0: {  	[tilespmem:s21], [sflag:$0x3] =	stream.indirect.gather [hbm4b:s2+s19], $0x80, s12, s19, $0xb8;
	v63 =	vld [tilespmem:$0x0]  }
0x2c1: {  	_ =	swait.ge [sflag:s30], $0x2800  }
0x2c2: {  	s13 =	sld [smem:$0x7F6]  }
0x2c3: {  	[sflag:s30] =	ssyncset.done $0x0  }
0x2c4: {  	[sflag:s30] =	ssyncadd.s32 $0xFFFFD800  }
0x2c5: {  	[spmem:s3] =	stream.indirect.scatter.add.f32 [tilespmem:s22], [sflag:$0x8], $0x80, s13, s19, $0xb8;
	v63 =	vld [tilespmem:$0x0]  }
0x2c6: {  	_ =	swait.ge [sflag:s31], $0x2800  }
0x2c7: {  	s14 =	sld [smem:$0x7F7]  }
0x2c8: {  	[sflag:s31] =	ssyncset.done $0x0  }
0x2c9: {  	[sflag:s31] =	ssyncadd.s32 $0xFFFFD800  }
0x2ca: {  	[tilespmem:s22], [sflag:$0x4] =	stream.indirect.gather [hbm4b:s2+s19], $0x80, s14, s19, $0xb8;
	v63 =	vld [tilespmem:$0x0]  }
0x2cb: {  	_ =	swait.ge [sflag:s23], $0x2800  }
0x2cc: {  	s12 =	sld [smem:$0x7F8]  }
0x2cd: {  	[sflag:s23] =	ssyncset.done $0x0  }
0x2ce: {  	[sflag:s23] =	ssyncadd.s32 $0xFFFFD800  }
0x2cf: {  	[spmem:s3] =	stream.indirect.scatter.add.f32 [tilespmem:s15], [sflag:$0x5], $0x80, s12, s19, $0xb8;
	v63 =	vld [tilespmem:$0x0]  }
0x2d0: {  	_ =	swait.ge [sflag:s24], $0x2800  }
0x2d1: {  	s13 =	sld [smem:$0x7F9]  }
0x2d2: {  	[sflag:s24] =	ssyncset.done $0x0  }
0x2d3: {  	[sflag:s24] =	ssyncadd.s32 $0xFFFFD800  }
0x2d4: {  	[tilespmem:s15], [sflag:$0x1] =	stream.indirect.gather [hbm4b:s2+s19], $0x80, s13, s19, $0xb8;
	v63 =	vld [tilespmem:$0x0]  }
0x2d5: {  	_ =	swait.ge [sflag:s25], $0x2800  }
0x2d6: {  	s14 =	sld [smem:$0x7FA]  }
0x2d7: {  	[sflag:s25] =	ssyncset.done $0x0  }
0x2d8: {  	[sflag:s25] =	ssyncadd.s32 $0xFFFFD800  }
0x2d9: {  	[spmem:s3] =	stream.indirect.scatter.add.f32 [tilespmem:s20], [sflag:$0x6], $0x80, s14, s19, $0xb8;
	v63 =	vld [tilespmem:$0x0]  }
0x2da: {  	_ =	swait.ge [sflag:s26], $0x2800  }
0x2db: {  	s12 =	sld [smem:$0x7FB]  }
0x2dc: {  	[sflag:s26] =	ssyncset.done $0x0  }
0x2dd: {  	[sflag:s26] =	ssyncadd.s32 $0xFFFFD800  }
0x2de: {  	[tilespmem:s20], [sflag:$0x2] =	stream.indirect.gather [hbm4b:s2+s19], $0x80, s12, s19, $0xb8;
	v63 =	vld [tilespmem:$0x0]  }
0x2df: {  	_ =	swait.ge [sflag:s28], $0x2800  }
0x2e0: {  	s13 =	sld [smem:$0x7FC]  }
0x2e1: {  	[sflag:s28] =	ssyncset.done $0x0  }
0x2e2: {  	[sflag:s28] =	ssyncadd.s32 $0xFFFFD800  }
0x2e3: {  	[spmem:s3] =	stream.indirect.scatter.add.f32 [tilespmem:s21], [sflag:$0x7], $0x80, s13, s19, $0xb8;
	v63 =	vld [tilespmem:$0x0]  }
0x2e4: {  	_ =	swait.ge [sflag:s29], $0x2800  }
0x2e5: {  	s14 =	sld [smem:$0x7FD]  }
0x2e6: {  	[sflag:s29] =	ssyncset.done $0x0  }
0x2e7: {  	[sflag:s29] =	ssyncadd.s32 $0xFFFFD800  }
0x2e8: {  	[tilespmem:s21], [sflag:$0x3] =	stream.indirect.gather [hbm4b:s2+s19], $0x80, s14, s19, $0xb8;
	v63 =	vld [tilespmem:$0x0]  }
0x2e9: {  	_ =	swait.ge [sflag:s30], $0x2800  }
0x2ea: {  	[sflag:s30] =	ssyncset.done $0x0  }
0x2eb: {  	[sflag:s30] =	ssyncadd.s32 $0xFFFFD800  }
0x2ec: {  	[spmem:s3] =	stream.indirect.scatter.add.f32 [tilespmem:s22], [sflag:$0x8], $0x80, s1, s19, $0xb8;
	v63 =	vld [tilespmem:$0x0]  }
0x2ed: {  	_ =	swait.ge [sflag:s31], $0x2800  }
0x2ee: {  	[sflag:s31] =	ssyncset.done $0x0  }
0x2ef: {  	[sflag:s31] =	ssyncadd.s32 $0xFFFFD800  }
0x2f0: {  	[tilespmem:s22], [sflag:$0x4] =	stream.indirect.gather [hbm4b:s2+s19], $0x80, s0, s19, $0xb8;
	v63 =	vld [tilespmem:$0x0]  }
0x2f1: {  	_ =	swait.ge [sflag:s23], $0x2800  }
0x2f2: {  	[sflag:s23] =	ssyncset.done $0x0  }
0x2f3: {  	[sflag:s23] =	ssyncadd.s32 $0xFFFFD800  }
0x2f4: {  	[spmem:s3] =	stream.indirect.scatter.add.f32 [tilespmem:s15], [sflag:$0x5], $0x80, s6, s19, $0xb8;
	v63 =	vld [tilespmem:$0x0]  }
0x2f5: {  	_ =	swait.ge [sflag:s24], $0x2800  }
0x2f6: {  	[sflag:s24] =	ssyncset.done $0x0  }
0x2f7: {  	[sflag:s24] =	ssyncadd.s32 $0xFFFFD800  }
0x2f8: {  	[tilespmem:s15], [sflag:$0x1] =	stream.indirect.gather [hbm4b:s2+s19], $0x80, s7, s19, $0xb8;
	v63 =	vld [tilespmem:$0x0]  }
0x2f9: {  	_ =	swait.ge [sflag:s25], $0x2800  }
0x2fa: {  	[sflag:s25] =	ssyncset.done $0x0  }
0x2fb: {  	[sflag:s25] =	ssyncadd.s32 $0xFFFFD800  }
0x2fc: {  	[spmem:s3] =	stream.indirect.scatter.add.f32 [tilespmem:s20], [sflag:$0x6], $0x80, s8, s19, $0xb8;
	v63 =	vld [tilespmem:$0x0]  }
0x2fd: {  	_ =	swait.ge [sflag:s28], $0x2800  }
0x2fe: {  	[sflag:s28] =	ssyncset.done $0x0  }
0x2ff: {  	[sflag:s28] =	ssyncadd.s32 $0xFFFFD800  }
0x300: {  	[spmem:s3] =	stream.indirect.scatter.add.f32 [tilespmem:s21], [sflag:$0x7], $0x80, s9, s19, $0xb8;
	v63 =	vld [tilespmem:$0x0]  }
0x301: {  	_ =	swait.ge [sflag:s30], $0x2800  }
0x302: {  	[sflag:s30] =	ssyncset.done $0x0  }
0x303: {  	[sflag:s30] =	ssyncadd.s32 $0xFFFFD800  }
0x304: {  	[spmem:s3] =	stream.indirect.scatter.add.f32 [tilespmem:s22], [sflag:$0x8], $0x80, s10, s19, $0xb8;
	v63 =	vld [tilespmem:$0x0]  }
0x305: {  	_ =	swait.ge [sflag:s23], $0x2800  }
0x306: {  	[sflag:s23] =	ssyncset.done $0x0  }
0x307: {  	[sflag:s23] =	ssyncadd.s32 $0xFFFFD800  }
0x308: {  	[spmem:s3] =	stream.indirect.scatter.add.f32 [tilespmem:s15], [sflag:$0x5], $0x80, s11, s19, $0xb8;
	v63 =	vld [tilespmem:$0x0]  }
0x309: {  	_ =	swait.ge [sflag:s24], $0x2800  }
0x30a: {  	[sflag:s24] =	ssyncset.done $0x0  }
0x30b: {  	[sflag:s24] =	ssyncadd.s32 $0xFFFFD800  }
0x30c: {  	_ =	swait.ge [sflag:s31], $0x2800  }
0x30d: {  	[sflag:s31] =	ssyncset.done $0x0  }
0x30e: {  	[sflag:s31] =	ssyncadd.s32 $0xFFFFD800  }
0x30f: {  	_ =	swait.ge [sflag:s29], $0x2800  }
0x310: {  	[sflag:s29] =	ssyncset.done $0x0  }
0x311: {  	[sflag:s29] =	ssyncadd.s32 $0xFFFFD800  }
0x312: {  	_ =	swait.ge [sflag:s26], $0x2800  }
0x313: {  	[sflag:s26] =	ssyncset.done $0x0  }
0x314: {  	[sflag:s26] =	ssyncadd.s32 $0xFFFFD800  }
0x315: {  	[bflag:$0x0] =	sbarrier.arrive $0xFFFF  }
0x316: {  	s13 =	sld [smem:$0x7EE]  }
0x317: {  	s12 =	stileid.u32;
	s14 =	sld [smem:$0x7F1]  }
0x318: {  	s5 =	sshll.u32 s12, $0x6  }
0x319: {  	s5 =	sor.u32 $0x1C09, s5;
	s12 =	sshrl.u32 s13, $0x3  }
0x31a: {  	[hbm:s14], [sflag:s5] =	dma.local [spmem:s12], $0x2800  }
0x31b: {  	_ =	swait.ge [sflag:s16], $0x2800  }
0x31c: {  	s13 =	sld [smem:$0x7E5]  }
0x31d: {  	s14 =	sld [smem:$0x7F3];
	_ =	sdelay $0x1  }
0x31e: {  	s12 =	sadd.s32 $0x1, s13  }
0x31f: {  	p0 =	sne.s32 s12, s14  }
.Ltmp2:
0x320: {  	_ = 	snop;
	(pc) =	sbr.rel @p0 .LBB2_1-.Ltmp2, $3  }
0x321: {  	_ =	sdelay $0x1  }
0x322: {  	[sflag:s16] =	ssyncset.done $0x0  }
0x323: {  	[sflag:s16] =	ssyncadd.s32 $0xFFFFD800  }
0x324: {  	_ =	sfence.sel $0x180000  }
0x325: {  	[bflag:$0x0] =	sbarrier.arrive $0xFFFF  }
0x326: {  	_ =	strace $0x90000047  }
0x327: {  	s0 =	stileid.u32;
	[bflag:$0x2] =	sbarrier.arrive $0xFFFF  }
0x328: {  	p0 =	sne.s32 s0, $0x0;
	s0 =	rddreg [dreg:$0x3]  }
0x329: {  	s0 =	sadd.s32 @!p0 $0x100000, s0  }
0x32a: {  	[sflag:s0] =	ssyncadd.tile.s32 @!p0 $0x1;
	_ =	shalt  }
.Lfunc_end2:
_tile_overlayer_lowered:
.L_overlay_start_2:
0x32b: {  	(tag) =	ssettag $0x2  }
0x32c: {  	s0 =	rddreg [dreg:$0x0];
	s2 =	stileid.u32  }
0x32d: {  	s1 =	rddreg [dreg:$0x1];
	p0 =	sne.s32 s2, $0x0  }
0x32e: {  	s3 =	rddreg [dreg:$0x2];
	[bflag:$0x3] =	sbarrier.arrive $0xFFFF;
	s2 =	simm.s32 @!p0 $0x1C09  }
0x32f: {  	[timem:s3], [sflag:s2] =	dma.local @!p0 [hbm:s0], s1  }
0x330: {  	s0 =	simm.s32 @!p0 $0x9  }
0x331: {  	_ =	swait.ge @!p0 [sflag:s0], s1  }
0x332: {  	s1 =	ssub.s32 @!p0 $0x0, s1;
	[sflag:s0] =	ssyncset.done @!p0 $0x0  }
0x333: {  	[sflag:s0] =	ssyncadd.s32 @!p0 s1  }
0x334: {  	[bflag:$0x3] =	sbarrier.arrive $0xFFFF  }
0x335: {  	_ =	shalt  }

// kernel: kernel.13.cloned.1.call-start
scs
__scs_entry_jumppad:
0x0: {  	(pc) =	sbr.rel $0x88, $3  }
0x1: {  	(tag) =	ssettag $0x0;
	lr =	simm.s32 $0x1  }
0x2: {  	[smem:$0x3F9B] =	sst lr;
	_ =	strace $0xD0000000  }
0x3: {  	_ = 	snop  }
0x4: {  	_ = 	snop  }
0x5: {  	_ = 	snop  }
0x6: {  	_ = 	snop  }
0x7: {  	_ = 	snop  }
__scs_overlays_trampoline_lowered:
0x8: {  	[smem:$0x3FAA] =	sst s0  }
0x9: {  	[smem:$0x3FAB] =	sst s1  }
0xa: {  	[smem:$0x3FAC] =	sst s2  }
0xb: {  	[smem:$0x3FAD] =	sst s3  }
0xc: {  	[smem:$0x3FAE] =	sst s4  }
0xd: {  	[smem:$0x3FAF] =	sst s5  }
0xe: {  	[smem:$0x3FB0] =	sst s6  }
0xf: {  	[smem:$0x3FB1] =	sst s7  }
0x10: {  	[smem:$0x3FB2] =	sst s8  }
0x11: {  	[smem:$0x3FB3] =	sst s9;
	s0 =	simm.s32 @!p0 $0x0  }
0x12: {  	s1 =	sld [smem:$0x3F99];
	s0 =	simm.s32 @p0 $0x1  }
0x13: {  	[smem:$0x3FB4] =	sst s0;
	s0 =	simm.s32 @!p1 $0x0  }
0x14: {  	s2 =	sld [smem:$0x3F98];
	s0 =	simm.s32 @p1 $0x1  }
0x15: {  	[smem:$0x3FB5] =	sst s0;
	s0 =	simm.s32 @!p2 $0x0  }
0x16: {  	s3 =	sld [smem:$0x3FDB];
	s0 =	simm.s32 @p2 $0x1  }
0x17: {  	s4 =	simm.s32 $0x1BF5;
	[smem:$0x3FB7] =	sst s0  }
0x18: {  	s0 =	sld [smem:$0x3F9A];
	_ =	swait.ge [sflag:s4], $0x0  }
0x19: {  	s7 =	sld [smem:$0x3F9B]  }
0x1a: {  	s8 =	sadd.s32 $0xFFFFE003, lr  }
0x1b: {  	s9 =	sadd.s32 $0xFFFFFEF7, lr;
	s5 =	simm.s32 $0xFFFFFFFF;
	p2 =	slt.u32 s8, $0xFFFFF086  }
0x1c: {  	p1 =	slt.u32 s9, $0xF7A;
	s5 =	simm.s32 @!p2 $0x0  }
0x1d: {  	s5 =	simm.s32 @p1 $0x1;
	p0 =	seq.s32 s7, s2  }
0x1e: {  	s7 =	smul.u32 @!p0 $0xF7A, s2;
	p2 =	seq.s32 @!p0 s5, $0x0  }
0x1f: {  	s9 =	smul.u32 $0xF7A, s1;
	s8 =	simm.s32 @!p0 $0x1BF5;
	p2 =	por !p2, p0  }
0x20: {  	[sflag:s8] =	ssyncset.s32 @!p0 $0xFFFFF086;
	s6 =	sadd.s32 @!p0 s3, s7;
	s7 =	simm.s32 @!p0 $0x108  }
0x21: {  	s3 =	sadd.s32 s3, s9;
	s6 =	sadd.s32 @!p0 $0x88, s6;
	s7 =	simm.s32 @p2 $0x1082  }
0x22: {  	[simem:s7], [sflag:s8] =	dma.local @!p0 [hbm:s6], $0xF7A  }
0x23: {  	s9 =	sor.u32 $0xD0000000, s2;
	s6 =	simm.s32 $0x108;
	_ =	swait.ge @!p0 [sflag:s8], $0x0  }
0x24: {  	s3 =	sadd.s32 $0x88, s3;
	s6 =	simm.s32 @!p1 $0x1082;
	[sflag:s4] =	ssyncset.s32 $0xFFFFF086  }
0x25: {  	[simem:s6], [sflag:s4] =	dma.local [hbm:s3], $0xF7A  }
0x26: {  	[smem:$0x3F9B] =	sst s1;
	(tag) =	ssettag s2;
	_ =	strace s9  }
0x27: {  	s1 =	sld [smem:$0x3FAB]  }
0x28: {  	s2 =	sld [smem:$0x3FAC]  }
0x29: {  	s4 =	sld [smem:$0x3FAE]  }
0x2a: {  	p0 =	seq.s32 s5, $0x0;
	s5 =	sld [smem:$0x3FAF]  }
0x2b: {  	s6 =	sld [smem:$0x3FB0]  }
0x2c: {  	s7 =	sld [smem:$0x3FB1]  }
0x2d: {  	s3 =	simm.s32 $0x108;
	s8 =	sld [smem:$0x3FB2]  }
0x2e: {  	s3 =	simm.s32 @!p0 $0x1082;
	s9 =	sld [smem:$0x3FB3]  }
0x2f: {  	lr =	sadd.s32 s0, s3;
	s0 =	sld [smem:$0x3FAA]  }
0x30: {  	s3 =	sld [smem:$0x3FAD]  }
0x31: {  	[smem:$0x3FB6] =	sst s10  }
0x32: {  	s10 =	sld [smem:$0x3FB4];
	_ =	sdelay $0x3  }
0x33: {  	p0 =	seq.s32 s10, $0x1;
	s10 =	sld [smem:$0x3FB6];
	_ =	sdelay $0x3  }
0x34: {  	[smem:$0x3FB6] =	sst s10  }
0x35: {  	s10 =	sld [smem:$0x3FB5];
	_ =	sdelay $0x3  }
0x36: {  	p1 =	seq.s32 s10, $0x1;
	s10 =	sld [smem:$0x3FB6];
	_ =	sdelay $0x3  }
0x37: {  	[smem:$0x3FB6] =	sst s10  }
0x38: {  	s10 =	sld [smem:$0x3FB7]  }
0x39: {  	_ = 	snop;
	(pc) =	sbr.ind lr, $3  }
0x3a: {  	_ = 	snop  }
0x3b: {  	_ = 	snop  }
0x3c: {  	p2 =	seq.s32 s10, $0x1;
	s10 =	sld [smem:$0x3FB6]  }
0x3d: {  	_ =	shalt  }
0x3e: {  	_ =	shalt  }
0x3f: {  	_ =	shalt  }
0x40: {  	_ =	shalt  }
0x41: {  	_ =	shalt  }
0x42: {  	_ =	shalt  }
0x43: {  	_ =	shalt  }
0x44: {  	_ =	shalt  }
0x45: {  	_ =	shalt  }
0x46: {  	_ =	shalt  }
0x47: {  	_ =	shalt  }
0x48: {  	_ =	shalt  }
0x49: {  	_ =	shalt  }
0x4a: {  	_ =	shalt  }
0x4b: {  	_ =	shalt  }
0x4c: {  	_ =	shalt  }
0x4d: {  	_ =	shalt  }
0x4e: {  	_ =	shalt  }
0x4f: {  	_ =	shalt  }
0x50: {  	_ =	shalt  }
0x51: {  	_ =	shalt  }
0x52: {  	_ =	shalt  }
0x53: {  	_ =	shalt  }
0x54: {  	_ =	shalt  }
0x55: {  	_ =	shalt  }
0x56: {  	_ =	shalt  }
0x57: {  	_ =	shalt  }
0x58: {  	_ =	shalt  }
0x59: {  	_ =	shalt  }
0x5a: {  	_ =	shalt  }
0x5b: {  	_ =	shalt  }
0x5c: {  	_ =	shalt  }
0x5d: {  	_ =	shalt  }
0x5e: {  	_ =	shalt  }
0x5f: {  	_ =	shalt  }
0x60: {  	_ =	shalt  }
0x61: {  	_ =	shalt  }
0x62: {  	_ =	shalt  }
0x63: {  	_ =	shalt  }
0x64: {  	_ =	shalt  }
0x65: {  	_ =	shalt  }
0x66: {  	_ =	shalt  }
0x67: {  	_ =	shalt  }
0x68: {  	_ =	shalt  }
0x69: {  	_ =	shalt  }
0x6a: {  	_ =	shalt  }
0x6b: {  	_ =	shalt  }
0x6c: {  	_ =	shalt  }
0x6d: {  	_ =	shalt  }
0x6e: {  	_ =	shalt  }
0x6f: {  	_ =	shalt  }
0x70: {  	_ =	shalt  }
0x71: {  	_ =	shalt  }
0x72: {  	_ =	shalt  }
0x73: {  	_ =	shalt  }
0x74: {  	_ =	shalt  }
0x75: {  	_ =	shalt  }
0x76: {  	_ =	shalt  }
0x77: {  	_ =	shalt  }
0x78: {  	_ =	shalt  }
0x79: {  	_ =	shalt  }
0x7a: {  	_ =	shalt  }
0x7b: {  	_ =	shalt  }
0x7c: {  	_ =	shalt  }
0x7d: {  	_ =	shalt  }
0x7e: {  	_ =	shalt  }
0x7f: {  	_ =	shalt  }
0x80: {  	_ =	shalt  }
0x81: {  	_ =	shalt  }
0x82: {  	_ =	shalt  }
0x83: {  	_ =	shalt  }
0x84: {  	_ =	shalt  }
0x85: {  	_ =	shalt  }
0x86: {  	_ =	shalt  }
0x87: {  	_ =	shalt  }
.Lfunc_end0:
.L_simem_size_0:
called_computation.2_lowered:
.L_overlay_start_0:
0x88: {  	s2 =	sld [smem:$0x3FD9]  }
0x89: {  	s3 =	sld [smem:$0x3FFE];
	_ =	sdelay $0x1  }
0x8a: {  	s1 =	srdreg.scid  }
0x8b: {  	s0 =	sand.u32 $0x1, s1  }
0x8c: {  	s17 =	sshll.u32 s0, $0xA;
	s2 =	sadd.s32 s3, s2  }
0x8d: {  	s2 =	sadd.s32 s2, s17  }
0x8e: {  	[smem:$0x3FC2] =	sst s2  }
0x8f: {  	_ = 	snop  }
0x90: {  	s2 =	sld [smem:$0x3FD0];
	(tm) =	ssettm $0x1  }
0x91: {  	s18 =	sld [smem:$0x3FFB];
	_ =	sdelay $0x3  }
0x92: {  	_ =	strace s18  }
0x93: {  	s3 =	sld [smem:$0x3FFC];
	_ =	sdelay $0x3  }
0x94: {  	_ =	strace s3  }
0x95: {  	s3 =	sld [smem:$0x3FFD];
	_ =	sdelay $0x3  }
0x96: {  	_ =	strace s3  }
0x97: {  	_ =	strace $0x8FFFFFFF  }
0x98: {  	s19 =	sld [smem:$0x3FDB];
	_ =	sdelay $0x1  }
0x99: {  	s4 =	simm.s32 $_scs_section_size  }
0x9a: {  	s5 =	simm.s32 $_size__tile_overlayer_lowered;
	s6 =	simm.s32 $_tile_overlayer_lowered  }
0x9b: {  	s22 =	simm.s32 $0x1BFF;
	s21 =	sshll.u32 s6, $0x1;
	s3 =	sadd.s32 s4, s19  }
0x9c: {  	s7 =	simm.s32 $0x0;
	s20 =	sshll.u32 s5, $0x1;
	s5 =	sadd.s32 s21, s3  }
0x9d: {  	[timem:s7], [sflag:s22] =	dma.local [hbm:s5], s20  }
0x9e: {  	_ =	swait.ge [sflag:s22], s20  }
0x9f: {  	s4 =	ssub.s32 $0x0, s20;
	[sflag:s22] =	ssyncset.done $0x0  }
0xa0: {  	[sflag:s22] =	ssyncadd.s32 s4;
	_ =	sdelay $0x1  }
0xa1: {  	s23 =	simm.s32 $0x1B8B  }
0xa2: {  	_ =	swait.ge [sflag:s23], $0x1  }
0xa3: {  	[sflag:s23] =	ssyncset.done $0x0  }
0xa4: {  	s25 =	simm.s32 $0x1B8E;
	s24 =	sld [smem:$0x3FFE];
	[sflag:s23] =	ssyncadd.s32 $0xFFFFFFFF  }
0xa5: {  	s26 =	simm.s32 $execute0_lowered;
	[smem:$0x3FD2] =	sst s25  }
0xa6: {  	s5 =	sshll.u32 s26, $0x1;
	_ =	strace $0x8000004C;
	[dreg:$0x1] =	wrdreg $0xFFFFFFFF  }
0xa7: {  	s28 =	simm.s32 $_size_execute0_lowered;
	s3 =	sadd.s32 s3, s5;
	[dreg:$0x0] =	wrdreg $0x0  }
0xa8: {  	s5 =	sshll.u32 s28, $0x1;
	[dreg:$0x2] =	wrdreg s3  }
0xa9: {  	[dreg:$0x3] =	wrdreg s5  }
0xaa: {  	[dreg:$0x4] =	wrdreg $0xC0  }
0xab: {  	_ =	task [dreg:s7], $0x5FFFF  }
0xac: {  	[dreg:$0x1] =	wrdreg $0xFFFFFFFF  }
0xad: {  	[dreg:$0x0] =	wrdreg $0x60  }
0xae: {  	[dreg:$0x2] =	wrdreg s2  }
0xaf: {  	[dreg:$0x3] =	wrdreg s24  }
0xb0: {  	[dreg:$0x4] =	wrdreg $0x0  }
0xb1: {  	[dreg:$0x5] =	wrdreg $0x9  }
0xb2: {  	_ =	task.clear_ibuf [dreg:s7], $0x6FFFF;
	_ =	strace $0x9000004C  }
0xb3: {  	s29 =	simm.s32 $0x9;
	_ =	strace $0x8000004E  }
0xb4: {  	_ =	swait.ge [sflag:s29], $0x1  }
0xb5: {  	[sflag:s29] =	ssyncadd.s32 $0xFFFFFFFF  }
0xb6: {  	_ =	strace $0x9000004E  }
0xb7: {  	_ =	sfence  }
0xb8: {  	s30 =	sld [smem:$0x0];
	_ =	sdelay $0x2  }
0xb9: {  	s31 =	sshll.u32 s1, $0xD;
	s1 =	sshrl.u32 s1, $0x2  }
0xba: {  	s3 =	sand.u32 $0x4000, s31;
	s1 =	sadd.s32 s1, s30  }
0xbb: {  	s0 =	sor.u32 s3, s0;
	s1 =	sshll.u32 s1, $0x11  }
0xbc: {  	s0 =	sor.u32 s1, s0  }
0xbd: {  	s0 =	sadd.s32 $0x8F2B, s0  }
0xbe: {  	[sflag:s0] =	ssyncadd.remote.s32 $0x1  }
0xbf: {  	_ =	sfence.sel $0xFFFF  }
0xc0: {  	[dreg:$0x0] =	wrdreg $0xFFFFFFFF;
	(pc) =	sbr.abs _section_cstart, $3  }
0xc1: {  	[dreg:$0x1] =	wrdreg $0xFFFFFFFF  }
0xc2: {  	_ =	task.clear_ibuf [dreg:s7], $0x2FFFF;
	_ =	strace $0x9FFFFFFF  }
0xc3: {  	(tm) =	ssettm $0x7FFFFFFF  }
tec
execute0_lowered:
.L_overlay_start_1:
0x0: {  	(tag) =	ssettag $0x1  }
0x1: {  	s0 =	srdreg.scid;
	s8 =	stileid.u32  }
0x2: {  	s0 =	sand.u32 $0x1, s0;
	s4 =	smul.u32 $0x5000, s8  }
0x3: {  	s2 =	rddreg [dreg:$0x0];
	s1 =	smul.u32 $0x50000, s0  }
0x4: {  	s5 =	rddreg [dreg:$0x1]  }
0x5: {  	s3 =	rddreg [dreg:$0x2];
	s1 =	sadd.s32 s4, s1;
	s4 =	simm.s32 $0x0  }
0x6: {  	s14 =	simm.s32 $0x14080;
	[smem:$0x7FF] =	sst s4  }
0x7: {  	s15 =	simm.s32 $0x14100;
	_ =	strace $0x8000004D;
	[dreg:$0x6] =	wrdreg s14  }
0x8: {  	s16 =	simm.s32 $0x14180;
	[dreg:$0x7] =	wrdreg s15  }
0x9: {  	s17 =	simm.s32 $0x14200;
	[dreg:$0x8] =	wrdreg s16  }
0xa: {  	s18 =	simm.s32 $0x15080;
	[dreg:$0x9] =	wrdreg s17  }
0xb: {  	s19 =	simm.s32 $0x14280;
	[dreg:$0xa] =	wrdreg s18  }
0xc: {  	s20 =	simm.s32 $0x15100;
	[dreg:$0xb] =	wrdreg s19  }
0xd: {  	s21 =	simm.s32 $0x14300;
	[dreg:$0xc] =	wrdreg s20  }
0xe: {  	s22 =	simm.s32 $0x15180;
	[dreg:$0xd] =	wrdreg s21  }
0xf: {  	s23 =	simm.s32 $0x14380;
	[dreg:$0xe] =	wrdreg s22  }
0x10: {  	s24 =	simm.s32 $0x15200;
	[dreg:$0xf] =	wrdreg s23  }
0x11: {  	s26 =	simm.s32 $0x14400;
	[dreg:$0x10] =	wrdreg s24  }
0x12: {  	s9 =	simm.s32 $0x15280;
	[dreg:$0x11] =	wrdreg s26  }
0x13: {  	s10 =	simm.s32 $0x14480;
	[dreg:$0x12] =	wrdreg s9  }
0x14: {  	s11 =	simm.s32 $0x15300;
	[dreg:$0x13] =	wrdreg s10  }
0x15: {  	s12 =	simm.s32 $0x14500;
	[dreg:$0x14] =	wrdreg s11  }
0x16: {  	s13 =	simm.s32 $0x15380;
	[dreg:$0x15] =	wrdreg s12  }
0x17: {  	[dreg:$0x16] =	wrdreg s13;
	s14 =	simm.s32 $0x14580  }
0x18: {  	s16 =	simm.s32 $0x15400;
	[dreg:$0x17] =	wrdreg s14  }
0x19: {  	s18 =	simm.s32 $0x14600;
	[dreg:$0x18] =	wrdreg s16  }
0x1a: {  	s28 =	simm.s32 $0x3;
	s19 =	simm.s32 $0x15480;
	[dreg:$0x19] =	wrdreg s18  }
0x1b: {  	s29 =	simm.s32 $0x7;
	s21 =	simm.s32 $0x14680;
	[dreg:$0x1a] =	wrdreg s19  }
0x1c: {  	s30 =	simm.s32 $0x4;
	s22 =	simm.s32 $0x15500;
	[dreg:$0x1b] =	wrdreg s21  }
0x1d: {  	s31 =	simm.s32 $0x8;
	s24 =	simm.s32 $0x14700;
	[dreg:$0x1c] =	wrdreg s22  }
0x1e: {  	s7 =	smul.u32 $0x14000, s8;
	s26 =	simm.s32 $0x15580;
	[dreg:$0x1d] =	wrdreg s24  }
0x1f: {  	s25 =	smul.u32 $0x140000, s0;
	s9 =	simm.s32 $0x14780;
	[dreg:$0x1e] =	wrdreg s26  }
0x20: {  	s1 =	sshrl.u32 s1, $0x3;
	s11 =	simm.s32 $0x15600;
	[dreg:$0x1f] =	wrdreg s9  }
0x21: {  	s1 =	sadd.s32 s1, s5;
	s13 =	simm.s32 $0x14800;
	[smem:$0x7EB] =	sst s11  }
0x22: {  	s0 =	ssub.s32 $0x2, s0;
	s6 =	sadd.s32 $0x1E00, s1;
	[smem:$0x7ED] =	sst s13  }
0x23: {  	s15 =	sshrl.u32 s0, $0x1;
	s1 =	sadd.s32 $0x15E00, s1;
	[dreg:$0x4] =	wrdreg s6  }
0x24: {  	s0 =	ssub.s32 s0, s15;
	s15 =	simm.s32 $0x15680;
	[dreg:$0x5] =	wrdreg s1  }
0x25: {  	s17 =	smul.u32 $0x50000, s8;
	s16 =	simm.s32 $0x14880;
	[smem:$0x7F0] =	sst s15  }
0x26: {  	s18 =	simm.s32 $0x14900;
	s19 =	simm.s32 $0x15780;
	[smem:$0x7F2] =	sst s16  }
0x27: {  	s21 =	simm.s32 $0x15800;
	s22 =	simm.s32 $0x14A00;
	[smem:$0x7F5] =	sst s18  }
0x28: {  	s24 =	simm.s32 $0x14A80;
	s26 =	simm.s32 $0x14B00;
	[smem:$0x7F6] =	sst s19  }
0x29: {  	s9 =	simm.s32 $0x15B00;
	s11 =	simm.s32 $0x15C00;
	[smem:$0x7F8] =	sst s21  }
0x2a: {  	s6 =	sadd.s32 s7, s25;
	s20 =	sshrl.u32 s17, $0x2;
	[smem:$0x7F9] =	sst s22  }
0x2b: {  	s17 =	simm.s32 $0x15700;
	s0 =	smax.u32 s0, $0x1;
	[smem:$0x7FB] =	sst s24  }
0x2c: {  	s15 =	simm.s32 $0x16000;
	s16 =	simm.s32 $0x9;
	[smem:$0x7FD] =	sst s26  }
0x2d: {  	s18 =	simm.s32 $0x15000;
	s6 =	sshrl.u32 s6, $0x3;
	[smem:$0x7F3] =	sst s0  }
0x2e: {  	[smem:$0x7F4] =	sst s17;
	s5 =	sadd.s32 s6, s5;
	s6 =	sadd.s32 s20, s3  }
0x2f: {  	s19 =	simm.s32 $0x50;
	s20 =	simm.s32 $0x14980;
	[smem:$0x7EE] =	sst s6  }
0x30: {  	s21 =	simm.s32 $0x1B000;
	s23 =	sadd.s32 $0x2800, s6;
	[smem:$0x7F7] =	sst s20  }
0x31: {  	s22 =	simm.s32 $0x1D800;
	s25 =	sadd.s32 $0x5000, s6;
	[smem:$0x7E6] =	sst s23  }
0x32: {  	s24 =	simm.s32 $0x5;
	s8 =	sadd.s32 $0x7800, s6;
	[smem:$0x7E7] =	sst s25  }
0x33: {  	s26 =	simm.s32 $0x6;
	s10 =	sadd.s32 $0xA000, s6;
	[smem:$0x7E8] =	sst s8  }
0x34: {  	s1 =	simm.s32 $0x15980;
	s12 =	sadd.s32 $0xC800, s6;
	[smem:$0x7E9] =	sst s10  }
0x35: {  	s7 =	simm.s32 $0x14C00;
	s14 =	sadd.s32 $0xF000, s6;
	[smem:$0x7EA] =	sst s12  }
0x36: {  	s17 =	simm.s32 $0x14000;
	s6 =	sadd.s32 $0x11800, s6;
	[smem:$0x7EC] =	sst s14  }
0x37: {  	s0 =	simm.s32 $0x14B80;
	s5 =	sadd.s32 $0x29E00, s5;
	[smem:$0x7EF] =	sst s6  }
0x38: {  	s20 =	simm.s32 $0x18800;
	[smem:$0x7F1] =	sst s5;
	s23 =	simm.s32 $0x15880  }
0x39: {  	s25 =	simm.s32 $0x15900;
	s6 =	simm.s32 $0x15A00;
	s8 =	simm.s32 $0x15A80  }
0x3a: {  	s10 =	simm.s32 $0x15B80;
	s12 =	simm.s32 $0x0;
	[smem:$0x7FA] =	sst s23  }
0x3b: {  	v0 =	vimm.f32 $0.0e+00;
	[smem:$0x7FC] =	sst s25;
	s23 =	simm.s32 $0x1;
	s25 =	simm.s32 $0x2  }
.LBB2_1:
0x3c: {  	s5 =	sand.u32 $0xFE00, s4  }
0x3d: {  	[smem:$0x7E5] =	sst s12;
	s14 =	sand.u32 $0x70, s4;
	s5 =	sshrl.u32 s5, $0x2  }
0x3e: {  	s13 =	simm.s32 $0x40;
	s5 =	sor.u32 s14, s5;
	s14 =	simm.s32 $0x0  }
.LBB2_2:
0x3f: {  	p0 =	sne.s32 s13, $0x9FC0  }
0x40: {  	[tilespmem:s5+$0x16000] =	vst v0;
	s14 =	sadd.s32 $0x10, s14;
	s5 =	smov.u32 s13;
	s13 =	sadd.s32 $0x40, s13  }
.Ltmp0:
0x41: {  	(pc) =	sbr.rel @p0 .LBB2_2-.Ltmp0, $4  }
0x42: {  	_ = 	snop  }
0x43: {  	s5 =	sand.u32 $0xFE00, s5  }
0x44: {  	s12 =	sand.u32 $0x70, s14;
	s5 =	sshrl.u32 s5, $0x2  }
0x45: {  	s5 =	sor.u32 s12, s5  }
0x46: {  	s13 =	sld [smem:$0x7EE];
	_ =	sdelay $0x1  }
0x47: {  	[tilespmem:s5+$0x16000] =	vst v0  }
0x48: {  	[spmem:s13] =	stream.linear.scatter [tilespmem:s15], [sflag:$0x9], $0x2800, $0x38;
	v63 =	vld [tilespmem:$0x0]  }
0x49: {  	_ =	swait.ge [sflag:s16], $0x2800  }
0x4a: {  	s14 =	sld [smem:$0x7E6]  }
0x4b: {  	[sflag:s16] =	ssyncset.done $0x0  }
0x4c: {  	[sflag:s16] =	ssyncadd.s32 $0xFFFFD800  }
0x4d: {  	[spmem:s14] =	stream.linear.scatter [tilespmem:s15], [sflag:$0x9], $0x2800, $0x38;
	v63 =	vld [tilespmem:$0x0]  }
0x4e: {  	_ =	swait.ge [sflag:s16], $0x2800  }
0x4f: {  	s12 =	sld [smem:$0x7E7]  }
0x50: {  	[sflag:s16] =	ssyncset.done $0x0  }
0x51: {  	[sflag:s16] =	ssyncadd.s32 $0xFFFFD800  }
0x52: {  	[spmem:s12] =	stream.linear.scatter [tilespmem:s15], [sflag:$0x9], $0x2800, $0x38;
	v63 =	vld [tilespmem:$0x0]  }
0x53: {  	_ =	swait.ge [sflag:s16], $0x2800  }
0x54: {  	s13 =	sld [smem:$0x7E8]  }
0x55: {  	[sflag:s16] =	ssyncset.done $0x0  }
0x56: {  	[sflag:s16] =	ssyncadd.s32 $0xFFFFD800  }
0x57: {  	[spmem:s13] =	stream.linear.scatter [tilespmem:s15], [sflag:$0x9], $0x2800, $0x38;
	v63 =	vld [tilespmem:$0x0]  }
0x58: {  	_ =	swait.ge [sflag:s16], $0x2800  }
0x59: {  	s14 =	sld [smem:$0x7E9]  }
0x5a: {  	[sflag:s16] =	ssyncset.done $0x0  }
0x5b: {  	[sflag:s16] =	ssyncadd.s32 $0xFFFFD800  }
0x5c: {  	[spmem:s14] =	stream.linear.scatter [tilespmem:s15], [sflag:$0x9], $0x2800, $0x38;
	v63 =	vld [tilespmem:$0x0]  }
0x5d: {  	_ =	swait.ge [sflag:s16], $0x2800  }
0x5e: {  	s12 =	sld [smem:$0x7EA]  }
0x5f: {  	[sflag:s16] =	ssyncset.done $0x0  }
0x60: {  	[sflag:s16] =	ssyncadd.s32 $0xFFFFD800  }
0x61: {  	[spmem:s12] =	stream.linear.scatter [tilespmem:s15], [sflag:$0x9], $0x2800, $0x38;
	v63 =	vld [tilespmem:$0x0]  }
0x62: {  	_ =	swait.ge [sflag:s16], $0x2800  }
0x63: {  	s13 =	sld [smem:$0x7EC]  }
0x64: {  	[sflag:s16] =	ssyncset.done $0x0  }
0x65: {  	[sflag:s16] =	ssyncadd.s32 $0xFFFFD800  }
0x66: {  	[spmem:s13] =	stream.linear.scatter [tilespmem:s15], [sflag:$0x9], $0x2800, $0x38;
	v63 =	vld [tilespmem:$0x0]  }
0x67: {  	_ =	swait.ge [sflag:s16], $0x2800  }
0x68: {  	s14 =	sld [smem:$0x7EF]  }
0x69: {  	[sflag:s16] =	ssyncset.done $0x0  }
0x6a: {  	[sflag:s16] =	ssyncadd.s32 $0xFFFFD800  }
0x6b: {  	[spmem:s14] =	stream.linear.scatter [tilespmem:s15], [sflag:$0x9], $0x2800, $0x38;
	v63 =	vld [tilespmem:$0x0]  }
0x6c: {  	_ =	swait.ge [sflag:s16], $0x2800  }
0x6d: {  	[sflag:s16] =	ssyncset.done $0x0  }
0x6e: {  	[sflag:s16] =	ssyncadd.s32 $0xFFFFD800  }
0x6f: {  	[bflag:$0x0] =	sbarrier.arrive $0xFFFF  }
0x70: {  	s12 =	rddreg [dreg:$0x5]  }
0x71: {  	s5 =	sadd.s32 $0x0, s12  }
0x72: {  	[tilespmem:s17], [sflag:$0x9] =	stream.linear.gather [hbm4b:s5+s4], $0xC80, $0x38;
	v63 =	vld [tilespmem:$0x0]  }
0x73: {  	_ =	swait.ge [sflag:s16], $0xC80  }
0x74: {  	s13 =	rddreg [dreg:$0x4];
	[sflag:s16] =	ssyncset.done $0x0  }
0x75: {  	[sflag:s16] =	ssyncadd.s32 $0xFFFFF380;
	s5 =	sadd.s32 $0x0, s13  }
0x76: {  	[tilespmem:s18], [sflag:$0x9] =	stream.linear.gather [hbm4b:s5+s4], $0xC80, $0x38;
	v63 =	vld [tilespmem:$0x0]  }
0x77: {  	_ =	swait.ge [sflag:s16], $0xC80  }
0x78: {  	[sflag:s16] =	ssyncset.done $0x0  }
0x79: {  	[sflag:s16] =	ssyncadd.s32 $0xFFFFF380  }
0x7a: {  	[tilespmem:s15], [sflag:$0x1] =	stream.indirect.gather [hbm4b:s2+s19], $0x80, s17, s19, $0xb8;
	v63 =	vld [tilespmem:$0x0]  }
0x7b: {  	s14 =	rddreg [dreg:$0x6]  }
0x7c: {  	[tilespmem:s20], [sflag:$0x2] =	stream.indirect.gather [hbm4b:s2+s19], $0x80, s14, s19, $0xb8;
	v63 =	vld [tilespmem:$0x0]  }
0x7d: {  	s12 =	rddreg [dreg:$0x7]  }
0x7e: {  	[tilespmem:s21], [sflag:$0x3] =	stream.indirect.gather [hbm4b:s2+s19], $0x80, s12, s19, $0xb8;
	v63 =	vld [tilespmem:$0x0]  }
0x7f: {  	s13 =	rddreg [dreg:$0x8]  }
0x80: {  	[tilespmem:s22], [sflag:$0x4] =	stream.indirect.gather [hbm4b:s2+s19], $0x80, s13, s19, $0xb8;
	v63 =	vld [tilespmem:$0x0]  }
0x81: {  	_ =	swait.ge [sflag:s23], $0x2800  }
0x82: {  	[sflag:s23] =	ssyncset.done $0x0  }
0x83: {  	[sflag:s23] =	ssyncadd.s32 $0xFFFFD800  }
0x84: {  	[spmem:s3] =	stream.indirect.scatter.add.f32 [tilespmem:s15], [sflag:$0x5], $0x80, s18, s19, $0xb8;
	v63 =	vld [tilespmem:$0x0]  }
0x85: {  	_ =	swait.ge [sflag:s24], $0x2800  }
0x86: {  	[sflag:s24] =	ssyncset.done $0x0  }
0x87: {  	s14 =	rddreg [dreg:$0x9];
	[sflag:s24] =	ssyncadd.s32 $0xFFFFD800  }
0x88: {  	[tilespmem:s15], [sflag:$0x1] =	stream.indirect.gather [hbm4b:s2+s19], $0x80, s14, s19, $0xb8;
	v63 =	vld [tilespmem:$0x0]  }
0x89: {  	_ =	swait.ge [sflag:s25], $0x2800  }
0x8a: {  	[sflag:s25] =	ssyncset.done $0x0  }
0x8b: {  	s12 =	rddreg [dreg:$0xa];
	[sflag:s25] =	ssyncadd.s32 $0xFFFFD800  }
0x8c: {  	[spmem:s3] =	stream.indirect.scatter.add.f32 [tilespmem:s20], [sflag:$0x6], $0x80, s12, s19, $0xb8;
	v63 =	vld [tilespmem:$0x0]  }
0x8d: {  	_ =	swait.ge [sflag:s26], $0x2800  }
0x8e: {  	[sflag:s26] =	ssyncset.done $0x0  }
0x8f: {  	s13 =	rddreg [dreg:$0xb];
	[sflag:s26] =	ssyncadd.s32 $0xFFFFD800  }
0x90: {  	[tilespmem:s20], [sflag:$0x2] =	stream.indirect.gather [hbm4b:s2+s19], $0x80, s13, s19, $0xb8;
	v63 =	vld [tilespmem:$0x0]  }
0x91: {  	_ =	swait.ge [sflag:s28], $0x2800  }
0x92: {  	[sflag:s28] =	ssyncset.done $0x0  }
0x93: {  	s14 =	rddreg [dreg:$0xc];
	[sflag:s28] =	ssyncadd.s32 $0xFFFFD800  }
0x94: {  	[spmem:s3] =	stream.indirect.scatter.add.f32 [tilespmem:s21], [sflag:$0x7], $0x80, s14, s19, $0xb8;
	v63 =	vld [tilespmem:$0x0]  }
0x95: {  	_ =	swait.ge [sflag:s29], $0x2800  }
0x96: {  	[sflag:s29] =	ssyncset.done $0x0  }
0x97: {  	s12 =	rddreg [dreg:$0xd];
	[sflag:s29] =	ssyncadd.s32 $0xFFFFD800  }
0x98: {  	[tilespmem:s21], [sflag:$0x3] =	stream.indirect.gather [hbm4b:s2+s19], $0x80, s12, s19, $0xb8;
	v63 =	vld [tilespmem:$0x0]  }
0x99: {  	_ =	swait.ge [sflag:s30], $0x2800  }
0x9a: {  	[sflag:s30] =	ssyncset.done $0x0  }
0x9b: {  	s13 =	rddreg [dreg:$0xe];
	[sflag:s30] =	ssyncadd.s32 $0xFFFFD800  }
0x9c: {  	[spmem:s3] =	stream.indirect.scatter.add.f32 [tilespmem:s22], [sflag:$0x8], $0x80, s13, s19, $0xb8;
	v63 =	vld [tilespmem:$0x0]  }
0x9d: {  	_ =	swait.ge [sflag:s31], $0x2800  }
0x9e: {  	[sflag:s31] =	ssyncset.done $0x0  }
0x9f: {  	s14 =	rddreg [dreg:$0xf];
	[sflag:s31] =	ssyncadd.s32 $0xFFFFD800  }
0xa0: {  	[tilespmem:s22], [sflag:$0x4] =	stream.indirect.gather [hbm4b:s2+s19], $0x80, s14, s19, $0xb8;
	v63 =	vld [tilespmem:$0x0]  }
0xa1: {  	_ =	swait.ge [sflag:s23], $0x2800  }
0xa2: {  	[sflag:s23] =	ssyncset.done $0x0  }
0xa3: {  	s12 =	rddreg [dreg:$0x10];
	[sflag:s23] =	ssyncadd.s32 $0xFFFFD800  }
0xa4: {  	[spmem:s3] =	stream.indirect.scatter.add.f32 [tilespmem:s15], [sflag:$0x5], $0x80, s12, s19, $0xb8;
	v63 =	vld [tilespmem:$0x0]  }
0xa5: {  	_ =	swait.ge [sflag:s24], $0x2800  }
0xa6: {  	[sflag:s24] =	ssyncset.done $0x0  }
0xa7: {  	s13 =	rddreg [dreg:$0x11];
	[sflag:s24] =	ssyncadd.s32 $0xFFFFD800  }
0xa8: {  	[tilespmem:s15], [sflag:$0x1] =	stream.indirect.gather [hbm4b:s2+s19], $0x80, s13, s19, $0xb8;
	v63 =	vld [tilespmem:$0x0]  }
0xa9: {  	_ =	swait.ge [sflag:s25], $0x2800  }
0xaa: {  	[sflag:s25] =	ssyncset.done $0x0  }
0xab: {  	s14 =	rddreg [dreg:$0x12];
	[sflag:s25] =	ssyncadd.s32 $0xFFFFD800  }
0xac: {  	[spmem:s3] =	stream.indirect.scatter.add.f32 [tilespmem:s20], [sflag:$0x6], $0x80, s14, s19, $0xb8;
	v63 =	vld [tilespmem:$0x0]  }
0xad: {  	_ =	swait.ge [sflag:s26], $0x2800  }
0xae: {  	[sflag:s26] =	ssyncset.done $0x0  }
0xaf: {  	s12 =	rddreg [dreg:$0x13];
	[sflag:s26] =	ssyncadd.s32 $0xFFFFD800  }
0xb0: {  	[tilespmem:s20], [sflag:$0x2] =	stream.indirect.gather [hbm4b:s2+s19], $0x80, s12, s19, $0xb8;
	v63 =	vld [tilespmem:$0x0]  }
0xb1: {  	_ =	swait.ge [sflag:s28], $0x2800  }
0xb2: {  	[sflag:s28] =	ssyncset.done $0x0  }
0xb3: {  	s13 =	rddreg [dreg:$0x14];
	[sflag:s28] =	ssyncadd.s32 $0xFFFFD800  }
0xb4: {  	[spmem:s3] =	stream.indirect.scatter.add.f32 [tilespmem:s21], [sflag:$0x7], $0x80, s13, s19, $0xb8;
	v63 =	vld [tilespmem:$0x0]  }
0xb5: {  	_ =	swait.ge [sflag:s29], $0x2800  }
0xb6: {  	[sflag:s29] =	ssyncset.done $0x0  }
0xb7: {  	s14 =	rddreg [dreg:$0x15];
	[sflag:s29] =	ssyncadd.s32 $0xFFFFD800  }
0xb8: {  	[tilespmem:s21], [sflag:$0x3] =	stream.indirect.gather [hbm4b:s2+s19], $0x80, s14, s19, $0xb8;
	v63 =	vld [tilespmem:$0x0]  }
0xb9: {  	_ =	swait.ge [sflag:s30], $0x2800  }
0xba: {  	[sflag:s30] =	ssyncset.done $0x0  }
0xbb: {  	s12 =	rddreg [dreg:$0x16];
	[sflag:s30] =	ssyncadd.s32 $0xFFFFD800  }
0xbc: {  	[spmem:s3] =	stream.indirect.scatter.add.f32 [tilespmem:s22], [sflag:$0x8], $0x80, s12, s19, $0xb8;
	v63 =	vld [tilespmem:$0x0]  }
0xbd: {  	_ =	swait.ge [sflag:s31], $0x2800  }
0xbe: {  	[sflag:s31] =	ssyncset.done $0x0  }
0xbf: {  	s13 =	rddreg [dreg:$0x17];
	[sflag:s31] =	ssyncadd.s32 $0xFFFFD800  }
0xc0: {  	[tilespmem:s22], [sflag:$0x4] =	stream.indirect.gather [hbm4b:s2+s19], $0x80, s13, s19, $0xb8;
	v63 =	vld [tilespmem:$0x0]  }
0xc1: {  	_ =	swait.ge [sflag:s23], $0x2800  }
0xc2: {  	[sflag:s23] =	ssyncset.done $0x0  }
0xc3: {  	s14 =	rddreg [dreg:$0x18];
	[sflag:s23] =	ssyncadd.s32 $0xFFFFD800  }
0xc4: {  	[spmem:s3] =	stream.indirect.scatter.add.f32 [tilespmem:s15], [sflag:$0x5], $0x80, s14, s19, $0xb8;
	v63 =	vld [tilespmem:$0x0]  }
0xc5: {  	_ =	swait.ge [sflag:s24], $0x2800  }
0xc6: {  	[sflag:s24] =	ssyncset.done $0x0  }
0xc7: {  	s12 =	rddreg [dreg:$0x19];
	[sflag:s24] =	ssyncadd.s32 $0xFFFFD800  }
0xc8: {  	[tilespmem:s15], [sflag:$0x1] =	stream.indirect.gather [hbm4b:s2+s19], $0x80, s12, s19, $0xb8;
	v63 =	vld [tilespmem:$0x0]  }
0xc9: {  	_ =	swait.ge [sflag:s25], $0x2800  }
0xca: {  	[sflag:s25] =	ssyncset.done $0x0  }
0xcb: {  	s13 =	rddreg [dreg:$0x1a];
	[sflag:s25] =	ssyncadd.s32 $0xFFFFD800  }
0xcc: {  	[spmem:s3] =	stream.indirect.scatter.add.f32 [tilespmem:s20], [sflag:$0x6], $0x80, s13, s19, $0xb8;
	v63 =	vld [tilespmem:$0x0]  }
0xcd: {  	_ =	swait.ge [sflag:s26], $0x2800  }
0xce: {  	[sflag:s26] =	ssyncset.done $0x0  }
0xcf: {  	s14 =	rddreg [dreg:$0x1b];
	[sflag:s26] =	ssyncadd.s32 $0xFFFFD800  }
0xd0: {  	[tilespmem:s20], [sflag:$0x2] =	stream.indirect.gather [hbm4b:s2+s19], $0x80, s14, s19, $0xb8;
	v63 =	vld [tilespmem:$0x0]  }
0xd1: {  	_ =	swait.ge [sflag:s28], $0x2800  }
0xd2: {  	[sflag:s28] =	ssyncset.done $0x0  }
0xd3: {  	s12 =	rddreg [dreg:$0x1c];
	[sflag:s28] =	ssyncadd.s32 $0xFFFFD800  }
0xd4: {  	[spmem:s3] =	stream.indirect.scatter.add.f32 [tilespmem:s21], [sflag:$0x7], $0x80, s12, s19, $0xb8;
	v63 =	vld [tilespmem:$0x0]  }
0xd5: {  	_ =	swait.ge [sflag:s29], $0x2800  }
0xd6: {  	[sflag:s29] =	ssyncset.done $0x0  }
0xd7: {  	s13 =	rddreg [dreg:$0x1d];
	[sflag:s29] =	ssyncadd.s32 $0xFFFFD800  }
0xd8: {  	[tilespmem:s21], [sflag:$0x3] =	stream.indirect.gather [hbm4b:s2+s19], $0x80, s13, s19, $0xb8;
	v63 =	vld [tilespmem:$0x0]  }
0xd9: {  	_ =	swait.ge [sflag:s30], $0x2800  }
0xda: {  	[sflag:s30] =	ssyncset.done $0x0  }
0xdb: {  	s14 =	rddreg [dreg:$0x1e];
	[sflag:s30] =	ssyncadd.s32 $0xFFFFD800  }
0xdc: {  	[spmem:s3] =	stream.indirect.scatter.add.f32 [tilespmem:s22], [sflag:$0x8], $0x80, s14, s19, $0xb8;
	v63 =	vld [tilespmem:$0x0]  }
0xdd: {  	_ =	swait.ge [sflag:s31], $0x2800  }
0xde: {  	[sflag:s31] =	ssyncset.done $0x0  }
0xdf: {  	s12 =	rddreg [dreg:$0x1f];
	[sflag:s31] =	ssyncadd.s32 $0xFFFFD800  }
0xe0: {  	[tilespmem:s22], [sflag:$0x4] =	stream.indirect.gather [hbm4b:s2+s19], $0x80, s12, s19, $0xb8;
	v63 =	vld [tilespmem:$0x0]  }
0xe1: {  	_ =	swait.ge [sflag:s23], $0x2800  }
0xe2: {  	s13 =	sld [smem:$0x7EB]  }
0xe3: {  	[sflag:s23] =	ssyncset.done $0x0  }
0xe4: {  	[sflag:s23] =	ssyncadd.s32 $0xFFFFD800  }
0xe5: {  	[spmem:s3] =	stream.indirect.scatter.add.f32 [tilespmem:s15], [sflag:$0x5], $0x80, s13, s19, $0xb8;
	v63 =	vld [tilespmem:$0x0]  }
0xe6: {  	_ =	swait.ge [sflag:s24], $0x2800  }
0xe7: {  	s14 =	sld [smem:$0x7ED]  }
0xe8: {  	[sflag:s24] =	ssyncset.done $0x0  }
0xe9: {  	[sflag:s24] =	ssyncadd.s32 $0xFFFFD800  }
0xea: {  	[tilespmem:s15], [sflag:$0x1] =	stream.indirect.gather [hbm4b:s2+s19], $0x80, s14, s19, $0xb8;
	v63 =	vld [tilespmem:$0x0]  }
0xeb: {  	_ =	swait.ge [sflag:s25], $0x2800  }
0xec: {  	s12 =	sld [smem:$0x7F0]  }
0xed: {  	[sflag:s25] =	ssyncset.done $0x0  }
0xee: {  	[sflag:s25] =	ssyncadd.s32 $0xFFFFD800  }
0xef: {  	[spmem:s3] =	stream.indirect.scatter.add.f32 [tilespmem:s20], [sflag:$0x6], $0x80, s12, s19, $0xb8;
	v63 =	vld [tilespmem:$0x0]  }
0xf0: {  	_ =	swait.ge [sflag:s26], $0x2800  }
0xf1: {  	s13 =	sld [smem:$0x7F2]  }
0xf2: {  	[sflag:s26] =	ssyncset.done $0x0  }
0xf3: {  	[sflag:s26] =	ssyncadd.s32 $0xFFFFD800  }
0xf4: {  	[tilespmem:s20], [sflag:$0x2] =	stream.indirect.gather [hbm4b:s2+s19], $0x80, s13, s19, $0xb8;
	v63 =	vld [tilespmem:$0x0]  }
0xf5: {  	_ =	swait.ge [sflag:s28], $0x2800  }
0xf6: {  	s14 =	sld [smem:$0x7F4]  }
0xf7: {  	[sflag:s28] =	ssyncset.done $0x0  }
0xf8: {  	[sflag:s28] =	ssyncadd.s32 $0xFFFFD800  }
0xf9: {  	[spmem:s3] =	stream.indirect.scatter.add.f32 [tilespmem:s21], [sflag:$0x7], $0x80, s14, s19, $0xb8;
	v63 =	vld [tilespmem:$0x0]  }
0xfa: {  	_ =	swait.ge [sflag:s29], $0x2800  }
0xfb: {  	s12 =	sld [smem:$0x7F5]  }
0xfc: {  	[sflag:s29] =	ssyncset.done $0x0  }
0xfd: {  	[sflag:s29] =	ssyncadd.s32 $0xFFFFD800  }
0xfe: {  	[tilespmem:s21], [sflag:$0x3] =	stream.indirect.gather [hbm4b:s2+s19], $0x80, s12, s19, $0xb8;
	v63 =	vld [tilespmem:$0x0]  }
0xff: {  	_ =	swait.ge [sflag:s30], $0x2800  }
0x100: {  	s13 =	sld [smem:$0x7F6]  }
0x101: {  	[sflag:s30] =	ssyncset.done $0x0  }
0x102: {  	[sflag:s30] =	ssyncadd.s32 $0xFFFFD800  }
0x103: {  	[spmem:s3] =	stream.indirect.scatter.add.f32 [tilespmem:s22], [sflag:$0x8], $0x80, s13, s19, $0xb8;
	v63 =	vld [tilespmem:$0x0]  }
0x104: {  	_ =	swait.ge [sflag:s31], $0x2800  }
0x105: {  	s14 =	sld [smem:$0x7F7]  }
0x106: {  	[sflag:s31] =	ssyncset.done $0x0  }
0x107: {  	[sflag:s31] =	ssyncadd.s32 $0xFFFFD800  }
0x108: {  	[tilespmem:s22], [sflag:$0x4] =	stream.indirect.gather [hbm4b:s2+s19], $0x80, s14, s19, $0xb8;
	v63 =	vld [tilespmem:$0x0]  }
0x109: {  	_ =	swait.ge [sflag:s23], $0x2800  }
0x10a: {  	s12 =	sld [smem:$0x7F8]  }
0x10b: {  	[sflag:s23] =	ssyncset.done $0x0  }
0x10c: {  	[sflag:s23] =	ssyncadd.s32 $0xFFFFD800  }
0x10d: {  	[spmem:s3] =	stream.indirect.scatter.add.f32 [tilespmem:s15], [sflag:$0x5], $0x80, s12, s19, $0xb8;
	v63 =	vld [tilespmem:$0x0]  }
0x10e: {  	_ =	swait.ge [sflag:s24], $0x2800  }
0x10f: {  	s13 =	sld [smem:$0x7F9]  }
0x110: {  	[sflag:s24] =	ssyncset.done $0x0  }
0x111: {  	[sflag:s24] =	ssyncadd.s32 $0xFFFFD800  }
0x112: {  	[tilespmem:s15], [sflag:$0x1] =	stream.indirect.gather [hbm4b:s2+s19], $0x80, s13, s19, $0xb8;
	v63 =	vld [tilespmem:$0x0]  }
0x113: {  	_ =	swait.ge [sflag:s25], $0x2800  }
0x114: {  	s14 =	sld [smem:$0x7FA]  }
0x115: {  	[sflag:s25] =	ssyncset.done $0x0  }
0x116: {  	[sflag:s25] =	ssyncadd.s32 $0xFFFFD800  }
0x117: {  	[spmem:s3] =	stream.indirect.scatter.add.f32 [tilespmem:s20], [sflag:$0x6], $0x80, s14, s19, $0xb8;
	v63 =	vld [tilespmem:$0x0]  }
0x118: {  	_ =	swait.ge [sflag:s26], $0x2800  }
0x119: {  	s12 =	sld [smem:$0x7FB]  }
0x11a: {  	[sflag:s26] =	ssyncset.done $0x0  }
0x11b: {  	[sflag:s26] =	ssyncadd.s32 $0xFFFFD800  }
0x11c: {  	[tilespmem:s20], [sflag:$0x2] =	stream.indirect.gather [hbm4b:s2+s19], $0x80, s12, s19, $0xb8;
	v63 =	vld [tilespmem:$0x0]  }
0x11d: {  	_ =	swait.ge [sflag:s28], $0x2800  }
0x11e: {  	s13 =	sld [smem:$0x7FC]  }
0x11f: {  	[sflag:s28] =	ssyncset.done $0x0  }
0x120: {  	[sflag:s28] =	ssyncadd.s32 $0xFFFFD800  }
0x121: {  	[spmem:s3] =	stream.indirect.scatter.add.f32 [tilespmem:s21], [sflag:$0x7], $0x80, s13, s19, $0xb8;
	v63 =	vld [tilespmem:$0x0]  }
0x122: {  	_ =	swait.ge [sflag:s29], $0x2800  }
0x123: {  	s14 =	sld [smem:$0x7FD]  }
0x124: {  	[sflag:s29] =	ssyncset.done $0x0  }
0x125: {  	[sflag:s29] =	ssyncadd.s32 $0xFFFFD800  }
0x126: {  	[tilespmem:s21], [sflag:$0x3] =	stream.indirect.gather [hbm4b:s2+s19], $0x80, s14, s19, $0xb8;
	v63 =	vld [tilespmem:$0x0]  }
0x127: {  	_ =	swait.ge [sflag:s30], $0x2800  }
0x128: {  	[sflag:s30] =	ssyncset.done $0x0  }
0x129: {  	[sflag:s30] =	ssyncadd.s32 $0xFFFFD800  }
0x12a: {  	[spmem:s3] =	stream.indirect.scatter.add.f32 [tilespmem:s22], [sflag:$0x8], $0x80, s1, s19, $0xb8;
	v63 =	vld [tilespmem:$0x0]  }
0x12b: {  	_ =	swait.ge [sflag:s31], $0x2800  }
0x12c: {  	[sflag:s31] =	ssyncset.done $0x0  }
0x12d: {  	[sflag:s31] =	ssyncadd.s32 $0xFFFFD800  }
0x12e: {  	[tilespmem:s22], [sflag:$0x4] =	stream.indirect.gather [hbm4b:s2+s19], $0x80, s0, s19, $0xb8;
	v63 =	vld [tilespmem:$0x0]  }
0x12f: {  	_ =	swait.ge [sflag:s23], $0x2800  }
0x130: {  	[sflag:s23] =	ssyncset.done $0x0  }
0x131: {  	[sflag:s23] =	ssyncadd.s32 $0xFFFFD800  }
0x132: {  	[spmem:s3] =	stream.indirect.scatter.add.f32 [tilespmem:s15], [sflag:$0x5], $0x80, s6, s19, $0xb8;
	v63 =	vld [tilespmem:$0x0]  }
0x133: {  	_ =	swait.ge [sflag:s24], $0x2800  }
0x134: {  	[sflag:s24] =	ssyncset.done $0x0  }
0x135: {  	[sflag:s24] =	ssyncadd.s32 $0xFFFFD800  }
0x136: {  	[tilespmem:s15], [sflag:$0x1] =	stream.indirect.gather [hbm4b:s2+s19], $0x80, s7, s19, $0xb8;
	v63 =	vld [tilespmem:$0x0]  }
0x137: {  	_ =	swait.ge [sflag:s25], $0x2800  }
0x138: {  	[sflag:s25] =	ssyncset.done $0x0  }
0x139: {  	[sflag:s25] =	ssyncadd.s32 $0xFFFFD800  }
0x13a: {  	[spmem:s3] =	stream.indirect.scatter.add.f32 [tilespmem:s20], [sflag:$0x6], $0x80, s8, s19, $0xb8;
	v63 =	vld [tilespmem:$0x0]  }
0x13b: {  	_ =	swait.ge [sflag:s28], $0x2800  }
0x13c: {  	[sflag:s28] =	ssyncset.done $0x0  }
0x13d: {  	[sflag:s28] =	ssyncadd.s32 $0xFFFFD800  }
0x13e: {  	[spmem:s3] =	stream.indirect.scatter.add.f32 [tilespmem:s21], [sflag:$0x7], $0x80, s9, s19, $0xb8;
	v63 =	vld [tilespmem:$0x0]  }
0x13f: {  	_ =	swait.ge [sflag:s30], $0x2800  }
0x140: {  	[sflag:s30] =	ssyncset.done $0x0  }
0x141: {  	[sflag:s30] =	ssyncadd.s32 $0xFFFFD800  }
0x142: {  	[spmem:s3] =	stream.indirect.scatter.add.f32 [tilespmem:s22], [sflag:$0x8], $0x80, s10, s19, $0xb8;
	v63 =	vld [tilespmem:$0x0]  }
0x143: {  	_ =	swait.ge [sflag:s23], $0x2800  }
0x144: {  	[sflag:s23] =	ssyncset.done $0x0  }
0x145: {  	[sflag:s23] =	ssyncadd.s32 $0xFFFFD800  }
0x146: {  	[spmem:s3] =	stream.indirect.scatter.add.f32 [tilespmem:s15], [sflag:$0x5], $0x80, s11, s19, $0xb8;
	v63 =	vld [tilespmem:$0x0]  }
0x147: {  	_ =	swait.ge [sflag:s24], $0x2800  }
0x148: {  	[sflag:s24] =	ssyncset.done $0x0  }
0x149: {  	[sflag:s24] =	ssyncadd.s32 $0xFFFFD800  }
0x14a: {  	_ =	swait.ge [sflag:s31], $0x2800  }
0x14b: {  	[sflag:s31] =	ssyncset.done $0x0  }
0x14c: {  	[sflag:s31] =	ssyncadd.s32 $0xFFFFD800  }
0x14d: {  	_ =	swait.ge [sflag:s29], $0x2800  }
0x14e: {  	[sflag:s29] =	ssyncset.done $0x0  }
0x14f: {  	[sflag:s29] =	ssyncadd.s32 $0xFFFFD800  }
0x150: {  	s13 =	simm.s32 $0x200;
	_ =	swait.ge [sflag:s26], $0x2800  }
0x151: {  	s14 =	simm.s32 $0x400;
	s5 =	rddreg [dreg:$0x5];
	[sflag:s26] =	ssyncset.done $0x0  }
.LBB2_4:
0x152: {  	[sflag:s26] =	ssyncadd.s32 $0xFFFFD800;
	s5 =	sadd.s32 s13, s5  }
0x153: {  	[tilespmem:s17], [sflag:$0x9] =	stream.linear.gather [hbm4b:s5+s4], $0xC80, $0x38;
	v63 =	vld [tilespmem:$0x0]  }
0x154: {  	_ =	swait.ge [sflag:s16], $0xC80  }
0x155: {  	s5 =	rddreg [dreg:$0x4];
	[sflag:s16] =	ssyncset.done $0x0  }
0x156: {  	[sflag:s16] =	ssyncadd.s32 $0xFFFFF380;
	s5 =	sadd.s32 s13, s5  }
0x157: {  	[tilespmem:s18], [sflag:$0x9] =	stream.linear.gather [hbm4b:s5+s4], $0xC80, $0x38;
	v63 =	vld [tilespmem:$0x0]  }
0x158: {  	_ =	swait.ge [sflag:s16], $0xC80  }
0x159: {  	[sflag:s16] =	ssyncset.done $0x0  }
0x15a: {  	[sflag:s16] =	ssyncadd.s32 $0xFFFFF380  }
0x15b: {  	[tilespmem:s15], [sflag:$0x1] =	stream.indirect.gather [hbm4b:s2+s19], $0x80, s17, s19, $0xb8;
	v63 =	vld [tilespmem:$0x0]  }
0x15c: {  	s12 =	smov.u32 s14;
	s5 =	rddreg [dreg:$0x6]  }
0x15d: {  	[tilespmem:s20], [sflag:$0x2] =	stream.indirect.gather [hbm4b:s2+s19], $0x80, s5, s19, $0xb8;
	v63 =	vld [tilespmem:$0x0]  }
0x15e: {  	s13 =	smov.u32 s12;
	s12 =	rddreg [dreg:$0x7]  }
0x15f: {  	[tilespmem:s21], [sflag:$0x3] =	stream.indirect.gather [hbm4b:s2+s19], $0x80, s12, s19, $0xb8;
	v63 =	vld [tilespmem:$0x0]  }
0x160: {  	s5 =	rddreg [dreg:$0x8]  }
0x161: {  	[tilespmem:s22], [sflag:$0x4] =	stream.indirect.gather [hbm4b:s2+s19], $0x80, s5, s19, $0xb8;
	v63 =	vld [tilespmem:$0x0]  }
0x162: {  	_ =	swait.ge [sflag:s23], $0x2800  }
0x163: {  	[sflag:s23] =	ssyncset.done $0x0  }
0x164: {  	[sflag:s23] =	ssyncadd.s32 $0xFFFFD800  }
0x165: {  	[spmem:s3] =	stream.indirect.scatter.add.f32 [tilespmem:s15], [sflag:$0x5], $0x80, s18, s19, $0xb8;
	v63 =	vld [tilespmem:$0x0]  }
0x166: {  	_ =	swait.ge [sflag:s24], $0x2800  }
0x167: {  	[sflag:s24] =	ssyncset.done $0x0  }
0x168: {  	s12 =	rddreg [dreg:$0x9];
	[sflag:s24] =	ssyncadd.s32 $0xFFFFD800  }
0x169: {  	[tilespmem:s15], [sflag:$0x1] =	stream.indirect.gather [hbm4b:s2+s19], $0x80, s12, s19, $0xb8;
	v63 =	vld [tilespmem:$0x0]  }
0x16a: {  	_ =	swait.ge [sflag:s25], $0x2800  }
0x16b: {  	[sflag:s25] =	ssyncset.done $0x0  }
0x16c: {  	s12 =	rddreg [dreg:$0xa];
	[sflag:s25] =	ssyncadd.s32 $0xFFFFD800  }
0x16d: {  	[spmem:s3] =	stream.indirect.scatter.add.f32 [tilespmem:s20], [sflag:$0x6], $0x80, s12, s19, $0xb8;
	v63 =	vld [tilespmem:$0x0]  }
0x16e: {  	_ =	swait.ge [sflag:s26], $0x2800  }
0x16f: {  	[sflag:s26] =	ssyncset.done $0x0  }
0x170: {  	s12 =	rddreg [dreg:$0xb];
	[sflag:s26] =	ssyncadd.s32 $0xFFFFD800  }
0x171: {  	[tilespmem:s20], [sflag:$0x2] =	stream.indirect.gather [hbm4b:s2+s19], $0x80, s12, s19, $0xb8;
	v63 =	vld [tilespmem:$0x0]  }
0x172: {  	_ =	swait.ge [sflag:s28], $0x2800  }
0x173: {  	[sflag:s28] =	ssyncset.done $0x0  }
0x174: {  	s12 =	rddreg [dreg:$0xc];
	[sflag:s28] =	ssyncadd.s32 $0xFFFFD800  }
0x175: {  	[spmem:s3] =	stream.indirect.scatter.add.f32 [tilespmem:s21], [sflag:$0x7], $0x80, s12, s19, $0xb8;
	v63 =	vld [tilespmem:$0x0]  }
0x176: {  	_ =	swait.ge [sflag:s29], $0x2800  }
0x177: {  	[sflag:s29] =	ssyncset.done $0x0  }
0x178: {  	s12 =	rddreg [dreg:$0xd];
	[sflag:s29] =	ssyncadd.s32 $0xFFFFD800  }
0x179: {  	[tilespmem:s21], [sflag:$0x3] =	stream.indirect.gather [hbm4b:s2+s19], $0x80, s12, s19, $0xb8;
	v63 =	vld [tilespmem:$0x0]  }
0x17a: {  	_ =	swait.ge [sflag:s30], $0x2800  }
0x17b: {  	[sflag:s30] =	ssyncset.done $0x0  }
0x17c: {  	s12 =	rddreg [dreg:$0xe];
	[sflag:s30] =	ssyncadd.s32 $0xFFFFD800  }
0x17d: {  	[spmem:s3] =	stream.indirect.scatter.add.f32 [tilespmem:s22], [sflag:$0x8], $0x80, s12, s19, $0xb8;
	v63 =	vld [tilespmem:$0x0]  }
0x17e: {  	_ =	swait.ge [sflag:s31], $0x2800  }
0x17f: {  	[sflag:s31] =	ssyncset.done $0x0  }
0x180: {  	s12 =	rddreg [dreg:$0xf];
	[sflag:s31] =	ssyncadd.s32 $0xFFFFD800  }
0x181: {  	[tilespmem:s22], [sflag:$0x4] =	stream.indirect.gather [hbm4b:s2+s19], $0x80, s12, s19, $0xb8;
	v63 =	vld [tilespmem:$0x0]  }
0x182: {  	_ =	swait.ge [sflag:s23], $0x2800  }
0x183: {  	[sflag:s23] =	ssyncset.done $0x0  }
0x184: {  	s12 =	rddreg [dreg:$0x10];
	[sflag:s23] =	ssyncadd.s32 $0xFFFFD800  }
0x185: {  	[spmem:s3] =	stream.indirect.scatter.add.f32 [tilespmem:s15], [sflag:$0x5], $0x80, s12, s19, $0xb8;
	v63 =	vld [tilespmem:$0x0]  }
0x186: {  	_ =	swait.ge [sflag:s24], $0x2800  }
0x187: {  	[sflag:s24] =	ssyncset.done $0x0  }
0x188: {  	s12 =	rddreg [dreg:$0x11];
	[sflag:s24] =	ssyncadd.s32 $0xFFFFD800  }
0x189: {  	[tilespmem:s15], [sflag:$0x1] =	stream.indirect.gather [hbm4b:s2+s19], $0x80, s12, s19, $0xb8;
	v63 =	vld [tilespmem:$0x0]  }
0x18a: {  	_ =	swait.ge [sflag:s25], $0x2800  }
0x18b: {  	[sflag:s25] =	ssyncset.done $0x0  }
0x18c: {  	s12 =	rddreg [dreg:$0x12];
	[sflag:s25] =	ssyncadd.s32 $0xFFFFD800  }
0x18d: {  	[spmem:s3] =	stream.indirect.scatter.add.f32 [tilespmem:s20], [sflag:$0x6], $0x80, s12, s19, $0xb8;
	v63 =	vld [tilespmem:$0x0]  }
0x18e: {  	_ =	swait.ge [sflag:s26], $0x2800  }
0x18f: {  	[sflag:s26] =	ssyncset.done $0x0  }
0x190: {  	s12 =	rddreg [dreg:$0x13];
	[sflag:s26] =	ssyncadd.s32 $0xFFFFD800  }
0x191: {  	[tilespmem:s20], [sflag:$0x2] =	stream.indirect.gather [hbm4b:s2+s19], $0x80, s12, s19, $0xb8;
	v63 =	vld [tilespmem:$0x0]  }
0x192: {  	_ =	swait.ge [sflag:s28], $0x2800  }
0x193: {  	[sflag:s28] =	ssyncset.done $0x0  }
0x194: {  	s12 =	rddreg [dreg:$0x14];
	[sflag:s28] =	ssyncadd.s32 $0xFFFFD800  }
0x195: {  	[spmem:s3] =	stream.indirect.scatter.add.f32 [tilespmem:s21], [sflag:$0x7], $0x80, s12, s19, $0xb8;
	v63 =	vld [tilespmem:$0x0]  }
0x196: {  	_ =	swait.ge [sflag:s29], $0x2800  }
0x197: {  	[sflag:s29] =	ssyncset.done $0x0  }
0x198: {  	s12 =	rddreg [dreg:$0x15];
	[sflag:s29] =	ssyncadd.s32 $0xFFFFD800  }
0x199: {  	[tilespmem:s21], [sflag:$0x3] =	stream.indirect.gather [hbm4b:s2+s19], $0x80, s12, s19, $0xb8;
	v63 =	vld [tilespmem:$0x0]  }
0x19a: {  	_ =	swait.ge [sflag:s30], $0x2800  }
0x19b: {  	[sflag:s30] =	ssyncset.done $0x0  }
0x19c: {  	s12 =	rddreg [dreg:$0x16];
	[sflag:s30] =	ssyncadd.s32 $0xFFFFD800  }
0x19d: {  	[spmem:s3] =	stream.indirect.scatter.add.f32 [tilespmem:s22], [sflag:$0x8], $0x80, s12, s19, $0xb8;
	v63 =	vld [tilespmem:$0x0]  }
0x19e: {  	_ =	swait.ge [sflag:s31], $0x2800  }
0x19f: {  	[sflag:s31] =	ssyncset.done $0x0  }
0x1a0: {  	s12 =	rddreg [dreg:$0x17];
	[sflag:s31] =	ssyncadd.s32 $0xFFFFD800  }
0x1a1: {  	[tilespmem:s22], [sflag:$0x4] =	stream.indirect.gather [hbm4b:s2+s19], $0x80, s12, s19, $0xb8;
	v63 =	vld [tilespmem:$0x0]  }
0x1a2: {  	_ =	swait.ge [sflag:s23], $0x2800  }
0x1a3: {  	[sflag:s23] =	ssyncset.done $0x0  }
0x1a4: {  	s12 =	rddreg [dreg:$0x18];
	[sflag:s23] =	ssyncadd.s32 $0xFFFFD800  }
0x1a5: {  	[spmem:s3] =	stream.indirect.scatter.add.f32 [tilespmem:s15], [sflag:$0x5], $0x80, s12, s19, $0xb8;
	v63 =	vld [tilespmem:$0x0]  }
0x1a6: {  	_ =	swait.ge [sflag:s24], $0x2800  }
0x1a7: {  	[sflag:s24] =	ssyncset.done $0x0  }
0x1a8: {  	s12 =	rddreg [dreg:$0x19];
	[sflag:s24] =	ssyncadd.s32 $0xFFFFD800  }
0x1a9: {  	[tilespmem:s15], [sflag:$0x1] =	stream.indirect.gather [hbm4b:s2+s19], $0x80, s12, s19, $0xb8;
	v63 =	vld [tilespmem:$0x0]  }
0x1aa: {  	_ =	swait.ge [sflag:s25], $0x2800  }
0x1ab: {  	[sflag:s25] =	ssyncset.done $0x0  }
0x1ac: {  	s12 =	rddreg [dreg:$0x1a];
	[sflag:s25] =	ssyncadd.s32 $0xFFFFD800  }
0x1ad: {  	[spmem:s3] =	stream.indirect.scatter.add.f32 [tilespmem:s20], [sflag:$0x6], $0x80, s12, s19, $0xb8;
	v63 =	vld [tilespmem:$0x0]  }
0x1ae: {  	_ =	swait.ge [sflag:s26], $0x2800  }
0x1af: {  	[sflag:s26] =	ssyncset.done $0x0  }
0x1b0: {  	s12 =	rddreg [dreg:$0x1b];
	[sflag:s26] =	ssyncadd.s32 $0xFFFFD800  }
0x1b1: {  	[tilespmem:s20], [sflag:$0x2] =	stream.indirect.gather [hbm4b:s2+s19], $0x80, s12, s19, $0xb8;
	v63 =	vld [tilespmem:$0x0]  }
0x1b2: {  	_ =	swait.ge [sflag:s28], $0x2800  }
0x1b3: {  	[sflag:s28] =	ssyncset.done $0x0  }
0x1b4: {  	s12 =	rddreg [dreg:$0x1c];
	[sflag:s28] =	ssyncadd.s32 $0xFFFFD800  }
0x1b5: {  	[spmem:s3] =	stream.indirect.scatter.add.f32 [tilespmem:s21], [sflag:$0x7], $0x80, s12, s19, $0xb8;
	v63 =	vld [tilespmem:$0x0]  }
0x1b6: {  	_ =	swait.ge [sflag:s29], $0x2800  }
0x1b7: {  	[sflag:s29] =	ssyncset.done $0x0  }
0x1b8: {  	s12 =	rddreg [dreg:$0x1d];
	[sflag:s29] =	ssyncadd.s32 $0xFFFFD800  }
0x1b9: {  	[tilespmem:s21], [sflag:$0x3] =	stream.indirect.gather [hbm4b:s2+s19], $0x80, s12, s19, $0xb8;
	v63 =	vld [tilespmem:$0x0]  }
0x1ba: {  	_ =	swait.ge [sflag:s30], $0x2800  }
0x1bb: {  	[sflag:s30] =	ssyncset.done $0x0  }
0x1bc: {  	s12 =	rddreg [dreg:$0x1e];
	[sflag:s30] =	ssyncadd.s32 $0xFFFFD800  }
0x1bd: {  	[spmem:s3] =	stream.indirect.scatter.add.f32 [tilespmem:s22], [sflag:$0x8], $0x80, s12, s19, $0xb8;
	v63 =	vld [tilespmem:$0x0]  }
0x1be: {  	_ =	swait.ge [sflag:s31], $0x2800  }
0x1bf: {  	[sflag:s31] =	ssyncset.done $0x0  }
0x1c0: {  	s12 =	rddreg [dreg:$0x1f];
	[sflag:s31] =	ssyncadd.s32 $0xFFFFD800  }
0x1c1: {  	[tilespmem:s22], [sflag:$0x4] =	stream.indirect.gather [hbm4b:s2+s19], $0x80, s12, s19, $0xb8;
	v63 =	vld [tilespmem:$0x0]  }
0x1c2: {  	_ =	swait.ge [sflag:s23], $0x2800  }
0x1c3: {  	s12 =	sld [smem:$0x7EB]  }
0x1c4: {  	[sflag:s23] =	ssyncset.done $0x0  }
0x1c5: {  	[sflag:s23] =	ssyncadd.s32 $0xFFFFD800  }
0x1c6: {  	[spmem:s3] =	stream.indirect.scatter.add.f32 [tilespmem:s15], [sflag:$0x5], $0x80, s12, s19, $0xb8;
	v63 =	vld [tilespmem:$0x0]  }
0x1c7: {  	_ =	swait.ge [sflag:s24], $0x2800  }
0x1c8: {  	s12 =	sld [smem:$0x7ED]  }
0x1c9: {  	[sflag:s24] =	ssyncset.done $0x0  }
0x1ca: {  	[sflag:s24] =	ssyncadd.s32 $0xFFFFD800  }
0x1cb: {  	[tilespmem:s15], [sflag:$0x1] =	stream.indirect.gather [hbm4b:s2+s19], $0x80, s12, s19, $0xb8;
	v63 =	vld [tilespmem:$0x0]  }
0x1cc: {  	_ =	swait.ge [sflag:s25], $0x2800  }
0x1cd: {  	s12 =	sld [smem:$0x7F0]  }
0x1ce: {  	[sflag:s25] =	ssyncset.done $0x0  }
0x1cf: {  	[sflag:s25] =	ssyncadd.s32 $0xFFFFD800  }
0x1d0: {  	[spmem:s3] =	stream.indirect.scatter.add.f32 [tilespmem:s20], [sflag:$0x6], $0x80, s12, s19, $0xb8;
	v63 =	vld [tilespmem:$0x0]  }
0x1d1: {  	_ =	swait.ge [sflag:s26], $0x2800  }
0x1d2: {  	s12 =	sld [smem:$0x7F2]  }
0x1d3: {  	[sflag:s26] =	ssyncset.done $0x0  }
0x1d4: {  	[sflag:s26] =	ssyncadd.s32 $0xFFFFD800  }
0x1d5: {  	[tilespmem:s20], [sflag:$0x2] =	stream.indirect.gather [hbm4b:s2+s19], $0x80, s12, s19, $0xb8;
	v63 =	vld [tilespmem:$0x0]  }
0x1d6: {  	_ =	swait.ge [sflag:s28], $0x2800  }
0x1d7: {  	s12 =	sld [smem:$0x7F4]  }
0x1d8: {  	[sflag:s28] =	ssyncset.done $0x0  }
0x1d9: {  	[sflag:s28] =	ssyncadd.s32 $0xFFFFD800  }
0x1da: {  	[spmem:s3] =	stream.indirect.scatter.add.f32 [tilespmem:s21], [sflag:$0x7], $0x80, s12, s19, $0xb8;
	v63 =	vld [tilespmem:$0x0]  }
0x1db: {  	_ =	swait.ge [sflag:s29], $0x2800  }
0x1dc: {  	s12 =	sld [smem:$0x7F5]  }
0x1dd: {  	[sflag:s29] =	ssyncset.done $0x0  }
0x1de: {  	[sflag:s29] =	ssyncadd.s32 $0xFFFFD800  }
0x1df: {  	[tilespmem:s21], [sflag:$0x3] =	stream.indirect.gather [hbm4b:s2+s19], $0x80, s12, s19, $0xb8;
	v63 =	vld [tilespmem:$0x0]  }
0x1e0: {  	_ =	swait.ge [sflag:s30], $0x2800  }
0x1e1: {  	s12 =	sld [smem:$0x7F6]  }
0x1e2: {  	[sflag:s30] =	ssyncset.done $0x0  }
0x1e3: {  	[sflag:s30] =	ssyncadd.s32 $0xFFFFD800  }
0x1e4: {  	[spmem:s3] =	stream.indirect.scatter.add.f32 [tilespmem:s22], [sflag:$0x8], $0x80, s12, s19, $0xb8;
	v63 =	vld [tilespmem:$0x0]  }
0x1e5: {  	_ =	swait.ge [sflag:s31], $0x2800  }
0x1e6: {  	s12 =	sld [smem:$0x7F7]  }
0x1e7: {  	[sflag:s31] =	ssyncset.done $0x0  }
0x1e8: {  	[sflag:s31] =	ssyncadd.s32 $0xFFFFD800  }
0x1e9: {  	[tilespmem:s22], [sflag:$0x4] =	stream.indirect.gather [hbm4b:s2+s19], $0x80, s12, s19, $0xb8;
	v63 =	vld [tilespmem:$0x0]  }
0x1ea: {  	_ =	swait.ge [sflag:s23], $0x2800  }
0x1eb: {  	s12 =	sld [smem:$0x7F8]  }
0x1ec: {  	[sflag:s23] =	ssyncset.done $0x0  }
0x1ed: {  	[sflag:s23] =	ssyncadd.s32 $0xFFFFD800  }
0x1ee: {  	[spmem:s3] =	stream.indirect.scatter.add.f32 [tilespmem:s15], [sflag:$0x5], $0x80, s12, s19, $0xb8;
	v63 =	vld [tilespmem:$0x0]  }
0x1ef: {  	_ =	swait.ge [sflag:s24], $0x2800  }
0x1f0: {  	s12 =	sld [smem:$0x7F9]  }
0x1f1: {  	[sflag:s24] =	ssyncset.done $0x0  }
0x1f2: {  	[sflag:s24] =	ssyncadd.s32 $0xFFFFD800  }
0x1f3: {  	[tilespmem:s15], [sflag:$0x1] =	stream.indirect.gather [hbm4b:s2+s19], $0x80, s12, s19, $0xb8;
	v63 =	vld [tilespmem:$0x0]  }
0x1f4: {  	_ =	swait.ge [sflag:s25], $0x2800  }
0x1f5: {  	s12 =	sld [smem:$0x7FA]  }
0x1f6: {  	[sflag:s25] =	ssyncset.done $0x0  }
0x1f7: {  	[sflag:s25] =	ssyncadd.s32 $0xFFFFD800  }
0x1f8: {  	[spmem:s3] =	stream.indirect.scatter.add.f32 [tilespmem:s20], [sflag:$0x6], $0x80, s12, s19, $0xb8;
	v63 =	vld [tilespmem:$0x0]  }
0x1f9: {  	_ =	swait.ge [sflag:s26], $0x2800  }
0x1fa: {  	s12 =	sld [smem:$0x7FB]  }
0x1fb: {  	[sflag:s26] =	ssyncset.done $0x0  }
0x1fc: {  	[sflag:s26] =	ssyncadd.s32 $0xFFFFD800  }
0x1fd: {  	[tilespmem:s20], [sflag:$0x2] =	stream.indirect.gather [hbm4b:s2+s19], $0x80, s12, s19, $0xb8;
	v63 =	vld [tilespmem:$0x0]  }
0x1fe: {  	_ =	swait.ge [sflag:s28], $0x2800  }
0x1ff: {  	s12 =	sld [smem:$0x7FC]  }
0x200: {  	[sflag:s28] =	ssyncset.done $0x0  }
0x201: {  	[sflag:s28] =	ssyncadd.s32 $0xFFFFD800  }
0x202: {  	[spmem:s3] =	stream.indirect.scatter.add.f32 [tilespmem:s21], [sflag:$0x7], $0x80, s12, s19, $0xb8;
	v63 =	vld [tilespmem:$0x0]  }
0x203: {  	_ =	swait.ge [sflag:s29], $0x2800  }
0x204: {  	s12 =	sld [smem:$0x7FD]  }
0x205: {  	[sflag:s29] =	ssyncset.done $0x0  }
0x206: {  	[sflag:s29] =	ssyncadd.s32 $0xFFFFD800  }
0x207: {  	[tilespmem:s21], [sflag:$0x3] =	stream.indirect.gather [hbm4b:s2+s19], $0x80, s12, s19, $0xb8;
	v63 =	vld [tilespmem:$0x0]  }
0x208: {  	_ =	swait.ge [sflag:s30], $0x2800  }
0x209: {  	[sflag:s30] =	ssyncset.done $0x0  }
0x20a: {  	[sflag:s30] =	ssyncadd.s32 $0xFFFFD800  }
0x20b: {  	[spmem:s3] =	stream.indirect.scatter.add.f32 [tilespmem:s22], [sflag:$0x8], $0x80, s1, s19, $0xb8;
	v63 =	vld [tilespmem:$0x0]  }
0x20c: {  	_ =	swait.ge [sflag:s31], $0x2800  }
0x20d: {  	[sflag:s31] =	ssyncset.done $0x0  }
0x20e: {  	[sflag:s31] =	ssyncadd.s32 $0xFFFFD800  }
0x20f: {  	[tilespmem:s22], [sflag:$0x4] =	stream.indirect.gather [hbm4b:s2+s19], $0x80, s0, s19, $0xb8;
	v63 =	vld [tilespmem:$0x0]  }
0x210: {  	_ =	swait.ge [sflag:s23], $0x2800  }
0x211: {  	[sflag:s23] =	ssyncset.done $0x0  }
0x212: {  	[sflag:s23] =	ssyncadd.s32 $0xFFFFD800  }
0x213: {  	[spmem:s3] =	stream.indirect.scatter.add.f32 [tilespmem:s15], [sflag:$0x5], $0x80, s6, s19, $0xb8;
	v63 =	vld [tilespmem:$0x0]  }
0x214: {  	_ =	swait.ge [sflag:s24], $0x2800  }
0x215: {  	[sflag:s24] =	ssyncset.done $0x0  }
0x216: {  	[sflag:s24] =	ssyncadd.s32 $0xFFFFD800  }
0x217: {  	[tilespmem:s15], [sflag:$0x1] =	stream.indirect.gather [hbm4b:s2+s19], $0x80, s7, s19, $0xb8;
	v63 =	vld [tilespmem:$0x0]  }
0x218: {  	_ =	swait.ge [sflag:s25], $0x2800  }
0x219: {  	[sflag:s25] =	ssyncset.done $0x0  }
0x21a: {  	[sflag:s25] =	ssyncadd.s32 $0xFFFFD800  }
0x21b: {  	[spmem:s3] =	stream.indirect.scatter.add.f32 [tilespmem:s20], [sflag:$0x6], $0x80, s8, s19, $0xb8;
	v63 =	vld [tilespmem:$0x0]  }
0x21c: {  	_ =	swait.ge [sflag:s28], $0x2800  }
0x21d: {  	[sflag:s28] =	ssyncset.done $0x0  }
0x21e: {  	[sflag:s28] =	ssyncadd.s32 $0xFFFFD800  }
0x21f: {  	[spmem:s3] =	stream.indirect.scatter.add.f32 [tilespmem:s21], [sflag:$0x7], $0x80, s9, s19, $0xb8;
	v63 =	vld [tilespmem:$0x0]  }
0x220: {  	_ =	swait.ge [sflag:s30], $0x2800  }
0x221: {  	[sflag:s30] =	ssyncset.done $0x0  }
0x222: {  	[sflag:s30] =	ssyncadd.s32 $0xFFFFD800  }
0x223: {  	[spmem:s3] =	stream.indirect.scatter.add.f32 [tilespmem:s22], [sflag:$0x8], $0x80, s10, s19, $0xb8;
	v63 =	vld [tilespmem:$0x0]  }
0x224: {  	_ =	swait.ge [sflag:s23], $0x2800  }
0x225: {  	[sflag:s23] =	ssyncset.done $0x0  }
0x226: {  	[sflag:s23] =	ssyncadd.s32 $0xFFFFD800  }
0x227: {  	[spmem:s3] =	stream.indirect.scatter.add.f32 [tilespmem:s15], [sflag:$0x5], $0x80, s11, s19, $0xb8;
	v63 =	vld [tilespmem:$0x0]  }
0x228: {  	_ =	swait.ge [sflag:s24], $0x2800  }
0x229: {  	[sflag:s24] =	ssyncset.done $0x0  }
0x22a: {  	[sflag:s24] =	ssyncadd.s32 $0xFFFFD800  }
0x22b: {  	_ =	swait.ge [sflag:s31], $0x2800  }
0x22c: {  	[sflag:s31] =	ssyncset.done $0x0  }
0x22d: {  	p0 =	sne.s32 s14, $0x800;
	[sflag:s31] =	ssyncadd.s32 $0xFFFFD800  }
.Ltmp1:
0x22e: {  	_ =	swait.ge [sflag:s29], $0x2800;
	(pc) =	sbr.rel @p0 .LBB2_4-.Ltmp1, $4  }
0x22f: {  	[sflag:s29] =	ssyncset.done $0x0  }
0x230: {  	[sflag:s29] =	ssyncadd.s32 $0xFFFFD800  }
0x231: {  	_ =	swait.ge [sflag:s26], $0x2800  }
0x232: {  	s14 =	sadd.s32 $0x200, s14;
	s5 =	rddreg [dreg:$0x5];
	[sflag:s26] =	ssyncset.done $0x0  }
0x233: {  	[sflag:s26] =	ssyncadd.s32 $0xFFFFD800;
	s5 =	sadd.s32 s13, s5  }
0x234: {  	[tilespmem:s17], [sflag:$0x9] =	stream.linear.gather [hbm4b:s5+s4], $0xC80, $0x38;
	v63 =	vld [tilespmem:$0x0]  }
0x235: {  	_ =	swait.ge [sflag:s16], $0xC80  }
0x236: {  	s12 =	rddreg [dreg:$0x4];
	[sflag:s16] =	ssyncset.done $0x0  }
0x237: {  	[sflag:s16] =	ssyncadd.s32 $0xFFFFF380;
	s5 =	sadd.s32 s13, s12  }
0x238: {  	[tilespmem:s18], [sflag:$0x9] =	stream.linear.gather [hbm4b:s5+s4], $0xC80, $0x38;
	v63 =	vld [tilespmem:$0x0]  }
0x239: {  	_ =	swait.ge [sflag:s16], $0xC80  }
0x23a: {  	[sflag:s16] =	ssyncset.done $0x0  }
0x23b: {  	[sflag:s16] =	ssyncadd.s32 $0xFFFFF380  }
0x23c: {  	[tilespmem:s15], [sflag:$0x1] =	stream.indirect.gather [hbm4b:s2+s19], $0x80, s17, s19, $0xb8;
	v63 =	vld [tilespmem:$0x0]  }
0x23d: {  	s14 =	rddreg [dreg:$0x6]  }
0x23e: {  	[tilespmem:s20], [sflag:$0x2] =	stream.indirect.gather [hbm4b:s2+s19], $0x80, s14, s19, $0xb8;
	v63 =	vld [tilespmem:$0x0]  }
0x23f: {  	s12 =	rddreg [dreg:$0x7]  }
0x240: {  	[tilespmem:s21], [sflag:$0x3] =	stream.indirect.gather [hbm4b:s2+s19], $0x80, s12, s19, $0xb8;
	v63 =	vld [tilespmem:$0x0]  }
0x241: {  	s13 =	rddreg [dreg:$0x8]  }
0x242: {  	[tilespmem:s22], [sflag:$0x4] =	stream.indirect.gather [hbm4b:s2+s19], $0x80, s13, s19, $0xb8;
	v63 =	vld [tilespmem:$0x0]  }
0x243: {  	_ =	swait.ge [sflag:s23], $0x2800  }
0x244: {  	[sflag:s23] =	ssyncset.done $0x0  }
0x245: {  	[sflag:s23] =	ssyncadd.s32 $0xFFFFD800  }
0x246: {  	[spmem:s3] =	stream.indirect.scatter.add.f32 [tilespmem:s15], [sflag:$0x5], $0x80, s18, s19, $0xb8;
	v63 =	vld [tilespmem:$0x0]  }
0x247: {  	_ =	swait.ge [sflag:s24], $0x2800  }
0x248: {  	[sflag:s24] =	ssyncset.done $0x0  }
0x249: {  	s14 =	rddreg [dreg:$0x9];
	[sflag:s24] =	ssyncadd.s32 $0xFFFFD800  }
0x24a: {  	[tilespmem:s15], [sflag:$0x1] =	stream.indirect.gather [hbm4b:s2+s19], $0x80, s14, s19, $0xb8;
	v63 =	vld [tilespmem:$0x0]  }
0x24b: {  	_ =	swait.ge [sflag:s25], $0x2800  }
0x24c: {  	[sflag:s25] =	ssyncset.done $0x0  }
0x24d: {  	s12 =	rddreg [dreg:$0xa];
	[sflag:s25] =	ssyncadd.s32 $0xFFFFD800  }
0x24e: {  	[spmem:s3] =	stream.indirect.scatter.add.f32 [tilespmem:s20], [sflag:$0x6], $0x80, s12, s19, $0xb8;
	v63 =	vld [tilespmem:$0x0]  }
0x24f: {  	_ =	swait.ge [sflag:s26], $0x2800  }
0x250: {  	[sflag:s26] =	ssyncset.done $0x0  }
0x251: {  	s13 =	rddreg [dreg:$0xb];
	[sflag:s26] =	ssyncadd.s32 $0xFFFFD800  }
0x252: {  	[tilespmem:s20], [sflag:$0x2] =	stream.indirect.gather [hbm4b:s2+s19], $0x80, s13, s19, $0xb8;
	v63 =	vld [tilespmem:$0x0]  }
0x253: {  	_ =	swait.ge [sflag:s28], $0x2800  }
0x254: {  	[sflag:s28] =	ssyncset.done $0x0  }
0x255: {  	s14 =	rddreg [dreg:$0xc];
	[sflag:s28] =	ssyncadd.s32 $0xFFFFD800  }
0x256: {  	[spmem:s3] =	stream.indirect.scatter.add.f32 [tilespmem:s21], [sflag:$0x7], $0x80, s14, s19, $0xb8;
	v63 =	vld [tilespmem:$0x0]  }
0x257: {  	_ =	swait.ge [sflag:s29], $0x2800  }
0x258: {  	[sflag:s29] =	ssyncset.done $0x0  }
0x259: {  	s12 =	rddreg [dreg:$0xd];
	[sflag:s29] =	ssyncadd.s32 $0xFFFFD800  }
0x25a: {  	[tilespmem:s21], [sflag:$0x3] =	stream.indirect.gather [hbm4b:s2+s19], $0x80, s12, s19, $0xb8;
	v63 =	vld [tilespmem:$0x0]  }
0x25b: {  	_ =	swait.ge [sflag:s30], $0x2800  }
0x25c: {  	[sflag:s30] =	ssyncset.done $0x0  }
0x25d: {  	s13 =	rddreg [dreg:$0xe];
	[sflag:s30] =	ssyncadd.s32 $0xFFFFD800  }
0x25e: {  	[spmem:s3] =	stream.indirect.scatter.add.f32 [tilespmem:s22], [sflag:$0x8], $0x80, s13, s19, $0xb8;
	v63 =	vld [tilespmem:$0x0]  }
0x25f: {  	_ =	swait.ge [sflag:s31], $0x2800  }
0x260: {  	[sflag:s31] =	ssyncset.done $0x0  }
0x261: {  	s14 =	rddreg [dreg:$0xf];
	[sflag:s31] =	ssyncadd.s32 $0xFFFFD800  }
0x262: {  	[tilespmem:s22], [sflag:$0x4] =	stream.indirect.gather [hbm4b:s2+s19], $0x80, s14, s19, $0xb8;
	v63 =	vld [tilespmem:$0x0]  }
0x263: {  	_ =	swait.ge [sflag:s23], $0x2800  }
0x264: {  	[sflag:s23] =	ssyncset.done $0x0  }
0x265: {  	s12 =	rddreg [dreg:$0x10];
	[sflag:s23] =	ssyncadd.s32 $0xFFFFD800  }
0x266: {  	[spmem:s3] =	stream.indirect.scatter.add.f32 [tilespmem:s15], [sflag:$0x5], $0x80, s12, s19, $0xb8;
	v63 =	vld [tilespmem:$0x0]  }
0x267: {  	_ =	swait.ge [sflag:s24], $0x2800  }
0x268: {  	[sflag:s24] =	ssyncset.done $0x0  }
0x269: {  	s13 =	rddreg [dreg:$0x11];
	[sflag:s24] =	ssyncadd.s32 $0xFFFFD800  }
0x26a: {  	[tilespmem:s15], [sflag:$0x1] =	stream.indirect.gather [hbm4b:s2+s19], $0x80, s13, s19, $0xb8;
	v63 =	vld [tilespmem:$0x0]  }
0x26b: {  	_ =	swait.ge [sflag:s25], $0x2800  }
0x26c: {  	[sflag:s25] =	ssyncset.done $0x0  }
0x26d: {  	s14 =	rddreg [dreg:$0x12];
	[sflag:s25] =	ssyncadd.s32 $0xFFFFD800  }
0x26e: {  	[spmem:s3] =	stream.indirect.scatter.add.f32 [tilespmem:s20], [sflag:$0x6], $0x80, s14, s19, $0xb8;
	v63 =	vld [tilespmem:$0x0]  }
0x26f: {  	_ =	swait.ge [sflag:s26], $0x2800  }
0x270: {  	[sflag:s26] =	ssyncset.done $0x0  }
0x271: {  	s12 =	rddreg [dreg:$0x13];
	[sflag:s26] =	ssyncadd.s32 $0xFFFFD800  }
0x272: {  	[tilespmem:s20], [sflag:$0x2] =	stream.indirect.gather [hbm4b:s2+s19], $0x80, s12, s19, $0xb8;
	v63 =	vld [tilespmem:$0x0]  }
0x273: {  	_ =	swait.ge [sflag:s28], $0x2800  }
0x274: {  	[sflag:s28] =	ssyncset.done $0x0  }
0x275: {  	s13 =	rddreg [dreg:$0x14];
	[sflag:s28] =	ssyncadd.s32 $0xFFFFD800  }
0x276: {  	[spmem:s3] =	stream.indirect.scatter.add.f32 [tilespmem:s21], [sflag:$0x7], $0x80, s13, s19, $0xb8;
	v63 =	vld [tilespmem:$0x0]  }
0x277: {  	_ =	swait.ge [sflag:s29], $0x2800  }
0x278: {  	[sflag:s29] =	ssyncset.done $0x0  }
0x279: {  	s14 =	rddreg [dreg:$0x15];
	[sflag:s29] =	ssyncadd.s32 $0xFFFFD800  }
0x27a: {  	[tilespmem:s21], [sflag:$0x3] =	stream.indirect.gather [hbm4b:s2+s19], $0x80, s14, s19, $0xb8;
	v63 =	vld [tilespmem:$0x0]  }
0x27b: {  	_ =	swait.ge [sflag:s30], $0x2800  }
0x27c: {  	[sflag:s30] =	ssyncset.done $0x0  }
0x27d: {  	s12 =	rddreg [dreg:$0x16];
	[sflag:s30] =	ssyncadd.s32 $0xFFFFD800  }
0x27e: {  	[spmem:s3] =	stream.indirect.scatter.add.f32 [tilespmem:s22], [sflag:$0x8], $0x80, s12, s19, $0xb8;
	v63 =	vld [tilespmem:$0x0]  }
0x27f: {  	_ =	swait.ge [sflag:s31], $0x2800  }
0x280: {  	[sflag:s31] =	ssyncset.done $0x0  }
0x281: {  	s13 =	rddreg [dreg:$0x17];
	[sflag:s31] =	ssyncadd.s32 $0xFFFFD800  }
0x282: {  	[tilespmem:s22], [sflag:$0x4] =	stream.indirect.gather [hbm4b:s2+s19], $0x80, s13, s19, $0xb8;
	v63 =	vld [tilespmem:$0x0]  }
0x283: {  	_ =	swait.ge [sflag:s23], $0x2800  }
0x284: {  	[sflag:s23] =	ssyncset.done $0x0  }
0x285: {  	s14 =	rddreg [dreg:$0x18];
	[sflag:s23] =	ssyncadd.s32 $0xFFFFD800  }
0x286: {  	[spmem:s3] =	stream.indirect.scatter.add.f32 [tilespmem:s15], [sflag:$0x5], $0x80, s14, s19, $0xb8;
	v63 =	vld [tilespmem:$0x0]  }
0x287: {  	_ =	swait.ge [sflag:s24], $0x2800  }
0x288: {  	[sflag:s24] =	ssyncset.done $0x0  }
0x289: {  	s12 =	rddreg [dreg:$0x19];
	[sflag:s24] =	ssyncadd.s32 $0xFFFFD800  }
0x28a: {  	[tilespmem:s15], [sflag:$0x1] =	stream.indirect.gather [hbm4b:s2+s19], $0x80, s12, s19, $0xb8;
	v63 =	vld [tilespmem:$0x0]  }
0x28b: {  	_ =	swait.ge [sflag:s25], $0x2800  }
0x28c: {  	[sflag:s25] =	ssyncset.done $0x0  }
0x28d: {  	s13 =	rddreg [dreg:$0x1a];
	[sflag:s25] =	ssyncadd.s32 $0xFFFFD800  }
0x28e: {  	[spmem:s3] =	stream.indirect.scatter.add.f32 [tilespmem:s20], [sflag:$0x6], $0x80, s13, s19, $0xb8;
	v63 =	vld [tilespmem:$0x0]  }
0x28f: {  	_ =	swait.ge [sflag:s26], $0x2800  }
0x290: {  	[sflag:s26] =	ssyncset.done $0x0  }
0x291: {  	s14 =	rddreg [dreg:$0x1b];
	[sflag:s26] =	ssyncadd.s32 $0xFFFFD800  }
0x292: {  	[tilespmem:s20], [sflag:$0x2] =	stream.indirect.gather [hbm4b:s2+s19], $0x80, s14, s19, $0xb8;
	v63 =	vld [tilespmem:$0x0]  }
0x293: {  	_ =	swait.ge [sflag:s28], $0x2800  }
0x294: {  	[sflag:s28] =	ssyncset.done $0x0  }
0x295: {  	s12 =	rddreg [dreg:$0x1c];
	[sflag:s28] =	ssyncadd.s32 $0xFFFFD800  }
0x296: {  	[spmem:s3] =	stream.indirect.scatter.add.f32 [tilespmem:s21], [sflag:$0x7], $0x80, s12, s19, $0xb8;
	v63 =	vld [tilespmem:$0x0]  }
0x297: {  	_ =	swait.ge [sflag:s29], $0x2800  }
0x298: {  	[sflag:s29] =	ssyncset.done $0x0  }
0x299: {  	s13 =	rddreg [dreg:$0x1d];
	[sflag:s29] =	ssyncadd.s32 $0xFFFFD800  }
0x29a: {  	[tilespmem:s21], [sflag:$0x3] =	stream.indirect.gather [hbm4b:s2+s19], $0x80, s13, s19, $0xb8;
	v63 =	vld [tilespmem:$0x0]  }
0x29b: {  	_ =	swait.ge [sflag:s30], $0x2800  }
0x29c: {  	[sflag:s30] =	ssyncset.done $0x0  }
0x29d: {  	s14 =	rddreg [dreg:$0x1e];
	[sflag:s30] =	ssyncadd.s32 $0xFFFFD800  }
0x29e: {  	[spmem:s3] =	stream.indirect.scatter.add.f32 [tilespmem:s22], [sflag:$0x8], $0x80, s14, s19, $0xb8;
	v63 =	vld [tilespmem:$0x0]  }
0x29f: {  	_ =	swait.ge [sflag:s31], $0x2800  }
0x2a0: {  	[sflag:s31] =	ssyncset.done $0x0  }
0x2a1: {  	s12 =	rddreg [dreg:$0x1f];
	[sflag:s31] =	ssyncadd.s32 $0xFFFFD800  }
0x2a2: {  	[tilespmem:s22], [sflag:$0x4] =	stream.indirect.gather [hbm4b:s2+s19], $0x80, s12, s19, $0xb8;
	v63 =	vld [tilespmem:$0x0]  }
0x2a3: {  	_ =	swait.ge [sflag:s23], $0x2800  }
0x2a4: {  	s13 =	sld [smem:$0x7EB]  }
0x2a5: {  	[sflag:s23] =	ssyncset.done $0x0  }
0x2a6: {  	[sflag:s23] =	ssyncadd.s32 $0xFFFFD800  }
0x2a7: {  	[spmem:s3] =	stream.indirect.scatter.add.f32 [tilespmem:s15], [sflag:$0x5], $0x80, s13, s19, $0xb8;
	v63 =	vld [tilespmem:$0x0]  }
0x2a8: {  	_ =	swait.ge [sflag:s24], $0x2800  }
0x2a9: {  	s14 =	sld [smem:$0x7ED]  }
0x2aa: {  	[sflag:s24] =	ssyncset.done $0x0  }
0x2ab: {  	[sflag:s24] =	ssyncadd.s32 $0xFFFFD800  }
0x2ac: {  	[tilespmem:s15], [sflag:$0x1] =	stream.indirect.gather [hbm4b:s2+s19], $0x80, s14, s19, $0xb8;
	v63 =	vld [tilespmem:$0x0]  }
0x2ad: {  	_ =	swait.ge [sflag:s25], $0x2800  }
0x2ae: {  	s12 =	sld [smem:$0x7F0]  }
0x2af: {  	[sflag:s25] =	ssyncset.done $0x0  }
0x2b0: {  	[sflag:s25] =	ssyncadd.s32 $0xFFFFD800  }
0x2b1: {  	[spmem:s3] =	stream.indirect.scatter.add.f32 [tilespmem:s20], [sflag:$0x6], $0x80, s12, s19, $0xb8;
	v63 =	vld [tilespmem:$0x0]  }
0x2b2: {  	_ =	swait.ge [sflag:s26], $0x2800  }
0x2b3: {  	s13 =	sld [smem:$0x7F2]  }
0x2b4: {  	[sflag:s26] =	ssyncset.done $0x0  }
0x2b5: {  	[sflag:s26] =	ssyncadd.s32 $0xFFFFD800  }
0x2b6: {  	[tilespmem:s20], [sflag:$0x2] =	stream.indirect.gather [hbm4b:s2+s19], $0x80, s13, s19, $0xb8;
	v63 =	vld [tilespmem:$0x0]  }
0x2b7: {  	_ =	swait.ge [sflag:s28], $0x2800  }
0x2b8: {  	s14 =	sld [smem:$0x7F4]  }
0x2b9: {  	[sflag:s28] =	ssyncset.done $0x0  }
0x2ba: {  	[sflag:s28] =	ssyncadd.s32 $0xFFFFD800  }
0x2bb: {  	[spmem:s3] =	stream.indirect.scatter.add.f32 [tilespmem:s21], [sflag:$0x7], $0x80, s14, s19, $0xb8;
	v63 =	vld [tilespmem:$0x0]  }
0x2bc: {  	_ =	swait.ge [sflag:s29], $0x2800  }
0x2bd: {  	s12 =	sld [smem:$0x7F5]  }
0x2be: {  	[sflag:s29] =	ssyncset.done $0x0  }
0x2bf: {  	[sflag:s29] =	ssyncadd.s32 $0xFFFFD800  }
0x2c0: {  	[tilespmem:s21], [sflag:$0x3] =	stream.indirect.gather [hbm4b:s2+s19], $0x80, s12, s19, $0xb8;
	v63 =	vld [tilespmem:$0x0]  }
0x2c1: {  	_ =	swait.ge [sflag:s30], $0x2800  }
0x2c2: {  	s13 =	sld [smem:$0x7F6]  }
0x2c3: {  	[sflag:s30] =	ssyncset.done $0x0  }
0x2c4: {  	[sflag:s30] =	ssyncadd.s32 $0xFFFFD800  }
0x2c5: {  	[spmem:s3] =	stream.indirect.scatter.add.f32 [tilespmem:s22], [sflag:$0x8], $0x80, s13, s19, $0xb8;
	v63 =	vld [tilespmem:$0x0]  }
0x2c6: {  	_ =	swait.ge [sflag:s31], $0x2800  }
0x2c7: {  	s14 =	sld [smem:$0x7F7]  }
0x2c8: {  	[sflag:s31] =	ssyncset.done $0x0  }
0x2c9: {  	[sflag:s31] =	ssyncadd.s32 $0xFFFFD800  }
0x2ca: {  	[tilespmem:s22], [sflag:$0x4] =	stream.indirect.gather [hbm4b:s2+s19], $0x80, s14, s19, $0xb8;
	v63 =	vld [tilespmem:$0x0]  }
0x2cb: {  	_ =	swait.ge [sflag:s23], $0x2800  }
0x2cc: {  	s12 =	sld [smem:$0x7F8]  }
0x2cd: {  	[sflag:s23] =	ssyncset.done $0x0  }
0x2ce: {  	[sflag:s23] =	ssyncadd.s32 $0xFFFFD800  }
0x2cf: {  	[spmem:s3] =	stream.indirect.scatter.add.f32 [tilespmem:s15], [sflag:$0x5], $0x80, s12, s19, $0xb8;
	v63 =	vld [tilespmem:$0x0]  }
0x2d0: {  	_ =	swait.ge [sflag:s24], $0x2800  }
0x2d1: {  	s13 =	sld [smem:$0x7F9]  }
0x2d2: {  	[sflag:s24] =	ssyncset.done $0x0  }
0x2d3: {  	[sflag:s24] =	ssyncadd.s32 $0xFFFFD800  }
0x2d4: {  	[tilespmem:s15], [sflag:$0x1] =	stream.indirect.gather [hbm4b:s2+s19], $0x80, s13, s19, $0xb8;
	v63 =	vld [tilespmem:$0x0]  }
0x2d5: {  	_ =	swait.ge [sflag:s25], $0x2800  }
0x2d6: {  	s14 =	sld [smem:$0x7FA]  }
0x2d7: {  	[sflag:s25] =	ssyncset.done $0x0  }
0x2d8: {  	[sflag:s25] =	ssyncadd.s32 $0xFFFFD800  }
0x2d9: {  	[spmem:s3] =	stream.indirect.scatter.add.f32 [tilespmem:s20], [sflag:$0x6], $0x80, s14, s19, $0xb8;
	v63 =	vld [tilespmem:$0x0]  }
0x2da: {  	_ =	swait.ge [sflag:s26], $0x2800  }
0x2db: {  	s12 =	sld [smem:$0x7FB]  }
0x2dc: {  	[sflag:s26] =	ssyncset.done $0x0  }
0x2dd: {  	[sflag:s26] =	ssyncadd.s32 $0xFFFFD800  }
0x2de: {  	[tilespmem:s20], [sflag:$0x2] =	stream.indirect.gather [hbm4b:s2+s19], $0x80, s12, s19, $0xb8;
	v63 =	vld [tilespmem:$0x0]  }
0x2df: {  	_ =	swait.ge [sflag:s28], $0x2800  }
0x2e0: {  	s13 =	sld [smem:$0x7FC]  }
0x2e1: {  	[sflag:s28] =	ssyncset.done $0x0  }
0x2e2: {  	[sflag:s28] =	ssyncadd.s32 $0xFFFFD800  }
0x2e3: {  	[spmem:s3] =	stream.indirect.scatter.add.f32 [tilespmem:s21], [sflag:$0x7], $0x80, s13, s19, $0xb8;
	v63 =	vld [tilespmem:$0x0]  }
0x2e4: {  	_ =	swait.ge [sflag:s29], $0x2800  }
0x2e5: {  	s14 =	sld [smem:$0x7FD]  }
0x2e6: {  	[sflag:s29] =	ssyncset.done $0x0  }
0x2e7: {  	[sflag:s29] =	ssyncadd.s32 $0xFFFFD800  }
0x2e8: {  	[tilespmem:s21], [sflag:$0x3] =	stream.indirect.gather [hbm4b:s2+s19], $0x80, s14, s19, $0xb8;
	v63 =	vld [tilespmem:$0x0]  }
0x2e9: {  	_ =	swait.ge [sflag:s30], $0x2800  }
0x2ea: {  	[sflag:s30] =	ssyncset.done $0x0  }
0x2eb: {  	[sflag:s30] =	ssyncadd.s32 $0xFFFFD800  }
0x2ec: {  	[spmem:s3] =	stream.indirect.scatter.add.f32 [tilespmem:s22], [sflag:$0x8], $0x80, s1, s19, $0xb8;
	v63 =	vld [tilespmem:$0x0]  }
0x2ed: {  	_ =	swait.ge [sflag:s31], $0x2800  }
0x2ee: {  	[sflag:s31] =	ssyncset.done $0x0  }
0x2ef: {  	[sflag:s31] =	ssyncadd.s32 $0xFFFFD800  }
0x2f0: {  	[tilespmem:s22], [sflag:$0x4] =	stream.indirect.gather [hbm4b:s2+s19], $0x80, s0, s19, $0xb8;
	v63 =	vld [tilespmem:$0x0]  }
0x2f1: {  	_ =	swait.ge [sflag:s23], $0x2800  }
0x2f2: {  	[sflag:s23] =	ssyncset.done $0x0  }
0x2f3: {  	[sflag:s23] =	ssyncadd.s32 $0xFFFFD800  }
0x2f4: {  	[spmem:s3] =	stream.indirect.scatter.add.f32 [tilespmem:s15], [sflag:$0x5], $0x80, s6, s19, $0xb8;
	v63 =	vld [tilespmem:$0x0]  }
0x2f5: {  	_ =	swait.ge [sflag:s24], $0x2800  }
0x2f6: {  	[sflag:s24] =	ssyncset.done $0x0  }
0x2f7: {  	[sflag:s24] =	ssyncadd.s32 $0xFFFFD800  }
0x2f8: {  	[tilespmem:s15], [sflag:$0x1] =	stream.indirect.gather [hbm4b:s2+s19], $0x80, s7, s19, $0xb8;
	v63 =	vld [tilespmem:$0x0]  }
0x2f9: {  	_ =	swait.ge [sflag:s25], $0x2800  }
0x2fa: {  	[sflag:s25] =	ssyncset.done $0x0  }
0x2fb: {  	[sflag:s25] =	ssyncadd.s32 $0xFFFFD800  }
0x2fc: {  	[spmem:s3] =	stream.indirect.scatter.add.f32 [tilespmem:s20], [sflag:$0x6], $0x80, s8, s19, $0xb8;
	v63 =	vld [tilespmem:$0x0]  }
0x2fd: {  	_ =	swait.ge [sflag:s28], $0x2800  }
0x2fe: {  	[sflag:s28] =	ssyncset.done $0x0  }
0x2ff: {  	[sflag:s28] =	ssyncadd.s32 $0xFFFFD800  }
0x300: {  	[spmem:s3] =	stream.indirect.scatter.add.f32 [tilespmem:s21], [sflag:$0x7], $0x80, s9, s19, $0xb8;
	v63 =	vld [tilespmem:$0x0]  }
0x301: {  	_ =	swait.ge [sflag:s30], $0x2800  }
0x302: {  	[sflag:s30] =	ssyncset.done $0x0  }
0x303: {  	[sflag:s30] =	ssyncadd.s32 $0xFFFFD800  }
0x304: {  	[spmem:s3] =	stream.indirect.scatter.add.f32 [tilespmem:s22], [sflag:$0x8], $0x80, s10, s19, $0xb8;
	v63 =	vld [tilespmem:$0x0]  }
0x305: {  	_ =	swait.ge [sflag:s23], $0x2800  }
0x306: {  	[sflag:s23] =	ssyncset.done $0x0  }
0x307: {  	[sflag:s23] =	ssyncadd.s32 $0xFFFFD800  }
0x308: {  	[spmem:s3] =	stream.indirect.scatter.add.f32 [tilespmem:s15], [sflag:$0x5], $0x80, s11, s19, $0xb8;
	v63 =	vld [tilespmem:$0x0]  }
0x309: {  	_ =	swait.ge [sflag:s24], $0x2800  }
0x30a: {  	[sflag:s24] =	ssyncset.done $0x0  }
0x30b: {  	[sflag:s24] =	ssyncadd.s32 $0xFFFFD800  }
0x30c: {  	_ =	swait.ge [sflag:s31], $0x2800  }
0x30d: {  	[sflag:s31] =	ssyncset.done $0x0  }
0x30e: {  	[sflag:s31] =	ssyncadd.s32 $0xFFFFD800  }
0x30f: {  	_ =	swait.ge [sflag:s29], $0x2800  }
0x310: {  	[sflag:s29] =	ssyncset.done $0x0  }
0x311: {  	[sflag:s29] =	ssyncadd.s32 $0xFFFFD800  }
0x312: {  	_ =	swait.ge [sflag:s26], $0x2800  }
0x313: {  	[sflag:s26] =	ssyncset.done $0x0  }
0x314: {  	[sflag:s26] =	ssyncadd.s32 $0xFFFFD800  }
0x315: {  	[bflag:$0x0] =	sbarrier.arrive $0xFFFF  }
0x316: {  	s13 =	sld [smem:$0x7EE]  }
0x317: {  	s12 =	stileid.u32;
	s14 =	sld [smem:$0x7F1]  }
0x318: {  	s5 =	sshll.u32 s12, $0x6  }
0x319: {  	s5 =	sor.u32 $0x1C09, s5;
	s12 =	sshrl.u32 s13, $0x3  }
0x31a: {  	[hbm:s14], [sflag:s5] =	dma.local [spmem:s12], $0x2800  }
0x31b: {  	_ =	swait.ge [sflag:s16], $0x2800  }
0x31c: {  	s13 =	sld [smem:$0x7E5]  }
0x31d: {  	s14 =	sld [smem:$0x7F3];
	_ =	sdelay $0x1  }
0x31e: {  	s12 =	sadd.s32 $0x1, s13  }
0x31f: {  	p0 =	sne.s32 s12, s14  }
.Ltmp2:
0x320: {  	_ = 	snop;
	(pc) =	sbr.rel @p0 .LBB2_1-.Ltmp2, $3  }
0x321: {  	_ =	sdelay $0x1  }
0x322: {  	[sflag:s16] =	ssyncset.done $0x0  }
0x323: {  	[sflag:s16] =	ssyncadd.s32 $0xFFFFD800  }
0x324: {  	_ =	sfence.sel $0x180000  }
0x325: {  	[bflag:$0x0] =	sbarrier.arrive $0xFFFF  }
0x326: {  	_ =	strace $0x9000004D  }
0x327: {  	s0 =	stileid.u32;
	[bflag:$0x2] =	sbarrier.arrive $0xFFFF  }
0x328: {  	p0 =	sne.s32 s0, $0x0;
	s0 =	rddreg [dreg:$0x3]  }
0x329: {  	s0 =	sadd.s32 @!p0 $0x100000, s0  }
0x32a: {  	[sflag:s0] =	ssyncadd.tile.s32 @!p0 $0x1;
	_ =	shalt  }
.Lfunc_end2:
_tile_overlayer_lowered:
.L_overlay_start_2:
0x32b: {  	(tag) =	ssettag $0x2  }
0x32c: {  	s0 =	rddreg [dreg:$0x0];
	s2 =	stileid.u32  }
0x32d: {  	s1 =	rddreg [dreg:$0x1];
	p0 =	sne.s32 s2, $0x0  }
0x32e: {  	s3 =	rddreg [dreg:$0x2];
	[bflag:$0x3] =	sbarrier.arrive $0xFFFF;
	s2 =	simm.s32 @!p0 $0x1C09  }
0x32f: {  	[timem:s3], [sflag:s2] =	dma.local @!p0 [hbm:s0], s1  }
0x330: {  	s0 =	simm.s32 @!p0 $0x9  }
0x331: {  	_ =	swait.ge @!p0 [sflag:s0], s1  }
0x332: {  	s1 =	ssub.s32 @!p0 $0x0, s1;
	[sflag:s0] =	ssyncset.done @!p0 $0x0  }
0x333: {  	[sflag:s0] =	ssyncadd.s32 @!p0 s1  }
0x334: {  	[bflag:$0x3] =	sbarrier.arrive $0xFFFF  }
0x335: {  	_ =	shalt  }

// kernel: kernel.7.cloned.1.call-start
scs
__scs_entry_jumppad:
0x0: {  	(pc) =	sbr.rel $0x88, $3  }
0x1: {  	(tag) =	ssettag $0x0;
	lr =	simm.s32 $0x1  }
0x2: {  	[smem:$0x3F9B] =	sst lr;
	_ =	strace $0xD0000000  }
0x3: {  	_ = 	snop  }
0x4: {  	_ = 	snop  }
0x5: {  	_ = 	snop  }
0x6: {  	_ = 	snop  }
0x7: {  	_ = 	snop  }
__scs_overlays_trampoline_lowered:
0x8: {  	[smem:$0x3FAA] =	sst s0  }
0x9: {  	[smem:$0x3FAB] =	sst s1  }
0xa: {  	[smem:$0x3FAC] =	sst s2  }
0xb: {  	[smem:$0x3FAD] =	sst s3  }
0xc: {  	[smem:$0x3FAE] =	sst s4  }
0xd: {  	[smem:$0x3FAF] =	sst s5  }
0xe: {  	[smem:$0x3FB0] =	sst s6  }
0xf: {  	[smem:$0x3FB1] =	sst s7  }
0x10: {  	[smem:$0x3FB2] =	sst s8  }
0x11: {  	[smem:$0x3FB3] =	sst s9;
	s0 =	simm.s32 @!p0 $0x0  }
0x12: {  	s1 =	sld [smem:$0x3F99];
	s0 =	simm.s32 @p0 $0x1  }
0x13: {  	[smem:$0x3FB4] =	sst s0;
	s0 =	simm.s32 @!p1 $0x0  }
0x14: {  	s2 =	sld [smem:$0x3F98];
	s0 =	simm.s32 @p1 $0x1  }
0x15: {  	[smem:$0x3FB5] =	sst s0;
	s0 =	simm.s32 @!p2 $0x0  }
0x16: {  	s3 =	sld [smem:$0x3FDB];
	s0 =	simm.s32 @p2 $0x1  }
0x17: {  	s4 =	simm.s32 $0x1BF5;
	[smem:$0x3FB7] =	sst s0  }
0x18: {  	s0 =	sld [smem:$0x3F9A];
	_ =	swait.ge [sflag:s4], $0x0  }
0x19: {  	s7 =	sld [smem:$0x3F9B]  }
0x1a: {  	s8 =	sadd.s32 $0xFFFFE003, lr  }
0x1b: {  	s9 =	sadd.s32 $0xFFFFFEF7, lr;
	s5 =	simm.s32 $0xFFFFFFFF;
	p2 =	slt.u32 s8, $0xFFFFF086  }
0x1c: {  	p1 =	slt.u32 s9, $0xF7A;
	s5 =	simm.s32 @!p2 $0x0  }
0x1d: {  	s5 =	simm.s32 @p1 $0x1;
	p0 =	seq.s32 s7, s2  }
0x1e: {  	s7 =	smul.u32 @!p0 $0xF7A, s2;
	p2 =	seq.s32 @!p0 s5, $0x0  }
0x1f: {  	s9 =	smul.u32 $0xF7A, s1;
	s8 =	simm.s32 @!p0 $0x1BF5;
	p2 =	por !p2, p0  }
0x20: {  	[sflag:s8] =	ssyncset.s32 @!p0 $0xFFFFF086;
	s6 =	sadd.s32 @!p0 s3, s7;
	s7 =	simm.s32 @!p0 $0x108  }
0x21: {  	s3 =	sadd.s32 s3, s9;
	s6 =	sadd.s32 @!p0 $0x88, s6;
	s7 =	simm.s32 @p2 $0x1082  }
0x22: {  	[simem:s7], [sflag:s8] =	dma.local @!p0 [hbm:s6], $0xF7A  }
0x23: {  	s9 =	sor.u32 $0xD0000000, s2;
	s6 =	simm.s32 $0x108;
	_ =	swait.ge @!p0 [sflag:s8], $0x0  }
0x24: {  	s3 =	sadd.s32 $0x88, s3;
	s6 =	simm.s32 @!p1 $0x1082;
	[sflag:s4] =	ssyncset.s32 $0xFFFFF086  }
0x25: {  	[simem:s6], [sflag:s4] =	dma.local [hbm:s3], $0xF7A  }
0x26: {  	[smem:$0x3F9B] =	sst s1;
	(tag) =	ssettag s2;
	_ =	strace s9  }
0x27: {  	s1 =	sld [smem:$0x3FAB]  }
0x28: {  	s2 =	sld [smem:$0x3FAC]  }
0x29: {  	s4 =	sld [smem:$0x3FAE]  }
0x2a: {  	p0 =	seq.s32 s5, $0x0;
	s5 =	sld [smem:$0x3FAF]  }
0x2b: {  	s6 =	sld [smem:$0x3FB0]  }
0x2c: {  	s7 =	sld [smem:$0x3FB1]  }
0x2d: {  	s3 =	simm.s32 $0x108;
	s8 =	sld [smem:$0x3FB2]  }
0x2e: {  	s3 =	simm.s32 @!p0 $0x1082;
	s9 =	sld [smem:$0x3FB3]  }
0x2f: {  	lr =	sadd.s32 s0, s3;
	s0 =	sld [smem:$0x3FAA]  }
0x30: {  	s3 =	sld [smem:$0x3FAD]  }
0x31: {  	[smem:$0x3FB6] =	sst s10  }
0x32: {  	s10 =	sld [smem:$0x3FB4];
	_ =	sdelay $0x3  }
0x33: {  	p0 =	seq.s32 s10, $0x1;
	s10 =	sld [smem:$0x3FB6];
	_ =	sdelay $0x3  }
0x34: {  	[smem:$0x3FB6] =	sst s10  }
0x35: {  	s10 =	sld [smem:$0x3FB5];
	_ =	sdelay $0x3  }
0x36: {  	p1 =	seq.s32 s10, $0x1;
	s10 =	sld [smem:$0x3FB6];
	_ =	sdelay $0x3  }
0x37: {  	[smem:$0x3FB6] =	sst s10  }
0x38: {  	s10 =	sld [smem:$0x3FB7]  }
0x39: {  	_ = 	snop;
	(pc) =	sbr.ind lr, $3  }
0x3a: {  	_ = 	snop  }
0x3b: {  	_ = 	snop  }
0x3c: {  	p2 =	seq.s32 s10, $0x1;
	s10 =	sld [smem:$0x3FB6]  }
0x3d: {  	_ =	shalt  }
0x3e: {  	_ =	shalt  }
0x3f: {  	_ =	shalt  }
0x40: {  	_ =	shalt  }
0x41: {  	_ =	shalt  }
0x42: {  	_ =	shalt  }
0x43: {  	_ =	shalt  }
0x44: {  	_ =	shalt  }
0x45: {  	_ =	shalt  }
0x46: {  	_ =	shalt  }
0x47: {  	_ =	shalt  }
0x48: {  	_ =	shalt  }
0x49: {  	_ =	shalt  }
0x4a: {  	_ =	shalt  }
0x4b: {  	_ =	shalt  }
0x4c: {  	_ =	shalt  }
0x4d: {  	_ =	shalt  }
0x4e: {  	_ =	shalt  }
0x4f: {  	_ =	shalt  }
0x50: {  	_ =	shalt  }
0x51: {  	_ =	shalt  }
0x52: {  	_ =	shalt  }
0x53: {  	_ =	shalt  }
0x54: {  	_ =	shalt  }
0x55: {  	_ =	shalt  }
0x56: {  	_ =	shalt  }
0x57: {  	_ =	shalt  }
0x58: {  	_ =	shalt  }
0x59: {  	_ =	shalt  }
0x5a: {  	_ =	shalt  }
0x5b: {  	_ =	shalt  }
0x5c: {  	_ =	shalt  }
0x5d: {  	_ =	shalt  }
0x5e: {  	_ =	shalt  }
0x5f: {  	_ =	shalt  }
0x60: {  	_ =	shalt  }
0x61: {  	_ =	shalt  }
0x62: {  	_ =	shalt  }
0x63: {  	_ =	shalt  }
0x64: {  	_ =	shalt  }
0x65: {  	_ =	shalt  }
0x66: {  	_ =	shalt  }
0x67: {  	_ =	shalt  }
0x68: {  	_ =	shalt  }
0x69: {  	_ =	shalt  }
0x6a: {  	_ =	shalt  }
0x6b: {  	_ =	shalt  }
0x6c: {  	_ =	shalt  }
0x6d: {  	_ =	shalt  }
0x6e: {  	_ =	shalt  }
0x6f: {  	_ =	shalt  }
0x70: {  	_ =	shalt  }
0x71: {  	_ =	shalt  }
0x72: {  	_ =	shalt  }
0x73: {  	_ =	shalt  }
0x74: {  	_ =	shalt  }
0x75: {  	_ =	shalt  }
0x76: {  	_ =	shalt  }
0x77: {  	_ =	shalt  }
0x78: {  	_ =	shalt  }
0x79: {  	_ =	shalt  }
0x7a: {  	_ =	shalt  }
0x7b: {  	_ =	shalt  }
0x7c: {  	_ =	shalt  }
0x7d: {  	_ =	shalt  }
0x7e: {  	_ =	shalt  }
0x7f: {  	_ =	shalt  }
0x80: {  	_ =	shalt  }
0x81: {  	_ =	shalt  }
0x82: {  	_ =	shalt  }
0x83: {  	_ =	shalt  }
0x84: {  	_ =	shalt  }
0x85: {  	_ =	shalt  }
0x86: {  	_ =	shalt  }
0x87: {  	_ =	shalt  }
.Lfunc_end0:
.L_simem_size_0:
called_computation_lowered:
.L_overlay_start_0:
0x88: {  	s2 =	sld [smem:$0x3FD9]  }
0x89: {  	s3 =	sld [smem:$0x3FFE];
	_ =	sdelay $0x1  }
0x8a: {  	s1 =	srdreg.scid  }
0x8b: {  	s0 =	sand.u32 $0x1, s1  }
0x8c: {  	s17 =	sshll.u32 s0, $0xA;
	s2 =	sadd.s32 s3, s2  }
0x8d: {  	s2 =	sadd.s32 s2, s17  }
0x8e: {  	[smem:$0x3FC2] =	sst s2  }
0x8f: {  	_ = 	snop  }
0x90: {  	s18 =	sld [smem:$0x3FD0];
	(tm) =	ssettm $0x1  }
0x91: {  	s19 =	sld [smem:$0x3FFB];
	_ =	sdelay $0x3  }
0x92: {  	_ =	strace s19  }
0x93: {  	s2 =	sld [smem:$0x3FFC];
	_ =	sdelay $0x3  }
0x94: {  	_ =	strace s2  }
0x95: {  	s2 =	sld [smem:$0x3FFD];
	_ =	sdelay $0x3  }
0x96: {  	_ =	strace s2  }
0x97: {  	_ =	strace $0x8FFFFFFF  }
0x98: {  	s20 =	sld [smem:$0x3FDB];
	_ =	sdelay $0x1  }
0x99: {  	s4 =	simm.s32 $_scs_section_size  }
0x9a: {  	s5 =	simm.s32 $_size__tile_overlayer_lowered;
	s6 =	simm.s32 $_tile_overlayer_lowered  }
0x9b: {  	s7 =	simm.s32 $0x1BFF;
	s21 =	sshll.u32 s6, $0x1;
	s4 =	sadd.s32 s4, s20  }
0x9c: {  	s22 =	simm.s32 $0x0;
	s5 =	sshll.u32 s5, $0x1;
	s6 =	sadd.s32 s21, s4  }
0x9d: {  	[timem:s22], [sflag:s7] =	dma.local [hbm:s6], s5  }
0x9e: {  	_ =	swait.ge [sflag:s7], s5  }
0x9f: {  	s5 =	ssub.s32 $0x0, s5;
	[sflag:s7] =	ssyncset.done $0x0  }
0xa0: {  	[sflag:s7] =	ssyncadd.s32 s5;
	_ =	sdelay $0x1  }
0xa1: {  	s23 =	simm.s32 $0x1B8B  }
0xa2: {  	_ =	swait.ge [sflag:s23], $0x1  }
0xa3: {  	[sflag:s23] =	ssyncset.done $0x0  }
0xa4: {  	[sflag:s23] =	ssyncadd.s32 $0xFFFFFFFF  }
0xa5: {  	s5 =	sld [smem:$0x0]  }
0xa6: {  	s6 =	sand.u32 $0xFFFFFFFE, s1  }
0xa7: {  	p0 =	sne.s32 s1, s6  }
0xa8: {  	s6 =	sshll.u32 @p0 s6, $0xE  }
0xa9: {  	s6 =	sadd.s32 @p0 $0x11B8D, s6;
	s7 =	sshll.u32 @p0 s5, $0x11  }
0xaa: {  	s6 =	sor.u32 @p0 s7, s6  }
0xab: {  	[sflag:s6] =	ssyncadd.remote.s32 @p0 $0x1;
	_ =	sdelay $0x1  }
0xac: {  	s6 =	simm.s32 @p0 $0x1B8D  }
0xad: {  	_ =	swait.eq @p0 [sflag:s6], $0x1  }
0xae: {  	[sflag:s6] =	ssyncadd.s32 @p0 $0xFFFFFFFF  }
0xaf: {  	s7 =	sshll.u32 @!p0 s1, $0xE  }
0xb0: {  	s7 =	sor.u32 @!p0 $0x4000, s7;
	s6 =	simm.s32 @!p0 $0x1B8D  }
0xb1: {  	s5 =	sshll.u32 @!p0 s5, $0x11;
	s7 =	sadd.s32 @!p0 $0x11B8D, s7;
	_ =	swait.eq @!p0 [sflag:s6], $0x1  }
0xb2: {  	s5 =	sor.u32 @!p0 s5, s7;
	[sflag:s6] =	ssyncadd.s32 @!p0 $0xFFFFFFFF  }
0xb3: {  	s25 =	simm.s32 $0x1B8E;
	s24 =	sld [smem:$0x3FFE];
	[sflag:s5] =	ssyncadd.remote.s32 @!p0 $0x1  }
0xb4: {  	s26 =	simm.s32 $execute0_lowered;
	[smem:$0x3FD2] =	sst s25  }
0xb5: {  	s6 =	sshll.u32 s26, $0x1;
	_ =	strace $0x80000049;
	[dreg:$0x1] =	wrdreg $0xFFFFFFFF  }
0xb6: {  	s28 =	simm.s32 $_size_execute0_lowered;
	s4 =	sadd.s32 s4, s6;
	[dreg:$0x0] =	wrdreg $0x0  }
0xb7: {  	s6 =	sshll.u32 s28, $0x1;
	[dreg:$0x2] =	wrdreg s4  }
0xb8: {  	[dreg:$0x3] =	wrdreg s6  }
0xb9: {  	[dreg:$0x4] =	wrdreg $0xC0  }
0xba: {  	_ =	task [dreg:s22], $0x5FFFF  }
0xbb: {  	[dreg:$0x1] =	wrdreg $0xFFFFFFFF  }
0xbc: {  	[dreg:$0x0] =	wrdreg $0x60  }
0xbd: {  	[dreg:$0x2] =	wrdreg s24  }
0xbe: {  	[dreg:$0x3] =	wrdreg s18  }
0xbf: {  	[dreg:$0x4] =	wrdreg $0x9  }
0xc0: {  	_ =	task.clear_ibuf [dreg:s22], $0x5FFFF;
	_ =	strace $0x90000049  }
0xc1: {  	s29 =	simm.s32 $0x9;
	_ =	strace $0x8000004B  }
0xc2: {  	_ =	swait.ge [sflag:s29], $0x1  }
0xc3: {  	[sflag:s29] =	ssyncadd.s32 $0xFFFFFFFF  }
0xc4: {  	_ =	strace $0x9000004B  }
0xc5: {  	_ =	sfence  }
0xc6: {  	s30 =	sld [smem:$0x0];
	_ =	sdelay $0x2  }
0xc7: {  	s31 =	sshll.u32 s1, $0xD;
	s1 =	sshrl.u32 s1, $0x2  }
0xc8: {  	s4 =	sand.u32 $0x4000, s31;
	s1 =	sadd.s32 s1, s30  }
0xc9: {  	s0 =	sor.u32 s4, s0;
	s1 =	sshll.u32 s1, $0x11  }
0xca: {  	s0 =	sor.u32 s1, s0  }
0xcb: {  	s0 =	sadd.s32 $0x8F2B, s0  }
0xcc: {  	[sflag:s0] =	ssyncadd.remote.s32 $0x1  }
0xcd: {  	_ =	sfence.sel $0xFFFF  }
0xce: {  	[dreg:$0x0] =	wrdreg $0xFFFFFFFF;
	(pc) =	sbr.abs _section_cstart, $3  }
0xcf: {  	[dreg:$0x1] =	wrdreg $0xFFFFFFFF  }
0xd0: {  	_ =	task.clear_ibuf [dreg:s22], $0x2FFFF;
	_ =	strace $0x9FFFFFFF  }
0xd1: {  	(tm) =	ssettm $0x7FFFFFFF  }
tec
execute0_lowered:
.L_overlay_start_1:
0x0: {  	(tag) =	ssettag $0x1  }
0x1: {  	s0 =	srdreg.scid;
	s3 =	rddreg [dreg:$0x0]  }
0x2: {  	s5 =	rddreg [dreg:$0x1];
	s1 =	stileid.u32;
	s4 =	sand.u32 $0x1, s0  }
0x3: {  	s9 =	simm.s32 $0x400;
	s0 =	rddreg [dreg:$0x2];
	s2 =	sshll.u32 s4, $0x4  }
0x4: {  	s8 =	sshll.u32 s1, $0x7;
	s4 =	ssub.s32 $0x2, s4;
	s6 =	sor.u32 s1, s2  }
0x5: {  	s2 =	simm.s32 $0x0;
	s7 =	smul.u32 $0x2780, s6;
	s6 =	sshrl.u32 s6, $0x3  }
0x6: {  	s8 =	sand.u32 $0x380, s8;
	[smem:$0x7FF] =	sst s2;
	s6 =	smul.u32 $0x13C00, s6  }
0x7: {  	s30 =	sshrl.u32 s4, $0x1;
	_ =	strace $0x8000004A;
	s3 =	sadd.s32 s7, s3  }
0x8: {  	s7 =	ssub.s32 s4, s30;
	s6 =	sor.u32 s8, s6;
	s3 =	sadd.s32 $0x79E00, s3  }
0x9: {  	s8 =	simm.s32 $0x80;
	s31 =	sshrl.u32 s6, $0x3;
	s6 =	simm.s32 $0x1  }
0xa: {  	v0 =	vimm.f32 $0.0e+00;
	v1 =	vimm.f32 $1.000000000e+00;
	s4 =	sadd.s32 s5, s31;
	s5 =	smax.u32 s7, $0x1;
	s7 =	simm.s32 $0x13C00  }
.LBB2_1:
0xb: {  	s10 =	simm.s32 $0x40;
	s11 =	simm.s32 $0x0  }
.LBB2_2:
0xc: {  	p0 =	sne.s32 s10, $0x9C00;
	[tilespmem:s11+$0x13C00] =	vst v0;
	s11 =	smov.u32 s10;
	s10 =	sadd.s32 $0x40, s10  }
.Ltmp0:
0xd: {  	(pc) =	sbr.rel @p0 .LBB2_2-.Ltmp0, $2  }
0xe: {  	_ =	sdelay $0x2  }
0xf: {  	s11 =	sshra.s32 s11, $0x2  }
0x10: {  	[tilespmem:s11+$0x13C00] =	vst v0;
	s10 =	simm.s32 $0x0  }
0x11: {  	[tilespmem:s10], [sflag:$0x1] =	stream.linear.gather [hbm4b:s3+s10], $0x13880, $0x38;
	[tilespmem:$0x16400] =	vst v63  }
0x12: {  	_ =	swait.ge [sflag:s6], $0x13880  }
0x13: {  	[sflag:s6] =	ssyncset.done $0x0  }
0x14: {  	[sflag:s6] =	ssyncadd.s32 $0xFFFEC780  }
0x15: {  	s11 =	simm.s32 $0x0;
	s10 =	simm.s32 $0x200;
	[tilespmem:$0x16380] =	vst v1  }
.LBB2_4:
0x16: {  	p0 =	sne.s32 s10, $0x4E000;
	v2 =	vld [tilespmem:s11+$0x0];
	_ =	sdelay $0x2  }
0x17: {  	v3 =	vld [tilespmem:$0x16380]  }
.Ltmp1:
0x18: {  	(pc) =	sbr.rel @p0 .LBB2_4-.Ltmp1, $2  }
0x19: {  	_ =	sdelay $0x2  }
0x1a: {  	s11 =	sshra.s32 s10, $0x2;
	s10 =	sadd.s32 $0x200, s10;
	[tilespmem:v2+s7+$0x0] =	vst.idx.add.f32.msk $0xffff, v3  }
0x1b: {  	v2 =	vld [tilespmem:s11+$0x0];
	_ =	sdelay $0x2  }
0x1c: {  	v3 =	vld [tilespmem:$0x16380];
	_ =	sdelay $0x2  }
0x1d: {  	s2 =	sadd.s32 $0x1, s2  }
0x1e: {  	p0 =	sne.s32 s2, s5  }
.Ltmp2:
0x1f: {  	[tilespmem:v2+s7+$0x0] =	vst.idx.add.f32.msk $0xffff, v3;
	(pc) =	sbr.rel @p0 .LBB2_1-.Ltmp2, $4  }
0x20: {  	[hbm4b:s4+s8] =	stream.strided.scatter [tilespmem:s7], [sflag:$0x1], $0x2780, s9, s8, $0x38;
	[tilespmem:$0x16400] =	vst v63  }
0x21: {  	_ =	swait.ge [sflag:s6], $0x2780  }
0x22: {  	[sflag:s6] =	ssyncset.done $0x0  }
0x23: {  	[sflag:s6] =	ssyncadd.s32 $0xFFFFD880  }
0x24: {  	_ =	sfence.sel $0x180000  }
0x25: {  	[bflag:$0x0] =	sbarrier.arrive $0xFFFF  }
0x26: {  	p0 =	sne.s32 s1, $0x0;
	_ =	strace $0x9000004A  }
0x27: {  	s0 =	sadd.s32 @!p0 $0x100000, s0;
	[bflag:$0x2] =	sbarrier.arrive $0xFFFF  }
0x28: {  	[sflag:s0] =	ssyncadd.tile.s32 @!p0 $0x1;
	_ =	shalt  }
.Lfunc_end2:
_tile_overlayer_lowered:
.L_overlay_start_2:
0x29: {  	(tag) =	ssettag $0x2  }
0x2a: {  	s0 =	rddreg [dreg:$0x0];
	s2 =	stileid.u32  }
0x2b: {  	s1 =	rddreg [dreg:$0x1];
	p0 =	sne.s32 s2, $0x0  }
0x2c: {  	s3 =	rddreg [dreg:$0x2];
	[bflag:$0x3] =	sbarrier.arrive $0xFFFF;
	s2 =	simm.s32 @!p0 $0x1C01  }
0x2d: {  	[timem:s3], [sflag:s2] =	dma.local @!p0 [hbm:s0], s1  }
0x2e: {  	s0 =	simm.s32 @!p0 $0x1  }
0x2f: {  	_ =	swait.ge @!p0 [sflag:s0], s1  }
0x30: {  	s1 =	ssub.s32 @!p0 $0x0, s1;
	[sflag:s0] =	ssyncset.done @!p0 $0x0  }
0x31: {  	[sflag:s0] =	ssyncadd.s32 @!p0 s1  }
0x32: {  	[bflag:$0x3] =	sbarrier.arrive $0xFFFF  }
0x33: {  	_ =	shalt  }

</sc_bundles>
